<compile_context>
chip_gen: v7x
topology: tpu7x:2x2x1
jax: 0.10.2.dev20260603
libtpu: 0.0.44.dev20260713+nightly
codegen_flags: <defaults>
</compile_context>

<pallas_src>
import functools

import jax
import jax.numpy as jnp
from jax import lax
from jax.experimental import pallas as pl
from jax.experimental.pallas import tpu as pltpu
from jax.experimental.pallas import tpu_sc as plsc

_BEAM = 8
_VOCAB = 100000
_NR = 512
_VB = 1024
_NB = -(-_VOCAB // _VB)
_NSTR = _VB // _BEAM
_END = 2
_MINLEN = 10
_NEG = -1e30
_BIGI = 1 << 30
_GW = 128


@functools.cache
def _make_sc_gather(nrows):
    info = plsc.get_sparse_core_info()
    nw = info.num_cores * info.num_subcores
    bpw = nrows // nw
    mesh = plsc.VectorSubcoreMesh(core_axis_name="c", subcore_axis_name="s")

    @functools.partial(
        pl.kernel,
        out_type=jax.ShapeDtypeStruct((nrows, _GW), jnp.int32),
        mesh=mesh,
        scratch_types=[
            pltpu.VMEM((bpw,), jnp.int32),
            pltpu.VMEM((bpw, _GW), jnp.int32),
            pltpu.SemaphoreType.DMA,
        ],
    )
    def sc_gather(gb_hbm, idx_hbm, out_hbm, idx_v, rows_v, sem):
        wid = lax.axis_index("s") * info.num_cores + lax.axis_index("c")
        base = wid * bpw
        pltpu.sync_copy(idx_hbm.at[pl.ds(base, bpw)], idx_v)
        pltpu.async_copy(gb_hbm.at[idx_v], rows_v, sem).wait()
        pltpu.sync_copy(rows_v, out_hbm.at[pl.ds(base, bpw)])

    return sc_gather


def _merge_top2(av1, ap1, av2, ap2, bv1, bp1, bv2, bp2):
    swap = (bv1 > av1) | ((bv1 == av1) & (bp1 < ap1))
    w1v = jnp.where(swap, bv1, av1)
    w1p = jnp.where(swap, bp1, ap1)
    l1v = jnp.where(swap, av1, bv1)
    l1p = jnp.where(swap, ap1, bp1)
    c2v = jnp.where(swap, bv2, av2)
    c2p = jnp.where(swap, bp2, ap2)
    take2 = (c2v > l1v) | ((c2v == l1v) & (c2p < l1p))
    w2v = jnp.where(take2, c2v, l1v)
    w2p = jnp.where(take2, c2p, l1p)
    return w1v, w1p, w2v, w2p


def _scan_body(step_ref, x_ref,
               bm1_ref, bp1_ref, bm2_ref, bp2_ref, mrow_ref, logs_ref,
               ms_ref, ss_ref):
    vb = pl.program_id(0)
    masking = step_ref[0, 0] < _MINLEN
    sub8 = jax.lax.broadcasted_iota(jnp.int32, (_BEAM, _NR), 0)
    limit = _VOCAB - vb * _VB
    emask = masking & (vb == 0)

    @pl.when(vb == 0)
    def _init():
        ms_ref[...] = jnp.full((2 * _BEAM, _NR), _NEG, jnp.float32)
        ss_ref[...] = jnp.zeros((2 * _BEAM, _NR), jnp.float32)

    ma0 = ms_ref[pl.ds(0, _BEAM), :]
    mb0 = ms_ref[pl.ds(_BEAM, _BEAM), :]
    sa0 = ss_ref[pl.ds(0, _BEAM), :]
    sb0 = ss_ref[pl.ds(_BEAM, _BEAM), :]
    zneg = jnp.full((_BEAM, _NR), _NEG, jnp.float32)
    zi = jnp.zeros((_BEAM, _NR), jnp.int32)

    def one(s, m, ssum, v1, b1, v2, b2):
        x = x_ref[pl.ds(s * _BEAM, _BEAM), :]
        pos = s * _BEAM + sub8
        invalid = pos >= limit
        xs = jnp.where(invalid, _NEG, x)
        xc = jnp.where(invalid | (emask & (pos == _END)), _NEG, x)
        nm = jnp.maximum(m, xs)
        ssum = ssum * jnp.exp(m - nm) + jnp.exp(xs - nm)
        gt1 = xc > v1
        gt2 = xc > v2
        nv1 = jnp.maximum(xc, v1)
        nb1 = jnp.where(gt1, pos, b1)
        nv2 = jnp.where(gt1, v1, jnp.where(gt2, xc, v2))
        nb2 = jnp.where(gt1, b1, jnp.where(gt2, pos, b2))
        return nm, ssum, nv1, nb1, nv2, nb2

    def strip2(i, carry):
        ma, sa, mb, sb, v1, b1, v2, b2 = carry
        ma, sa, v1, b1, v2, b2 = one(2 * i, ma, sa, v1, b1, v2, b2)
        mb, sb, v1, b1, v2, b2 = one(2 * i + 1, mb, sb, v1, b1, v2, b2)
        return ma, sa, mb, sb, v1, b1, v2, b2

    ma, sa, mb, sb, v1, b1, v2, b2 = jax.lax.fori_loop(
        0, _NSTR // 2, strip2, (ma0, sa0, mb0, sb0, zneg, zi, zneg, zi))
    ms_ref[pl.ds(0, _BEAM), :] = ma
    ms_ref[pl.ds(_BEAM, _BEAM), :] = mb
    ss_ref[pl.ds(0, _BEAM), :] = sa
    ss_ref[pl.ds(_BEAM, _BEAM), :] = sb

    h = _BEAM
    while h > 1:
        h //= 2
        v1, b1, v2, b2 = _merge_top2(
            v1[0:h], b1[0:h], v2[0:h], b2[0:h],
            v1[h:2 * h], b1[h:2 * h], v2[h:2 * h], b2[h:2 * h])
    bm1_ref[...] = v1.reshape(1, 1, _NR)
    bp1_ref[...] = b1.reshape(1, 1, _NR)
    bm2_ref[...] = v2.reshape(1, 1, _NR)
    bp2_ref[...] = b2.reshape(1, 1, _NR)

    @pl.when(vb == _NB - 1)
    def _finalize():
        mm = ms_ref[...]
        sF = ss_ref[...]
        mf = mm
        for sh in (8, 4, 2, 1):
            mf = jnp.maximum(mf[0:sh], mf[sh:2 * sh])
        mf16 = jnp.broadcast_to(mf, (2 * _BEAM, _NR))
        corr = sF * jnp.exp(mm - mf16)
        for sh in (8, 4, 2, 1):
            corr = corr[0:sh] + corr[sh:2 * sh]
        mrow_ref[...] = mf.reshape(1, 1, _NR)
        logs_ref[...] = jnp.log(corr).reshape(1, 1, _NR)


def _extract_body(step_ref, pen_ref, c1_ref, q1_ref, c2_ref, q2_ref,
                  mr_ref, ls_ref, tlp_ref, lgt_ref,
                  sc_ref, lp_ref, tok_ref, row_ref, fin_ref,
                  lpsA_ref, gsA_ref, lpsB_ref, gsB_ref, scr_ref, sem):
    masking = step_ref[0, 0] < _MINLEN
    inv_pen = pen_ref[0, 0]

    lane98 = jax.lax.broadcasted_iota(jnp.int32, (_BEAM, _NB), 1)
    row8 = jax.lax.broadcasted_iota(jnp.int32, (_BEAM, _NB), 0)
    lane16 = jax.lax.broadcasted_iota(jnp.int32, (2 * _BEAM, _NB), 1)
    row16 = jax.lax.broadcasted_iota(jnp.int32, (2 * _BEAM, _NB), 0)
    row81 = jax.lax.broadcasted_iota(jnp.int32, (_BEAM, 1), 0)

    def setup(base, lps_x, gs_x):
        mrow = mr_ref[pl.ds(base, _BEAM), :]
        logS = ls_ref[pl.ds(base, _BEAM), :]
        tlp = tlp_ref[pl.ds(base, _BEAM), :]
        lp1 = ((c1_ref[pl.ds(base, _BEAM), :] - mrow) - logS) + tlp
        lp2 = ((c2_ref[pl.ds(base, _BEAM), :] - mrow) - logS) + tlp
        g1 = row8 * _VOCAB + lane98 * _VB + q1_ref[pl.ds(base, _BEAM), :]
        g2 = row8 * _VOCAB + lane98 * _VB + q2_ref[pl.ds(base, _BEAM), :]
        lps_x[...] = jnp.concatenate([lp1, lp2], axis=0)
        gs_x[...] = jnp.concatenate([g1, g2], axis=0)
        return mrow, logS, tlp

    def round_one(lps_x, gs_x):
        lp_all = lps_x[...]
        g_all = gs_x[...]
        w = jnp.max(lp_all)
        gw = jnp.min(jnp.where(lp_all == w, g_all, _BIGI))
        lps_x[...] = jnp.where(g_all == gw, jnp.float32(_NEG), lp_all)
        r = gw // _VOCAB
        pos = gw - r * _VOCAB
        vbw = pos // _VB
        return w, gw, r, vbw, r * _NB + vbw

    def rescan(b, r, vbw, picked, mrow, logS, tlp, lps_x, gs_x):
        rg = b * _BEAM + r
        s0 = jnp.minimum(vbw * _VB, _VOCAB - _VB)
        cp = pltpu.make_async_copy(
            lgt_ref.at[pl.ds(pl.multiple_of(s0, _BEAM), _VB), :],
            scr_ref, sem)
        cp.start()
        cp.wait()
        sub8 = jax.lax.broadcasted_iota(jnp.int32, (_BEAM, _NR), 0)
        lanes = jax.lax.broadcasted_iota(jnp.int32, (_BEAM, _NR), 1)

        def stepR(s, carry):
            vm, pm = carry
            x = scr_ref[pl.ds(s * _BEAM, _BEAM), :]
            p = s0 + s * _BEAM + sub8
            ok = (lanes == rg) & (p // _VB == vbw) & (p < _VOCAB)
            ok = ok & jnp.logical_not(masking & (p == _END))
            gv = r * _VOCAB + p
            for pg in picked:
                ok = ok & (gv != pg)
            xv = jnp.where(ok, x, jnp.float32(_NEG))
            upd = xv > vm
            return jnp.maximum(xv, vm), jnp.where(upd, p, pm)

        vm = jnp.full((_BEAM, _NR), _NEG, jnp.float32)
        pm = jnp.zeros((_BEAM, _NR), jnp.int32)
        vm, pm = jax.lax.fori_loop(0, _NSTR, stepR, (vm, pm))
        nv = jnp.max(vm)
        np_ = jnp.min(jnp.where(vm == nv, pm, _BIGI))
        m_r = jnp.sum(jnp.where(row81 == r, mrow, 0.0))
        ls_r = jnp.sum(jnp.where(row81 == r, logS, 0.0))
        tl_r = jnp.sum(jnp.where(row81 == r, tlp, 0.0))
        lp_new = ((nv - m_r) - ls_r) + tl_r
        g_new = r * _VOCAB + np_
        sel = (row16 == r) & (lane16 == vbw)
        lps_x[...] = jnp.where(sel, lp_new, lps_x[...])
        gs_x[...] = jnp.where(sel, g_new, gs_x[...])

    def pair(j, carry):
        bA = 2 * j
        bB = 2 * j + 1
        baseA = pl.multiple_of(bA * _BEAM, _BEAM)
        baseB = pl.multiple_of(bB * _BEAM, _BEAM)
        mrA, lsA, tlA = setup(baseA, lpsA_ref, gsA_ref)
        mrB, lsB, tlB = setup(baseB, lpsB_ref, gsB_ref)

        winA, pickA, winB, pickB = [], [], [], []
        wcolA = jnp.zeros((_BEAM, 1), jnp.float32)
        gcolA = jnp.zeros((_BEAM, 1), jnp.int32)
        wcolB = jnp.zeros((_BEAM, 1), jnp.float32)
        gcolB = jnp.zeros((_BEAM, 1), jnp.int32)

        for i in range(_BEAM):
            wA, gwA, rA, vbwA, bidA = round_one(lpsA_ref, gsA_ref)
            wB, gwB, rB, vbwB, bidB = round_one(lpsB_ref, gsB_ref)
            wcolA = wcolA + jnp.where(row81 == i, wA, 0.0)
            gcolA = gcolA + jnp.where(row81 == i, gwA, 0)
            wcolB = wcolB + jnp.where(row81 == i, wB, 0.0)
            gcolB = gcolB + jnp.where(row81 == i, gwB, 0)
            pickA.append(gwA)
            pickB.append(gwB)
            exA = jnp.bool_(False)
            for pb in winA:
                exA = jnp.logical_or(exA, pb == bidA)
            exB = jnp.bool_(False)
            for pb in winB:
                exB = jnp.logical_or(exB, pb == bidB)
            winA.append(bidA)
            winB.append(bidB)

            if i > 0:
                @pl.when(exA)
                def _rescanA(rA=rA, vbwA=vbwA, pk=tuple(pickA)):
                    rescan(bA, rA, vbwA, pk, mrA, lsA, tlA,
                           lpsA_ref, gsA_ref)

                @pl.when(exB)
                def _rescanB(rB=rB, vbwB=vbwB, pk=tuple(pickB)):
                    rescan(bB, rB, vbwB, pk, mrB, lsB, tlB,
                           lpsB_ref, gsB_ref)

        for base, wcol, gcol, b in ((baseA, wcolA, gcolA, bA),
                                    (baseB, wcolB, gcolB, bB)):
            rcol = gcol // _VOCAB
            tokcol = gcol - rcol * _VOCAB
            sc_ref[pl.ds(base, _BEAM), :] = wcol * inv_pen
            lp_ref[pl.ds(base, _BEAM), :] = wcol
            tok_ref[pl.ds(base, _BEAM), :] = tokcol
            row_ref[pl.ds(base, _BEAM), :] = rcol + b * _BEAM
            fin_ref[pl.ds(base, _BEAM), :] = (tokcol == _END).astype(jnp.int32)
        return carry

    jax.lax.fori_loop(0, _NR // (2 * _BEAM), pair, 0)


def kernel(logits, topk_log_probs, growing_beam, step):
    nrows = logits.shape[0]
    nb = nrows // _BEAM
    cur_len = growing_beam.shape[1]
    step2d = jnp.reshape(jnp.asarray(step, jnp.int32), (1, 1))
    length_penalty = ((5.0 + (jnp.asarray(step, jnp.int32) + 1)) / 6.0) ** 0.95
    invpen2d = jnp.reshape(
        (1.0 / length_penalty).astype(jnp.float32), (1, 1))
    tlp2d = jnp.reshape(topk_log_probs, (nrows, 1))

    lgt = jnp.swapaxes(logits, 0, 1)

    scan_out = pl.pallas_call(
        _scan_body,
        grid=(_NB,),
        in_specs=[
            pl.BlockSpec(memory_space=pltpu.SMEM),
            pl.BlockSpec((_VB, nrows), lambda vb: (vb, 0)),
        ],
        out_specs=[
            pl.BlockSpec((1, 1, nrows), lambda vb: (vb, 0, 0)),
            pl.BlockSpec((1, 1, nrows), lambda vb: (vb, 0, 0)),
            pl.BlockSpec((1, 1, nrows), lambda vb: (vb, 0, 0)),
            pl.BlockSpec((1, 1, nrows), lambda vb: (vb, 0, 0)),
            pl.BlockSpec((1, 1, nrows), lambda vb: (0, 0, 0)),
            pl.BlockSpec((1, 1, nrows), lambda vb: (0, 0, 0)),
        ],
        scratch_shapes=[
            pltpu.VMEM((2 * _BEAM, nrows), jnp.float32),
            pltpu.VMEM((2 * _BEAM, nrows), jnp.float32),
        ],
        out_shape=[
            jax.ShapeDtypeStruct((_NB, 1, nrows), jnp.float32),
            jax.ShapeDtypeStruct((_NB, 1, nrows), jnp.int32),
            jax.ShapeDtypeStruct((_NB, 1, nrows), jnp.float32),
            jax.ShapeDtypeStruct((_NB, 1, nrows), jnp.int32),
            jax.ShapeDtypeStruct((1, 1, nrows), jnp.float32),
            jax.ShapeDtypeStruct((1, 1, nrows), jnp.float32),
        ],
    )(step2d, lgt)
    bm1, bp1, bm2, bp2, mrow, logs = scan_out

    c1 = bm1.reshape(_NB, nrows).T
    q1 = bp1.reshape(_NB, nrows).T
    c2 = bm2.reshape(_NB, nrows).T
    q2 = bp2.reshape(_NB, nrows).T
    mrT = mrow.reshape(nrows, 1)
    lsT = logs.reshape(nrows, 1)

    out_shape = [
        jax.ShapeDtypeStruct((nrows, 1), jnp.float32),
        jax.ShapeDtypeStruct((nrows, 1), jnp.float32),
        jax.ShapeDtypeStruct((nrows, 1), jnp.int32),
        jax.ShapeDtypeStruct((nrows, 1), jnp.int32),
        jax.ShapeDtypeStruct((nrows, 1), jnp.int32),
    ]
    sc, lp, tok, rows, fin = pl.pallas_call(
        _extract_body,
        in_specs=[
            pl.BlockSpec(memory_space=pltpu.SMEM),
            pl.BlockSpec(memory_space=pltpu.SMEM),
            pl.BlockSpec(),
            pl.BlockSpec(),
            pl.BlockSpec(),
            pl.BlockSpec(),
            pl.BlockSpec(),
            pl.BlockSpec(),
            pl.BlockSpec(),
            pl.BlockSpec(memory_space=pl.ANY),
        ],
        out_specs=[
            pl.BlockSpec(),
            pl.BlockSpec(),
            pl.BlockSpec(),
            pl.BlockSpec(),
            pl.BlockSpec(),
        ],
        scratch_shapes=[
            pltpu.VMEM((2 * _BEAM, _NB), jnp.float32),
            pltpu.VMEM((2 * _BEAM, _NB), jnp.int32),
            pltpu.VMEM((2 * _BEAM, _NB), jnp.float32),
            pltpu.VMEM((2 * _BEAM, _NB), jnp.int32),
            pltpu.VMEM((_VB, nrows), jnp.float32),
            pltpu.SemaphoreType.DMA,
        ],
        out_shape=out_shape,
    )(step2d, invpen2d, c1, q1, c2, q2, mrT, lsT, tlp2d, lgt)

    rows_flat = rows.reshape(-1)
    gb_pad = jnp.pad(growing_beam, ((0, 0), (0, _GW - cur_len)))
    hist = _make_sc_gather(nrows)(gb_pad, rows_flat)
    nbm = jnp.concatenate([hist[:, :cur_len], tok], axis=1)

    return (sc.reshape(nb, _BEAM), lp.reshape(nb, _BEAM),
            tok.reshape(nb, _BEAM), rows_flat, nbm,
            (fin.reshape(nb, _BEAM) != 0))

# --- scband reference (transcript-rebuilt; emitter-appended) ---
"""Pipeline reference for scband-model-with-beam-search-43361989821093 (READ-ONLY COPY).

The authoritative reference and input builder live on the scoring server;
editing this copy changes nothing except your own understanding.
"""

import jax, jax.numpy as jnp
import numpy as np

BEAM_SIZE = 8
END_TOKEN = 2
MIN_LENGTH = 10
ALPHA = 0.95


def setup_inputs(seed: int = 0) -> dict:
    key = jax.random.key(seed)
    k1, k2, k3 = jax.random.split(key, 3)
    B = 64
    vocab = 100000
    cur_len = 16
    logits = jax.random.normal(k1, (B * BEAM_SIZE, vocab), dtype=jnp.float32)
    topk_log_probs = jax.random.normal(k2, (B * BEAM_SIZE,), dtype=jnp.float32)
    growing_beam = jax.random.randint(k3, (B * BEAM_SIZE, cur_len), 0, vocab, dtype=jnp.int32)
    return {"logits": logits, "topk_log_probs": topk_log_probs, "growing_beam": growing_beam, "step": 5}


def reference(logits, topk_log_probs, growing_beam, step):
    # One beam-search scoring/selection step (core of ModelWithBeamSearch.forward loop).
    vocab = logits.shape[-1]
    log_p = jax.nn.log_softmax(logits, axis=-1)
    log_p = log_p + topk_log_probs[:, None]
    log_p = jnp.where(step < MIN_LENGTH, log_p.at[:, END_TOKEN].set(-1e20), log_p)
    _B = logits.shape[0] // BEAM_SIZE
    flat = log_p.reshape(_B, BEAM_SIZE * vocab)
    topk_lp, topk_ids = jax.lax.top_k(flat, BEAM_SIZE)
    length_penalty = ((5.0 + (step + 1)) / 6.0) ** ALPHA
    topk_scores = topk_lp / length_penalty
    topk_beam_ids = topk_ids // vocab
    topk_token_ids = topk_ids % vocab
    beam_offset = jnp.arange(0, _B * BEAM_SIZE, BEAM_SIZE, dtype=jnp.int32)
    surviving_beams_rows = (topk_beam_ids + beam_offset[:, None]).reshape(-1)
    new_growing_beam = jnp.concatenate(
        [jnp.take(growing_beam, surviving_beams_rows, axis=0), topk_token_ids.reshape(-1, 1)], axis=1
    )
    is_finished = (topk_token_ids == END_TOKEN)
    return topk_scores, topk_lp, topk_token_ids, surviving_beams_rows, new_growing_beam, is_finished

if __name__ == "__main__":
    import jax
    _d = setup_inputs()
    print(jax.jit(kernel)(*tuple(_d.values())))

</pallas_src>

<mosaic_0001>
#map = affine_map<(d0, d1) -> (0, 0)>
#map1 = affine_map<(d0, d1) -> (0)>
module attributes {stable_mosaic.version = 14 : i64} {
  func.func @sc_gather(%arg0: i32, %arg1: i32, %arg2: memref<512x128xi32, #tpu.memory_space<hbm>>, %arg3: memref<512xi32, #tpu.memory_space<hbm>>, %arg4: memref<512x128xi32, #tpu.memory_space<hbm>>, %arg5: memref<16xi32, #tpu.memory_space<vmem>>, %arg6: memref<16x128xi32, #tpu.memory_space<vmem>>, %arg7: memref<!tpu.dma_semaphore, #tpu.memory_space<semaphore_mem>>) attributes {dimension_semantics = [#tpu.dimension_semantics<core_parallel>, #tpu.dimension_semantics<subcore_parallel>], iteration_bounds = array<i64: 2, 16>, scalar_prefetch = 0 : i64, scratch_operands = 3 : i64, tpu.core_type = #tpu.core_type<sc_vector_subcore>, window_params = [{transform_indices = #map}, {transform_indices = #map1}, {transform_indices = #map}]} {
    %mul3A = arith.constant 2 : i32
    %mul3A_0 = arith.muli %arg1, %mul3A : i32
    %add3A = arith.addi %mul3A_0, %arg0 : i32
    %mul3A_1 = arith.constant 16 : i32
    %mul3A_2 = arith.muli %add3A, %mul3A_1 : i32
    "tpu.region"() ({
      %run_scoped3A = tpu.sem_alloc : memref<!tpu.dma_semaphore, #tpu.memory_space<semaphore_mem>>
      %dma_start3A_7 = tpu.memref_slice %arg3[%mul3A_2] : memref<512xi32, #tpu.memory_space<hbm>> -> memref<16xi32, #tpu.memory_space<hbm>>
      %dma_start3A_8 = tpu.memref_slice %arg3[%mul3A_2] : memref<512xi32, #tpu.memory_space<hbm>> -> memref<16xi32, #tpu.memory_space<hbm>>
      tpu.enqueue_dma source(%dma_start3A_8 : memref<16xi32, #tpu.memory_space<hbm>>) target(%arg5 : memref<16xi32, #tpu.memory_space<vmem>>) target_semaphore(%run_scoped3A : memref<!tpu.dma_semaphore, #tpu.memory_space<semaphore_mem>>)
      %dma_wait3A_9 = tpu.memref_slice %arg3[%mul3A_2] : memref<512xi32, #tpu.memory_space<hbm>> -> memref<16xi32, #tpu.memory_space<hbm>>
      %dma_wait3A_10 = tpu.memref_slice %arg3[%mul3A_2] : memref<512xi32, #tpu.memory_space<hbm>> -> memref<16xi32, #tpu.memory_space<hbm>>
      tpu.wait_dma2 semaphore(%run_scoped3A : memref<!tpu.dma_semaphore, #tpu.memory_space<semaphore_mem>>) src(%dma_wait3A_10 : memref<16xi32, #tpu.memory_space<hbm>>) dst(%arg5 : memref<16xi32, #tpu.memory_space<vmem>>)
      tpu.yield
    }) : () -> ()
    %dma_start3A = arith.constant 0 : i32
    %dma_start3A_3 = arith.constant 0 : i32
    %dma_start3A_4 = tpu.memref_slice %arg2[%dma_start3A, %dma_start3A_3] : memref<512x128xi32, #tpu.memory_space<hbm>> -> memref<512x128xi32, #tpu.memory_space<hbm>>
    tpu.enqueue_indirect_dma source(%dma_start3A_4 : memref<512x128xi32, #tpu.memory_space<hbm>>) target(%arg6 : memref<16x128xi32, #tpu.memory_space<vmem>>) offsets(%arg5 : memref<16xi32, #tpu.memory_space<vmem>>) semaphore(%arg7 : memref<!tpu.dma_semaphore, #tpu.memory_space<semaphore_mem>>)
    %dma_wait3A = arith.constant 0 : i32
    %dma_wait3A_5 = arith.constant 0 : i32
    %dma_wait3A_6 = tpu.memref_slice %arg2[%dma_wait3A, %dma_wait3A_5] : memref<512x128xi32, #tpu.memory_space<hbm>> -> memref<512x128xi32, #tpu.memory_space<hbm>>
    tpu.wait_indirect_dma semaphore(%arg7 : memref<!tpu.dma_semaphore, #tpu.memory_space<semaphore_mem>>) src(%dma_wait3A_6 : memref<512x128xi32, #tpu.memory_space<hbm>>) dst(%arg6 : memref<16x128xi32, #tpu.memory_space<vmem>>)
    "tpu.region"() ({
      %run_scoped3A = tpu.sem_alloc : memref<!tpu.dma_semaphore, #tpu.memory_space<semaphore_mem>>
      %dma_start3A_7 = arith.constant 0 : i32
      %dma_start3A_8 = tpu.memref_slice %arg4[%mul3A_2, %dma_start3A_7] : memref<512x128xi32, #tpu.memory_space<hbm>> -> memref<16x128xi32, #tpu.memory_space<hbm>>
      %dma_start3A_9 = arith.constant 0 : i32
      %dma_start3A_10 = tpu.memref_slice %arg4[%mul3A_2, %dma_start3A_9] : memref<512x128xi32, #tpu.memory_space<hbm>> -> memref<16x128xi32, #tpu.memory_space<hbm>>
      tpu.enqueue_dma source(%arg6 : memref<16x128xi32, #tpu.memory_space<vmem>>) target(%dma_start3A_10 : memref<16x128xi32, #tpu.memory_space<hbm>>) target_semaphore(%run_scoped3A : memref<!tpu.dma_semaphore, #tpu.memory_space<semaphore_mem>>)
      %dma_wait3A_11 = arith.constant 0 : i32
      %dma_wait3A_12 = tpu.memref_slice %arg4[%mul3A_2, %dma_wait3A_11] : memref<512x128xi32, #tpu.memory_space<hbm>> -> memref<16x128xi32, #tpu.memory_space<hbm>>
      %dma_wait3A_13 = arith.constant 0 : i32
      %dma_wait3A_14 = tpu.memref_slice %arg4[%mul3A_2, %dma_wait3A_13] : memref<512x128xi32, #tpu.memory_space<hbm>> -> memref<16x128xi32, #tpu.memory_space<hbm>>
      tpu.wait_dma2 semaphore(%run_scoped3A : memref<!tpu.dma_semaphore, #tpu.memory_space<semaphore_mem>>) src(%arg6 : memref<16x128xi32, #tpu.memory_space<vmem>>) dst(%dma_wait3A_14 : memref<16x128xi32, #tpu.memory_space<hbm>>)
      tpu.yield
    }) : () -> ()
    return
  }
}

module attributes {stable_mosaic.version = 14 : i64} {
  func.func @_scan_body(%arg0: i32, %arg1: memref<1x1xi32, #tpu.memory_space<smem>>, %arg2: memref<1024x512xf32, #tpu.memory_space<vmem>>, %arg3: memref<1x1x512xf32, #tpu.memory_space<vmem>>, %arg4: memref<1x1x512xi32, #tpu.memory_space<vmem>>, %arg5: memref<1x1x512xf32, #tpu.memory_space<vmem>>, %arg6: memref<1x1x512xi32, #tpu.memory_space<vmem>>, %arg7: memref<1x1x512xf32, #tpu.memory_space<vmem>>, %arg8: memref<1x1x512xf32, #tpu.memory_space<vmem>>, %arg9: memref<16x512xf32, #tpu.memory_space<vmem>>, %arg10: memref<16x512xf32, #tpu.memory_space<vmem>>) attributes {dimension_semantics = [#tpu.dimension_semantics<arbitrary>], iteration_bounds = array<i64: 98>, scalar_prefetch = 0 : i64, scratch_operands = 2 : i64, tpu.core_type = #tpu.core_type<tc>, window_params = [{transform_indices = @transform_0, window_bounds = array<i64: 1, 1>}, {transform_indices = @transform_1, window_bounds = array<i64: 1024, 512>}, {transform_indices = @transform_2, window_bounds = array<i64: 1, 1, 512>}, {transform_indices = @transform_3, window_bounds = array<i64: 1, 1, 512>}, {transform_indices = @transform_4, window_bounds = array<i64: 1, 1, 512>}, {transform_indices = @transform_5, window_bounds = array<i64: 1, 1, 512>}, {pipeline_mode = #tpu.pipeline_mode<synchronous>, transform_indices = @transform_6, window_bounds = array<i64: 1, 1, 512>}, {pipeline_mode = #tpu.pipeline_mode<synchronous>, transform_indices = @transform_7, window_bounds = array<i64: 1, 1, 512>}]} {
    %get3A = arith.constant 0 : index
    %get3A_0 = arith.constant 0 : index
    %get3A_1 = memref.load %arg1[%get3A, %get3A_0] : memref<1x1xi32, #tpu.memory_space<smem>>
    %lt3A = arith.constant 10 : i32
    %lt3A_2 = arith.cmpi slt, %get3A_1, %lt3A : i32
    %iota3A = tpu.iota {dimensions = array<i32: 0>} : vector<8x512xi32>
    %mul3A = arith.constant 1024 : i32
    %mul3A_3 = arith.muli %arg0, %mul3A : i32
    %sub3A = arith.constant 100000 : i32
    %sub3A_4 = arith.subi %sub3A, %mul3A_3 : i32
    %eq3A = arith.constant 0 : i32
    %eq3A_5 = arith.cmpi eq, %arg0, %eq3A : i32
    %and3A = arith.andi %lt3A_2, %eq3A_5 : i1
    %eq3A_6 = arith.constant 0 : i32
    %eq3A_7 = arith.cmpi eq, %arg0, %eq3A_6 : i32
    %convert_element_type3A = arith.extui %eq3A_7 : i1 to i32
    %cond3A = arith.constant 0 : i32
    %cond3A_8 = arith.cmpi ne, %convert_element_type3A, %cond3A : i32
    scf.if %cond3A_8 {
      %broadcast_in_dim3A_138 = arith.constant -1.000000e+30 : f32
      %broadcast_in_dim3A_139 = vector.broadcast %broadcast_in_dim3A_138 : f32 to vector<16x512xf32>
      %swap3A_140 = arith.constant 0 : index
      %swap3A_141 = arith.constant 0 : index
      %swap3A_142 = vector.load %arg9[%swap3A_140, %swap3A_141] : memref<16x512xf32, #tpu.memory_space<vmem>>, vector<16x512xf32>
      tpu.vector_store %arg9[%swap3A_140, %swap3A_141], %broadcast_in_dim3A_139 {strides = array<i32>} : memref<16x512xf32, #tpu.memory_space<vmem>>, vector<16x512xf32>,
      %broadcast_in_dim3A_143 = arith.constant 0.000000e+00 : f32
      %broadcast_in_dim3A_144 = vector.broadcast %broadcast_in_dim3A_143 : f32 to vector<16x512xf32>
      %swap3A_145 = arith.constant 0 : index
      %swap3A_146 = arith.constant 0 : index
      %swap3A_147 = vector.load %arg10[%swap3A_145, %swap3A_146] : memref<16x512xf32, #tpu.memory_space<vmem>>, vector<16x512xf32>
      tpu.vector_store %arg10[%swap3A_145, %swap3A_146], %broadcast_in_dim3A_144 {strides = array<i32>} : memref<16x512xf32, #tpu.memory_space<vmem>>, vector<16x512xf32>,
    } else {
    }
    %get3A_9 = arith.constant 0 : index
    %get3A_10 = arith.constant 0 : index
    %get3A_11 = vector.load %arg9[%get3A_9, %get3A_10] : memref<16x512xf32, #tpu.memory_space<vmem>>, vector<8x512xf32>
    %get3A_12 = arith.constant 8 : index
    %get3A_13 = arith.constant 0 : index
    %get3A_14 = vector.load %arg9[%get3A_12, %get3A_13] : memref<16x512xf32, #tpu.memory_space<vmem>>, vector<8x512xf32>
    %get3A_15 = arith.constant 0 : index
    %get3A_16 = arith.constant 0 : index
    %get3A_17 = vector.load %arg10[%get3A_15, %get3A_16] : memref<16x512xf32, #tpu.memory_space<vmem>>, vector<8x512xf32>
    %get3A_18 = arith.constant 8 : index
    %get3A_19 = arith.constant 0 : index
    %get3A_20 = vector.load %arg10[%get3A_18, %get3A_19] : memref<16x512xf32, #tpu.memory_space<vmem>>, vector<8x512xf32>
    %broadcast_in_dim3A = arith.constant -1.000000e+30 : f32
    %broadcast_in_dim3A_21 = vector.broadcast %broadcast_in_dim3A : f32 to vector<8x512xf32>
    %broadcast_in_dim3A_22 = arith.constant 0 : i32
    %broadcast_in_dim3A_23 = vector.broadcast %broadcast_in_dim3A_22 : i32 to vector<8x512xi32>
    %scan3A = arith.constant 0 : i32
    %scan3A_24 = arith.constant 64 : i32
    %scan3A_25 = arith.addi %scan3A, %scan3A_24 : i32
    %scan3A_26 = arith.constant 1 : i32
    %scan3A_27:8 = scf.for %scan3A_138 = %scan3A to %scan3A_25 step %scan3A_26 iter_args(%scan3A_139 = %get3A_11, %scan3A_140 = %get3A_17, %scan3A_141 = %get3A_14, %scan3A_142 = %get3A_20, %scan3A_143 = %broadcast_in_dim3A_21, %scan3A_144 = %broadcast_in_dim3A_23, %scan3A_145 = %broadcast_in_dim3A_21, %scan3A_146 = %broadcast_in_dim3A_23) -> (vector<8x512xf32>, vector<8x512xf32>, vector<8x512xf32>, vector<8x512xf32>, vector<8x512xf32>, vector<8x512xi32>, vector<8x512xf32>, vector<8x512xi32>)  : i32 {
      %mul3A_147 = arith.constant 2 : i32
      %mul3A_148 = arith.muli %mul3A_147, %scan3A_138 : i32
      %mul3A_149 = arith.constant 8 : i32
      %mul3A_150 = arith.muli %mul3A_148, %mul3A_149 : i32
      %get3A_151 = arith.index_cast %mul3A_150 : i32 to index
      %get3A_152 = arith.constant 0 : index
      %get3A_153 = vector.load %arg2[%get3A_151, %get3A_152] : memref<1024x512xf32, #tpu.memory_space<vmem>>, vector<8x512xf32>
      %mul3A_154 = arith.constant 8 : i32
      %mul3A_155 = arith.muli %mul3A_148, %mul3A_154 : i32
      %add3A = vector.broadcast %mul3A_155 : i32 to vector<8x512xi32>
      %add3A_156 = arith.addi %add3A, %iota3A : vector<8x512xi32>
      %ge3A = vector.broadcast %sub3A_4 : i32 to vector<8x512xi32>
      %ge3A_157 = arith.cmpi sge, %add3A_156, %ge3A : vector<8x512xi32>
      %jit3A = arith.constant -1.000000e+30 : f32
      %broadcast_in_dim3A_158 = vector.broadcast %jit3A : f32 to vector<8x512xf32>
      %select_n3A_159 = arith.select %ge3A_157, %broadcast_in_dim3A_158, %get3A_153 : vector<8x512xi1>, vector<8x512xf32>
      %eq3A_160 = arith.constant 2 : i32
      %eq3A_161 = vector.broadcast %eq3A_160 : i32 to vector<8x512xi32>
      %eq3A_162 = arith.cmpi eq, %add3A_156, %eq3A_161 : vector<8x512xi32>
      %and3A_163 = vector.broadcast %and3A : i1 to vector<8x512xi1>
      %and3A_164 = arith.andi %and3A_163, %eq3A_162 : vector<8x512xi1>
      %or3A_165 = arith.ori %ge3A_157, %and3A_164 : vector<8x512xi1>
      %jit3A_166 = arith.constant -1.000000e+30 : f32
      %broadcast_in_dim3A_167 = vector.broadcast %jit3A_166 : f32 to vector<8x512xf32>
      %select_n3A_168 = arith.select %or3A_165, %broadcast_in_dim3A_167, %get3A_153 : vector<8x512xi1>, vector<8x512xf32>
      %max3A = arith.maximumf %scan3A_139, %select_n3A_159 : vector<8x512xf32>
      %sub3A_169 = arith.subf %scan3A_139, %max3A : vector<8x512xf32>
      %exp3A = math.exp %sub3A_169 : vector<8x512xf32>
      %mul3A_170 = arith.mulf %scan3A_140, %exp3A : vector<8x512xf32>
      %sub3A_171 = arith.subf %select_n3A_159, %max3A : vector<8x512xf32>
      %exp3A_172 = math.exp %sub3A_171 : vector<8x512xf32>
      %add3A_173 = arith.addf %mul3A_170, %exp3A_172 : vector<8x512xf32>
      %gt3A_174 = arith.cmpf ogt, %select_n3A_168, %scan3A_143 : vector<8x512xf32>
      %gt3A_175 = arith.cmpf ogt, %select_n3A_168, %scan3A_145 : vector<8x512xf32>
      %max3A_176 = arith.maximumf %select_n3A_168, %scan3A_143 : vector<8x512xf32>
      %select_n3A_177 = arith.select %gt3A_174, %add3A_156, %scan3A_144 : vector<8x512xi1>, vector<8x512xi32>
      %select_n3A_178 = arith.select %gt3A_175, %select_n3A_168, %scan3A_145 : vector<8x512xi1>, vector<8x512xf32>
      %select_n3A_179 = arith.select %gt3A_174, %scan3A_143, %select_n3A_178 : vector<8x512xi1>, vector<8x512xf32>
      %select_n3A_180 = arith.select %gt3A_175, %add3A_156, %scan3A_146 : vector<8x512xi1>, vector<8x512xi32>
      %select_n3A_181 = arith.select %gt3A_174, %scan3A_144, %select_n3A_180 : vector<8x512xi1>, vector<8x512xi32>
      %mul3A_182 = arith.constant 2 : i32
      %mul3A_183 = arith.muli %mul3A_182, %scan3A_138 : i32
      %add3A_184 = arith.constant 1 : i32
      %add3A_185 = arith.addi %mul3A_183, %add3A_184 : i32
      %mul3A_186 = arith.constant 8 : i32
      %mul3A_187 = arith.muli %add3A_185, %mul3A_186 : i32
      %get3A_188 = arith.index_cast %mul3A_187 : i32 to index
      %get3A_189 = arith.constant 0 : index
      %get3A_190 = vector.load %arg2[%get3A_188, %get3A_189] : memref<1024x512xf32, #tpu.memory_space<vmem>>, vector<8x512xf32>
      %mul3A_191 = arith.constant 8 : i32
      %mul3A_192 = arith.muli %add3A_185, %mul3A_191 : i32
      %add3A_193 = vector.broadcast %mul3A_192 : i32 to vector<8x512xi32>
      %add3A_194 = arith.addi %add3A_193, %iota3A : vector<8x512xi32>
      %ge3A_195 = vector.broadcast %sub3A_4 : i32 to vector<8x512xi32>
      %ge3A_196 = arith.cmpi sge, %add3A_194, %ge3A_195 : vector<8x512xi32>
      %jit3A_197 = arith.constant -1.000000e+30 : f32
      %broadcast_in_dim3A_198 = vector.broadcast %jit3A_197 : f32 to vector<8x512xf32>
      %select_n3A_199 = arith.select %ge3A_196, %broadcast_in_dim3A_198, %get3A_190 : vector<8x512xi1>, vector<8x512xf32>
      %eq3A_200 = arith.constant 2 : i32
      %eq3A_201 = vector.broadcast %eq3A_200 : i32 to vector<8x512xi32>
      %eq3A_202 = arith.cmpi eq, %add3A_194, %eq3A_201 : vector<8x512xi32>
      %and3A_203 = vector.broadcast %and3A : i1 to vector<8x512xi1>
      %and3A_204 = arith.andi %and3A_203, %eq3A_202 : vector<8x512xi1>
      %or3A_205 = arith.ori %ge3A_196, %and3A_204 : vector<8x512xi1>
      %jit3A_206 = arith.constant -1.000000e+30 : f32
      %broadcast_in_dim3A_207 = vector.broadcast %jit3A_206 : f32 to vector<8x512xf32>
      %select_n3A_208 = arith.select %or3A_205, %broadcast_in_dim3A_207, %get3A_190 : vector<8x512xi1>, vector<8x512xf32>
      %max3A_209 = arith.maximumf %scan3A_141, %select_n3A_199 : vector<8x512xf32>
      %sub3A_210 = arith.subf %scan3A_141, %max3A_209 : vector<8x512xf32>
      %exp3A_211 = math.exp %sub3A_210 : vector<8x512xf32>
      %mul3A_212 = arith.mulf %scan3A_142, %exp3A_211 : vector<8x512xf32>
      %sub3A_213 = arith.subf %select_n3A_199, %max3A_209 : vector<8x512xf32>
      %exp3A_214 = math.exp %sub3A_213 : vector<8x512xf32>
      %add3A_215 = arith.addf %mul3A_212, %exp3A_214 : vector<8x512xf32>
      %gt3A_216 = arith.cmpf ogt, %select_n3A_208, %max3A_176 : vector<8x512xf32>
      %gt3A_217 = arith.cmpf ogt, %select_n3A_208, %select_n3A_179 : vector<8x512xf32>
      %max3A_218 = arith.maximumf %select_n3A_208, %max3A_176 : vector<8x512xf32>
      %select_n3A_219 = arith.select %gt3A_216, %add3A_194, %select_n3A_177 : vector<8x512xi1>, vector<8x512xi32>
      %select_n3A_220 = arith.select %gt3A_217, %select_n3A_208, %select_n3A_179 : vector<8x512xi1>, vector<8x512xf32>
      %select_n3A_221 = arith.select %gt3A_216, %max3A_176, %select_n3A_220 : vector<8x512xi1>, vector<8x512xf32>
      %select_n3A_222 = arith.select %gt3A_217, %add3A_194, %select_n3A_181 : vector<8x512xi1>, vector<8x512xi32>
      %select_n3A_223 = arith.select %gt3A_216, %select_n3A_177, %select_n3A_222 : vector<8x512xi1>, vector<8x512xi32>
      scf.yield %max3A, %add3A_173, %max3A_209, %add3A_215, %max3A_218, %select_n3A_219, %select_n3A_221, %select_n3A_223 : vector<8x512xf32>, vector<8x512xf32>, vector<8x512xf32>, vector<8x512xf32>, vector<8x512xf32>, vector<8x512xi32>, vector<8x512xf32>, vector<8x512xi32>
    }
    %scan3A_28 = arith.constant 64 : i32
    %swap3A = arith.constant 0 : index
    %swap3A_29 = arith.constant 0 : index
    %swap3A_30 = vector.load %arg9[%swap3A, %swap3A_29] : memref<16x512xf32, #tpu.memory_space<vmem>>, vector<8x512xf32>
    tpu.vector_store %arg9[%swap3A, %swap3A_29], %scan3A_27#0 {strides = array<i32>} : memref<16x512xf32, #tpu.memory_space<vmem>>, vector<8x512xf32>,
    %swap3A_31 = arith.constant 8 : index
    %swap3A_32 = arith.constant 0 : index
    %swap3A_33 = vector.load %arg9[%swap3A_31, %swap3A_32] : memref<16x512xf32, #tpu.memory_space<vmem>>, vector<8x512xf32>
    tpu.vector_store %arg9[%swap3A_31, %swap3A_32], %scan3A_27#2 {strides = array<i32>} : memref<16x512xf32, #tpu.memory_space<vmem>>, vector<8x512xf32>,
    %swap3A_34 = arith.constant 0 : index
    %swap3A_35 = arith.constant 0 : index
    %swap3A_36 = vector.load %arg10[%swap3A_34, %swap3A_35] : memref<16x512xf32, #tpu.memory_space<vmem>>, vector<8x512xf32>
    tpu.vector_store %arg10[%swap3A_34, %swap3A_35], %scan3A_27#1 {strides = array<i32>} : memref<16x512xf32, #tpu.memory_space<vmem>>, vector<8x512xf32>,
    %swap3A_37 = arith.constant 8 : index
    %swap3A_38 = arith.constant 0 : index
    %swap3A_39 = vector.load %arg10[%swap3A_37, %swap3A_38] : memref<16x512xf32, #tpu.memory_space<vmem>>, vector<8x512xf32>
    tpu.vector_store %arg10[%swap3A_37, %swap3A_38], %scan3A_27#3 {strides = array<i32>} : memref<16x512xf32, #tpu.memory_space<vmem>>, vector<8x512xf32>,
    %slice3A = vector.extract_strided_slice %scan3A_27#4 {offsets = [0, 0], sizes = [4, 512], strides = [1, 1]} : vector<8x512xf32> to vector<4x512xf32>
    %slice3A_40 = vector.extract_strided_slice %scan3A_27#5 {offsets = [0, 0], sizes = [4, 512], strides = [1, 1]} : vector<8x512xi32> to vector<4x512xi32>
    %slice3A_41 = vector.extract_strided_slice %scan3A_27#6 {offsets = [0, 0], sizes = [4, 512], strides = [1, 1]} : vector<8x512xf32> to vector<4x512xf32>
    %slice3A_42 = vector.extract_strided_slice %scan3A_27#7 {offsets = [0, 0], sizes = [4, 512], strides = [1, 1]} : vector<8x512xi32> to vector<4x512xi32>
    %slice3A_43 = vector.extract_strided_slice %scan3A_27#4 {offsets = [4, 0], sizes = [4, 512], strides = [1, 1]} : vector<8x512xf32> to vector<4x512xf32>
    %slice3A_44 = vector.extract_strided_slice %scan3A_27#5 {offsets = [4, 0], sizes = [4, 512], strides = [1, 1]} : vector<8x512xi32> to vector<4x512xi32>
    %slice3A_45 = vector.extract_strided_slice %scan3A_27#6 {offsets = [4, 0], sizes = [4, 512], strides = [1, 1]} : vector<8x512xf32> to vector<4x512xf32>
    %slice3A_46 = vector.extract_strided_slice %scan3A_27#7 {offsets = [4, 0], sizes = [4, 512], strides = [1, 1]} : vector<8x512xi32> to vector<4x512xi32>
    %gt3A = arith.cmpf ogt, %slice3A_43, %slice3A : vector<4x512xf32>
    %eq3A_47 = arith.cmpf oeq, %slice3A_43, %slice3A : vector<4x512xf32>
    %lt3A_48 = arith.cmpi slt, %slice3A_44, %slice3A_40 : vector<4x512xi32>
    %and3A_49 = arith.andi %eq3A_47, %lt3A_48 : vector<4x512xi1>
    %or3A = arith.ori %gt3A, %and3A_49 : vector<4x512xi1>
    %select_n3A = arith.select %or3A, %slice3A_43, %slice3A : vector<4x512xi1>, vector<4x512xf32>
    %select_n3A_50 = arith.select %or3A, %slice3A_44, %slice3A_40 : vector<4x512xi1>, vector<4x512xi32>
    %select_n3A_51 = arith.select %or3A, %slice3A, %slice3A_43 : vector<4x512xi1>, vector<4x512xf32>
    %select_n3A_52 = arith.select %or3A, %slice3A_40, %slice3A_44 : vector<4x512xi1>, vector<4x512xi32>
    %select_n3A_53 = arith.select %or3A, %slice3A_45, %slice3A_41 : vector<4x512xi1>, vector<4x512xf32>
    %select_n3A_54 = arith.select %or3A, %slice3A_46, %slice3A_42 : vector<4x512xi1>, vector<4x512xi32>
    %gt3A_55 = arith.cmpf ogt, %select_n3A_53, %select_n3A_51 : vector<4x512xf32>
    %eq3A_56 = arith.cmpf oeq, %select_n3A_53, %select_n3A_51 : vector<4x512xf32>
    %lt3A_57 = arith.cmpi slt, %select_n3A_54, %select_n3A_52 : vector<4x512xi32>
    %and3A_58 = arith.andi %eq3A_56, %lt3A_57 : vector<4x512xi1>
    %or3A_59 = arith.ori %gt3A_55, %and3A_58 : vector<4x512xi1>
    %select_n3A_60 = arith.select %or3A_59, %select_n3A_53, %select_n3A_51 : vector<4x512xi1>, vector<4x512xf32>
    %select_n3A_61 = arith.select %or3A_59, %select_n3A_54, %select_n3A_52 : vector<4x512xi1>, vector<4x512xi32>
    %slice3A_62 = vector.extract_strided_slice %select_n3A {offsets = [0, 0], sizes = [2, 512], strides = [1, 1]} : vector<4x512xf32> to vector<2x512xf32>
    %slice3A_63 = vector.extract_strided_slice %select_n3A_50 {offsets = [0, 0], sizes = [2, 512], strides = [1, 1]} : vector<4x512xi32> to vector<2x512xi32>
    %slice3A_64 = vector.extract_strided_slice %select_n3A_60 {offsets = [0, 0], sizes = [2, 512], strides = [1, 1]} : vector<4x512xf32> to vector<2x512xf32>
    %slice3A_65 = vector.extract_strided_slice %select_n3A_61 {offsets = [0, 0], sizes = [2, 512], strides = [1, 1]} : vector<4x512xi32> to vector<2x512xi32>
    %slice3A_66 = vector.extract_strided_slice %select_n3A {offsets = [2, 0], sizes = [2, 512], strides = [1, 1]} : vector<4x512xf32> to vector<2x512xf32>
    %slice3A_67 = vector.extract_strided_slice %select_n3A_50 {offsets = [2, 0], sizes = [2, 512], strides = [1, 1]} : vector<4x512xi32> to vector<2x512xi32>
    %slice3A_68 = vector.extract_strided_slice %select_n3A_60 {offsets = [2, 0], sizes = [2, 512], strides = [1, 1]} : vector<4x512xf32> to vector<2x512xf32>
    %slice3A_69 = vector.extract_strided_slice %select_n3A_61 {offsets = [2, 0], sizes = [2, 512], strides = [1, 1]} : vector<4x512xi32> to vector<2x512xi32>
    %gt3A_70 = arith.cmpf ogt, %slice3A_66, %slice3A_62 : vector<2x512xf32>
    %eq3A_71 = arith.cmpf oeq, %slice3A_66, %slice3A_62 : vector<2x512xf32>
    %lt3A_72 = arith.cmpi slt, %slice3A_67, %slice3A_63 : vector<2x512xi32>
    %and3A_73 = arith.andi %eq3A_71, %lt3A_72 : vector<2x512xi1>
    %or3A_74 = arith.ori %gt3A_70, %and3A_73 : vector<2x512xi1>
    %select_n3A_75 = arith.select %or3A_74, %slice3A_66, %slice3A_62 : vector<2x512xi1>, vector<2x512xf32>
    %select_n3A_76 = arith.select %or3A_74, %slice3A_67, %slice3A_63 : vector<2x512xi1>, vector<2x512xi32>
    %select_n3A_77 = arith.select %or3A_74, %slice3A_62, %slice3A_66 : vector<2x512xi1>, vector<2x512xf32>
    %select_n3A_78 = arith.select %or3A_74, %slice3A_63, %slice3A_67 : vector<2x512xi1>, vector<2x512xi32>
    %select_n3A_79 = arith.select %or3A_74, %slice3A_68, %slice3A_64 : vector<2x512xi1>, vector<2x512xf32>
    %select_n3A_80 = arith.select %or3A_74, %slice3A_69, %slice3A_65 : vector<2x512xi1>, vector<2x512xi32>
    %gt3A_81 = arith.cmpf ogt, %select_n3A_79, %select_n3A_77 : vector<2x512xf32>
    %eq3A_82 = arith.cmpf oeq, %select_n3A_79, %select_n3A_77 : vector<2x512xf32>
    %lt3A_83 = arith.cmpi slt, %select_n3A_80, %select_n3A_78 : vector<2x512xi32>
    %and3A_84 = arith.andi %eq3A_82, %lt3A_83 : vector<2x512xi1>
    %or3A_85 = arith.ori %gt3A_81, %and3A_84 : vector<2x512xi1>
    %select_n3A_86 = arith.select %or3A_85, %select_n3A_79, %select_n3A_77 : vector<2x512xi1>, vector<2x512xf32>
    %select_n3A_87 = arith.select %or3A_85, %select_n3A_80, %select_n3A_78 : vector<2x512xi1>, vector<2x512xi32>
    %slice3A_88 = vector.extract_strided_slice %select_n3A_75 {offsets = [0, 0], sizes = [1, 512], strides = [1, 1]} : vector<2x512xf32> to vector<1x512xf32>
    %slice3A_89 = vector.extract_strided_slice %select_n3A_76 {offsets = [0, 0], sizes = [1, 512], strides = [1, 1]} : vector<2x512xi32> to vector<1x512xi32>
    %slice3A_90 = vector.extract_strided_slice %select_n3A_86 {offsets = [0, 0], sizes = [1, 512], strides = [1, 1]} : vector<2x512xf32> to vector<1x512xf32>
    %slice3A_91 = vector.extract_strided_slice %select_n3A_87 {offsets = [0, 0], sizes = [1, 512], strides = [1, 1]} : vector<2x512xi32> to vector<1x512xi32>
    %slice3A_92 = vector.extract_strided_slice %select_n3A_75 {offsets = [1, 0], sizes = [1, 512], strides = [1, 1]} : vector<2x512xf32> to vector<1x512xf32>
    %slice3A_93 = vector.extract_strided_slice %select_n3A_76 {offsets = [1, 0], sizes = [1, 512], strides = [1, 1]} : vector<2x512xi32> to vector<1x512xi32>
    %slice3A_94 = vector.extract_strided_slice %select_n3A_86 {offsets = [1, 0], sizes = [1, 512], strides = [1, 1]} : vector<2x512xf32> to vector<1x512xf32>
    %slice3A_95 = vector.extract_strided_slice %select_n3A_87 {offsets = [1, 0], sizes = [1, 512], strides = [1, 1]} : vector<2x512xi32> to vector<1x512xi32>
    %gt3A_96 = arith.cmpf ogt, %slice3A_92, %slice3A_88 : vector<1x512xf32>
    %eq3A_97 = arith.cmpf oeq, %slice3A_92, %slice3A_88 : vector<1x512xf32>
    %lt3A_98 = arith.cmpi slt, %slice3A_93, %slice3A_89 : vector<1x512xi32>
    %and3A_99 = arith.andi %eq3A_97, %lt3A_98 : vector<1x512xi1>
    %or3A_100 = arith.ori %gt3A_96, %and3A_99 : vector<1x512xi1>
    %select_n3A_101 = arith.select %or3A_100, %slice3A_92, %slice3A_88 : vector<1x512xi1>, vector<1x512xf32>
    %select_n3A_102 = arith.select %or3A_100, %slice3A_93, %slice3A_89 : vector<1x512xi1>, vector<1x512xi32>
    %select_n3A_103 = arith.select %or3A_100, %slice3A_88, %slice3A_92 : vector<1x512xi1>, vector<1x512xf32>
    %select_n3A_104 = arith.select %or3A_100, %slice3A_89, %slice3A_93 : vector<1x512xi1>, vector<1x512xi32>
    %select_n3A_105 = arith.select %or3A_100, %slice3A_94, %slice3A_90 : vector<1x512xi1>, vector<1x512xf32>
    %select_n3A_106 = arith.select %or3A_100, %slice3A_95, %slice3A_91 : vector<1x512xi1>, vector<1x512xi32>
    %gt3A_107 = arith.cmpf ogt, %select_n3A_105, %select_n3A_103 : vector<1x512xf32>
    %eq3A_108 = arith.cmpf oeq, %select_n3A_105, %select_n3A_103 : vector<1x512xf32>
    %lt3A_109 = arith.cmpi slt, %select_n3A_106, %select_n3A_104 : vector<1x512xi32>
    %and3A_110 = arith.andi %eq3A_108, %lt3A_109 : vector<1x512xi1>
    %or3A_111 = arith.ori %gt3A_107, %and3A_110 : vector<1x512xi1>
    %select_n3A_112 = arith.select %or3A_111, %select_n3A_105, %select_n3A_103 : vector<1x512xi1>, vector<1x512xf32>
    %select_n3A_113 = arith.select %or3A_111, %select_n3A_106, %select_n3A_104 : vector<1x512xi1>, vector<1x512xi32>
    %reshape3A = vector.shape_cast %select_n3A_101 : vector<1x512xf32> to vector<1x1x512xf32>
    %swap3A_114 = arith.constant 0 : index
    %swap3A_115 = arith.constant 0 : index
    %swap3A_116 = arith.constant 0 : index
    %swap3A_117 = vector.load %arg3[%swap3A_114, %swap3A_115, %swap3A_116] : memref<1x1x512xf32, #tpu.memory_space<vmem>>, vector<1x1x512xf32>
    tpu.vector_store %arg3[%swap3A_114, %swap3A_115, %swap3A_116], %reshape3A {strides = array<i32>} : memref<1x1x512xf32, #tpu.memory_space<vmem>>, vector<1x1x512xf32>,
    %reshape3A_118 = vector.shape_cast %select_n3A_102 : vector<1x512xi32> to vector<1x1x512xi32>
    %swap3A_119 = arith.constant 0 : index
    %swap3A_120 = arith.constant 0 : index
    %swap3A_121 = arith.constant 0 : index
    %swap3A_122 = vector.load %arg4[%swap3A_119, %swap3A_120, %swap3A_121] : memref<1x1x512xi32, #tpu.memory_space<vmem>>, vector<1x1x512xi32>
    tpu.vector_store %arg4[%swap3A_119, %swap3A_120, %swap3A_121], %reshape3A_118 {strides = array<i32>} : memref<1x1x512xi32, #tpu.memory_space<vmem>>, vector<1x1x512xi32>,
    %reshape3A_123 = vector.shape_cast %select_n3A_112 : vector<1x512xf32> to vector<1x1x512xf32>
    %swap3A_124 = arith.constant 0 : index
    %swap3A_125 = arith.constant 0 : index
    %swap3A_126 = arith.constant 0 : index
    %swap3A_127 = vector.load %arg5[%swap3A_124, %swap3A_125, %swap3A_126] : memref<1x1x512xf32, #tpu.memory_space<vmem>>, vector<1x1x512xf32>
    tpu.vector_store %arg5[%swap3A_124, %swap3A_125, %swap3A_126], %reshape3A_123 {strides = array<i32>} : memref<1x1x512xf32, #tpu.memory_space<vmem>>, vector<1x1x512xf32>,
    %reshape3A_128 = vector.shape_cast %select_n3A_113 : vector<1x512xi32> to vector<1x1x512xi32>
    %swap3A_129 = arith.constant 0 : index
    %swap3A_130 = arith.constant 0 : index
    %swap3A_131 = arith.constant 0 : index
    %swap3A_132 = vector.load %arg6[%swap3A_129, %swap3A_130, %swap3A_131] : memref<1x1x512xi32, #tpu.memory_space<vmem>>, vector<1x1x512xi32>
    tpu.vector_store %arg6[%swap3A_129, %swap3A_130, %swap3A_131], %reshape3A_128 {strides = array<i32>} : memref<1x1x512xi32, #tpu.memory_space<vmem>>, vector<1x1x512xi32>,
    %eq3A_133 = arith.constant 97 : i32
    %eq3A_134 = arith.cmpi eq, %arg0, %eq3A_133 : i32
    %convert_element_type3A_135 = arith.extui %eq3A_134 : i1 to i32
    %cond3A_136 = arith.constant 0 : i32
    %cond3A_137 = arith.cmpi ne, %convert_element_type3A_135, %cond3A_136 : i32
    scf.if %cond3A_137 {
      %get3A_138 = arith.constant 0 : index
      %get3A_139 = arith.constant 0 : index
      %get3A_140 = vector.load %arg9[%get3A_138, %get3A_139] : memref<16x512xf32, #tpu.memory_space<vmem>>, vector<16x512xf32>
      %get3A_141 = arith.constant 0 : index
      %get3A_142 = arith.constant 0 : index
      %get3A_143 = vector.load %arg10[%get3A_141, %get3A_142] : memref<16x512xf32, #tpu.memory_space<vmem>>, vector<16x512xf32>
      %slice3A_144 = vector.extract_strided_slice %get3A_140 {offsets = [0, 0], sizes = [8, 512], strides = [1, 1]} : vector<16x512xf32> to vector<8x512xf32>
      %slice3A_145 = vector.extract_strided_slice %get3A_140 {offsets = [8, 0], sizes = [8, 512], strides = [1, 1]} : vector<16x512xf32> to vector<8x512xf32>
      %max3A = arith.maximumf %slice3A_144, %slice3A_145 : vector<8x512xf32>
      %slice3A_146 = vector.extract_strided_slice %max3A {offsets = [0, 0], sizes = [4, 512], strides = [1, 1]} : vector<8x512xf32> to vector<4x512xf32>
      %slice3A_147 = vector.extract_strided_slice %max3A {offsets = [4, 0], sizes = [4, 512], strides = [1, 1]} : vector<8x512xf32> to vector<4x512xf32>
      %max3A_148 = arith.maximumf %slice3A_146, %slice3A_147 : vector<4x512xf32>
      %slice3A_149 = vector.extract_strided_slice %max3A_148 {offsets = [0, 0], sizes = [2, 512], strides = [1, 1]} : vector<4x512xf32> to vector<2x512xf32>
      %slice3A_150 = vector.extract_strided_slice %max3A_148 {offsets = [2, 0], sizes = [2, 512], strides = [1, 1]} : vector<4x512xf32> to vector<2x512xf32>
      %max3A_151 = arith.maximumf %slice3A_149, %slice3A_150 : vector<2x512xf32>
      %slice3A_152 = vector.extract_strided_slice %max3A_151 {offsets = [0, 0], sizes = [1, 512], strides = [1, 1]} : vector<2x512xf32> to vector<1x512xf32>
      %slice3A_153 = vector.extract_strided_slice %max3A_151 {offsets = [1, 0], sizes = [1, 512], strides = [1, 1]} : vector<2x512xf32> to vector<1x512xf32>
      %max3A_154 = arith.maximumf %slice3A_152, %slice3A_153 : vector<1x512xf32>
      %broadcast_in_dim3A_155 = vector.shape_cast %max3A_154 : vector<1x512xf32> to vector<1x512xf32>
      %broadcast_in_dim3A_156 = vector.broadcast %broadcast_in_dim3A_155 : vector<1x512xf32> to vector<16x512xf32>
      %sub3A_157 = arith.subf %get3A_140, %broadcast_in_dim3A_156 : vector<16x512xf32>
      %exp3A = math.exp %sub3A_157 : vector<16x512xf32>
      %mul3A_158 = arith.mulf %get3A_143, %exp3A : vector<16x512xf32>
      %slice3A_159 = vector.extract_strided_slice %mul3A_158 {offsets = [0, 0], sizes = [8, 512], strides = [1, 1]} : vector<16x512xf32> to vector<8x512xf32>
      %slice3A_160 = vector.extract_strided_slice %mul3A_158 {offsets = [8, 0], sizes = [8, 512], strides = [1, 1]} : vector<16x512xf32> to vector<8x512xf32>
      %add3A = arith.addf %slice3A_159, %slice3A_160 : vector<8x512xf32>
      %slice3A_161 = vector.extract_strided_slice %add3A {offsets = [0, 0], sizes = [4, 512], strides = [1, 1]} : vector<8x512xf32> to vector<4x512xf32>
      %slice3A_162 = vector.extract_strided_slice %add3A {offsets = [4, 0], sizes = [4, 512], strides = [1, 1]} : vector<8x512xf32> to vector<4x512xf32>
      %add3A_163 = arith.addf %slice3A_161, %slice3A_162 : vector<4x512xf32>
      %slice3A_164 = vector.extract_strided_slice %add3A_163 {offsets = [0, 0], sizes = [2, 512], strides = [1, 1]} : vector<4x512xf32> to vector<2x512xf32>
      %slice3A_165 = vector.extract_strided_slice %add3A_163 {offsets = [2, 0], sizes = [2, 512], strides = [1, 1]} : vector<4x512xf32> to vector<2x512xf32>
      %add3A_166 = arith.addf %slice3A_164, %slice3A_165 : vector<2x512xf32>
      %slice3A_167 = vector.extract_strided_slice %add3A_166 {offsets = [0, 0], sizes = [1, 512], strides = [1, 1]} : vector<2x512xf32> to vector<1x512xf32>
      %slice3A_168 = vector.extract_strided_slice %add3A_166 {offsets = [1, 0], sizes = [1, 512], strides = [1, 1]} : vector<2x512xf32> to vector<1x512xf32>
      %add3A_169 = arith.addf %slice3A_167, %slice3A_168 : vector<1x512xf32>
      %reshape3A_170 = vector.shape_cast %max3A_154 : vector<1x512xf32> to vector<1x1x512xf32>
      %swap3A_171 = arith.constant 0 : index
      %swap3A_172 = arith.constant 0 : index
      %swap3A_173 = arith.constant 0 : index
      %swap3A_174 = vector.load %arg7[%swap3A_171, %swap3A_172, %swap3A_173] : memref<1x1x512xf32, #tpu.memory_space<vmem>>, vector<1x1x512xf32>
      tpu.vector_store %arg7[%swap3A_171, %swap3A_172, %swap3A_173], %reshape3A_170 {strides = array<i32>} : memref<1x1x512xf32, #tpu.memory_space<vmem>>, vector<1x1x512xf32>,
      %log3A = math.log %add3A_169 : vector<1x512xf32>
      %reshape3A_175 = vector.shape_cast %log3A : vector<1x512xf32> to vector<1x1x512xf32>
      %swap3A_176 = arith.constant 0 : index
      %swap3A_177 = arith.constant 0 : index
      %swap3A_178 = arith.constant 0 : index
      %swap3A_179 = vector.load %arg8[%swap3A_176, %swap3A_177, %swap3A_178] : memref<1x1x512xf32, #tpu.memory_space<vmem>>, vector<1x1x512xf32>
      tpu.vector_store %arg8[%swap3A_176, %swap3A_177, %swap3A_178], %reshape3A_175 {strides = array<i32>} : memref<1x1x512xf32, #tpu.memory_space<vmem>>, vector<1x1x512xf32>,
    } else {
    }
    return
  }
  func.func @transform_0(%arg0: i32) -> (i32, i32) {
    %c0_i32 = arith.constant 0 : i32
    %c0_i32_0 = arith.constant 0 : i32
    %c0_i32_1 = arith.constant 0 : i32
    return %c0_i32, %c0_i32_0 : i32, i32
  }
  func.func @transform_1(%arg0: i32) -> (i32, i32) {
    %c0_i32 = arith.constant 0 : i32
    %c0_i32_0 = arith.constant 0 : i32
    return %arg0, %c0_i32 : i32, i32
  }
  func.func @transform_2(%arg0: i32) -> (i32, i32, i32) {
    %c0_i32 = arith.constant 0 : i32
    %c0_i32_0 = arith.constant 0 : i32
    %c0_i32_1 = arith.constant 0 : i32
    return %arg0, %c0_i32, %c0_i32_0 : i32, i32, i32
  }
  func.func @transform_3(%arg0: i32) -> (i32, i32, i32) {
    %c0_i32 = arith.constant 0 : i32
    %c0_i32_0 = arith.constant 0 : i32
    %c0_i32_1 = arith.constant 0 : i32
    return %arg0, %c0_i32, %c0_i32_0 : i32, i32, i32
  }
  func.func @transform_4(%arg0: i32) -> (i32, i32, i32) {
    %c0_i32 = arith.constant 0 : i32
    %c0_i32_0 = arith.constant 0 : i32
    %c0_i32_1 = arith.constant 0 : i32
    return %arg0, %c0_i32, %c0_i32_0 : i32, i32, i32
  }
  func.func @transform_5(%arg0: i32) -> (i32, i32, i32) {
    %c0_i32 = arith.constant 0 : i32
    %c0_i32_0 = arith.constant 0 : i32
    %c0_i32_1 = arith.constant 0 : i32
    return %arg0, %c0_i32, %c0_i32_0 : i32, i32, i32
  }
  func.func @transform_6(%arg0: i32) -> (i32, i32, i32) {
    %c0_i32 = arith.constant 0 : i32
    %c0_i32_0 = arith.constant 0 : i32
    %c0_i32_1 = arith.constant 0 : i32
    %c0_i32_2 = arith.constant 0 : i32
    return %c0_i32, %c0_i32_0, %c0_i32_1 : i32, i32, i32
  }
  func.func @transform_7(%arg0: i32) -> (i32, i32, i32) {
    %c0_i32 = arith.constant 0 : i32
    %c0_i32_0 = arith.constant 0 : i32
    %c0_i32_1 = arith.constant 0 : i32
    %c0_i32_2 = arith.constant 0 : i32
    return %c0_i32, %c0_i32_0, %c0_i32_1 : i32, i32, i32
  }
}

module attributes {stable_mosaic.version = 14 : i64} {
  func.func @_extract_body(%arg0: memref<1x1xi32, #tpu.memory_space<smem>>, %arg1: memref<1x1xf32, #tpu.memory_space<smem>>, %arg2: memref<512x98xf32, #tpu.memory_space<vmem>>, %arg3: memref<512x98xi32, #tpu.memory_space<vmem>>, %arg4: memref<512x98xf32, #tpu.memory_space<vmem>>, %arg5: memref<512x98xi32, #tpu.memory_space<vmem>>, %arg6: memref<512x1xf32, #tpu.memory_space<vmem>>, %arg7: memref<512x1xf32, #tpu.memory_space<vmem>>, %arg8: memref<512x1xf32, #tpu.memory_space<vmem>>, %arg9: memref<100000x512xf32, #tpu.memory_space<any>>, %arg10: memref<512x1xf32, #tpu.memory_space<vmem>>, %arg11: memref<512x1xf32, #tpu.memory_space<vmem>>, %arg12: memref<512x1xi32, #tpu.memory_space<vmem>>, %arg13: memref<512x1xi32, #tpu.memory_space<vmem>>, %arg14: memref<512x1xi32, #tpu.memory_space<vmem>>, %arg15: memref<16x98xf32, #tpu.memory_space<vmem>>, %arg16: memref<16x98xi32, #tpu.memory_space<vmem>>, %arg17: memref<16x98xf32, #tpu.memory_space<vmem>>, %arg18: memref<16x98xi32, #tpu.memory_space<vmem>>, %arg19: memref<1024x512xf32, #tpu.memory_space<vmem>>, %arg20: memref<!tpu.dma_semaphore, #tpu.memory_space<semaphore_mem>>) attributes {dimension_semantics = [], scalar_prefetch = 0 : i64, scratch_operands = 6 : i64, tpu.core_type = #tpu.core_type<tc>} {
    %get3A = arith.constant 0 : index
    %get3A_0 = arith.constant 0 : index
    %get3A_1 = memref.load %arg0[%get3A, %get3A_0] : memref<1x1xi32, #tpu.memory_space<smem>>
    %lt3A = arith.constant 10 : i32
    %lt3A_2 = arith.cmpi slt, %get3A_1, %lt3A : i32
    %get3A_3 = arith.constant 0 : index
    %get3A_4 = arith.constant 0 : index
    %get3A_5 = memref.load %arg1[%get3A_3, %get3A_4] : memref<1x1xf32, #tpu.memory_space<smem>>
    %iota3A = tpu.iota {dimensions = array<i32: 1>} : vector<8x98xi32>
    %iota3A_6 = tpu.iota {dimensions = array<i32: 0>} : vector<8x98xi32>
    %iota3A_7 = tpu.iota {dimensions = array<i32: 1>} : vector<16x98xi32>
    %iota3A_8 = tpu.iota {dimensions = array<i32: 0>} : vector<16x98xi32>
    %iota3A_9 = tpu.iota {dimensions = array<i32: 0>} : vector<8x1xi32>
    %scan3A = arith.constant 0 : i32
    %scan3A_10 = arith.constant 32 : i32
    %scan3A_11 = arith.addi %scan3A, %scan3A_10 : i32
    %scan3A_12 = arith.constant 1 : i32
    scf.for %scan3A_14 = %scan3A to %scan3A_11 step %scan3A_12  : i32 {
      %mul3A = arith.constant 2 : i32
      %mul3A_15 = arith.muli %mul3A, %scan3A_14 : i32
      %mul3A_16 = arith.constant 2 : i32
      %mul3A_17 = arith.muli %mul3A_16, %scan3A_14 : i32
      %add3A = arith.constant 1 : i32
      %add3A_18 = arith.addi %mul3A_17, %add3A : i32
      %mul3A_19 = arith.constant 8 : i32
      %mul3A_20 = arith.muli %mul3A_15, %mul3A_19 : i32
      %multiple_of3A = tpu.assume_multiple %mul3A_20, 8 : i32
      %mul3A_21 = arith.constant 8 : i32
      %mul3A_22 = arith.muli %add3A_18, %mul3A_21 : i32
      %multiple_of3A_23 = tpu.assume_multiple %mul3A_22, 8 : i32
      %get3A_24 = arith.index_cast %multiple_of3A : i32 to index
      %get3A_25 = arith.constant 0 : index
      %get3A_26 = vector.load %arg6[%get3A_24, %get3A_25] : memref<512x1xf32, #tpu.memory_space<vmem>>, vector<8x1xf32>
      %get3A_27 = arith.index_cast %multiple_of3A : i32 to index
      %get3A_28 = arith.constant 0 : index
      %get3A_29 = vector.load %arg7[%get3A_27, %get3A_28] : memref<512x1xf32, #tpu.memory_space<vmem>>, vector<8x1xf32>
      %get3A_30 = arith.index_cast %multiple_of3A : i32 to index
      %get3A_31 = arith.constant 0 : index
      %get3A_32 = vector.load %arg8[%get3A_30, %get3A_31] : memref<512x1xf32, #tpu.memory_space<vmem>>, vector<8x1xf32>
      %get3A_33 = arith.index_cast %multiple_of3A : i32 to index
      %get3A_34 = arith.constant 0 : index
      %get3A_35 = vector.load %arg2[%get3A_33, %get3A_34] : memref<512x98xf32, #tpu.memory_space<vmem>>, vector<8x98xf32>
      %sub3A = vector.broadcast %get3A_26 : vector<8x1xf32> to vector<8x98xf32>
      %sub3A_36 = arith.subf %get3A_35, %sub3A : vector<8x98xf32>
      %sub3A_37 = vector.broadcast %get3A_29 : vector<8x1xf32> to vector<8x98xf32>
      %sub3A_38 = arith.subf %sub3A_36, %sub3A_37 : vector<8x98xf32>
      %add3A_39 = vector.broadcast %get3A_32 : vector<8x1xf32> to vector<8x98xf32>
      %add3A_40 = arith.addf %sub3A_38, %add3A_39 : vector<8x98xf32>
      %get3A_41 = arith.index_cast %multiple_of3A : i32 to index
      %get3A_42 = arith.constant 0 : index
      %get3A_43 = vector.load %arg4[%get3A_41, %get3A_42] : memref<512x98xf32, #tpu.memory_space<vmem>>, vector<8x98xf32>
      %sub3A_44 = vector.broadcast %get3A_26 : vector<8x1xf32> to vector<8x98xf32>
      %sub3A_45 = arith.subf %get3A_43, %sub3A_44 : vector<8x98xf32>
      %sub3A_46 = vector.broadcast %get3A_29 : vector<8x1xf32> to vector<8x98xf32>
      %sub3A_47 = arith.subf %sub3A_45, %sub3A_46 : vector<8x98xf32>
      %add3A_48 = vector.broadcast %get3A_32 : vector<8x1xf32> to vector<8x98xf32>
      %add3A_49 = arith.addf %sub3A_47, %add3A_48 : vector<8x98xf32>
      %mul3A_50 = arith.constant 100000 : i32
      %mul3A_51 = vector.broadcast %mul3A_50 : i32 to vector<8x98xi32>
      %mul3A_52 = arith.muli %iota3A_6, %mul3A_51 : vector<8x98xi32>
      %mul3A_53 = arith.constant 1024 : i32
      %mul3A_54 = vector.broadcast %mul3A_53 : i32 to vector<8x98xi32>
      %mul3A_55 = arith.muli %iota3A, %mul3A_54 : vector<8x98xi32>
      %add3A_56 = arith.addi %mul3A_52, %mul3A_55 : vector<8x98xi32>
      %get3A_57 = arith.index_cast %multiple_of3A : i32 to index
      %get3A_58 = arith.constant 0 : index
      %get3A_59 = vector.load %arg3[%get3A_57, %get3A_58] : memref<512x98xi32, #tpu.memory_space<vmem>>, vector<8x98xi32>
      %add3A_60 = arith.addi %add3A_56, %get3A_59 : vector<8x98xi32>
      %mul3A_61 = arith.constant 100000 : i32
      %mul3A_62 = vector.broadcast %mul3A_61 : i32 to vector<8x98xi32>
      %mul3A_63 = arith.muli %iota3A_6, %mul3A_62 : vector<8x98xi32>
      %mul3A_64 = arith.constant 1024 : i32
      %mul3A_65 = vector.broadcast %mul3A_64 : i32 to vector<8x98xi32>
      %mul3A_66 = arith.muli %iota3A, %mul3A_65 : vector<8x98xi32>
      %add3A_67 = arith.addi %mul3A_63, %mul3A_66 : vector<8x98xi32>
      %get3A_68 = arith.index_cast %multiple_of3A : i32 to index
      %get3A_69 = arith.constant 0 : index
      %get3A_70 = vector.load %arg5[%get3A_68, %get3A_69] : memref<512x98xi32, #tpu.memory_space<vmem>>, vector<8x98xi32>
      %add3A_71 = arith.addi %add3A_67, %get3A_70 : vector<8x98xi32>
      %concatenate3A = tpu.concatenate %add3A_40, %add3A_49 in 0 : vector<8x98xf32>, vector<8x98xf32> -> vector<16x98xf32>
      %swap3A = arith.constant 0 : index
      %swap3A_72 = arith.constant 0 : index
      %swap3A_73 = vector.load %arg15[%swap3A, %swap3A_72] : memref<16x98xf32, #tpu.memory_space<vmem>>, vector<16x98xf32>
      tpu.vector_store %arg15[%swap3A, %swap3A_72], %concatenate3A {strides = array<i32>} : memref<16x98xf32, #tpu.memory_space<vmem>>, vector<16x98xf32>,
      %concatenate3A_74 = tpu.concatenate %add3A_60, %add3A_71 in 0 : vector<8x98xi32>, vector<8x98xi32> -> vector<16x98xi32>
      %swap3A_75 = arith.constant 0 : index
      %swap3A_76 = arith.constant 0 : index
      %swap3A_77 = vector.load %arg16[%swap3A_75, %swap3A_76] : memref<16x98xi32, #tpu.memory_space<vmem>>, vector<16x98xi32>
      tpu.vector_store %arg16[%swap3A_75, %swap3A_76], %concatenate3A_74 {strides = array<i32>} : memref<16x98xi32, #tpu.memory_space<vmem>>, vector<16x98xi32>,
      %get3A_78 = arith.index_cast %multiple_of3A_23 : i32 to index
      %get3A_79 = arith.constant 0 : index
      %get3A_80 = vector.load %arg6[%get3A_78, %get3A_79] : memref<512x1xf32, #tpu.memory_space<vmem>>, vector<8x1xf32>
      %get3A_81 = arith.index_cast %multiple_of3A_23 : i32 to index
      %get3A_82 = arith.constant 0 : index
      %get3A_83 = vector.load %arg7[%get3A_81, %get3A_82] : memref<512x1xf32, #tpu.memory_space<vmem>>, vector<8x1xf32>
      %get3A_84 = arith.index_cast %multiple_of3A_23 : i32 to index
      %get3A_85 = arith.constant 0 : index
      %get3A_86 = vector.load %arg8[%get3A_84, %get3A_85] : memref<512x1xf32, #tpu.memory_space<vmem>>, vector<8x1xf32>
      %get3A_87 = arith.index_cast %multiple_of3A_23 : i32 to index
      %get3A_88 = arith.constant 0 : index
      %get3A_89 = vector.load %arg2[%get3A_87, %get3A_88] : memref<512x98xf32, #tpu.memory_space<vmem>>, vector<8x98xf32>
      %sub3A_90 = vector.broadcast %get3A_80 : vector<8x1xf32> to vector<8x98xf32>
      %sub3A_91 = arith.subf %get3A_89, %sub3A_90 : vector<8x98xf32>
      %sub3A_92 = vector.broadcast %get3A_83 : vector<8x1xf32> to vector<8x98xf32>
      %sub3A_93 = arith.subf %sub3A_91, %sub3A_92 : vector<8x98xf32>
      %add3A_94 = vector.broadcast %get3A_86 : vector<8x1xf32> to vector<8x98xf32>
      %add3A_95 = arith.addf %sub3A_93, %add3A_94 : vector<8x98xf32>
      %get3A_96 = arith.index_cast %multiple_of3A_23 : i32 to index
      %get3A_97 = arith.constant 0 : index
      %get3A_98 = vector.load %arg4[%get3A_96, %get3A_97] : memref<512x98xf32, #tpu.memory_space<vmem>>, vector<8x98xf32>
      %sub3A_99 = vector.broadcast %get3A_80 : vector<8x1xf32> to vector<8x98xf32>
      %sub3A_100 = arith.subf %get3A_98, %sub3A_99 : vector<8x98xf32>
      %sub3A_101 = vector.broadcast %get3A_83 : vector<8x1xf32> to vector<8x98xf32>
      %sub3A_102 = arith.subf %sub3A_100, %sub3A_101 : vector<8x98xf32>
      %add3A_103 = vector.broadcast %get3A_86 : vector<8x1xf32> to vector<8x98xf32>
      %add3A_104 = arith.addf %sub3A_102, %add3A_103 : vector<8x98xf32>
      %mul3A_105 = arith.constant 100000 : i32
      %mul3A_106 = vector.broadcast %mul3A_105 : i32 to vector<8x98xi32>
      %mul3A_107 = arith.muli %iota3A_6, %mul3A_106 : vector<8x98xi32>
      %mul3A_108 = arith.constant 1024 : i32
      %mul3A_109 = vector.broadcast %mul3A_108 : i32 to vector<8x98xi32>
      %mul3A_110 = arith.muli %iota3A, %mul3A_109 : vector<8x98xi32>
      %add3A_111 = arith.addi %mul3A_107, %mul3A_110 : vector<8x98xi32>
      %get3A_112 = arith.index_cast %multiple_of3A_23 : i32 to index
      %get3A_113 = arith.constant 0 : index
      %get3A_114 = vector.load %arg3[%get3A_112, %get3A_113] : memref<512x98xi32, #tpu.memory_space<vmem>>, vector<8x98xi32>
      %add3A_115 = arith.addi %add3A_111, %get3A_114 : vector<8x98xi32>
      %mul3A_116 = arith.constant 100000 : i32
      %mul3A_117 = vector.broadcast %mul3A_116 : i32 to vector<8x98xi32>
      %mul3A_118 = arith.muli %iota3A_6, %mul3A_117 : vector<8x98xi32>
      %mul3A_119 = arith.constant 1024 : i32
      %mul3A_120 = vector.broadcast %mul3A_119 : i32 to vector<8x98xi32>
      %mul3A_121 = arith.muli %iota3A, %mul3A_120 : vector<8x98xi32>
      %add3A_122 = arith.addi %mul3A_118, %mul3A_121 : vector<8x98xi32>
      %get3A_123 = arith.index_cast %multiple_of3A_23 : i32 to index
      %get3A_124 = arith.constant 0 : index
      %get3A_125 = vector.load %arg5[%get3A_123, %get3A_124] : memref<512x98xi32, #tpu.memory_space<vmem>>, vector<8x98xi32>
      %add3A_126 = arith.addi %add3A_122, %get3A_125 : vector<8x98xi32>
      %concatenate3A_127 = tpu.concatenate %add3A_95, %add3A_104 in 0 : vector<8x98xf32>, vector<8x98xf32> -> vector<16x98xf32>
      %swap3A_128 = arith.constant 0 : index
      %swap3A_129 = arith.constant 0 : index
      %swap3A_130 = vector.load %arg17[%swap3A_128, %swap3A_129] : memref<16x98xf32, #tpu.memory_space<vmem>>, vector<16x98xf32>
      tpu.vector_store %arg17[%swap3A_128, %swap3A_129], %concatenate3A_127 {strides = array<i32>} : memref<16x98xf32, #tpu.memory_space<vmem>>, vector<16x98xf32>,
      %concatenate3A_131 = tpu.concatenate %add3A_115, %add3A_126 in 0 : vector<8x98xi32>, vector<8x98xi32> -> vector<16x98xi32>
      %swap3A_132 = arith.constant 0 : index
      %swap3A_133 = arith.constant 0 : index
      %swap3A_134 = vector.load %arg18[%swap3A_132, %swap3A_133] : memref<16x98xi32, #tpu.memory_space<vmem>>, vector<16x98xi32>
      tpu.vector_store %arg18[%swap3A_132, %swap3A_133], %concatenate3A_131 {strides = array<i32>} : memref<16x98xi32, #tpu.memory_space<vmem>>, vector<16x98xi32>,
      %broadcast_in_dim3A = arith.constant 0.000000e+00 : f32
      %broadcast_in_dim3A_135 = vector.broadcast %broadcast_in_dim3A : f32 to vector<8x1xf32>
      %broadcast_in_dim3A_136 = arith.constant 0 : i32
      %broadcast_in_dim3A_137 = vector.broadcast %broadcast_in_dim3A_136 : i32 to vector<8x1xi32>
      %broadcast_in_dim3A_138 = arith.constant 0.000000e+00 : f32
      %broadcast_in_dim3A_139 = vector.broadcast %broadcast_in_dim3A_138 : f32 to vector<8x1xf32>
      %broadcast_in_dim3A_140 = arith.constant 0 : i32
      %broadcast_in_dim3A_141 = vector.broadcast %broadcast_in_dim3A_140 : i32 to vector<8x1xi32>
      %get3A_142 = arith.constant 0 : index
      %get3A_143 = arith.constant 0 : index
      %get3A_144 = vector.load %arg15[%get3A_142, %get3A_143] : memref<16x98xf32, #tpu.memory_space<vmem>>, vector<16x98xf32>
      %get3A_145 = arith.constant 0 : index
      %get3A_146 = arith.constant 0 : index
      %get3A_147 = vector.load %arg16[%get3A_145, %get3A_146] : memref<16x98xi32, #tpu.memory_space<vmem>>, vector<16x98xi32>
      %reduce_max3A = vector.shape_cast %get3A_144 : vector<16x98xf32> to vector<1x16x98xf32>
      %reduce_max3A_148 = arith.constant dense<0xFF800000> : vector<1xf32>
      %reduce_max3A_149 = vector.multi_reduction <maximumf>, %reduce_max3A, %reduce_max3A_148 [1, 2] : vector<1x16x98xf32> to vector<1xf32>
      %reduce_max3A_150 = vector.shape_cast %reduce_max3A_149 : vector<1xf32> to vector<1x1x1xf32>
      %reduce_max3A_151 = vector.extract %reduce_max3A_150[0, 0, 0] : f32 from vector<1x1x1xf32>
      %eq3A = vector.broadcast %reduce_max3A_151 : f32 to vector<16x98xf32>
      %eq3A_152 = arith.cmpf oeq, %get3A_144, %eq3A : vector<16x98xf32>
      %jit3A = arith.constant 1073741824 : i32
      %broadcast_in_dim3A_153 = vector.broadcast %jit3A : i32 to vector<16x98xi32>
      %select_n3A = arith.select %eq3A_152, %get3A_147, %broadcast_in_dim3A_153 : vector<16x98xi1>, vector<16x98xi32>
      %reduce_min3A = vector.shape_cast %select_n3A : vector<16x98xi32> to vector<1x16x98xi32>
      %reduce_min3A_154 = arith.constant dense<2147483647> : vector<1xi32>
      %reduce_min3A_155 = vector.multi_reduction <minsi>, %reduce_min3A, %reduce_min3A_154 [1, 2] : vector<1x16x98xi32> to vector<1xi32>
      %reduce_min3A_156 = vector.shape_cast %reduce_min3A_155 : vector<1xi32> to vector<1x1x1xi32>
      %reduce_min3A_157 = vector.extract %reduce_min3A_156[0, 0, 0] : i32 from vector<1x1x1xi32>
      %eq3A_158 = vector.broadcast %reduce_min3A_157 : i32 to vector<16x98xi32>
      %eq3A_159 = arith.cmpi eq, %get3A_147, %eq3A_158 : vector<16x98xi32>
      %jit3A_160 = arith.constant -1.000000e+30 : f32
      %broadcast_in_dim3A_161 = vector.broadcast %jit3A_160 : f32 to vector<16x98xf32>
      %select_n3A_162 = arith.select %eq3A_159, %broadcast_in_dim3A_161, %get3A_144 : vector<16x98xi1>, vector<16x98xf32>
      %swap3A_163 = arith.constant 0 : index
      %swap3A_164 = arith.constant 0 : index
      %swap3A_165 = vector.load %arg15[%swap3A_163, %swap3A_164] : memref<16x98xf32, #tpu.memory_space<vmem>>, vector<16x98xf32>
      tpu.vector_store %arg15[%swap3A_163, %swap3A_164], %select_n3A_162 {strides = array<i32>} : memref<16x98xf32, #tpu.memory_space<vmem>>, vector<16x98xf32>,
      %jit3A_166 = arith.constant 100000 : i32
      %div3A = arith.divsi %reduce_min3A_157, %jit3A_166 : i32
      %sign3A = arith.constant 0 : i32
      %sign3A_167 = arith.cmpi sgt, %reduce_min3A_157, %sign3A : i32
      %sign3A_168 = arith.extui %sign3A_167 : i1 to i32
      %sign3A_169 = arith.constant 0 : i32
      %sign3A_170 = arith.cmpi slt, %reduce_min3A_157, %sign3A_169 : i32
      %sign3A_171 = arith.extui %sign3A_170 : i1 to i32
      %sign3A_172 = arith.subi %sign3A_168, %sign3A_171 : i32
      %sign3A_173 = arith.constant 0 : i32
      %sign3A_174 = arith.cmpi sgt, %jit3A_166, %sign3A_173 : i32
      %sign3A_175 = arith.extui %sign3A_174 : i1 to i32
      %sign3A_176 = arith.constant 0 : i32
      %sign3A_177 = arith.cmpi slt, %jit3A_166, %sign3A_176 : i32
      %sign3A_178 = arith.extui %sign3A_177 : i1 to i32
      %sign3A_179 = arith.subi %sign3A_175, %sign3A_178 : i32
      %ne3A = arith.cmpi ne, %sign3A_172, %sign3A_179 : i32
      %rem3A = arith.remsi %reduce_min3A_157, %jit3A_166 : i32
      %ne3A_180 = arith.constant 0 : i32
      %ne3A_181 = arith.cmpi ne, %rem3A, %ne3A_180 : i32
      %and3A = arith.andi %ne3A, %ne3A_181 : i1
      %sub3A_182 = arith.constant 1 : i32
      %sub3A_183 = arith.subi %div3A, %sub3A_182 : i32
      %select_n3A_184 = arith.select %and3A, %sub3A_183, %div3A : i32
      %mul3A_185 = arith.constant 100000 : i32
      %mul3A_186 = arith.muli %select_n3A_184, %mul3A_185 : i32
      %sub3A_187 = arith.subi %reduce_min3A_157, %mul3A_186 : i32
      %jit3A_188 = arith.constant 1024 : i32
      %div3A_189 = arith.divsi %sub3A_187, %jit3A_188 : i32
      %sign3A_190 = arith.constant 0 : i32
      %sign3A_191 = arith.cmpi sgt, %sub3A_187, %sign3A_190 : i32
      %sign3A_192 = arith.extui %sign3A_191 : i1 to i32
      %sign3A_193 = arith.constant 0 : i32
      %sign3A_194 = arith.cmpi slt, %sub3A_187, %sign3A_193 : i32
      %sign3A_195 = arith.extui %sign3A_194 : i1 to i32
      %sign3A_196 = arith.subi %sign3A_192, %sign3A_195 : i32
      %sign3A_197 = arith.constant 0 : i32
      %sign3A_198 = arith.cmpi sgt, %jit3A_188, %sign3A_197 : i32
      %sign3A_199 = arith.extui %sign3A_198 : i1 to i32
      %sign3A_200 = arith.constant 0 : i32
      %sign3A_201 = arith.cmpi slt, %jit3A_188, %sign3A_200 : i32
      %sign3A_202 = arith.extui %sign3A_201 : i1 to i32
      %sign3A_203 = arith.subi %sign3A_199, %sign3A_202 : i32
      %ne3A_204 = arith.cmpi ne, %sign3A_196, %sign3A_203 : i32
      %rem3A_205 = arith.remsi %sub3A_187, %jit3A_188 : i32
      %ne3A_206 = arith.constant 0 : i32
      %ne3A_207 = arith.cmpi ne, %rem3A_205, %ne3A_206 : i32
      %and3A_208 = arith.andi %ne3A_204, %ne3A_207 : i1
      %sub3A_209 = arith.constant 1 : i32
      %sub3A_210 = arith.subi %div3A_189, %sub3A_209 : i32
      %select_n3A_211 = arith.select %and3A_208, %sub3A_210, %div3A_189 : i32
      %mul3A_212 = arith.constant 98 : i32
      %mul3A_213 = arith.muli %select_n3A_184, %mul3A_212 : i32
      %add3A_214 = arith.addi %mul3A_213, %select_n3A_211 : i32
      %get3A_215 = arith.constant 0 : index
      %get3A_216 = arith.constant 0 : index
      %get3A_217 = vector.load %arg17[%get3A_215, %get3A_216] : memref<16x98xf32, #tpu.memory_space<vmem>>, vector<16x98xf32>
      %get3A_218 = arith.constant 0 : index
      %get3A_219 = arith.constant 0 : index
      %get3A_220 = vector.load %arg18[%get3A_218, %get3A_219] : memref<16x98xi32, #tpu.memory_space<vmem>>, vector<16x98xi32>
      %reduce_max3A_221 = vector.shape_cast %get3A_217 : vector<16x98xf32> to vector<1x16x98xf32>
      %reduce_max3A_222 = arith.constant dense<0xFF800000> : vector<1xf32>
      %reduce_max3A_223 = vector.multi_reduction <maximumf>, %reduce_max3A_221, %reduce_max3A_222 [1, 2] : vector<1x16x98xf32> to vector<1xf32>
      %reduce_max3A_224 = vector.shape_cast %reduce_max3A_223 : vector<1xf32> to vector<1x1x1xf32>
      %reduce_max3A_225 = vector.extract %reduce_max3A_224[0, 0, 0] : f32 from vector<1x1x1xf32>
      %eq3A_226 = vector.broadcast %reduce_max3A_225 : f32 to vector<16x98xf32>
      %eq3A_227 = arith.cmpf oeq, %get3A_217, %eq3A_226 : vector<16x98xf32>
      %jit3A_228 = arith.constant 1073741824 : i32
      %broadcast_in_dim3A_229 = vector.broadcast %jit3A_228 : i32 to vector<16x98xi32>
      %select_n3A_230 = arith.select %eq3A_227, %get3A_220, %broadcast_in_dim3A_229 : vector<16x98xi1>, vector<16x98xi32>
      %reduce_min3A_231 = vector.shape_cast %select_n3A_230 : vector<16x98xi32> to vector<1x16x98xi32>
      %reduce_min3A_232 = arith.constant dense<2147483647> : vector<1xi32>
      %reduce_min3A_233 = vector.multi_reduction <minsi>, %reduce_min3A_231, %reduce_min3A_232 [1, 2] : vector<1x16x98xi32> to vector<1xi32>
      %reduce_min3A_234 = vector.shape_cast %reduce_min3A_233 : vector<1xi32> to vector<1x1x1xi32>
      %reduce_min3A_235 = vector.extract %reduce_min3A_234[0, 0, 0] : i32 from vector<1x1x1xi32>
      %eq3A_236 = vector.broadcast %reduce_min3A_235 : i32 to vector<16x98xi32>
      %eq3A_237 = arith.cmpi eq, %get3A_220, %eq3A_236 : vector<16x98xi32>
      %jit3A_238 = arith.constant -1.000000e+30 : f32
      %broadcast_in_dim3A_239 = vector.broadcast %jit3A_238 : f32 to vector<16x98xf32>
      %select_n3A_240 = arith.select %eq3A_237, %broadcast_in_dim3A_239, %get3A_217 : vector<16x98xi1>, vector<16x98xf32>
      %swap3A_241 = arith.constant 0 : index
      %swap3A_242 = arith.constant 0 : index
      %swap3A_243 = vector.load %arg17[%swap3A_241, %swap3A_242] : memref<16x98xf32, #tpu.memory_space<vmem>>, vector<16x98xf32>
      tpu.vector_store %arg17[%swap3A_241, %swap3A_242], %select_n3A_240 {strides = array<i32>} : memref<16x98xf32, #tpu.memory_space<vmem>>, vector<16x98xf32>,
      %jit3A_244 = arith.constant 100000 : i32
      %div3A_245 = arith.divsi %reduce_min3A_235, %jit3A_244 : i32
      %sign3A_246 = arith.constant 0 : i32
      %sign3A_247 = arith.cmpi sgt, %reduce_min3A_235, %sign3A_246 : i32
      %sign3A_248 = arith.extui %sign3A_247 : i1 to i32
      %sign3A_249 = arith.constant 0 : i32
      %sign3A_250 = arith.cmpi slt, %reduce_min3A_235, %sign3A_249 : i32
      %sign3A_251 = arith.extui %sign3A_250 : i1 to i32
      %sign3A_252 = arith.subi %sign3A_248, %sign3A_251 : i32
      %sign3A_253 = arith.constant 0 : i32
      %sign3A_254 = arith.cmpi sgt, %jit3A_244, %sign3A_253 : i32
      %sign3A_255 = arith.extui %sign3A_254 : i1 to i32
      %sign3A_256 = arith.constant 0 : i32
      %sign3A_257 = arith.cmpi slt, %jit3A_244, %sign3A_256 : i32
      %sign3A_258 = arith.extui %sign3A_257 : i1 to i32
      %sign3A_259 = arith.subi %sign3A_255, %sign3A_258 : i32
      %ne3A_260 = arith.cmpi ne, %sign3A_252, %sign3A_259 : i32
      %rem3A_261 = arith.remsi %reduce_min3A_235, %jit3A_244 : i32
      %ne3A_262 = arith.constant 0 : i32
      %ne3A_263 = arith.cmpi ne, %rem3A_261, %ne3A_262 : i32
      %and3A_264 = arith.andi %ne3A_260, %ne3A_263 : i1
      %sub3A_265 = arith.constant 1 : i32
      %sub3A_266 = arith.subi %div3A_245, %sub3A_265 : i32
      %select_n3A_267 = arith.select %and3A_264, %sub3A_266, %div3A_245 : i32
      %mul3A_268 = arith.constant 100000 : i32
      %mul3A_269 = arith.muli %select_n3A_267, %mul3A_268 : i32
      %sub3A_270 = arith.subi %reduce_min3A_235, %mul3A_269 : i32
      %jit3A_271 = arith.constant 1024 : i32
      %div3A_272 = arith.divsi %sub3A_270, %jit3A_271 : i32
      %sign3A_273 = arith.constant 0 : i32
      %sign3A_274 = arith.cmpi sgt, %sub3A_270, %sign3A_273 : i32
      %sign3A_275 = arith.extui %sign3A_274 : i1 to i32
      %sign3A_276 = arith.constant 0 : i32
      %sign3A_277 = arith.cmpi slt, %sub3A_270, %sign3A_276 : i32
      %sign3A_278 = arith.extui %sign3A_277 : i1 to i32
      %sign3A_279 = arith.subi %sign3A_275, %sign3A_278 : i32
      %sign3A_280 = arith.constant 0 : i32
      %sign3A_281 = arith.cmpi sgt, %jit3A_271, %sign3A_280 : i32
      %sign3A_282 = arith.extui %sign3A_281 : i1 to i32
      %sign3A_283 = arith.constant 0 : i32
      %sign3A_284 = arith.cmpi slt, %jit3A_271, %sign3A_283 : i32
      %sign3A_285 = arith.extui %sign3A_284 : i1 to i32
      %sign3A_286 = arith.subi %sign3A_282, %sign3A_285 : i32
      %ne3A_287 = arith.cmpi ne, %sign3A_279, %sign3A_286 : i32
      %rem3A_288 = arith.remsi %sub3A_270, %jit3A_271 : i32
      %ne3A_289 = arith.constant 0 : i32
      %ne3A_290 = arith.cmpi ne, %rem3A_288, %ne3A_289 : i32
      %and3A_291 = arith.andi %ne3A_287, %ne3A_290 : i1
      %sub3A_292 = arith.constant 1 : i32
      %sub3A_293 = arith.subi %div3A_272, %sub3A_292 : i32
      %select_n3A_294 = arith.select %and3A_291, %sub3A_293, %div3A_272 : i32
      %mul3A_295 = arith.constant 98 : i32
      %mul3A_296 = arith.muli %select_n3A_267, %mul3A_295 : i32
      %add3A_297 = arith.addi %mul3A_296, %select_n3A_294 : i32
      %eq3A_298 = arith.constant 0 : i32
      %eq3A_299 = vector.broadcast %eq3A_298 : i32 to vector<8x1xi32>
      %eq3A_300 = arith.cmpi eq, %iota3A_9, %eq3A_299 : vector<8x1xi32>
      %jit3A_301 = arith.constant 0.000000e+00 : f32
      %broadcast_in_dim3A_302 = vector.broadcast %reduce_max3A_151 : f32 to vector<8x1xf32>
      %broadcast_in_dim3A_303 = vector.broadcast %jit3A_301 : f32 to vector<8x1xf32>
      %select_n3A_304 = arith.select %eq3A_300, %broadcast_in_dim3A_302, %broadcast_in_dim3A_303 : vector<8x1xi1>, vector<8x1xf32>
      %add3A_305 = arith.addf %broadcast_in_dim3A_135, %select_n3A_304 : vector<8x1xf32>
      %eq3A_306 = arith.constant 0 : i32
      %eq3A_307 = vector.broadcast %eq3A_306 : i32 to vector<8x1xi32>
      %eq3A_308 = arith.cmpi eq, %iota3A_9, %eq3A_307 : vector<8x1xi32>
      %jit3A_309 = arith.constant 0 : i32
      %broadcast_in_dim3A_310 = vector.broadcast %reduce_min3A_157 : i32 to vector<8x1xi32>
      %broadcast_in_dim3A_311 = vector.broadcast %jit3A_309 : i32 to vector<8x1xi32>
      %select_n3A_312 = arith.select %eq3A_308, %broadcast_in_dim3A_310, %broadcast_in_dim3A_311 : vector<8x1xi1>, vector<8x1xi32>
      %add3A_313 = arith.addi %broadcast_in_dim3A_137, %select_n3A_312 : vector<8x1xi32>
      %eq3A_314 = arith.constant 0 : i32
      %eq3A_315 = vector.broadcast %eq3A_314 : i32 to vector<8x1xi32>
      %eq3A_316 = arith.cmpi eq, %iota3A_9, %eq3A_315 : vector<8x1xi32>
      %jit3A_317 = arith.constant 0.000000e+00 : f32
      %broadcast_in_dim3A_318 = vector.broadcast %reduce_max3A_225 : f32 to vector<8x1xf32>
      %broadcast_in_dim3A_319 = vector.broadcast %jit3A_317 : f32 to vector<8x1xf32>
      %select_n3A_320 = arith.select %eq3A_316, %broadcast_in_dim3A_318, %broadcast_in_dim3A_319 : vector<8x1xi1>, vector<8x1xf32>
      %add3A_321 = arith.addf %broadcast_in_dim3A_139, %select_n3A_320 : vector<8x1xf32>
      %eq3A_322 = arith.constant 0 : i32
      %eq3A_323 = vector.broadcast %eq3A_322 : i32 to vector<8x1xi32>
      %eq3A_324 = arith.cmpi eq, %iota3A_9, %eq3A_323 : vector<8x1xi32>
      %jit3A_325 = arith.constant 0 : i32
      %broadcast_in_dim3A_326 = vector.broadcast %reduce_min3A_235 : i32 to vector<8x1xi32>
      %broadcast_in_dim3A_327 = vector.broadcast %jit3A_325 : i32 to vector<8x1xi32>
      %select_n3A_328 = arith.select %eq3A_324, %broadcast_in_dim3A_326, %broadcast_in_dim3A_327 : vector<8x1xi1>, vector<8x1xi32>
      %add3A_329 = arith.addi %broadcast_in_dim3A_141, %select_n3A_328 : vector<8x1xi32>
      %get3A_330 = arith.constant 0 : index
      %get3A_331 = arith.constant 0 : index
      %get3A_332 = vector.load %arg15[%get3A_330, %get3A_331] : memref<16x98xf32, #tpu.memory_space<vmem>>, vector<16x98xf32>
      %get3A_333 = arith.constant 0 : index
      %get3A_334 = arith.constant 0 : index
      %get3A_335 = vector.load %arg16[%get3A_333, %get3A_334] : memref<16x98xi32, #tpu.memory_space<vmem>>, vector<16x98xi32>
      %reduce_max3A_336 = vector.shape_cast %get3A_332 : vector<16x98xf32> to vector<1x16x98xf32>
      %reduce_max3A_337 = arith.constant dense<0xFF800000> : vector<1xf32>
      %reduce_max3A_338 = vector.multi_reduction <maximumf>, %reduce_max3A_336, %reduce_max3A_337 [1, 2] : vector<1x16x98xf32> to vector<1xf32>
      %reduce_max3A_339 = vector.shape_cast %reduce_max3A_338 : vector<1xf32> to vector<1x1x1xf32>
      %reduce_max3A_340 = vector.extract %reduce_max3A_339[0, 0, 0] : f32 from vector<1x1x1xf32>
      %eq3A_341 = vector.broadcast %reduce_max3A_340 : f32 to vector<16x98xf32>
      %eq3A_342 = arith.cmpf oeq, %get3A_332, %eq3A_341 : vector<16x98xf32>
      %jit3A_343 = arith.constant 1073741824 : i32
      %broadcast_in_dim3A_344 = vector.broadcast %jit3A_343 : i32 to vector<16x98xi32>
      %select_n3A_345 = arith.select %eq3A_342, %get3A_335, %broadcast_in_dim3A_344 : vector<16x98xi1>, vector<16x98xi32>
      %reduce_min3A_346 = vector.shape_cast %select_n3A_345 : vector<16x98xi32> to vector<1x16x98xi32>
      %reduce_min3A_347 = arith.constant dense<2147483647> : vector<1xi32>
      %reduce_min3A_348 = vector.multi_reduction <minsi>, %reduce_min3A_346, %reduce_min3A_347 [1, 2] : vector<1x16x98xi32> to vector<1xi32>
      %reduce_min3A_349 = vector.shape_cast %reduce_min3A_348 : vector<1xi32> to vector<1x1x1xi32>
      %reduce_min3A_350 = vector.extract %reduce_min3A_349[0, 0, 0] : i32 from vector<1x1x1xi32>
      %eq3A_351 = vector.broadcast %reduce_min3A_350 : i32 to vector<16x98xi32>
      %eq3A_352 = arith.cmpi eq, %get3A_335, %eq3A_351 : vector<16x98xi32>
      %jit3A_353 = arith.constant -1.000000e+30 : f32
      %broadcast_in_dim3A_354 = vector.broadcast %jit3A_353 : f32 to vector<16x98xf32>
      %select_n3A_355 = arith.select %eq3A_352, %broadcast_in_dim3A_354, %get3A_332 : vector<16x98xi1>, vector<16x98xf32>
      %swap3A_356 = arith.constant 0 : index
      %swap3A_357 = arith.constant 0 : index
      %swap3A_358 = vector.load %arg15[%swap3A_356, %swap3A_357] : memref<16x98xf32, #tpu.memory_space<vmem>>, vector<16x98xf32>
      tpu.vector_store %arg15[%swap3A_356, %swap3A_357], %select_n3A_355 {strides = array<i32>} : memref<16x98xf32, #tpu.memory_space<vmem>>, vector<16x98xf32>,
      %jit3A_359 = arith.constant 100000 : i32
      %div3A_360 = arith.divsi %reduce_min3A_350, %jit3A_359 : i32
      %sign3A_361 = arith.constant 0 : i32
      %sign3A_362 = arith.cmpi sgt, %reduce_min3A_350, %sign3A_361 : i32
      %sign3A_363 = arith.extui %sign3A_362 : i1 to i32
      %sign3A_364 = arith.constant 0 : i32
      %sign3A_365 = arith.cmpi slt, %reduce_min3A_350, %sign3A_364 : i32
      %sign3A_366 = arith.extui %sign3A_365 : i1 to i32
      %sign3A_367 = arith.subi %sign3A_363, %sign3A_366 : i32
      %sign3A_368 = arith.constant 0 : i32
      %sign3A_369 = arith.cmpi sgt, %jit3A_359, %sign3A_368 : i32
      %sign3A_370 = arith.extui %sign3A_369 : i1 to i32
      %sign3A_371 = arith.constant 0 : i32
      %sign3A_372 = arith.cmpi slt, %jit3A_359, %sign3A_371 : i32
      %sign3A_373 = arith.extui %sign3A_372 : i1 to i32
      %sign3A_374 = arith.subi %sign3A_370, %sign3A_373 : i32
      %ne3A_375 = arith.cmpi ne, %sign3A_367, %sign3A_374 : i32
      %rem3A_376 = arith.remsi %reduce_min3A_350, %jit3A_359 : i32
      %ne3A_377 = arith.constant 0 : i32
      %ne3A_378 = arith.cmpi ne, %rem3A_376, %ne3A_377 : i32
      %and3A_379 = arith.andi %ne3A_375, %ne3A_378 : i1
      %sub3A_380 = arith.constant 1 : i32
      %sub3A_381 = arith.subi %div3A_360, %sub3A_380 : i32
      %select_n3A_382 = arith.select %and3A_379, %sub3A_381, %div3A_360 : i32
      %mul3A_383 = arith.constant 100000 : i32
      %mul3A_384 = arith.muli %select_n3A_382, %mul3A_383 : i32
      %sub3A_385 = arith.subi %reduce_min3A_350, %mul3A_384 : i32
      %jit3A_386 = arith.constant 1024 : i32
      %div3A_387 = arith.divsi %sub3A_385, %jit3A_386 : i32
      %sign3A_388 = arith.constant 0 : i32
      %sign3A_389 = arith.cmpi sgt, %sub3A_385, %sign3A_388 : i32
      %sign3A_390 = arith.extui %sign3A_389 : i1 to i32
      %sign3A_391 = arith.constant 0 : i32
      %sign3A_392 = arith.cmpi slt, %sub3A_385, %sign3A_391 : i32
      %sign3A_393 = arith.extui %sign3A_392 : i1 to i32
      %sign3A_394 = arith.subi %sign3A_390, %sign3A_393 : i32
      %sign3A_395 = arith.constant 0 : i32
      %sign3A_396 = arith.cmpi sgt, %jit3A_386, %sign3A_395 : i32
      %sign3A_397 = arith.extui %sign3A_396 : i1 to i32
      %sign3A_398 = arith.constant 0 : i32
      %sign3A_399 = arith.cmpi slt, %jit3A_386, %sign3A_398 : i32
      %sign3A_400 = arith.extui %sign3A_399 : i1 to i32
      %sign3A_401 = arith.subi %sign3A_397, %sign3A_400 : i32
      %ne3A_402 = arith.cmpi ne, %sign3A_394, %sign3A_401 : i32
      %rem3A_403 = arith.remsi %sub3A_385, %jit3A_386 : i32
      %ne3A_404 = arith.constant 0 : i32
      %ne3A_405 = arith.cmpi ne, %rem3A_403, %ne3A_404 : i32
      %and3A_406 = arith.andi %ne3A_402, %ne3A_405 : i1
      %sub3A_407 = arith.constant 1 : i32
      %sub3A_408 = arith.subi %div3A_387, %sub3A_407 : i32
      %select_n3A_409 = arith.select %and3A_406, %sub3A_408, %div3A_387 : i32
      %mul3A_410 = arith.constant 98 : i32
      %mul3A_411 = arith.muli %select_n3A_382, %mul3A_410 : i32
      %add3A_412 = arith.addi %mul3A_411, %select_n3A_409 : i32
      %get3A_413 = arith.constant 0 : index
      %get3A_414 = arith.constant 0 : index
      %get3A_415 = vector.load %arg17[%get3A_413, %get3A_414] : memref<16x98xf32, #tpu.memory_space<vmem>>, vector<16x98xf32>
      %get3A_416 = arith.constant 0 : index
      %get3A_417 = arith.constant 0 : index
      %get3A_418 = vector.load %arg18[%get3A_416, %get3A_417] : memref<16x98xi32, #tpu.memory_space<vmem>>, vector<16x98xi32>
      %reduce_max3A_419 = vector.shape_cast %get3A_415 : vector<16x98xf32> to vector<1x16x98xf32>
      %reduce_max3A_420 = arith.constant dense<0xFF800000> : vector<1xf32>
      %reduce_max3A_421 = vector.multi_reduction <maximumf>, %reduce_max3A_419, %reduce_max3A_420 [1, 2] : vector<1x16x98xf32> to vector<1xf32>
      %reduce_max3A_422 = vector.shape_cast %reduce_max3A_421 : vector<1xf32> to vector<1x1x1xf32>
      %reduce_max3A_423 = vector.extract %reduce_max3A_422[0, 0, 0] : f32 from vector<1x1x1xf32>
      %eq3A_424 = vector.broadcast %reduce_max3A_423 : f32 to vector<16x98xf32>
      %eq3A_425 = arith.cmpf oeq, %get3A_415, %eq3A_424 : vector<16x98xf32>
      %jit3A_426 = arith.constant 1073741824 : i32
      %broadcast_in_dim3A_427 = vector.broadcast %jit3A_426 : i32 to vector<16x98xi32>
      %select_n3A_428 = arith.select %eq3A_425, %get3A_418, %broadcast_in_dim3A_427 : vector<16x98xi1>, vector<16x98xi32>
      %reduce_min3A_429 = vector.shape_cast %select_n3A_428 : vector<16x98xi32> to vector<1x16x98xi32>
      %reduce_min3A_430 = arith.constant dense<2147483647> : vector<1xi32>
      %reduce_min3A_431 = vector.multi_reduction <minsi>, %reduce_min3A_429, %reduce_min3A_430 [1, 2] : vector<1x16x98xi32> to vector<1xi32>
      %reduce_min3A_432 = vector.shape_cast %reduce_min3A_431 : vector<1xi32> to vector<1x1x1xi32>
      %reduce_min3A_433 = vector.extract %reduce_min3A_432[0, 0, 0] : i32 from vector<1x1x1xi32>
      %eq3A_434 = vector.broadcast %reduce_min3A_433 : i32 to vector<16x98xi32>
      %eq3A_435 = arith.cmpi eq, %get3A_418, %eq3A_434 : vector<16x98xi32>
      %jit3A_436 = arith.constant -1.000000e+30 : f32
      %broadcast_in_dim3A_437 = vector.broadcast %jit3A_436 : f32 to vector<16x98xf32>
      %select_n3A_438 = arith.select %eq3A_435, %broadcast_in_dim3A_437, %get3A_415 : vector<16x98xi1>, vector<16x98xf32>
      %swap3A_439 = arith.constant 0 : index
      %swap3A_440 = arith.constant 0 : index
      %swap3A_441 = vector.load %arg17[%swap3A_439, %swap3A_440] : memref<16x98xf32, #tpu.memory_space<vmem>>, vector<16x98xf32>
      tpu.vector_store %arg17[%swap3A_439, %swap3A_440], %select_n3A_438 {strides = array<i32>} : memref<16x98xf32, #tpu.memory_space<vmem>>, vector<16x98xf32>,
      %jit3A_442 = arith.constant 100000 : i32
      %div3A_443 = arith.divsi %reduce_min3A_433, %jit3A_442 : i32
      %sign3A_444 = arith.constant 0 : i32
      %sign3A_445 = arith.cmpi sgt, %reduce_min3A_433, %sign3A_444 : i32
      %sign3A_446 = arith.extui %sign3A_445 : i1 to i32
      %sign3A_447 = arith.constant 0 : i32
      %sign3A_448 = arith.cmpi slt, %reduce_min3A_433, %sign3A_447 : i32
      %sign3A_449 = arith.extui %sign3A_448 : i1 to i32
      %sign3A_450 = arith.subi %sign3A_446, %sign3A_449 : i32
      %sign3A_451 = arith.constant 0 : i32
      %sign3A_452 = arith.cmpi sgt, %jit3A_442, %sign3A_451 : i32
      %sign3A_453 = arith.extui %sign3A_452 : i1 to i32
      %sign3A_454 = arith.constant 0 : i32
      %sign3A_455 = arith.cmpi slt, %jit3A_442, %sign3A_454 : i32
      %sign3A_456 = arith.extui %sign3A_455 : i1 to i32
      %sign3A_457 = arith.subi %sign3A_453, %sign3A_456 : i32
      %ne3A_458 = arith.cmpi ne, %sign3A_450, %sign3A_457 : i32
      %rem3A_459 = arith.remsi %reduce_min3A_433, %jit3A_442 : i32
      %ne3A_460 = arith.constant 0 : i32
      %ne3A_461 = arith.cmpi ne, %rem3A_459, %ne3A_460 : i32
      %and3A_462 = arith.andi %ne3A_458, %ne3A_461 : i1
      %sub3A_463 = arith.constant 1 : i32
      %sub3A_464 = arith.subi %div3A_443, %sub3A_463 : i32
      %select_n3A_465 = arith.select %and3A_462, %sub3A_464, %div3A_443 : i32
      %mul3A_466 = arith.constant 100000 : i32
      %mul3A_467 = arith.muli %select_n3A_465, %mul3A_466 : i32
      %sub3A_468 = arith.subi %reduce_min3A_433, %mul3A_467 : i32
      %jit3A_469 = arith.constant 1024 : i32
      %div3A_470 = arith.divsi %sub3A_468, %jit3A_469 : i32
      %sign3A_471 = arith.constant 0 : i32
      %sign3A_472 = arith.cmpi sgt, %sub3A_468, %sign3A_471 : i32
      %sign3A_473 = arith.extui %sign3A_472 : i1 to i32
      %sign3A_474 = arith.constant 0 : i32
      %sign3A_475 = arith.cmpi slt, %sub3A_468, %sign3A_474 : i32
      %sign3A_476 = arith.extui %sign3A_475 : i1 to i32
      %sign3A_477 = arith.subi %sign3A_473, %sign3A_476 : i32
      %sign3A_478 = arith.constant 0 : i32
      %sign3A_479 = arith.cmpi sgt, %jit3A_469, %sign3A_478 : i32
      %sign3A_480 = arith.extui %sign3A_479 : i1 to i32
      %sign3A_481 = arith.constant 0 : i32
      %sign3A_482 = arith.cmpi slt, %jit3A_469, %sign3A_481 : i32
      %sign3A_483 = arith.extui %sign3A_482 : i1 to i32
      %sign3A_484 = arith.subi %sign3A_480, %sign3A_483 : i32
      %ne3A_485 = arith.cmpi ne, %sign3A_477, %sign3A_484 : i32
      %rem3A_486 = arith.remsi %sub3A_468, %jit3A_469 : i32
      %ne3A_487 = arith.constant 0 : i32
      %ne3A_488 = arith.cmpi ne, %rem3A_486, %ne3A_487 : i32
      %and3A_489 = arith.andi %ne3A_485, %ne3A_488 : i1
      %sub3A_490 = arith.constant 1 : i32
      %sub3A_491 = arith.subi %div3A_470, %sub3A_490 : i32
      %select_n3A_492 = arith.select %and3A_489, %sub3A_491, %div3A_470 : i32
      %mul3A_493 = arith.constant 98 : i32
      %mul3A_494 = arith.muli %select_n3A_465, %mul3A_493 : i32
      %add3A_495 = arith.addi %mul3A_494, %select_n3A_492 : i32
      %eq3A_496 = arith.constant 1 : i32
      %eq3A_497 = vector.broadcast %eq3A_496 : i32 to vector<8x1xi32>
      %eq3A_498 = arith.cmpi eq, %iota3A_9, %eq3A_497 : vector<8x1xi32>
      %jit3A_499 = arith.constant 0.000000e+00 : f32
      %broadcast_in_dim3A_500 = vector.broadcast %reduce_max3A_340 : f32 to vector<8x1xf32>
      %broadcast_in_dim3A_501 = vector.broadcast %jit3A_499 : f32 to vector<8x1xf32>
      %select_n3A_502 = arith.select %eq3A_498, %broadcast_in_dim3A_500, %broadcast_in_dim3A_501 : vector<8x1xi1>, vector<8x1xf32>
      %add3A_503 = arith.addf %add3A_305, %select_n3A_502 : vector<8x1xf32>
      %eq3A_504 = arith.constant 1 : i32
      %eq3A_505 = vector.broadcast %eq3A_504 : i32 to vector<8x1xi32>
      %eq3A_506 = arith.cmpi eq, %iota3A_9, %eq3A_505 : vector<8x1xi32>
      %jit3A_507 = arith.constant 0 : i32
      %broadcast_in_dim3A_508 = vector.broadcast %reduce_min3A_350 : i32 to vector<8x1xi32>
      %broadcast_in_dim3A_509 = vector.broadcast %jit3A_507 : i32 to vector<8x1xi32>
      %select_n3A_510 = arith.select %eq3A_506, %broadcast_in_dim3A_508, %broadcast_in_dim3A_509 : vector<8x1xi1>, vector<8x1xi32>
      %add3A_511 = arith.addi %add3A_313, %select_n3A_510 : vector<8x1xi32>
      %eq3A_512 = arith.constant 1 : i32
      %eq3A_513 = vector.broadcast %eq3A_512 : i32 to vector<8x1xi32>
      %eq3A_514 = arith.cmpi eq, %iota3A_9, %eq3A_513 : vector<8x1xi32>
      %jit3A_515 = arith.constant 0.000000e+00 : f32
      %broadcast_in_dim3A_516 = vector.broadcast %reduce_max3A_423 : f32 to vector<8x1xf32>
      %broadcast_in_dim3A_517 = vector.broadcast %jit3A_515 : f32 to vector<8x1xf32>
      %select_n3A_518 = arith.select %eq3A_514, %broadcast_in_dim3A_516, %broadcast_in_dim3A_517 : vector<8x1xi1>, vector<8x1xf32>
      %add3A_519 = arith.addf %add3A_321, %select_n3A_518 : vector<8x1xf32>
      %eq3A_520 = arith.constant 1 : i32
      %eq3A_521 = vector.broadcast %eq3A_520 : i32 to vector<8x1xi32>
      %eq3A_522 = arith.cmpi eq, %iota3A_9, %eq3A_521 : vector<8x1xi32>
      %jit3A_523 = arith.constant 0 : i32
      %broadcast_in_dim3A_524 = vector.broadcast %reduce_min3A_433 : i32 to vector<8x1xi32>
      %broadcast_in_dim3A_525 = vector.broadcast %jit3A_523 : i32 to vector<8x1xi32>
      %select_n3A_526 = arith.select %eq3A_522, %broadcast_in_dim3A_524, %broadcast_in_dim3A_525 : vector<8x1xi1>, vector<8x1xi32>
      %add3A_527 = arith.addi %add3A_329, %select_n3A_526 : vector<8x1xi32>
      %eq3A_528 = arith.cmpi eq, %add3A_214, %add3A_412 : i32
      %or3A = arith.constant false
      %or3A_529 = arith.ori %or3A, %eq3A_528 : i1
      %eq3A_530 = arith.cmpi eq, %add3A_297, %add3A_495 : i32
      %or3A_531 = arith.constant false
      %or3A_532 = arith.ori %or3A_531, %eq3A_530 : i1
      %convert_element_type3A = arith.extui %or3A_529 : i1 to i32
      %cond3A = arith.constant 0 : i32
      %cond3A_533 = arith.cmpi ne, %convert_element_type3A, %cond3A : i32
      scf.if %cond3A_533 {
        %mul3A_2001 = arith.constant 8 : i32
        %mul3A_2002 = arith.muli %mul3A_15, %mul3A_2001 : i32
        %add3A_2003 = arith.addi %mul3A_2002, %select_n3A_382 : i32
        %mul3A_2004 = arith.constant 1024 : i32
        %mul3A_2005 = arith.muli %select_n3A_409, %mul3A_2004 : i32
        %min3A = arith.constant 98976 : i32
        %min3A_2006 = arith.minsi %mul3A_2005, %min3A : i32
        %multiple_of3A_2007 = tpu.assume_multiple %min3A_2006, 8 : i32
        %dma_start3A = arith.constant 0 : i32
        %dma_start3A_2008 = tpu.memref_slice %arg9[%multiple_of3A_2007, %dma_start3A] : memref<100000x512xf32, #tpu.memory_space<any>> -> memref<1024x512xf32, #tpu.memory_space<any>>
        tpu.enqueue_dma source(%dma_start3A_2008 : memref<1024x512xf32, #tpu.memory_space<any>>) target(%arg19 : memref<1024x512xf32, #tpu.memory_space<vmem>>) target_semaphore(%arg20 : memref<!tpu.dma_semaphore, #tpu.memory_space<semaphore_mem>>)
        %dma_wait3A = arith.constant 0 : i32
        %dma_wait3A_2009 = tpu.memref_slice %arg9[%multiple_of3A_2007, %dma_wait3A] : memref<100000x512xf32, #tpu.memory_space<any>> -> memref<1024x512xf32, #tpu.memory_space<any>>
        tpu.wait_dma2 semaphore(%arg20 : memref<!tpu.dma_semaphore, #tpu.memory_space<semaphore_mem>>) src(%dma_wait3A_2009 : memref<1024x512xf32, #tpu.memory_space<any>>) dst(%arg19 : memref<1024x512xf32, #tpu.memory_space<vmem>>)
        %iota3A_2010 = tpu.iota {dimensions = array<i32: 0>} : vector<8x512xi32>
        %iota3A_2011 = tpu.iota {dimensions = array<i32: 1>} : vector<8x512xi32>
        %broadcast_in_dim3A_2012 = arith.constant -1.000000e+30 : f32
        %broadcast_in_dim3A_2013 = vector.broadcast %broadcast_in_dim3A_2012 : f32 to vector<8x512xf32>
        %broadcast_in_dim3A_2014 = arith.constant 0 : i32
        %broadcast_in_dim3A_2015 = vector.broadcast %broadcast_in_dim3A_2014 : i32 to vector<8x512xi32>
        %scan3A_2016 = arith.constant 0 : i32
        %scan3A_2017 = arith.constant 128 : i32
        %scan3A_2018 = arith.addi %scan3A_2016, %scan3A_2017 : i32
        %scan3A_2019 = arith.constant 1 : i32
        %scan3A_2020:2 = scf.for %scan3A_2093 = %scan3A_2016 to %scan3A_2018 step %scan3A_2019 iter_args(%scan3A_2094 = %broadcast_in_dim3A_2013, %scan3A_2095 = %broadcast_in_dim3A_2015) -> (vector<8x512xf32>, vector<8x512xi32>)  : i32 {
          %mul3A_2096 = arith.constant 8 : i32
          %mul3A_2097 = arith.muli %scan3A_2093, %mul3A_2096 : i32
          %get3A_2098 = arith.index_cast %mul3A_2097 : i32 to index
          %get3A_2099 = arith.constant 0 : index
          %get3A_2100 = vector.load %arg19[%get3A_2098, %get3A_2099] : memref<1024x512xf32, #tpu.memory_space<vmem>>, vector<8x512xf32>
          %mul3A_2101 = arith.constant 8 : i32
          %mul3A_2102 = arith.muli %scan3A_2093, %mul3A_2101 : i32
          %add3A_2103 = arith.addi %min3A_2006, %mul3A_2102 : i32
          %add3A_2104 = vector.broadcast %add3A_2103 : i32 to vector<8x512xi32>
          %add3A_2105 = arith.addi %add3A_2104, %iota3A_2010 : vector<8x512xi32>
          %eq3A_2106 = vector.broadcast %add3A_2003 : i32 to vector<8x512xi32>
          %eq3A_2107 = arith.cmpi eq, %iota3A_2011, %eq3A_2106 : vector<8x512xi32>
          %jit3A_2108 = arith.constant 1024 : i32
          %div3A_2109 = vector.broadcast %jit3A_2108 : i32 to vector<8x512xi32>
          %div3A_2110 = arith.divsi %add3A_2105, %div3A_2109 : vector<8x512xi32>
          %sign3A_2111 = arith.constant 0 : i32
          %sign3A_2112 = vector.broadcast %sign3A_2111 : i32 to vector<8x512xi32>
          %sign3A_2113 = arith.cmpi sgt, %add3A_2105, %sign3A_2112 : vector<8x512xi32>
          %sign3A_2114 = arith.extui %sign3A_2113 : vector<8x512xi1> to vector<8x512xi32>
          %sign3A_2115 = arith.constant 0 : i32
          %sign3A_2116 = vector.broadcast %sign3A_2115 : i32 to vector<8x512xi32>
          %sign3A_2117 = arith.cmpi slt, %add3A_2105, %sign3A_2116 : vector<8x512xi32>
          %sign3A_2118 = arith.extui %sign3A_2117 : vector<8x512xi1> to vector<8x512xi32>
          %sign3A_2119 = arith.subi %sign3A_2114, %sign3A_2118 : vector<8x512xi32>
          %sign3A_2120 = arith.constant 0 : i32
          %sign3A_2121 = arith.cmpi sgt, %jit3A_2108, %sign3A_2120 : i32
          %sign3A_2122 = arith.extui %sign3A_2121 : i1 to i32
          %sign3A_2123 = arith.constant 0 : i32
          %sign3A_2124 = arith.cmpi slt, %jit3A_2108, %sign3A_2123 : i32
          %sign3A_2125 = arith.extui %sign3A_2124 : i1 to i32
          %sign3A_2126 = arith.subi %sign3A_2122, %sign3A_2125 : i32
          %ne3A_2127 = vector.broadcast %sign3A_2126 : i32 to vector<8x512xi32>
          %ne3A_2128 = arith.cmpi ne, %sign3A_2119, %ne3A_2127 : vector<8x512xi32>
          %rem3A_2129 = vector.broadcast %jit3A_2108 : i32 to vector<8x512xi32>
          %rem3A_2130 = arith.remsi %add3A_2105, %rem3A_2129 : vector<8x512xi32>
          %ne3A_2131 = arith.constant 0 : i32
          %ne3A_2132 = vector.broadcast %ne3A_2131 : i32 to vector<8x512xi32>
          %ne3A_2133 = arith.cmpi ne, %rem3A_2130, %ne3A_2132 : vector<8x512xi32>
          %and3A_2134 = arith.andi %ne3A_2128, %ne3A_2133 : vector<8x512xi1>
          %sub3A_2135 = arith.constant 1 : i32
          %sub3A_2136 = vector.broadcast %sub3A_2135 : i32 to vector<8x512xi32>
          %sub3A_2137 = arith.subi %div3A_2110, %sub3A_2136 : vector<8x512xi32>
          %select_n3A_2138 = arith.select %and3A_2134, %sub3A_2137, %div3A_2110 : vector<8x512xi1>, vector<8x512xi32>
          %eq3A_2139 = vector.broadcast %select_n3A_409 : i32 to vector<8x512xi32>
          %eq3A_2140 = arith.cmpi eq, %select_n3A_2138, %eq3A_2139 : vector<8x512xi32>
          %and3A_2141 = arith.andi %eq3A_2107, %eq3A_2140 : vector<8x512xi1>
          %lt3A_2142 = arith.constant 100000 : i32
          %lt3A_2143 = vector.broadcast %lt3A_2142 : i32 to vector<8x512xi32>
          %lt3A_2144 = arith.cmpi slt, %add3A_2105, %lt3A_2143 : vector<8x512xi32>
          %and3A_2145 = arith.andi %and3A_2141, %lt3A_2144 : vector<8x512xi1>
          %eq3A_2146 = arith.constant 2 : i32
          %eq3A_2147 = vector.broadcast %eq3A_2146 : i32 to vector<8x512xi32>
          %eq3A_2148 = arith.cmpi eq, %add3A_2105, %eq3A_2147 : vector<8x512xi32>
          %and3A_2149 = vector.broadcast %lt3A_2 : i1 to vector<8x512xi1>
          %and3A_2150 = arith.andi %and3A_2149, %eq3A_2148 : vector<8x512xi1>
          %not3A = arith.constant dense<true> : vector<8x512xi1>
          %not3A_2151 = arith.xori %and3A_2150, %not3A : vector<8x512xi1>
          %and3A_2152 = arith.andi %and3A_2145, %not3A_2151 : vector<8x512xi1>
          %mul3A_2153 = arith.constant 100000 : i32
          %mul3A_2154 = arith.muli %select_n3A_382, %mul3A_2153 : i32
          %add3A_2155 = vector.broadcast %mul3A_2154 : i32 to vector<8x512xi32>
          %add3A_2156 = arith.addi %add3A_2155, %add3A_2105 : vector<8x512xi32>
          %ne3A_2157 = vector.broadcast %reduce_min3A_157 : i32 to vector<8x512xi32>
          %ne3A_2158 = arith.cmpi ne, %add3A_2156, %ne3A_2157 : vector<8x512xi32>
          %and3A_2159 = arith.andi %and3A_2152, %ne3A_2158 : vector<8x512xi1>
          %ne3A_2160 = vector.broadcast %reduce_min3A_350 : i32 to vector<8x512xi32>
          %ne3A_2161 = arith.cmpi ne, %add3A_2156, %ne3A_2160 : vector<8x512xi32>
          %and3A_2162 = arith.andi %and3A_2159, %ne3A_2161 : vector<8x512xi1>
          %jit3A_2163 = arith.constant -1.000000e+30 : f32
          %broadcast_in_dim3A_2164 = vector.broadcast %jit3A_2163 : f32 to vector<8x512xf32>
          %select_n3A_2165 = arith.select %and3A_2162, %get3A_2100, %broadcast_in_dim3A_2164 : vector<8x512xi1>, vector<8x512xf32>
          %gt3A = arith.cmpf ogt, %select_n3A_2165, %scan3A_2094 : vector<8x512xf32>
          %max3A = arith.maximumf %select_n3A_2165, %scan3A_2094 : vector<8x512xf32>
          %select_n3A_2166 = arith.select %gt3A, %add3A_2105, %scan3A_2095 : vector<8x512xi1>, vector<8x512xi32>
          scf.yield %max3A, %select_n3A_2166 : vector<8x512xf32>, vector<8x512xi32>
        }
        %scan3A_2021 = arith.constant 128 : i32
        %reduce_max3A_2022 = vector.shape_cast %scan3A_2020#0 : vector<8x512xf32> to vector<1x8x512xf32>
        %reduce_max3A_2023 = arith.constant dense<0xFF800000> : vector<1xf32>
        %reduce_max3A_2024 = vector.multi_reduction <maximumf>, %reduce_max3A_2022, %reduce_max3A_2023 [1, 2] : vector<1x8x512xf32> to vector<1xf32>
        %reduce_max3A_2025 = vector.shape_cast %reduce_max3A_2024 : vector<1xf32> to vector<1x1x1xf32>
        %reduce_max3A_2026 = vector.extract %reduce_max3A_2025[0, 0, 0] : f32 from vector<1x1x1xf32>
        %eq3A_2027 = vector.broadcast %reduce_max3A_2026 : f32 to vector<8x512xf32>
        %eq3A_2028 = arith.cmpf oeq, %scan3A_2020#0, %eq3A_2027 : vector<8x512xf32>
        %jit3A_2029 = arith.constant 1073741824 : i32
        %broadcast_in_dim3A_2030 = vector.broadcast %jit3A_2029 : i32 to vector<8x512xi32>
        %select_n3A_2031 = arith.select %eq3A_2028, %scan3A_2020#1, %broadcast_in_dim3A_2030 : vector<8x512xi1>, vector<8x512xi32>
        %reduce_min3A_2032 = vector.shape_cast %select_n3A_2031 : vector<8x512xi32> to vector<1x8x512xi32>
        %reduce_min3A_2033 = arith.constant dense<2147483647> : vector<1xi32>
        %reduce_min3A_2034 = vector.multi_reduction <minsi>, %reduce_min3A_2032, %reduce_min3A_2033 [1, 2] : vector<1x8x512xi32> to vector<1xi32>
        %reduce_min3A_2035 = vector.shape_cast %reduce_min3A_2034 : vector<1xi32> to vector<1x1x1xi32>
        %reduce_min3A_2036 = vector.extract %reduce_min3A_2035[0, 0, 0] : i32 from vector<1x1x1xi32>
        %eq3A_2037 = vector.broadcast %select_n3A_382 : i32 to vector<8x1xi32>
        %eq3A_2038 = arith.cmpi eq, %iota3A_9, %eq3A_2037 : vector<8x1xi32>
        %jit3A_2039 = arith.constant 0.000000e+00 : f32
        %broadcast_in_dim3A_2040 = vector.broadcast %jit3A_2039 : f32 to vector<8x1xf32>
        %select_n3A_2041 = arith.select %eq3A_2038, %get3A_26, %broadcast_in_dim3A_2040 : vector<8x1xi1>, vector<8x1xf32>
        %reduce_sum3A = vector.shape_cast %select_n3A_2041 : vector<8x1xf32> to vector<1x8x1xf32>
        %reduce_sum3A_2042 = arith.constant dense<0.000000e+00> : vector<1xf32>
        %reduce_sum3A_2043 = vector.multi_reduction <add>, %reduce_sum3A, %reduce_sum3A_2042 [1, 2] : vector<1x8x1xf32> to vector<1xf32>
        %reduce_sum3A_2044 = vector.shape_cast %reduce_sum3A_2043 : vector<1xf32> to vector<1x1x1xf32>
        %reduce_sum3A_2045 = vector.extract %reduce_sum3A_2044[0, 0, 0] : f32 from vector<1x1x1xf32>
        %eq3A_2046 = vector.broadcast %select_n3A_382 : i32 to vector<8x1xi32>
        %eq3A_2047 = arith.cmpi eq, %iota3A_9, %eq3A_2046 : vector<8x1xi32>
        %jit3A_2048 = arith.constant 0.000000e+00 : f32
        %broadcast_in_dim3A_2049 = vector.broadcast %jit3A_2048 : f32 to vector<8x1xf32>
        %select_n3A_2050 = arith.select %eq3A_2047, %get3A_29, %broadcast_in_dim3A_2049 : vector<8x1xi1>, vector<8x1xf32>
        %reduce_sum3A_2051 = vector.shape_cast %select_n3A_2050 : vector<8x1xf32> to vector<1x8x1xf32>
        %reduce_sum3A_2052 = arith.constant dense<0.000000e+00> : vector<1xf32>
        %reduce_sum3A_2053 = vector.multi_reduction <add>, %reduce_sum3A_2051, %reduce_sum3A_2052 [1, 2] : vector<1x8x1xf32> to vector<1xf32>
        %reduce_sum3A_2054 = vector.shape_cast %reduce_sum3A_2053 : vector<1xf32> to vector<1x1x1xf32>
        %reduce_sum3A_2055 = vector.extract %reduce_sum3A_2054[0, 0, 0] : f32 from vector<1x1x1xf32>
        %eq3A_2056 = vector.broadcast %select_n3A_382 : i32 to vector<8x1xi32>
        %eq3A_2057 = arith.cmpi eq, %iota3A_9, %eq3A_2056 : vector<8x1xi32>
        %jit3A_2058 = arith.constant 0.000000e+00 : f32
        %broadcast_in_dim3A_2059 = vector.broadcast %jit3A_2058 : f32 to vector<8x1xf32>
        %select_n3A_2060 = arith.select %eq3A_2057, %get3A_32, %broadcast_in_dim3A_2059 : vector<8x1xi1>, vector<8x1xf32>
        %reduce_sum3A_2061 = vector.shape_cast %select_n3A_2060 : vector<8x1xf32> to vector<1x8x1xf32>
        %reduce_sum3A_2062 = arith.constant dense<0.000000e+00> : vector<1xf32>
        %reduce_sum3A_2063 = vector.multi_reduction <add>, %reduce_sum3A_2061, %reduce_sum3A_2062 [1, 2] : vector<1x8x1xf32> to vector<1xf32>
        %reduce_sum3A_2064 = vector.shape_cast %reduce_sum3A_2063 : vector<1xf32> to vector<1x1x1xf32>
        %reduce_sum3A_2065 = vector.extract %reduce_sum3A_2064[0, 0, 0] : f32 from vector<1x1x1xf32>
        %sub3A_2066 = arith.subf %reduce_max3A_2026, %reduce_sum3A_2045 : f32
        %sub3A_2067 = arith.subf %sub3A_2066, %reduce_sum3A_2055 : f32
        %add3A_2068 = arith.addf %sub3A_2067, %reduce_sum3A_2065 : f32
        %mul3A_2069 = arith.constant 100000 : i32
        %mul3A_2070 = arith.muli %select_n3A_382, %mul3A_2069 : i32
        %add3A_2071 = arith.addi %mul3A_2070, %reduce_min3A_2036 : i32
        %eq3A_2072 = vector.broadcast %select_n3A_382 : i32 to vector<16x98xi32>
        %eq3A_2073 = arith.cmpi eq, %iota3A_8, %eq3A_2072 : vector<16x98xi32>
        %eq3A_2074 = vector.broadcast %select_n3A_409 : i32 to vector<16x98xi32>
        %eq3A_2075 = arith.cmpi eq, %iota3A_7, %eq3A_2074 : vector<16x98xi32>
        %and3A_2076 = arith.andi %eq3A_2073, %eq3A_2075 : vector<16x98xi1>
        %get3A_2077 = arith.constant 0 : index
        %get3A_2078 = arith.constant 0 : index
        %get3A_2079 = vector.load %arg15[%get3A_2077, %get3A_2078] : memref<16x98xf32, #tpu.memory_space<vmem>>, vector<16x98xf32>
        %broadcast_in_dim3A_2080 = vector.broadcast %add3A_2068 : f32 to vector<16x98xf32>
        %select_n3A_2081 = arith.select %and3A_2076, %broadcast_in_dim3A_2080, %get3A_2079 : vector<16x98xi1>, vector<16x98xf32>
        %swap3A_2082 = arith.constant 0 : index
        %swap3A_2083 = arith.constant 0 : index
        %swap3A_2084 = vector.load %arg15[%swap3A_2082, %swap3A_2083] : memref<16x98xf32, #tpu.memory_space<vmem>>, vector<16x98xf32>
        tpu.vector_store %arg15[%swap3A_2082, %swap3A_2083], %select_n3A_2081 {strides = array<i32>} : memref<16x98xf32, #tpu.memory_space<vmem>>, vector<16x98xf32>,
        %get3A_2085 = arith.constant 0 : index
        %get3A_2086 = arith.constant 0 : index
        %get3A_2087 = vector.load %arg16[%get3A_2085, %get3A_2086] : memref<16x98xi32, #tpu.memory_space<vmem>>, vector<16x98xi32>
        %broadcast_in_dim3A_2088 = vector.broadcast %add3A_2071 : i32 to vector<16x98xi32>
        %select_n3A_2089 = arith.select %and3A_2076, %broadcast_in_dim3A_2088, %get3A_2087 : vector<16x98xi1>, vector<16x98xi32>
        %swap3A_2090 = arith.constant 0 : index
        %swap3A_2091 = arith.constant 0 : index
        %swap3A_2092 = vector.load %arg16[%swap3A_2090, %swap3A_2091] : memref<16x98xi32, #tpu.memory_space<vmem>>, vector<16x98xi32>
        tpu.vector_store %arg16[%swap3A_2090, %swap3A_2091], %select_n3A_2089 {strides = array<i32>} : memref<16x98xi32, #tpu.memory_space<vmem>>, vector<16x98xi32>,
      } else {
      }
      %convert_element_type3A_534 = arith.extui %or3A_532 : i1 to i32
      %cond3A_535 = arith.constant 0 : i32
      %cond3A_536 = arith.cmpi ne, %convert_element_type3A_534, %cond3A_535 : i32
      scf.if %cond3A_536 {
        %mul3A_2001 = arith.constant 8 : i32
        %mul3A_2002 = arith.muli %add3A_18, %mul3A_2001 : i32
        %add3A_2003 = arith.addi %mul3A_2002, %select_n3A_465 : i32
        %mul3A_2004 = arith.constant 1024 : i32
        %mul3A_2005 = arith.muli %select_n3A_492, %mul3A_2004 : i32
        %min3A = arith.constant 98976 : i32
        %min3A_2006 = arith.minsi %mul3A_2005, %min3A : i32
        %multiple_of3A_2007 = tpu.assume_multiple %min3A_2006, 8 : i32
        %dma_start3A = arith.constant 0 : i32
        %dma_start3A_2008 = tpu.memref_slice %arg9[%multiple_of3A_2007, %dma_start3A] : memref<100000x512xf32, #tpu.memory_space<any>> -> memref<1024x512xf32, #tpu.memory_space<any>>
        tpu.enqueue_dma source(%dma_start3A_2008 : memref<1024x512xf32, #tpu.memory_space<any>>) target(%arg19 : memref<1024x512xf32, #tpu.memory_space<vmem>>) target_semaphore(%arg20 : memref<!tpu.dma_semaphore, #tpu.memory_space<semaphore_mem>>)
        %dma_wait3A = arith.constant 0 : i32
        %dma_wait3A_2009 = tpu.memref_slice %arg9[%multiple_of3A_2007, %dma_wait3A] : memref<100000x512xf32, #tpu.memory_space<any>> -> memref<1024x512xf32, #tpu.memory_space<any>>
        tpu.wait_dma2 semaphore(%arg20 : memref<!tpu.dma_semaphore, #tpu.memory_space<semaphore_mem>>) src(%dma_wait3A_2009 : memref<1024x512xf32, #tpu.memory_space<any>>) dst(%arg19 : memref<1024x512xf32, #tpu.memory_space<vmem>>)
        %iota3A_2010 = tpu.iota {dimensions = array<i32: 0>} : vector<8x512xi32>
        %iota3A_2011 = tpu.iota {dimensions = array<i32: 1>} : vector<8x512xi32>
        %broadcast_in_dim3A_2012 = arith.constant -1.000000e+30 : f32
        %broadcast_in_dim3A_2013 = vector.broadcast %broadcast_in_dim3A_2012 : f32 to vector<8x512xf32>
        %broadcast_in_dim3A_2014 = arith.constant 0 : i32
        %broadcast_in_dim3A_2015 = vector.broadcast %broadcast_in_dim3A_2014 : i32 to vector<8x512xi32>
        %scan3A_2016 = arith.constant 0 : i32
        %scan3A_2017 = arith.constant 128 : i32
        %scan3A_2018 = arith.addi %scan3A_2016, %scan3A_2017 : i32
        %scan3A_2019 = arith.constant 1 : i32
        %scan3A_2020:2 = scf.for %scan3A_2093 = %scan3A_2016 to %scan3A_2018 step %scan3A_2019 iter_args(%scan3A_2094 = %broadcast_in_dim3A_2013, %scan3A_2095 = %broadcast_in_dim3A_2015) -> (vector<8x512xf32>, vector<8x512xi32>)  : i32 {
          %mul3A_2096 = arith.constant 8 : i32
          %mul3A_2097 = arith.muli %scan3A_2093, %mul3A_2096 : i32
          %get3A_2098 = arith.index_cast %mul3A_2097 : i32 to index
          %get3A_2099 = arith.constant 0 : index
          %get3A_2100 = vector.load %arg19[%get3A_2098, %get3A_2099] : memref<1024x512xf32, #tpu.memory_space<vmem>>, vector<8x512xf32>
          %mul3A_2101 = arith.constant 8 : i32
          %mul3A_2102 = arith.muli %scan3A_2093, %mul3A_2101 : i32
          %add3A_2103 = arith.addi %min3A_2006, %mul3A_2102 : i32
          %add3A_2104 = vector.broadcast %add3A_2103 : i32 to vector<8x512xi32>
          %add3A_2105 = arith.addi %add3A_2104, %iota3A_2010 : vector<8x512xi32>
          %eq3A_2106 = vector.broadcast %add3A_2003 : i32 to vector<8x512xi32>
          %eq3A_2107 = arith.cmpi eq, %iota3A_2011, %eq3A_2106 : vector<8x512xi32>
          %jit3A_2108 = arith.constant 1024 : i32
          %div3A_2109 = vector.broadcast %jit3A_2108 : i32 to vector<8x512xi32>
          %div3A_2110 = arith.divsi %add3A_2105, %div3A_2109 : vector<8x512xi32>
          %sign3A_2111 = arith.constant 0 : i32
          %sign3A_2112 = vector.broadcast %sign3A_2111 : i32 to vector<8x512xi32>
          %sign3A_2113 = arith.cmpi sgt, %add3A_2105, %sign3A_2112 : vector<8x512xi32>
          %sign3A_2114 = arith.extui %sign3A_2113 : vector<8x512xi1> to vector<8x512xi32>
          %sign3A_2115 = arith.constant 0 : i32
          %sign3A_2116 = vector.broadcast %sign3A_2115 : i32 to vector<8x512xi32>
          %sign3A_2117 = arith.cmpi slt, %add3A_2105, %sign3A_2116 : vector<8x512xi32>
          %sign3A_2118 = arith.extui %sign3A_2117 : vector<8x512xi1> to vector<8x512xi32>
          %sign3A_2119 = arith.subi %sign3A_2114, %sign3A_2118 : vector<8x512xi32>
          %sign3A_2120 = arith.constant 0 : i32
          %sign3A_2121 = arith.cmpi sgt, %jit3A_2108, %sign3A_2120 : i32
          %sign3A_2122 = arith.extui %sign3A_2121 : i1 to i32
          %sign3A_2123 = arith.constant 0 : i32
          %sign3A_2124 = arith.cmpi slt, %jit3A_2108, %sign3A_2123 : i32
          %sign3A_2125 = arith.extui %sign3A_2124 : i1 to i32
          %sign3A_2126 = arith.subi %sign3A_2122, %sign3A_2125 : i32
          %ne3A_2127 = vector.broadcast %sign3A_2126 : i32 to vector<8x512xi32>
          %ne3A_2128 = arith.cmpi ne, %sign3A_2119, %ne3A_2127 : vector<8x512xi32>
          %rem3A_2129 = vector.broadcast %jit3A_2108 : i32 to vector<8x512xi32>
          %rem3A_2130 = arith.remsi %add3A_2105, %rem3A_2129 : vector<8x512xi32>
          %ne3A_2131 = arith.constant 0 : i32
          %ne3A_2132 = vector.broadcast %ne3A_2131 : i32 to vector<8x512xi32>
          %ne3A_2133 = arith.cmpi ne, %rem3A_2130, %ne3A_2132 : vector<8x512xi32>
          %and3A_2134 = arith.andi %ne3A_2128, %ne3A_2133 : vector<8x512xi1>
          %sub3A_2135 = arith.constant 1 : i32
          %sub3A_2136 = vector.broadcast %sub3A_2135 : i32 to vector<8x512xi32>
          %sub3A_2137 = arith.subi %div3A_2110, %sub3A_2136 : vector<8x512xi32>
          %select_n3A_2138 = arith.select %and3A_2134, %sub3A_2137, %div3A_2110 : vector<8x512xi1>, vector<8x512xi32>
          %eq3A_2139 = vector.broadcast %select_n3A_492 : i32 to vector<8x512xi32>
          %eq3A_2140 = arith.cmpi eq, %select_n3A_2138, %eq3A_2139 : vector<8x512xi32>
          %and3A_2141 = arith.andi %eq3A_2107, %eq3A_2140 : vector<8x512xi1>
          %lt3A_2142 = arith.constant 100000 : i32
          %lt3A_2143 = vector.broadcast %lt3A_2142 : i32 to vector<8x512xi32>
          %lt3A_2144 = arith.cmpi slt, %add3A_2105, %lt3A_2143 : vector<8x512xi32>
          %and3A_2145 = arith.andi %and3A_2141, %lt3A_2144 : vector<8x512xi1>
          %eq3A_2146 = arith.constant 2 : i32
          %eq3A_2147 = vector.broadcast %eq3A_2146 : i32 to vector<8x512xi32>
          %eq3A_2148 = arith.cmpi eq, %add3A_2105, %eq3A_2147 : vector<8x512xi32>
          %and3A_2149 = vector.broadcast %lt3A_2 : i1 to vector<8x512xi1>
          %and3A_2150 = arith.andi %and3A_2149, %eq3A_2148 : vector<8x512xi1>
          %not3A = arith.constant dense<true> : vector<8x512xi1>
          %not3A_2151 = arith.xori %and3A_2150, %not3A : vector<8x512xi1>
          %and3A_2152 = arith.andi %and3A_2145, %not3A_2151 : vector<8x512xi1>
          %mul3A_2153 = arith.constant 100000 : i32
          %mul3A_2154 = arith.muli %select_n3A_465, %mul3A_2153 : i32
          %add3A_2155 = vector.broadcast %mul3A_2154 : i32 to vector<8x512xi32>
          %add3A_2156 = arith.addi %add3A_2155, %add3A_2105 : vector<8x512xi32>
          %ne3A_2157 = vector.broadcast %reduce_min3A_235 : i32 to vector<8x512xi32>
          %ne3A_2158 = arith.cmpi ne, %add3A_2156, %ne3A_2157 : vector<8x512xi32>
          %and3A_2159 = arith.andi %and3A_2152, %ne3A_2158 : vector<8x512xi1>
          %ne3A_2160 = vector.broadcast %reduce_min3A_433 : i32 to vector<8x512xi32>
          %ne3A_2161 = arith.cmpi ne, %add3A_2156, %ne3A_2160 : vector<8x512xi32>
          %and3A_2162 = arith.andi %and3A_2159, %ne3A_2161 : vector<8x512xi1>
          %jit3A_2163 = arith.constant -1.000000e+30 : f32
          %broadcast_in_dim3A_2164 = vector.broadcast %jit3A_2163 : f32 to vector<8x512xf32>
          %select_n3A_2165 = arith.select %and3A_2162, %get3A_2100, %broadcast_in_dim3A_2164 : vector<8x512xi1>, vector<8x512xf32>
          %gt3A = arith.cmpf ogt, %select_n3A_2165, %scan3A_2094 : vector<8x512xf32>
          %max3A = arith.maximumf %select_n3A_2165, %scan3A_2094 : vector<8x512xf32>
          %select_n3A_2166 = arith.select %gt3A, %add3A_2105, %scan3A_2095 : vector<8x512xi1>, vector<8x512xi32>
          scf.yield %max3A, %select_n3A_2166 : vector<8x512xf32>, vector<8x512xi32>
        }
        %scan3A_2021 = arith.constant 128 : i32
        %reduce_max3A_2022 = vector.shape_cast %scan3A_2020#0 : vector<8x512xf32> to vector<1x8x512xf32>
        %reduce_max3A_2023 = arith.constant dense<0xFF800000> : vector<1xf32>
        %reduce_max3A_2024 = vector.multi_reduction <maximumf>, %reduce_max3A_2022, %reduce_max3A_2023 [1, 2] : vector<1x8x512xf32> to vector<1xf32>
        %reduce_max3A_2025 = vector.shape_cast %reduce_max3A_2024 : vector<1xf32> to vector<1x1x1xf32>
        %reduce_max3A_2026 = vector.extract %reduce_max3A_2025[0, 0, 0] : f32 from vector<1x1x1xf32>
        %eq3A_2027 = vector.broadcast %reduce_max3A_2026 : f32 to vector<8x512xf32>
        %eq3A_2028 = arith.cmpf oeq, %scan3A_2020#0, %eq3A_2027 : vector<8x512xf32>
        %jit3A_2029 = arith.constant 1073741824 : i32
        %broadcast_in_dim3A_2030 = vector.broadcast %jit3A_2029 : i32 to vector<8x512xi32>
        %select_n3A_2031 = arith.select %eq3A_2028, %scan3A_2020#1, %broadcast_in_dim3A_2030 : vector<8x512xi1>, vector<8x512xi32>
        %reduce_min3A_2032 = vector.shape_cast %select_n3A_2031 : vector<8x512xi32> to vector<1x8x512xi32>
        %reduce_min3A_2033 = arith.constant dense<2147483647> : vector<1xi32>
        %reduce_min3A_2034 = vector.multi_reduction <minsi>, %reduce_min3A_2032, %reduce_min3A_2033 [1, 2] : vector<1x8x512xi32> to vector<1xi32>
        %reduce_min3A_2035 = vector.shape_cast %reduce_min3A_2034 : vector<1xi32> to vector<1x1x1xi32>
        %reduce_min3A_2036 = vector.extract %reduce_min3A_2035[0, 0, 0] : i32 from vector<1x1x1xi32>
        %eq3A_2037 = vector.broadcast %select_n3A_465 : i32 to vector<8x1xi32>
        %eq3A_2038 = arith.cmpi eq, %iota3A_9, %eq3A_2037 : vector<8x1xi32>
        %jit3A_2039 = arith.constant 0.000000e+00 : f32
        %broadcast_in_dim3A_2040 = vector.broadcast %jit3A_2039 : f32 to vector<8x1xf32>
        %select_n3A_2041 = arith.select %eq3A_2038, %get3A_80, %broadcast_in_dim3A_2040 : vector<8x1xi1>, vector<8x1xf32>
        %reduce_sum3A = vector.shape_cast %select_n3A_2041 : vector<8x1xf32> to vector<1x8x1xf32>
        %reduce_sum3A_2042 = arith.constant dense<0.000000e+00> : vector<1xf32>
        %reduce_sum3A_2043 = vector.multi_reduction <add>, %reduce_sum3A, %reduce_sum3A_2042 [1, 2] : vector<1x8x1xf32> to vector<1xf32>
        %reduce_sum3A_2044 = vector.shape_cast %reduce_sum3A_2043 : vector<1xf32> to vector<1x1x1xf32>
        %reduce_sum3A_2045 = vector.extract %reduce_sum3A_2044[0, 0, 0] : f32 from vector<1x1x1xf32>
        %eq3A_2046 = vector.broadcast %select_n3A_465 : i32 to vector<8x1xi32>
        %eq3A_2047 = arith.cmpi eq, %iota3A_9, %eq3A_2046 : vector<8x1xi32>
        %jit3A_2048 = arith.constant 0.000000e+00 : f32
        %broadcast_in_dim3A_2049 = vector.broadcast %jit3A_2048 : f32 to vector<8x1xf32>
        %select_n3A_2050 = arith.select %eq3A_2047, %get3A_83, %broadcast_in_dim3A_2049 : vector<8x1xi1>, vector<8x1xf32>
        %reduce_sum3A_2051 = vector.shape_cast %select_n3A_2050 : vector<8x1xf32> to vector<1x8x1xf32>
        %reduce_sum3A_2052 = arith.constant dense<0.000000e+00> : vector<1xf32>
        %reduce_sum3A_2053 = vector.multi_reduction <add>, %reduce_sum3A_2051, %reduce_sum3A_2052 [1, 2] : vector<1x8x1xf32> to vector<1xf32>
        %reduce_sum3A_2054 = vector.shape_cast %reduce_sum3A_2053 : vector<1xf32> to vector<1x1x1xf32>
        %reduce_sum3A_2055 = vector.extract %reduce_sum3A_2054[0, 0, 0] : f32 from vector<1x1x1xf32>
        %eq3A_2056 = vector.broadcast %select_n3A_465 : i32 to vector<8x1xi32>
        %eq3A_2057 = arith.cmpi eq, %iota3A_9, %eq3A_2056 : vector<8x1xi32>
        %jit3A_2058 = arith.constant 0.000000e+00 : f32
        %broadcast_in_dim3A_2059 = vector.broadcast %jit3A_2058 : f32 to vector<8x1xf32>
        %select_n3A_2060 = arith.select %eq3A_2057, %get3A_86, %broadcast_in_dim3A_2059 : vector<8x1xi1>, vector<8x1xf32>
        %reduce_sum3A_2061 = vector.shape_cast %select_n3A_2060 : vector<8x1xf32> to vector<1x8x1xf32>
        %reduce_sum3A_2062 = arith.constant dense<0.000000e+00> : vector<1xf32>
        %reduce_sum3A_2063 = vector.multi_reduction <add>, %reduce_sum3A_2061, %reduce_sum3A_2062 [1, 2] : vector<1x8x1xf32> to vector<1xf32>
        %reduce_sum3A_2064 = vector.shape_cast %reduce_sum3A_2063 : vector<1xf32> to vector<1x1x1xf32>
        %reduce_sum3A_2065 = vector.extract %reduce_sum3A_2064[0, 0, 0] : f32 from vector<1x1x1xf32>
        %sub3A_2066 = arith.subf %reduce_max3A_2026, %reduce_sum3A_2045 : f32
        %sub3A_2067 = arith.subf %sub3A_2066, %reduce_sum3A_2055 : f32
        %add3A_2068 = arith.addf %sub3A_2067, %reduce_sum3A_2065 : f32
        %mul3A_2069 = arith.constant 100000 : i32
        %mul3A_2070 = arith.muli %select_n3A_465, %mul3A_2069 : i32
        %add3A_2071 = arith.addi %mul3A_2070, %reduce_min3A_2036 : i32
        %eq3A_2072 = vector.broadcast %select_n3A_465 : i32 to vector<16x98xi32>
        %eq3A_2073 = arith.cmpi eq, %iota3A_8, %eq3A_2072 : vector<16x98xi32>
        %eq3A_2074 = vector.broadcast %select_n3A_492 : i32 to vector<16x98xi32>
        %eq3A_2075 = arith.cmpi eq, %iota3A_7, %eq3A_2074 : vector<16x98xi32>
        %and3A_2076 = arith.andi %eq3A_2073, %eq3A_2075 : vector<16x98xi1>
        %get3A_2077 = arith.constant 0 : index
        %get3A_2078 = arith.constant 0 : index
        %get3A_2079 = vector.load %arg17[%get3A_2077, %get3A_2078] : memref<16x98xf32, #tpu.memory_space<vmem>>, vector<16x98xf32>
        %broadcast_in_dim3A_2080 = vector.broadcast %add3A_2068 : f32 to vector<16x98xf32>
        %select_n3A_2081 = arith.select %and3A_2076, %broadcast_in_dim3A_2080, %get3A_2079 : vector<16x98xi1>, vector<16x98xf32>
        %swap3A_2082 = arith.constant 0 : index
        %swap3A_2083 = arith.constant 0 : index
        %swap3A_2084 = vector.load %arg17[%swap3A_2082, %swap3A_2083] : memref<16x98xf32, #tpu.memory_space<vmem>>, vector<16x98xf32>
        tpu.vector_store %arg17[%swap3A_2082, %swap3A_2083], %select_n3A_2081 {strides = array<i32>} : memref<16x98xf32, #tpu.memory_space<vmem>>, vector<16x98xf32>,
        %get3A_2085 = arith.constant 0 : index
        %get3A_2086 = arith.constant 0 : index
        %get3A_2087 = vector.load %arg18[%get3A_2085, %get3A_2086] : memref<16x98xi32, #tpu.memory_space<vmem>>, vector<16x98xi32>
        %broadcast_in_dim3A_2088 = vector.broadcast %add3A_2071 : i32 to vector<16x98xi32>
        %select_n3A_2089 = arith.select %and3A_2076, %broadcast_in_dim3A_2088, %get3A_2087 : vector<16x98xi1>, vector<16x98xi32>
        %swap3A_2090 = arith.constant 0 : index
        %swap3A_2091 = arith.constant 0 : index
        %swap3A_2092 = vector.load %arg18[%swap3A_2090, %swap3A_2091] : memref<16x98xi32, #tpu.memory_space<vmem>>, vector<16x98xi32>
        tpu.vector_store %arg18[%swap3A_2090, %swap3A_2091], %select_n3A_2089 {strides = array<i32>} : memref<16x98xi32, #tpu.memory_space<vmem>>, vector<16x98xi32>,
      } else {
      }
      %get3A_537 = arith.constant 0 : index
      %get3A_538 = arith.constant 0 : index
      %get3A_539 = vector.load %arg15[%get3A_537, %get3A_538] : memref<16x98xf32, #tpu.memory_space<vmem>>, vector<16x98xf32>
      %get3A_540 = arith.constant 0 : index
      %get3A_541 = arith.constant 0 : index
      %get3A_542 = vector.load %arg16[%get3A_540, %get3A_541] : memref<16x98xi32, #tpu.memory_space<vmem>>, vector<16x98xi32>
      %reduce_max3A_543 = vector.shape_cast %get3A_539 : vector<16x98xf32> to vector<1x16x98xf32>
      %reduce_max3A_544 = arith.constant dense<0xFF800000> : vector<1xf32>
      %reduce_max3A_545 = vector.multi_reduction <maximumf>, %reduce_max3A_543, %reduce_max3A_544 [1, 2] : vector<1x16x98xf32> to vector<1xf32>
      %reduce_max3A_546 = vector.shape_cast %reduce_max3A_545 : vector<1xf32> to vector<1x1x1xf32>
      %reduce_max3A_547 = vector.extract %reduce_max3A_546[0, 0, 0] : f32 from vector<1x1x1xf32>
      %eq3A_548 = vector.broadcast %reduce_max3A_547 : f32 to vector<16x98xf32>
      %eq3A_549 = arith.cmpf oeq, %get3A_539, %eq3A_548 : vector<16x98xf32>
      %jit3A_550 = arith.constant 1073741824 : i32
      %broadcast_in_dim3A_551 = vector.broadcast %jit3A_550 : i32 to vector<16x98xi32>
      %select_n3A_552 = arith.select %eq3A_549, %get3A_542, %broadcast_in_dim3A_551 : vector<16x98xi1>, vector<16x98xi32>
      %reduce_min3A_553 = vector.shape_cast %select_n3A_552 : vector<16x98xi32> to vector<1x16x98xi32>
      %reduce_min3A_554 = arith.constant dense<2147483647> : vector<1xi32>
      %reduce_min3A_555 = vector.multi_reduction <minsi>, %reduce_min3A_553, %reduce_min3A_554 [1, 2] : vector<1x16x98xi32> to vector<1xi32>
      %reduce_min3A_556 = vector.shape_cast %reduce_min3A_555 : vector<1xi32> to vector<1x1x1xi32>
      %reduce_min3A_557 = vector.extract %reduce_min3A_556[0, 0, 0] : i32 from vector<1x1x1xi32>
      %eq3A_558 = vector.broadcast %reduce_min3A_557 : i32 to vector<16x98xi32>
      %eq3A_559 = arith.cmpi eq, %get3A_542, %eq3A_558 : vector<16x98xi32>
      %jit3A_560 = arith.constant -1.000000e+30 : f32
      %broadcast_in_dim3A_561 = vector.broadcast %jit3A_560 : f32 to vector<16x98xf32>
      %select_n3A_562 = arith.select %eq3A_559, %broadcast_in_dim3A_561, %get3A_539 : vector<16x98xi1>, vector<16x98xf32>
      %swap3A_563 = arith.constant 0 : index
      %swap3A_564 = arith.constant 0 : index
      %swap3A_565 = vector.load %arg15[%swap3A_563, %swap3A_564] : memref<16x98xf32, #tpu.memory_space<vmem>>, vector<16x98xf32>
      tpu.vector_store %arg15[%swap3A_563, %swap3A_564], %select_n3A_562 {strides = array<i32>} : memref<16x98xf32, #tpu.memory_space<vmem>>, vector<16x98xf32>,
      %jit3A_566 = arith.constant 100000 : i32
      %div3A_567 = arith.divsi %reduce_min3A_557, %jit3A_566 : i32
      %sign3A_568 = arith.constant 0 : i32
      %sign3A_569 = arith.cmpi sgt, %reduce_min3A_557, %sign3A_568 : i32
      %sign3A_570 = arith.extui %sign3A_569 : i1 to i32
      %sign3A_571 = arith.constant 0 : i32
      %sign3A_572 = arith.cmpi slt, %reduce_min3A_557, %sign3A_571 : i32
      %sign3A_573 = arith.extui %sign3A_572 : i1 to i32
      %sign3A_574 = arith.subi %sign3A_570, %sign3A_573 : i32
      %sign3A_575 = arith.constant 0 : i32
      %sign3A_576 = arith.cmpi sgt, %jit3A_566, %sign3A_575 : i32
      %sign3A_577 = arith.extui %sign3A_576 : i1 to i32
      %sign3A_578 = arith.constant 0 : i32
      %sign3A_579 = arith.cmpi slt, %jit3A_566, %sign3A_578 : i32
      %sign3A_580 = arith.extui %sign3A_579 : i1 to i32
      %sign3A_581 = arith.subi %sign3A_577, %sign3A_580 : i32
      %ne3A_582 = arith.cmpi ne, %sign3A_574, %sign3A_581 : i32
      %rem3A_583 = arith.remsi %reduce_min3A_557, %jit3A_566 : i32
      %ne3A_584 = arith.constant 0 : i32
      %ne3A_585 = arith.cmpi ne, %rem3A_583, %ne3A_584 : i32
      %and3A_586 = arith.andi %ne3A_582, %ne3A_585 : i1
      %sub3A_587 = arith.constant 1 : i32
      %sub3A_588 = arith.subi %div3A_567, %sub3A_587 : i32
      %select_n3A_589 = arith.select %and3A_586, %sub3A_588, %div3A_567 : i32
      %mul3A_590 = arith.constant 100000 : i32
      %mul3A_591 = arith.muli %select_n3A_589, %mul3A_590 : i32
      %sub3A_592 = arith.subi %reduce_min3A_557, %mul3A_591 : i32
      %jit3A_593 = arith.constant 1024 : i32
      %div3A_594 = arith.divsi %sub3A_592, %jit3A_593 : i32
      %sign3A_595 = arith.constant 0 : i32
      %sign3A_596 = arith.cmpi sgt, %sub3A_592, %sign3A_595 : i32
      %sign3A_597 = arith.extui %sign3A_596 : i1 to i32
      %sign3A_598 = arith.constant 0 : i32
      %sign3A_599 = arith.cmpi slt, %sub3A_592, %sign3A_598 : i32
      %sign3A_600 = arith.extui %sign3A_599 : i1 to i32
      %sign3A_601 = arith.subi %sign3A_597, %sign3A_600 : i32
      %sign3A_602 = arith.constant 0 : i32
      %sign3A_603 = arith.cmpi sgt, %jit3A_593, %sign3A_602 : i32
      %sign3A_604 = arith.extui %sign3A_603 : i1 to i32
      %sign3A_605 = arith.constant 0 : i32
      %sign3A_606 = arith.cmpi slt, %jit3A_593, %sign3A_605 : i32
      %sign3A_607 = arith.extui %sign3A_606 : i1 to i32
      %sign3A_608 = arith.subi %sign3A_604, %sign3A_607 : i32
      %ne3A_609 = arith.cmpi ne, %sign3A_601, %sign3A_608 : i32
      %rem3A_610 = arith.remsi %sub3A_592, %jit3A_593 : i32
      %ne3A_611 = arith.constant 0 : i32
      %ne3A_612 = arith.cmpi ne, %rem3A_610, %ne3A_611 : i32
      %and3A_613 = arith.andi %ne3A_609, %ne3A_612 : i1
      %sub3A_614 = arith.constant 1 : i32
      %sub3A_615 = arith.subi %div3A_594, %sub3A_614 : i32
      %select_n3A_616 = arith.select %and3A_613, %sub3A_615, %div3A_594 : i32
      %mul3A_617 = arith.constant 98 : i32
      %mul3A_618 = arith.muli %select_n3A_589, %mul3A_617 : i32
      %add3A_619 = arith.addi %mul3A_618, %select_n3A_616 : i32
      %get3A_620 = arith.constant 0 : index
      %get3A_621 = arith.constant 0 : index
      %get3A_622 = vector.load %arg17[%get3A_620, %get3A_621] : memref<16x98xf32, #tpu.memory_space<vmem>>, vector<16x98xf32>
      %get3A_623 = arith.constant 0 : index
      %get3A_624 = arith.constant 0 : index
      %get3A_625 = vector.load %arg18[%get3A_623, %get3A_624] : memref<16x98xi32, #tpu.memory_space<vmem>>, vector<16x98xi32>
      %reduce_max3A_626 = vector.shape_cast %get3A_622 : vector<16x98xf32> to vector<1x16x98xf32>
      %reduce_max3A_627 = arith.constant dense<0xFF800000> : vector<1xf32>
      %reduce_max3A_628 = vector.multi_reduction <maximumf>, %reduce_max3A_626, %reduce_max3A_627 [1, 2] : vector<1x16x98xf32> to vector<1xf32>
      %reduce_max3A_629 = vector.shape_cast %reduce_max3A_628 : vector<1xf32> to vector<1x1x1xf32>
      %reduce_max3A_630 = vector.extract %reduce_max3A_629[0, 0, 0] : f32 from vector<1x1x1xf32>
      %eq3A_631 = vector.broadcast %reduce_max3A_630 : f32 to vector<16x98xf32>
      %eq3A_632 = arith.cmpf oeq, %get3A_622, %eq3A_631 : vector<16x98xf32>
      %jit3A_633 = arith.constant 1073741824 : i32
      %broadcast_in_dim3A_634 = vector.broadcast %jit3A_633 : i32 to vector<16x98xi32>
      %select_n3A_635 = arith.select %eq3A_632, %get3A_625, %broadcast_in_dim3A_634 : vector<16x98xi1>, vector<16x98xi32>
      %reduce_min3A_636 = vector.shape_cast %select_n3A_635 : vector<16x98xi32> to vector<1x16x98xi32>
      %reduce_min3A_637 = arith.constant dense<2147483647> : vector<1xi32>
      %reduce_min3A_638 = vector.multi_reduction <minsi>, %reduce_min3A_636, %reduce_min3A_637 [1, 2] : vector<1x16x98xi32> to vector<1xi32>
      %reduce_min3A_639 = vector.shape_cast %reduce_min3A_638 : vector<1xi32> to vector<1x1x1xi32>
      %reduce_min3A_640 = vector.extract %reduce_min3A_639[0, 0, 0] : i32 from vector<1x1x1xi32>
      %eq3A_641 = vector.broadcast %reduce_min3A_640 : i32 to vector<16x98xi32>
      %eq3A_642 = arith.cmpi eq, %get3A_625, %eq3A_641 : vector<16x98xi32>
      %jit3A_643 = arith.constant -1.000000e+30 : f32
      %broadcast_in_dim3A_644 = vector.broadcast %jit3A_643 : f32 to vector<16x98xf32>
      %select_n3A_645 = arith.select %eq3A_642, %broadcast_in_dim3A_644, %get3A_622 : vector<16x98xi1>, vector<16x98xf32>
      %swap3A_646 = arith.constant 0 : index
      %swap3A_647 = arith.constant 0 : index
      %swap3A_648 = vector.load %arg17[%swap3A_646, %swap3A_647] : memref<16x98xf32, #tpu.memory_space<vmem>>, vector<16x98xf32>
      tpu.vector_store %arg17[%swap3A_646, %swap3A_647], %select_n3A_645 {strides = array<i32>} : memref<16x98xf32, #tpu.memory_space<vmem>>, vector<16x98xf32>,
      %jit3A_649 = arith.constant 100000 : i32
      %div3A_650 = arith.divsi %reduce_min3A_640, %jit3A_649 : i32
      %sign3A_651 = arith.constant 0 : i32
      %sign3A_652 = arith.cmpi sgt, %reduce_min3A_640, %sign3A_651 : i32
      %sign3A_653 = arith.extui %sign3A_652 : i1 to i32
      %sign3A_654 = arith.constant 0 : i32
      %sign3A_655 = arith.cmpi slt, %reduce_min3A_640, %sign3A_654 : i32
      %sign3A_656 = arith.extui %sign3A_655 : i1 to i32
      %sign3A_657 = arith.subi %sign3A_653, %sign3A_656 : i32
      %sign3A_658 = arith.constant 0 : i32
      %sign3A_659 = arith.cmpi sgt, %jit3A_649, %sign3A_658 : i32
      %sign3A_660 = arith.extui %sign3A_659 : i1 to i32
      %sign3A_661 = arith.constant 0 : i32
      %sign3A_662 = arith.cmpi slt, %jit3A_649, %sign3A_661 : i32
      %sign3A_663 = arith.extui %sign3A_662 : i1 to i32
      %sign3A_664 = arith.subi %sign3A_660, %sign3A_663 : i32
      %ne3A_665 = arith.cmpi ne, %sign3A_657, %sign3A_664 : i32
      %rem3A_666 = arith.remsi %reduce_min3A_640, %jit3A_649 : i32
      %ne3A_667 = arith.constant 0 : i32
      %ne3A_668 = arith.cmpi ne, %rem3A_666, %ne3A_667 : i32
      %and3A_669 = arith.andi %ne3A_665, %ne3A_668 : i1
      %sub3A_670 = arith.constant 1 : i32
      %sub3A_671 = arith.subi %div3A_650, %sub3A_670 : i32
      %select_n3A_672 = arith.select %and3A_669, %sub3A_671, %div3A_650 : i32
      %mul3A_673 = arith.constant 100000 : i32
      %mul3A_674 = arith.muli %select_n3A_672, %mul3A_673 : i32
      %sub3A_675 = arith.subi %reduce_min3A_640, %mul3A_674 : i32
      %jit3A_676 = arith.constant 1024 : i32
      %div3A_677 = arith.divsi %sub3A_675, %jit3A_676 : i32
      %sign3A_678 = arith.constant 0 : i32
      %sign3A_679 = arith.cmpi sgt, %sub3A_675, %sign3A_678 : i32
      %sign3A_680 = arith.extui %sign3A_679 : i1 to i32
      %sign3A_681 = arith.constant 0 : i32
      %sign3A_682 = arith.cmpi slt, %sub3A_675, %sign3A_681 : i32
      %sign3A_683 = arith.extui %sign3A_682 : i1 to i32
      %sign3A_684 = arith.subi %sign3A_680, %sign3A_683 : i32
      %sign3A_685 = arith.constant 0 : i32
      %sign3A_686 = arith.cmpi sgt, %jit3A_676, %sign3A_685 : i32
      %sign3A_687 = arith.extui %sign3A_686 : i1 to i32
      %sign3A_688 = arith.constant 0 : i32
      %sign3A_689 = arith.cmpi slt, %jit3A_676, %sign3A_688 : i32
      %sign3A_690 = arith.extui %sign3A_689 : i1 to i32
      %sign3A_691 = arith.subi %sign3A_687, %sign3A_690 : i32
      %ne3A_692 = arith.cmpi ne, %sign3A_684, %sign3A_691 : i32
      %rem3A_693 = arith.remsi %sub3A_675, %jit3A_676 : i32
      %ne3A_694 = arith.constant 0 : i32
      %ne3A_695 = arith.cmpi ne, %rem3A_693, %ne3A_694 : i32
      %and3A_696 = arith.andi %ne3A_692, %ne3A_695 : i1
      %sub3A_697 = arith.constant 1 : i32
      %sub3A_698 = arith.subi %div3A_677, %sub3A_697 : i32
      %select_n3A_699 = arith.select %and3A_696, %sub3A_698, %div3A_677 : i32
      %mul3A_700 = arith.constant 98 : i32
      %mul3A_701 = arith.muli %select_n3A_672, %mul3A_700 : i32
      %add3A_702 = arith.addi %mul3A_701, %select_n3A_699 : i32
      %eq3A_703 = arith.constant 2 : i32
      %eq3A_704 = vector.broadcast %eq3A_703 : i32 to vector<8x1xi32>
      %eq3A_705 = arith.cmpi eq, %iota3A_9, %eq3A_704 : vector<8x1xi32>
      %jit3A_706 = arith.constant 0.000000e+00 : f32
      %broadcast_in_dim3A_707 = vector.broadcast %reduce_max3A_547 : f32 to vector<8x1xf32>
      %broadcast_in_dim3A_708 = vector.broadcast %jit3A_706 : f32 to vector<8x1xf32>
      %select_n3A_709 = arith.select %eq3A_705, %broadcast_in_dim3A_707, %broadcast_in_dim3A_708 : vector<8x1xi1>, vector<8x1xf32>
      %add3A_710 = arith.addf %add3A_503, %select_n3A_709 : vector<8x1xf32>
      %eq3A_711 = arith.constant 2 : i32
      %eq3A_712 = vector.broadcast %eq3A_711 : i32 to vector<8x1xi32>
      %eq3A_713 = arith.cmpi eq, %iota3A_9, %eq3A_712 : vector<8x1xi32>
      %jit3A_714 = arith.constant 0 : i32
      %broadcast_in_dim3A_715 = vector.broadcast %reduce_min3A_557 : i32 to vector<8x1xi32>
      %broadcast_in_dim3A_716 = vector.broadcast %jit3A_714 : i32 to vector<8x1xi32>
      %select_n3A_717 = arith.select %eq3A_713, %broadcast_in_dim3A_715, %broadcast_in_dim3A_716 : vector<8x1xi1>, vector<8x1xi32>
      %add3A_718 = arith.addi %add3A_511, %select_n3A_717 : vector<8x1xi32>
      %eq3A_719 = arith.constant 2 : i32
      %eq3A_720 = vector.broadcast %eq3A_719 : i32 to vector<8x1xi32>
      %eq3A_721 = arith.cmpi eq, %iota3A_9, %eq3A_720 : vector<8x1xi32>
      %jit3A_722 = arith.constant 0.000000e+00 : f32
      %broadcast_in_dim3A_723 = vector.broadcast %reduce_max3A_630 : f32 to vector<8x1xf32>
      %broadcast_in_dim3A_724 = vector.broadcast %jit3A_722 : f32 to vector<8x1xf32>
      %select_n3A_725 = arith.select %eq3A_721, %broadcast_in_dim3A_723, %broadcast_in_dim3A_724 : vector<8x1xi1>, vector<8x1xf32>
      %add3A_726 = arith.addf %add3A_519, %select_n3A_725 : vector<8x1xf32>
      %eq3A_727 = arith.constant 2 : i32
      %eq3A_728 = vector.broadcast %eq3A_727 : i32 to vector<8x1xi32>
      %eq3A_729 = arith.cmpi eq, %iota3A_9, %eq3A_728 : vector<8x1xi32>
      %jit3A_730 = arith.constant 0 : i32
      %broadcast_in_dim3A_731 = vector.broadcast %reduce_min3A_640 : i32 to vector<8x1xi32>
      %broadcast_in_dim3A_732 = vector.broadcast %jit3A_730 : i32 to vector<8x1xi32>
      %select_n3A_733 = arith.select %eq3A_729, %broadcast_in_dim3A_731, %broadcast_in_dim3A_732 : vector<8x1xi1>, vector<8x1xi32>
      %add3A_734 = arith.addi %add3A_527, %select_n3A_733 : vector<8x1xi32>
      %eq3A_735 = arith.cmpi eq, %add3A_214, %add3A_619 : i32
      %or3A_736 = arith.constant false
      %or3A_737 = arith.ori %or3A_736, %eq3A_735 : i1
      %eq3A_738 = arith.cmpi eq, %add3A_412, %add3A_619 : i32
      %or3A_739 = arith.ori %or3A_737, %eq3A_738 : i1
      %eq3A_740 = arith.cmpi eq, %add3A_297, %add3A_702 : i32
      %or3A_741 = arith.constant false
      %or3A_742 = arith.ori %or3A_741, %eq3A_740 : i1
      %eq3A_743 = arith.cmpi eq, %add3A_495, %add3A_702 : i32
      %or3A_744 = arith.ori %or3A_742, %eq3A_743 : i1
      %convert_element_type3A_745 = arith.extui %or3A_739 : i1 to i32
      %cond3A_746 = arith.constant 0 : i32
      %cond3A_747 = arith.cmpi ne, %convert_element_type3A_745, %cond3A_746 : i32
      scf.if %cond3A_747 {
        %mul3A_2001 = arith.constant 8 : i32
        %mul3A_2002 = arith.muli %mul3A_15, %mul3A_2001 : i32
        %add3A_2003 = arith.addi %mul3A_2002, %select_n3A_589 : i32
        %mul3A_2004 = arith.constant 1024 : i32
        %mul3A_2005 = arith.muli %select_n3A_616, %mul3A_2004 : i32
        %min3A = arith.constant 98976 : i32
        %min3A_2006 = arith.minsi %mul3A_2005, %min3A : i32
        %multiple_of3A_2007 = tpu.assume_multiple %min3A_2006, 8 : i32
        %dma_start3A = arith.constant 0 : i32
        %dma_start3A_2008 = tpu.memref_slice %arg9[%multiple_of3A_2007, %dma_start3A] : memref<100000x512xf32, #tpu.memory_space<any>> -> memref<1024x512xf32, #tpu.memory_space<any>>
        tpu.enqueue_dma source(%dma_start3A_2008 : memref<1024x512xf32, #tpu.memory_space<any>>) target(%arg19 : memref<1024x512xf32, #tpu.memory_space<vmem>>) target_semaphore(%arg20 : memref<!tpu.dma_semaphore, #tpu.memory_space<semaphore_mem>>)
        %dma_wait3A = arith.constant 0 : i32
        %dma_wait3A_2009 = tpu.memref_slice %arg9[%multiple_of3A_2007, %dma_wait3A] : memref<100000x512xf32, #tpu.memory_space<any>> -> memref<1024x512xf32, #tpu.memory_space<any>>
        tpu.wait_dma2 semaphore(%arg20 : memref<!tpu.dma_semaphore, #tpu.memory_space<semaphore_mem>>) src(%dma_wait3A_2009 : memref<1024x512xf32, #tpu.memory_space<any>>) dst(%arg19 : memref<1024x512xf32, #tpu.memory_space<vmem>>)
        %iota3A_2010 = tpu.iota {dimensions = array<i32: 0>} : vector<8x512xi32>
        %iota3A_2011 = tpu.iota {dimensions = array<i32: 1>} : vector<8x512xi32>
        %broadcast_in_dim3A_2012 = arith.constant -1.000000e+30 : f32
        %broadcast_in_dim3A_2013 = vector.broadcast %broadcast_in_dim3A_2012 : f32 to vector<8x512xf32>
        %broadcast_in_dim3A_2014 = arith.constant 0 : i32
        %broadcast_in_dim3A_2015 = vector.broadcast %broadcast_in_dim3A_2014 : i32 to vector<8x512xi32>
        %scan3A_2016 = arith.constant 0 : i32
        %scan3A_2017 = arith.constant 128 : i32
        %scan3A_2018 = arith.addi %scan3A_2016, %scan3A_2017 : i32
        %scan3A_2019 = arith.constant 1 : i32
        %scan3A_2020:2 = scf.for %scan3A_2093 = %scan3A_2016 to %scan3A_2018 step %scan3A_2019 iter_args(%scan3A_2094 = %broadcast_in_dim3A_2013, %scan3A_2095 = %broadcast_in_dim3A_2015) -> (vector<8x512xf32>, vector<8x512xi32>)  : i32 {
          %mul3A_2096 = arith.constant 8 : i32
          %mul3A_2097 = arith.muli %scan3A_2093, %mul3A_2096 : i32
          %get3A_2098 = arith.index_cast %mul3A_2097 : i32 to index
          %get3A_2099 = arith.constant 0 : index
          %get3A_2100 = vector.load %arg19[%get3A_2098, %get3A_2099] : memref<1024x512xf32, #tpu.memory_space<vmem>>, vector<8x512xf32>
          %mul3A_2101 = arith.constant 8 : i32
          %mul3A_2102 = arith.muli %scan3A_2093, %mul3A_2101 : i32
          %add3A_2103 = arith.addi %min3A_2006, %mul3A_2102 : i32
          %add3A_2104 = vector.broadcast %add3A_2103 : i32 to vector<8x512xi32>
          %add3A_2105 = arith.addi %add3A_2104, %iota3A_2010 : vector<8x512xi32>
          %eq3A_2106 = vector.broadcast %add3A_2003 : i32 to vector<8x512xi32>
          %eq3A_2107 = arith.cmpi eq, %iota3A_2011, %eq3A_2106 : vector<8x512xi32>
          %jit3A_2108 = arith.constant 1024 : i32
          %div3A_2109 = vector.broadcast %jit3A_2108 : i32 to vector<8x512xi32>
          %div3A_2110 = arith.divsi %add3A_2105, %div3A_2109 : vector<8x512xi32>
          %sign3A_2111 = arith.constant 0 : i32
          %sign3A_2112 = vector.broadcast %sign3A_2111 : i32 to vector<8x512xi32>
          %sign3A_2113 = arith.cmpi sgt, %add3A_2105, %sign3A_2112 : vector<8x512xi32>
          %sign3A_2114 = arith.extui %sign3A_2113 : vector<8x512xi1> to vector<8x512xi32>
          %sign3A_2115 = arith.constant 0 : i32
          %sign3A_2116 = vector.broadcast %sign3A_2115 : i32 to vector<8x512xi32>
          %sign3A_2117 = arith.cmpi slt, %add3A_2105, %sign3A_2116 : vector<8x512xi32>
          %sign3A_2118 = arith.extui %sign3A_2117 : vector<8x512xi1> to vector<8x512xi32>
          %sign3A_2119 = arith.subi %sign3A_2114, %sign3A_2118 : vector<8x512xi32>
          %sign3A_2120 = arith.constant 0 : i32
          %sign3A_2121 = arith.cmpi sgt, %jit3A_2108, %sign3A_2120 : i32
          %sign3A_2122 = arith.extui %sign3A_2121 : i1 to i32
          %sign3A_2123 = arith.constant 0 : i32
          %sign3A_2124 = arith.cmpi slt, %jit3A_2108, %sign3A_2123 : i32
          %sign3A_2125 = arith.extui %sign3A_2124 : i1 to i32
          %sign3A_2126 = arith.subi %sign3A_2122, %sign3A_2125 : i32
          %ne3A_2127 = vector.broadcast %sign3A_2126 : i32 to vector<8x512xi32>
          %ne3A_2128 = arith.cmpi ne, %sign3A_2119, %ne3A_2127 : vector<8x512xi32>
          %rem3A_2129 = vector.broadcast %jit3A_2108 : i32 to vector<8x512xi32>
          %rem3A_2130 = arith.remsi %add3A_2105, %rem3A_2129 : vector<8x512xi32>
          %ne3A_2131 = arith.constant 0 : i32
          %ne3A_2132 = vector.broadcast %ne3A_2131 : i32 to vector<8x512xi32>
          %ne3A_2133 = arith.cmpi ne, %rem3A_2130, %ne3A_2132 : vector<8x512xi32>
          %and3A_2134 = arith.andi %ne3A_2128, %ne3A_2133 : vector<8x512xi1>
          %sub3A_2135 = arith.constant 1 : i32
          %sub3A_2136 = vector.broadcast %sub3A_2135 : i32 to vector<8x512xi32>
          %sub3A_2137 = arith.subi %div3A_2110, %sub3A_2136 : vector<8x512xi32>
          %select_n3A_2138 = arith.select %and3A_2134, %sub3A_2137, %div3A_2110 : vector<8x512xi1>, vector<8x512xi32>
          %eq3A_2139 = vector.broadcast %select_n3A_616 : i32 to vector<8x512xi32>
          %eq3A_2140 = arith.cmpi eq, %select_n3A_2138, %eq3A_2139 : vector<8x512xi32>
          %and3A_2141 = arith.andi %eq3A_2107, %eq3A_2140 : vector<8x512xi1>
          %lt3A_2142 = arith.constant 100000 : i32
          %lt3A_2143 = vector.broadcast %lt3A_2142 : i32 to vector<8x512xi32>
          %lt3A_2144 = arith.cmpi slt, %add3A_2105, %lt3A_2143 : vector<8x512xi32>
          %and3A_2145 = arith.andi %and3A_2141, %lt3A_2144 : vector<8x512xi1>
          %eq3A_2146 = arith.constant 2 : i32
          %eq3A_2147 = vector.broadcast %eq3A_2146 : i32 to vector<8x512xi32>
          %eq3A_2148 = arith.cmpi eq, %add3A_2105, %eq3A_2147 : vector<8x512xi32>
          %and3A_2149 = vector.broadcast %lt3A_2 : i1 to vector<8x512xi1>
          %and3A_2150 = arith.andi %and3A_2149, %eq3A_2148 : vector<8x512xi1>
          %not3A = arith.constant dense<true> : vector<8x512xi1>
          %not3A_2151 = arith.xori %and3A_2150, %not3A : vector<8x512xi1>
          %and3A_2152 = arith.andi %and3A_2145, %not3A_2151 : vector<8x512xi1>
          %mul3A_2153 = arith.constant 100000 : i32
          %mul3A_2154 = arith.muli %select_n3A_589, %mul3A_2153 : i32
          %add3A_2155 = vector.broadcast %mul3A_2154 : i32 to vector<8x512xi32>
          %add3A_2156 = arith.addi %add3A_2155, %add3A_2105 : vector<8x512xi32>
          %ne3A_2157 = vector.broadcast %reduce_min3A_157 : i32 to vector<8x512xi32>
          %ne3A_2158 = arith.cmpi ne, %add3A_2156, %ne3A_2157 : vector<8x512xi32>
          %and3A_2159 = arith.andi %and3A_2152, %ne3A_2158 : vector<8x512xi1>
          %ne3A_2160 = vector.broadcast %reduce_min3A_350 : i32 to vector<8x512xi32>
          %ne3A_2161 = arith.cmpi ne, %add3A_2156, %ne3A_2160 : vector<8x512xi32>
          %and3A_2162 = arith.andi %and3A_2159, %ne3A_2161 : vector<8x512xi1>
          %ne3A_2163 = vector.broadcast %reduce_min3A_557 : i32 to vector<8x512xi32>
          %ne3A_2164 = arith.cmpi ne, %add3A_2156, %ne3A_2163 : vector<8x512xi32>
          %and3A_2165 = arith.andi %and3A_2162, %ne3A_2164 : vector<8x512xi1>
          %jit3A_2166 = arith.constant -1.000000e+30 : f32
          %broadcast_in_dim3A_2167 = vector.broadcast %jit3A_2166 : f32 to vector<8x512xf32>
          %select_n3A_2168 = arith.select %and3A_2165, %get3A_2100, %broadcast_in_dim3A_2167 : vector<8x512xi1>, vector<8x512xf32>
          %gt3A = arith.cmpf ogt, %select_n3A_2168, %scan3A_2094 : vector<8x512xf32>
          %max3A = arith.maximumf %select_n3A_2168, %scan3A_2094 : vector<8x512xf32>
          %select_n3A_2169 = arith.select %gt3A, %add3A_2105, %scan3A_2095 : vector<8x512xi1>, vector<8x512xi32>
          scf.yield %max3A, %select_n3A_2169 : vector<8x512xf32>, vector<8x512xi32>
        }
        %scan3A_2021 = arith.constant 128 : i32
        %reduce_max3A_2022 = vector.shape_cast %scan3A_2020#0 : vector<8x512xf32> to vector<1x8x512xf32>
        %reduce_max3A_2023 = arith.constant dense<0xFF800000> : vector<1xf32>
        %reduce_max3A_2024 = vector.multi_reduction <maximumf>, %reduce_max3A_2022, %reduce_max3A_2023 [1, 2] : vector<1x8x512xf32> to vector<1xf32>
        %reduce_max3A_2025 = vector.shape_cast %reduce_max3A_2024 : vector<1xf32> to vector<1x1x1xf32>
        %reduce_max3A_2026 = vector.extract %reduce_max3A_2025[0, 0, 0] : f32 from vector<1x1x1xf32>
        %eq3A_2027 = vector.broadcast %reduce_max3A_2026 : f32 to vector<8x512xf32>
        %eq3A_2028 = arith.cmpf oeq, %scan3A_2020#0, %eq3A_2027 : vector<8x512xf32>
        %jit3A_2029 = arith.constant 1073741824 : i32
        %broadcast_in_dim3A_2030 = vector.broadcast %jit3A_2029 : i32 to vector<8x512xi32>
        %select_n3A_2031 = arith.select %eq3A_2028, %scan3A_2020#1, %broadcast_in_dim3A_2030 : vector<8x512xi1>, vector<8x512xi32>
        %reduce_min3A_2032 = vector.shape_cast %select_n3A_2031 : vector<8x512xi32> to vector<1x8x512xi32>
        %reduce_min3A_2033 = arith.constant dense<2147483647> : vector<1xi32>
        %reduce_min3A_2034 = vector.multi_reduction <minsi>, %reduce_min3A_2032, %reduce_min3A_2033 [1, 2] : vector<1x8x512xi32> to vector<1xi32>
        %reduce_min3A_2035 = vector.shape_cast %reduce_min3A_2034 : vector<1xi32> to vector<1x1x1xi32>
        %reduce_min3A_2036 = vector.extract %reduce_min3A_2035[0, 0, 0] : i32 from vector<1x1x1xi32>
        %eq3A_2037 = vector.broadcast %select_n3A_589 : i32 to vector<8x1xi32>
        %eq3A_2038 = arith.cmpi eq, %iota3A_9, %eq3A_2037 : vector<8x1xi32>
        %jit3A_2039 = arith.constant 0.000000e+00 : f32
        %broadcast_in_dim3A_2040 = vector.broadcast %jit3A_2039 : f32 to vector<8x1xf32>
        %select_n3A_2041 = arith.select %eq3A_2038, %get3A_26, %broadcast_in_dim3A_2040 : vector<8x1xi1>, vector<8x1xf32>
        %reduce_sum3A = vector.shape_cast %select_n3A_2041 : vector<8x1xf32> to vector<1x8x1xf32>
        %reduce_sum3A_2042 = arith.constant dense<0.000000e+00> : vector<1xf32>
        %reduce_sum3A_2043 = vector.multi_reduction <add>, %reduce_sum3A, %reduce_sum3A_2042 [1, 2] : vector<1x8x1xf32> to vector<1xf32>
        %reduce_sum3A_2044 = vector.shape_cast %reduce_sum3A_2043 : vector<1xf32> to vector<1x1x1xf32>
        %reduce_sum3A_2045 = vector.extract %reduce_sum3A_2044[0, 0, 0] : f32 from vector<1x1x1xf32>
        %eq3A_2046 = vector.broadcast %select_n3A_589 : i32 to vector<8x1xi32>
        %eq3A_2047 = arith.cmpi eq, %iota3A_9, %eq3A_2046 : vector<8x1xi32>
        %jit3A_2048 = arith.constant 0.000000e+00 : f32
        %broadcast_in_dim3A_2049 = vector.broadcast %jit3A_2048 : f32 to vector<8x1xf32>
        %select_n3A_2050 = arith.select %eq3A_2047, %get3A_29, %broadcast_in_dim3A_2049 : vector<8x1xi1>, vector<8x1xf32>
        %reduce_sum3A_2051 = vector.shape_cast %select_n3A_2050 : vector<8x1xf32> to vector<1x8x1xf32>
        %reduce_sum3A_2052 = arith.constant dense<0.000000e+00> : vector<1xf32>
        %reduce_sum3A_2053 = vector.multi_reduction <add>, %reduce_sum3A_2051, %reduce_sum3A_2052 [1, 2] : vector<1x8x1xf32> to vector<1xf32>
        %reduce_sum3A_2054 = vector.shape_cast %reduce_sum3A_2053 : vector<1xf32> to vector<1x1x1xf32>
        %reduce_sum3A_2055 = vector.extract %reduce_sum3A_2054[0, 0, 0] : f32 from vector<1x1x1xf32>
        %eq3A_2056 = vector.broadcast %select_n3A_589 : i32 to vector<8x1xi32>
        %eq3A_2057 = arith.cmpi eq, %iota3A_9, %eq3A_2056 : vector<8x1xi32>
        %jit3A_2058 = arith.constant 0.000000e+00 : f32
        %broadcast_in_dim3A_2059 = vector.broadcast %jit3A_2058 : f32 to vector<8x1xf32>
        %select_n3A_2060 = arith.select %eq3A_2057, %get3A_32, %broadcast_in_dim3A_2059 : vector<8x1xi1>, vector<8x1xf32>
        %reduce_sum3A_2061 = vector.shape_cast %select_n3A_2060 : vector<8x1xf32> to vector<1x8x1xf32>
        %reduce_sum3A_2062 = arith.constant dense<0.000000e+00> : vector<1xf32>
        %reduce_sum3A_2063 = vector.multi_reduction <add>, %reduce_sum3A_2061, %reduce_sum3A_2062 [1, 2] : vector<1x8x1xf32> to vector<1xf32>
        %reduce_sum3A_2064 = vector.shape_cast %reduce_sum3A_2063 : vector<1xf32> to vector<1x1x1xf32>
        %reduce_sum3A_2065 = vector.extract %reduce_sum3A_2064[0, 0, 0] : f32 from vector<1x1x1xf32>
        %sub3A_2066 = arith.subf %reduce_max3A_2026, %reduce_sum3A_2045 : f32
        %sub3A_2067 = arith.subf %sub3A_2066, %reduce_sum3A_2055 : f32
        %add3A_2068 = arith.addf %sub3A_2067, %reduce_sum3A_2065 : f32
        %mul3A_2069 = arith.constant 100000 : i32
        %mul3A_2070 = arith.muli %select_n3A_589, %mul3A_2069 : i32
        %add3A_2071 = arith.addi %mul3A_2070, %reduce_min3A_2036 : i32
        %eq3A_2072 = vector.broadcast %select_n3A_589 : i32 to vector<16x98xi32>
        %eq3A_2073 = arith.cmpi eq, %iota3A_8, %eq3A_2072 : vector<16x98xi32>
        %eq3A_2074 = vector.broadcast %select_n3A_616 : i32 to vector<16x98xi32>
        %eq3A_2075 = arith.cmpi eq, %iota3A_7, %eq3A_2074 : vector<16x98xi32>
        %and3A_2076 = arith.andi %eq3A_2073, %eq3A_2075 : vector<16x98xi1>
        %get3A_2077 = arith.constant 0 : index
        %get3A_2078 = arith.constant 0 : index
        %get3A_2079 = vector.load %arg15[%get3A_2077, %get3A_2078] : memref<16x98xf32, #tpu.memory_space<vmem>>, vector<16x98xf32>
        %broadcast_in_dim3A_2080 = vector.broadcast %add3A_2068 : f32 to vector<16x98xf32>
        %select_n3A_2081 = arith.select %and3A_2076, %broadcast_in_dim3A_2080, %get3A_2079 : vector<16x98xi1>, vector<16x98xf32>
        %swap3A_2082 = arith.constant 0 : index
        %swap3A_2083 = arith.constant 0 : index
        %swap3A_2084 = vector.load %arg15[%swap3A_2082, %swap3A_2083] : memref<16x98xf32, #tpu.memory_space<vmem>>, vector<16x98xf32>
        tpu.vector_store %arg15[%swap3A_2082, %swap3A_2083], %select_n3A_2081 {strides = array<i32>} : memref<16x98xf32, #tpu.memory_space<vmem>>, vector<16x98xf32>,
        %get3A_2085 = arith.constant 0 : index
        %get3A_2086 = arith.constant 0 : index
        %get3A_2087 = vector.load %arg16[%get3A_2085, %get3A_2086] : memref<16x98xi32, #tpu.memory_space<vmem>>, vector<16x98xi32>
        %broadcast_in_dim3A_2088 = vector.broadcast %add3A_2071 : i32 to vector<16x98xi32>
        %select_n3A_2089 = arith.select %and3A_2076, %broadcast_in_dim3A_2088, %get3A_2087 : vector<16x98xi1>, vector<16x98xi32>
        %swap3A_2090 = arith.constant 0 : index
        %swap3A_2091 = arith.constant 0 : index
        %swap3A_2092 = vector.load %arg16[%swap3A_2090, %swap3A_2091] : memref<16x98xi32, #tpu.memory_space<vmem>>, vector<16x98xi32>
        tpu.vector_store %arg16[%swap3A_2090, %swap3A_2091], %select_n3A_2089 {strides = array<i32>} : memref<16x98xi32, #tpu.memory_space<vmem>>, vector<16x98xi32>,
      } else {
      }
      %convert_element_type3A_748 = arith.extui %or3A_744 : i1 to i32
      %cond3A_749 = arith.constant 0 : i32
      %cond3A_750 = arith.cmpi ne, %convert_element_type3A_748, %cond3A_749 : i32
      scf.if %cond3A_750 {
        %mul3A_2001 = arith.constant 8 : i32
        %mul3A_2002 = arith.muli %add3A_18, %mul3A_2001 : i32
        %add3A_2003 = arith.addi %mul3A_2002, %select_n3A_672 : i32
        %mul3A_2004 = arith.constant 1024 : i32
        %mul3A_2005 = arith.muli %select_n3A_699, %mul3A_2004 : i32
        %min3A = arith.constant 98976 : i32
        %min3A_2006 = arith.minsi %mul3A_2005, %min3A : i32
        %multiple_of3A_2007 = tpu.assume_multiple %min3A_2006, 8 : i32
        %dma_start3A = arith.constant 0 : i32
        %dma_start3A_2008 = tpu.memref_slice %arg9[%multiple_of3A_2007, %dma_start3A] : memref<100000x512xf32, #tpu.memory_space<any>> -> memref<1024x512xf32, #tpu.memory_space<any>>
        tpu.enqueue_dma source(%dma_start3A_2008 : memref<1024x512xf32, #tpu.memory_space<any>>) target(%arg19 : memref<1024x512xf32, #tpu.memory_space<vmem>>) target_semaphore(%arg20 : memref<!tpu.dma_semaphore, #tpu.memory_space<semaphore_mem>>)
        %dma_wait3A = arith.constant 0 : i32
        %dma_wait3A_2009 = tpu.memref_slice %arg9[%multiple_of3A_2007, %dma_wait3A] : memref<100000x512xf32, #tpu.memory_space<any>> -> memref<1024x512xf32, #tpu.memory_space<any>>
        tpu.wait_dma2 semaphore(%arg20 : memref<!tpu.dma_semaphore, #tpu.memory_space<semaphore_mem>>) src(%dma_wait3A_2009 : memref<1024x512xf32, #tpu.memory_space<any>>) dst(%arg19 : memref<1024x512xf32, #tpu.memory_space<vmem>>)
        %iota3A_2010 = tpu.iota {dimensions = array<i32: 0>} : vector<8x512xi32>
        %iota3A_2011 = tpu.iota {dimensions = array<i32: 1>} : vector<8x512xi32>
        %broadcast_in_dim3A_2012 = arith.constant -1.000000e+30 : f32
        %broadcast_in_dim3A_2013 = vector.broadcast %broadcast_in_dim3A_2012 : f32 to vector<8x512xf32>
        %broadcast_in_dim3A_2014 = arith.constant 0 : i32
        %broadcast_in_dim3A_2015 = vector.broadcast %broadcast_in_dim3A_2014 : i32 to vector<8x512xi32>
        %scan3A_2016 = arith.constant 0 : i32
        %scan3A_2017 = arith.constant 128 : i32
        %scan3A_2018 = arith.addi %scan3A_2016, %scan3A_2017 : i32
        %scan3A_2019 = arith.constant 1 : i32
        %scan3A_2020:2 = scf.for %scan3A_2093 = %scan3A_2016 to %scan3A_2018 step %scan3A_2019 iter_args(%scan3A_2094 = %broadcast_in_dim3A_2013, %scan3A_2095 = %broadcast_in_dim3A_2015) -> (vector<8x512xf32>, vector<8x512xi32>)  : i32 {
          %mul3A_2096 = arith.constant 8 : i32
          %mul3A_2097 = arith.muli %scan3A_2093, %mul3A_2096 : i32
          %get3A_2098 = arith.index_cast %mul3A_2097 : i32 to index
          %get3A_2099 = arith.constant 0 : index
          %get3A_2100 = vector.load %arg19[%get3A_2098, %get3A_2099] : memref<1024x512xf32, #tpu.memory_space<vmem>>, vector<8x512xf32>
          %mul3A_2101 = arith.constant 8 : i32
          %mul3A_2102 = arith.muli %scan3A_2093, %mul3A_2101 : i32
          %add3A_2103 = arith.addi %min3A_2006, %mul3A_2102 : i32
          %add3A_2104 = vector.broadcast %add3A_2103 : i32 to vector<8x512xi32>
          %add3A_2105 = arith.addi %add3A_2104, %iota3A_2010 : vector<8x512xi32>
          %eq3A_2106 = vector.broadcast %add3A_2003 : i32 to vector<8x512xi32>
          %eq3A_2107 = arith.cmpi eq, %iota3A_2011, %eq3A_2106 : vector<8x512xi32>
          %jit3A_2108 = arith.constant 1024 : i32
          %div3A_2109 = vector.broadcast %jit3A_2108 : i32 to vector<8x512xi32>
          %div3A_2110 = arith.divsi %add3A_2105, %div3A_2109 : vector<8x512xi32>
          %sign3A_2111 = arith.constant 0 : i32
          %sign3A_2112 = vector.broadcast %sign3A_2111 : i32 to vector<8x512xi32>
          %sign3A_2113 = arith.cmpi sgt, %add3A_2105, %sign3A_2112 : vector<8x512xi32>
          %sign3A_2114 = arith.extui %sign3A_2113 : vector<8x512xi1> to vector<8x512xi32>
          %sign3A_2115 = arith.constant 0 : i32
          %sign3A_2116 = vector.broadcast %sign3A_2115 : i32 to vector<8x512xi32>
          %sign3A_2117 = arith.cmpi slt, %add3A_2105, %sign3A_2116 : vector<8x512xi32>
          %sign3A_2118 = arith.extui %sign3A_2117 : vector<8x512xi1> to vector<8x512xi32>
          %sign3A_2119 = arith.subi %sign3A_2114, %sign3A_2118 : vector<8x512xi32>
          %sign3A_2120 = arith.constant 0 : i32
          %sign3A_2121 = arith.cmpi sgt, %jit3A_2108, %sign3A_2120 : i32
          %sign3A_2122 = arith.extui %sign3A_2121 : i1 to i32
          %sign3A_2123 = arith.constant 0 : i32
          %sign3A_2124 = arith.cmpi slt, %jit3A_2108, %sign3A_2123 : i32
          %sign3A_2125 = arith.extui %sign3A_2124 : i1 to i32
          %sign3A_2126 = arith.subi %sign3A_2122, %sign3A_2125 : i32
          %ne3A_2127 = vector.broadcast %sign3A_2126 : i32 to vector<8x512xi32>
          %ne3A_2128 = arith.cmpi ne, %sign3A_2119, %ne3A_2127 : vector<8x512xi32>
          %rem3A_2129 = vector.broadcast %jit3A_2108 : i32 to vector<8x512xi32>
          %rem3A_2130 = arith.remsi %add3A_2105, %rem3A_2129 : vector<8x512xi32>
          %ne3A_2131 = arith.constant 0 : i32
          %ne3A_2132 = vector.broadcast %ne3A_2131 : i32 to vector<8x512xi32>
          %ne3A_2133 = arith.cmpi ne, %rem3A_2130, %ne3A_2132 : vector<8x512xi32>
          %and3A_2134 = arith.andi %ne3A_2128, %ne3A_2133 : vector<8x512xi1>
          %sub3A_2135 = arith.constant 1 : i32
          %sub3A_2136 = vector.broadcast %sub3A_2135 : i32 to vector<8x512xi32>
          %sub3A_2137 = arith.subi %div3A_2110, %sub3A_2136 : vector<8x512xi32>
          %select_n3A_2138 = arith.select %and3A_2134, %sub3A_2137, %div3A_2110 : vector<8x512xi1>, vector<8x512xi32>
          %eq3A_2139 = vector.broadcast %select_n3A_699 : i32 to vector<8x512xi32>
          %eq3A_2140 = arith.cmpi eq, %select_n3A_2138, %eq3A_2139 : vector<8x512xi32>
          %and3A_2141 = arith.andi %eq3A_2107, %eq3A_2140 : vector<8x512xi1>
          %lt3A_2142 = arith.constant 100000 : i32
          %lt3A_2143 = vector.broadcast %lt3A_2142 : i32 to vector<8x512xi32>
          %lt3A_2144 = arith.cmpi slt, %add3A_2105, %lt3A_2143 : vector<8x512xi32>
          %and3A_2145 = arith.andi %and3A_2141, %lt3A_2144 : vector<8x512xi1>
          %eq3A_2146 = arith.constant 2 : i32
          %eq3A_2147 = vector.broadcast %eq3A_2146 : i32 to vector<8x512xi32>
          %eq3A_2148 = arith.cmpi eq, %add3A_2105, %eq3A_2147 : vector<8x512xi32>
          %and3A_2149 = vector.broadcast %lt3A_2 : i1 to vector<8x512xi1>
          %and3A_2150 = arith.andi %and3A_2149, %eq3A_2148 : vector<8x512xi1>
          %not3A = arith.constant dense<true> : vector<8x512xi1>
          %not3A_2151 = arith.xori %and3A_2150, %not3A : vector<8x512xi1>
          %and3A_2152 = arith.andi %and3A_2145, %not3A_2151 : vector<8x512xi1>
          %mul3A_2153 = arith.constant 100000 : i32
          %mul3A_2154 = arith.muli %select_n3A_672, %mul3A_2153 : i32
          %add3A_2155 = vector.broadcast %mul3A_2154 : i32 to vector<8x512xi32>
          %add3A_2156 = arith.addi %add3A_2155, %add3A_2105 : vector<8x512xi32>
          %ne3A_2157 = vector.broadcast %reduce_min3A_235 : i32 to vector<8x512xi32>
          %ne3A_2158 = arith.cmpi ne, %add3A_2156, %ne3A_2157 : vector<8x512xi32>
          %and3A_2159 = arith.andi %and3A_2152, %ne3A_2158 : vector<8x512xi1>
          %ne3A_2160 = vector.broadcast %reduce_min3A_433 : i32 to vector<8x512xi32>
          %ne3A_2161 = arith.cmpi ne, %add3A_2156, %ne3A_2160 : vector<8x512xi32>
          %and3A_2162 = arith.andi %and3A_2159, %ne3A_2161 : vector<8x512xi1>
          %ne3A_2163 = vector.broadcast %reduce_min3A_640 : i32 to vector<8x512xi32>
          %ne3A_2164 = arith.cmpi ne, %add3A_2156, %ne3A_2163 : vector<8x512xi32>
          %and3A_2165 = arith.andi %and3A_2162, %ne3A_2164 : vector<8x512xi1>
          %jit3A_2166 = arith.constant -1.000000e+30 : f32
          %broadcast_in_dim3A_2167 = vector.broadcast %jit3A_2166 : f32 to vector<8x512xf32>
          %select_n3A_2168 = arith.select %and3A_2165, %get3A_2100, %broadcast_in_dim3A_2167 : vector<8x512xi1>, vector<8x512xf32>
          %gt3A = arith.cmpf ogt, %select_n3A_2168, %scan3A_2094 : vector<8x512xf32>
          %max3A = arith.maximumf %select_n3A_2168, %scan3A_2094 : vector<8x512xf32>
          %select_n3A_2169 = arith.select %gt3A, %add3A_2105, %scan3A_2095 : vector<8x512xi1>, vector<8x512xi32>
          scf.yield %max3A, %select_n3A_2169 : vector<8x512xf32>, vector<8x512xi32>
        }
        %scan3A_2021 = arith.constant 128 : i32
        %reduce_max3A_2022 = vector.shape_cast %scan3A_2020#0 : vector<8x512xf32> to vector<1x8x512xf32>
        %reduce_max3A_2023 = arith.constant dense<0xFF800000> : vector<1xf32>
        %reduce_max3A_2024 = vector.multi_reduction <maximumf>, %reduce_max3A_2022, %reduce_max3A_2023 [1, 2] : vector<1x8x512xf32> to vector<1xf32>
        %reduce_max3A_2025 = vector.shape_cast %reduce_max3A_2024 : vector<1xf32> to vector<1x1x1xf32>
        %reduce_max3A_2026 = vector.extract %reduce_max3A_2025[0, 0, 0] : f32 from vector<1x1x1xf32>
        %eq3A_2027 = vector.broadcast %reduce_max3A_2026 : f32 to vector<8x512xf32>
        %eq3A_2028 = arith.cmpf oeq, %scan3A_2020#0, %eq3A_2027 : vector<8x512xf32>
        %jit3A_2029 = arith.constant 1073741824 : i32
        %broadcast_in_dim3A_2030 = vector.broadcast %jit3A_2029 : i32 to vector<8x512xi32>
        %select_n3A_2031 = arith.select %eq3A_2028, %scan3A_2020#1, %broadcast_in_dim3A_2030 : vector<8x512xi1>, vector<8x512xi32>
        %reduce_min3A_2032 = vector.shape_cast %select_n3A_2031 : vector<8x512xi32> to vector<1x8x512xi32>
        %reduce_min3A_2033 = arith.constant dense<2147483647> : vector<1xi32>
        %reduce_min3A_2034 = vector.multi_reduction <minsi>, %reduce_min3A_2032, %reduce_min3A_2033 [1, 2] : vector<1x8x512xi32> to vector<1xi32>
        %reduce_min3A_2035 = vector.shape_cast %reduce_min3A_2034 : vector<1xi32> to vector<1x1x1xi32>
        %reduce_min3A_2036 = vector.extract %reduce_min3A_2035[0, 0, 0] : i32 from vector<1x1x1xi32>
        %eq3A_2037 = vector.broadcast %select_n3A_672 : i32 to vector<8x1xi32>
        %eq3A_2038 = arith.cmpi eq, %iota3A_9, %eq3A_2037 : vector<8x1xi32>
        %jit3A_2039 = arith.constant 0.000000e+00 : f32
        %broadcast_in_dim3A_2040 = vector.broadcast %jit3A_2039 : f32 to vector<8x1xf32>
        %select_n3A_2041 = arith.select %eq3A_2038, %get3A_80, %broadcast_in_dim3A_2040 : vector<8x1xi1>, vector<8x1xf32>
        %reduce_sum3A = vector.shape_cast %select_n3A_2041 : vector<8x1xf32> to vector<1x8x1xf32>
        %reduce_sum3A_2042 = arith.constant dense<0.000000e+00> : vector<1xf32>
        %reduce_sum3A_2043 = vector.multi_reduction <add>, %reduce_sum3A, %reduce_sum3A_2042 [1, 2] : vector<1x8x1xf32> to vector<1xf32>
        %reduce_sum3A_2044 = vector.shape_cast %reduce_sum3A_2043 : vector<1xf32> to vector<1x1x1xf32>
        %reduce_sum3A_2045 = vector.extract %reduce_sum3A_2044[0, 0, 0] : f32 from vector<1x1x1xf32>
        %eq3A_2046 = vector.broadcast %select_n3A_672 : i32 to vector<8x1xi32>
        %eq3A_2047 = arith.cmpi eq, %iota3A_9, %eq3A_2046 : vector<8x1xi32>
        %jit3A_2048 = arith.constant 0.000000e+00 : f32
        %broadcast_in_dim3A_2049 = vector.broadcast %jit3A_2048 : f32 to vector<8x1xf32>
        %select_n3A_2050 = arith.select %eq3A_2047, %get3A_83, %broadcast_in_dim3A_2049 : vector<8x1xi1>, vector<8x1xf32>
        %reduce_sum3A_2051 = vector.shape_cast %select_n3A_2050 : vector<8x1xf32> to vector<1x8x1xf32>
        %reduce_sum3A_2052 = arith.constant dense<0.000000e+00> : vector<1xf32>
        %reduce_sum3A_2053 = vector.multi_reduction <add>, %reduce_sum3A_2051, %reduce_sum3A_2052 [1, 2] : vector<1x8x1xf32> to vector<1xf32>
        %reduce_sum3A_2054 = vector.shape_cast %reduce_sum3A_2053 : vector<1xf32> to vector<1x1x1xf32>
        %reduce_sum3A_2055 = vector.extract %reduce_sum3A_2054[0, 0, 0] : f32 from vector<1x1x1xf32>
        %eq3A_2056 = vector.broadcast %select_n3A_672 : i32 to vector<8x1xi32>
        %eq3A_2057 = arith.cmpi eq, %iota3A_9, %eq3A_2056 : vector<8x1xi32>
        %jit3A_2058 = arith.constant 0.000000e+00 : f32
        %broadcast_in_dim3A_2059 = vector.broadcast %jit3A_2058 : f32 to vector<8x1xf32>
        %select_n3A_2060 = arith.select %eq3A_2057, %get3A_86, %broadcast_in_dim3A_2059 : vector<8x1xi1>, vector<8x1xf32>
        %reduce_sum3A_2061 = vector.shape_cast %select_n3A_2060 : vector<8x1xf32> to vector<1x8x1xf32>
        %reduce_sum3A_2062 = arith.constant dense<0.000000e+00> : vector<1xf32>
        %reduce_sum3A_2063 = vector.multi_reduction <add>, %reduce_sum3A_2061, %reduce_sum3A_2062 [1, 2] : vector<1x8x1xf32> to vector<1xf32>
        %reduce_sum3A_2064 = vector.shape_cast %reduce_sum3A_2063 : vector<1xf32> to vector<1x1x1xf32>
        %reduce_sum3A_2065 = vector.extract %reduce_sum3A_2064[0, 0, 0] : f32 from vector<1x1x1xf32>
        %sub3A_2066 = arith.subf %reduce_max3A_2026, %reduce_sum3A_2045 : f32
        %sub3A_2067 = arith.subf %sub3A_2066, %reduce_sum3A_2055 : f32
        %add3A_2068 = arith.addf %sub3A_2067, %reduce_sum3A_2065 : f32
        %mul3A_2069 = arith.constant 100000 : i32
        %mul3A_2070 = arith.muli %select_n3A_672, %mul3A_2069 : i32
        %add3A_2071 = arith.addi %mul3A_2070, %reduce_min3A_2036 : i32
        %eq3A_2072 = vector.broadcast %select_n3A_672 : i32 to vector<16x98xi32>
        %eq3A_2073 = arith.cmpi eq, %iota3A_8, %eq3A_2072 : vector<16x98xi32>
        %eq3A_2074 = vector.broadcast %select_n3A_699 : i32 to vector<16x98xi32>
        %eq3A_2075 = arith.cmpi eq, %iota3A_7, %eq3A_2074 : vector<16x98xi32>
        %and3A_2076 = arith.andi %eq3A_2073, %eq3A_2075 : vector<16x98xi1>
        %get3A_2077 = arith.constant 0 : index
        %get3A_2078 = arith.constant 0 : index
        %get3A_2079 = vector.load %arg17[%get3A_2077, %get3A_2078] : memref<16x98xf32, #tpu.memory_space<vmem>>, vector<16x98xf32>
        %broadcast_in_dim3A_2080 = vector.broadcast %add3A_2068 : f32 to vector<16x98xf32>
        %select_n3A_2081 = arith.select %and3A_2076, %broadcast_in_dim3A_2080, %get3A_2079 : vector<16x98xi1>, vector<16x98xf32>
        %swap3A_2082 = arith.constant 0 : index
        %swap3A_2083 = arith.constant 0 : index
        %swap3A_2084 = vector.load %arg17[%swap3A_2082, %swap3A_2083] : memref<16x98xf32, #tpu.memory_space<vmem>>, vector<16x98xf32>
        tpu.vector_store %arg17[%swap3A_2082, %swap3A_2083], %select_n3A_2081 {strides = array<i32>} : memref<16x98xf32, #tpu.memory_space<vmem>>, vector<16x98xf32>,
        %get3A_2085 = arith.constant 0 : index
        %get3A_2086 = arith.constant 0 : index
        %get3A_2087 = vector.load %arg18[%get3A_2085, %get3A_2086] : memref<16x98xi32, #tpu.memory_space<vmem>>, vector<16x98xi32>
        %broadcast_in_dim3A_2088 = vector.broadcast %add3A_2071 : i32 to vector<16x98xi32>
        %select_n3A_2089 = arith.select %and3A_2076, %broadcast_in_dim3A_2088, %get3A_2087 : vector<16x98xi1>, vector<16x98xi32>
        %swap3A_2090 = arith.constant 0 : index
        %swap3A_2091 = arith.constant 0 : index
        %swap3A_2092 = vector.load %arg18[%swap3A_2090, %swap3A_2091] : memref<16x98xi32, #tpu.memory_space<vmem>>, vector<16x98xi32>
        tpu.vector_store %arg18[%swap3A_2090, %swap3A_2091], %select_n3A_2089 {strides = array<i32>} : memref<16x98xi32, #tpu.memory_space<vmem>>, vector<16x98xi32>,
      } else {
      }
      %get3A_751 = arith.constant 0 : index
      %get3A_752 = arith.constant 0 : index
      %get3A_753 = vector.load %arg15[%get3A_751, %get3A_752] : memref<16x98xf32, #tpu.memory_space<vmem>>, vector<16x98xf32>
      %get3A_754 = arith.constant 0 : index
      %get3A_755 = arith.constant 0 : index
      %get3A_756 = vector.load %arg16[%get3A_754, %get3A_755] : memref<16x98xi32, #tpu.memory_space<vmem>>, vector<16x98xi32>
      %reduce_max3A_757 = vector.shape_cast %get3A_753 : vector<16x98xf32> to vector<1x16x98xf32>
      %reduce_max3A_758 = arith.constant dense<0xFF800000> : vector<1xf32>
      %reduce_max3A_759 = vector.multi_reduction <maximumf>, %reduce_max3A_757, %reduce_max3A_758 [1, 2] : vector<1x16x98xf32> to vector<1xf32>
      %reduce_max3A_760 = vector.shape_cast %reduce_max3A_759 : vector<1xf32> to vector<1x1x1xf32>
      %reduce_max3A_761 = vector.extract %reduce_max3A_760[0, 0, 0] : f32 from vector<1x1x1xf32>
      %eq3A_762 = vector.broadcast %reduce_max3A_761 : f32 to vector<16x98xf32>
      %eq3A_763 = arith.cmpf oeq, %get3A_753, %eq3A_762 : vector<16x98xf32>
      %jit3A_764 = arith.constant 1073741824 : i32
      %broadcast_in_dim3A_765 = vector.broadcast %jit3A_764 : i32 to vector<16x98xi32>
      %select_n3A_766 = arith.select %eq3A_763, %get3A_756, %broadcast_in_dim3A_765 : vector<16x98xi1>, vector<16x98xi32>
      %reduce_min3A_767 = vector.shape_cast %select_n3A_766 : vector<16x98xi32> to vector<1x16x98xi32>
      %reduce_min3A_768 = arith.constant dense<2147483647> : vector<1xi32>
      %reduce_min3A_769 = vector.multi_reduction <minsi>, %reduce_min3A_767, %reduce_min3A_768 [1, 2] : vector<1x16x98xi32> to vector<1xi32>
      %reduce_min3A_770 = vector.shape_cast %reduce_min3A_769 : vector<1xi32> to vector<1x1x1xi32>
      %reduce_min3A_771 = vector.extract %reduce_min3A_770[0, 0, 0] : i32 from vector<1x1x1xi32>
      %eq3A_772 = vector.broadcast %reduce_min3A_771 : i32 to vector<16x98xi32>
      %eq3A_773 = arith.cmpi eq, %get3A_756, %eq3A_772 : vector<16x98xi32>
      %jit3A_774 = arith.constant -1.000000e+30 : f32
      %broadcast_in_dim3A_775 = vector.broadcast %jit3A_774 : f32 to vector<16x98xf32>
      %select_n3A_776 = arith.select %eq3A_773, %broadcast_in_dim3A_775, %get3A_753 : vector<16x98xi1>, vector<16x98xf32>
      %swap3A_777 = arith.constant 0 : index
      %swap3A_778 = arith.constant 0 : index
      %swap3A_779 = vector.load %arg15[%swap3A_777, %swap3A_778] : memref<16x98xf32, #tpu.memory_space<vmem>>, vector<16x98xf32>
      tpu.vector_store %arg15[%swap3A_777, %swap3A_778], %select_n3A_776 {strides = array<i32>} : memref<16x98xf32, #tpu.memory_space<vmem>>, vector<16x98xf32>,
      %jit3A_780 = arith.constant 100000 : i32
      %div3A_781 = arith.divsi %reduce_min3A_771, %jit3A_780 : i32
      %sign3A_782 = arith.constant 0 : i32
      %sign3A_783 = arith.cmpi sgt, %reduce_min3A_771, %sign3A_782 : i32
      %sign3A_784 = arith.extui %sign3A_783 : i1 to i32
      %sign3A_785 = arith.constant 0 : i32
      %sign3A_786 = arith.cmpi slt, %reduce_min3A_771, %sign3A_785 : i32
      %sign3A_787 = arith.extui %sign3A_786 : i1 to i32
      %sign3A_788 = arith.subi %sign3A_784, %sign3A_787 : i32
      %sign3A_789 = arith.constant 0 : i32
      %sign3A_790 = arith.cmpi sgt, %jit3A_780, %sign3A_789 : i32
      %sign3A_791 = arith.extui %sign3A_790 : i1 to i32
      %sign3A_792 = arith.constant 0 : i32
      %sign3A_793 = arith.cmpi slt, %jit3A_780, %sign3A_792 : i32
      %sign3A_794 = arith.extui %sign3A_793 : i1 to i32
      %sign3A_795 = arith.subi %sign3A_791, %sign3A_794 : i32
      %ne3A_796 = arith.cmpi ne, %sign3A_788, %sign3A_795 : i32
      %rem3A_797 = arith.remsi %reduce_min3A_771, %jit3A_780 : i32
      %ne3A_798 = arith.constant 0 : i32
      %ne3A_799 = arith.cmpi ne, %rem3A_797, %ne3A_798 : i32
      %and3A_800 = arith.andi %ne3A_796, %ne3A_799 : i1
      %sub3A_801 = arith.constant 1 : i32
      %sub3A_802 = arith.subi %div3A_781, %sub3A_801 : i32
      %select_n3A_803 = arith.select %and3A_800, %sub3A_802, %div3A_781 : i32
      %mul3A_804 = arith.constant 100000 : i32
      %mul3A_805 = arith.muli %select_n3A_803, %mul3A_804 : i32
      %sub3A_806 = arith.subi %reduce_min3A_771, %mul3A_805 : i32
      %jit3A_807 = arith.constant 1024 : i32
      %div3A_808 = arith.divsi %sub3A_806, %jit3A_807 : i32
      %sign3A_809 = arith.constant 0 : i32
      %sign3A_810 = arith.cmpi sgt, %sub3A_806, %sign3A_809 : i32
      %sign3A_811 = arith.extui %sign3A_810 : i1 to i32
      %sign3A_812 = arith.constant 0 : i32
      %sign3A_813 = arith.cmpi slt, %sub3A_806, %sign3A_812 : i32
      %sign3A_814 = arith.extui %sign3A_813 : i1 to i32
      %sign3A_815 = arith.subi %sign3A_811, %sign3A_814 : i32
      %sign3A_816 = arith.constant 0 : i32
      %sign3A_817 = arith.cmpi sgt, %jit3A_807, %sign3A_816 : i32
      %sign3A_818 = arith.extui %sign3A_817 : i1 to i32
      %sign3A_819 = arith.constant 0 : i32
      %sign3A_820 = arith.cmpi slt, %jit3A_807, %sign3A_819 : i32
      %sign3A_821 = arith.extui %sign3A_820 : i1 to i32
      %sign3A_822 = arith.subi %sign3A_818, %sign3A_821 : i32
      %ne3A_823 = arith.cmpi ne, %sign3A_815, %sign3A_822 : i32
      %rem3A_824 = arith.remsi %sub3A_806, %jit3A_807 : i32
      %ne3A_825 = arith.constant 0 : i32
      %ne3A_826 = arith.cmpi ne, %rem3A_824, %ne3A_825 : i32
      %and3A_827 = arith.andi %ne3A_823, %ne3A_826 : i1
      %sub3A_828 = arith.constant 1 : i32
      %sub3A_829 = arith.subi %div3A_808, %sub3A_828 : i32
      %select_n3A_830 = arith.select %and3A_827, %sub3A_829, %div3A_808 : i32
      %mul3A_831 = arith.constant 98 : i32
      %mul3A_832 = arith.muli %select_n3A_803, %mul3A_831 : i32
      %add3A_833 = arith.addi %mul3A_832, %select_n3A_830 : i32
      %get3A_834 = arith.constant 0 : index
      %get3A_835 = arith.constant 0 : index
      %get3A_836 = vector.load %arg17[%get3A_834, %get3A_835] : memref<16x98xf32, #tpu.memory_space<vmem>>, vector<16x98xf32>
      %get3A_837 = arith.constant 0 : index
      %get3A_838 = arith.constant 0 : index
      %get3A_839 = vector.load %arg18[%get3A_837, %get3A_838] : memref<16x98xi32, #tpu.memory_space<vmem>>, vector<16x98xi32>
      %reduce_max3A_840 = vector.shape_cast %get3A_836 : vector<16x98xf32> to vector<1x16x98xf32>
      %reduce_max3A_841 = arith.constant dense<0xFF800000> : vector<1xf32>
      %reduce_max3A_842 = vector.multi_reduction <maximumf>, %reduce_max3A_840, %reduce_max3A_841 [1, 2] : vector<1x16x98xf32> to vector<1xf32>
      %reduce_max3A_843 = vector.shape_cast %reduce_max3A_842 : vector<1xf32> to vector<1x1x1xf32>
      %reduce_max3A_844 = vector.extract %reduce_max3A_843[0, 0, 0] : f32 from vector<1x1x1xf32>
      %eq3A_845 = vector.broadcast %reduce_max3A_844 : f32 to vector<16x98xf32>
      %eq3A_846 = arith.cmpf oeq, %get3A_836, %eq3A_845 : vector<16x98xf32>
      %jit3A_847 = arith.constant 1073741824 : i32
      %broadcast_in_dim3A_848 = vector.broadcast %jit3A_847 : i32 to vector<16x98xi32>
      %select_n3A_849 = arith.select %eq3A_846, %get3A_839, %broadcast_in_dim3A_848 : vector<16x98xi1>, vector<16x98xi32>
      %reduce_min3A_850 = vector.shape_cast %select_n3A_849 : vector<16x98xi32> to vector<1x16x98xi32>
      %reduce_min3A_851 = arith.constant dense<2147483647> : vector<1xi32>
      %reduce_min3A_852 = vector.multi_reduction <minsi>, %reduce_min3A_850, %reduce_min3A_851 [1, 2] : vector<1x16x98xi32> to vector<1xi32>
      %reduce_min3A_853 = vector.shape_cast %reduce_min3A_852 : vector<1xi32> to vector<1x1x1xi32>
      %reduce_min3A_854 = vector.extract %reduce_min3A_853[0, 0, 0] : i32 from vector<1x1x1xi32>
      %eq3A_855 = vector.broadcast %reduce_min3A_854 : i32 to vector<16x98xi32>
      %eq3A_856 = arith.cmpi eq, %get3A_839, %eq3A_855 : vector<16x98xi32>
      %jit3A_857 = arith.constant -1.000000e+30 : f32
      %broadcast_in_dim3A_858 = vector.broadcast %jit3A_857 : f32 to vector<16x98xf32>
      %select_n3A_859 = arith.select %eq3A_856, %broadcast_in_dim3A_858, %get3A_836 : vector<16x98xi1>, vector<16x98xf32>
      %swap3A_860 = arith.constant 0 : index
      %swap3A_861 = arith.constant 0 : index
      %swap3A_862 = vector.load %arg17[%swap3A_860, %swap3A_861] : memref<16x98xf32, #tpu.memory_space<vmem>>, vector<16x98xf32>
      tpu.vector_store %arg17[%swap3A_860, %swap3A_861], %select_n3A_859 {strides = array<i32>} : memref<16x98xf32, #tpu.memory_space<vmem>>, vector<16x98xf32>,
      %jit3A_863 = arith.constant 100000 : i32
      %div3A_864 = arith.divsi %reduce_min3A_854, %jit3A_863 : i32
      %sign3A_865 = arith.constant 0 : i32
      %sign3A_866 = arith.cmpi sgt, %reduce_min3A_854, %sign3A_865 : i32
      %sign3A_867 = arith.extui %sign3A_866 : i1 to i32
      %sign3A_868 = arith.constant 0 : i32
      %sign3A_869 = arith.cmpi slt, %reduce_min3A_854, %sign3A_868 : i32
      %sign3A_870 = arith.extui %sign3A_869 : i1 to i32
      %sign3A_871 = arith.subi %sign3A_867, %sign3A_870 : i32
      %sign3A_872 = arith.constant 0 : i32
      %sign3A_873 = arith.cmpi sgt, %jit3A_863, %sign3A_872 : i32
      %sign3A_874 = arith.extui %sign3A_873 : i1 to i32
      %sign3A_875 = arith.constant 0 : i32
      %sign3A_876 = arith.cmpi slt, %jit3A_863, %sign3A_875 : i32
      %sign3A_877 = arith.extui %sign3A_876 : i1 to i32
      %sign3A_878 = arith.subi %sign3A_874, %sign3A_877 : i32
      %ne3A_879 = arith.cmpi ne, %sign3A_871, %sign3A_878 : i32
      %rem3A_880 = arith.remsi %reduce_min3A_854, %jit3A_863 : i32
      %ne3A_881 = arith.constant 0 : i32
      %ne3A_882 = arith.cmpi ne, %rem3A_880, %ne3A_881 : i32
      %and3A_883 = arith.andi %ne3A_879, %ne3A_882 : i1
      %sub3A_884 = arith.constant 1 : i32
      %sub3A_885 = arith.subi %div3A_864, %sub3A_884 : i32
      %select_n3A_886 = arith.select %and3A_883, %sub3A_885, %div3A_864 : i32
      %mul3A_887 = arith.constant 100000 : i32
      %mul3A_888 = arith.muli %select_n3A_886, %mul3A_887 : i32
      %sub3A_889 = arith.subi %reduce_min3A_854, %mul3A_888 : i32
      %jit3A_890 = arith.constant 1024 : i32
      %div3A_891 = arith.divsi %sub3A_889, %jit3A_890 : i32
      %sign3A_892 = arith.constant 0 : i32
      %sign3A_893 = arith.cmpi sgt, %sub3A_889, %sign3A_892 : i32
      %sign3A_894 = arith.extui %sign3A_893 : i1 to i32
      %sign3A_895 = arith.constant 0 : i32
      %sign3A_896 = arith.cmpi slt, %sub3A_889, %sign3A_895 : i32
      %sign3A_897 = arith.extui %sign3A_896 : i1 to i32
      %sign3A_898 = arith.subi %sign3A_894, %sign3A_897 : i32
      %sign3A_899 = arith.constant 0 : i32
      %sign3A_900 = arith.cmpi sgt, %jit3A_890, %sign3A_899 : i32
      %sign3A_901 = arith.extui %sign3A_900 : i1 to i32
      %sign3A_902 = arith.constant 0 : i32
      %sign3A_903 = arith.cmpi slt, %jit3A_890, %sign3A_902 : i32
      %sign3A_904 = arith.extui %sign3A_903 : i1 to i32
      %sign3A_905 = arith.subi %sign3A_901, %sign3A_904 : i32
      %ne3A_906 = arith.cmpi ne, %sign3A_898, %sign3A_905 : i32
      %rem3A_907 = arith.remsi %sub3A_889, %jit3A_890 : i32
      %ne3A_908 = arith.constant 0 : i32
      %ne3A_909 = arith.cmpi ne, %rem3A_907, %ne3A_908 : i32
      %and3A_910 = arith.andi %ne3A_906, %ne3A_909 : i1
      %sub3A_911 = arith.constant 1 : i32
      %sub3A_912 = arith.subi %div3A_891, %sub3A_911 : i32
      %select_n3A_913 = arith.select %and3A_910, %sub3A_912, %div3A_891 : i32
      %mul3A_914 = arith.constant 98 : i32
      %mul3A_915 = arith.muli %select_n3A_886, %mul3A_914 : i32
      %add3A_916 = arith.addi %mul3A_915, %select_n3A_913 : i32
      %eq3A_917 = arith.constant 3 : i32
      %eq3A_918 = vector.broadcast %eq3A_917 : i32 to vector<8x1xi32>
      %eq3A_919 = arith.cmpi eq, %iota3A_9, %eq3A_918 : vector<8x1xi32>
      %jit3A_920 = arith.constant 0.000000e+00 : f32
      %broadcast_in_dim3A_921 = vector.broadcast %reduce_max3A_761 : f32 to vector<8x1xf32>
      %broadcast_in_dim3A_922 = vector.broadcast %jit3A_920 : f32 to vector<8x1xf32>
      %select_n3A_923 = arith.select %eq3A_919, %broadcast_in_dim3A_921, %broadcast_in_dim3A_922 : vector<8x1xi1>, vector<8x1xf32>
      %add3A_924 = arith.addf %add3A_710, %select_n3A_923 : vector<8x1xf32>
      %eq3A_925 = arith.constant 3 : i32
      %eq3A_926 = vector.broadcast %eq3A_925 : i32 to vector<8x1xi32>
      %eq3A_927 = arith.cmpi eq, %iota3A_9, %eq3A_926 : vector<8x1xi32>
      %jit3A_928 = arith.constant 0 : i32
      %broadcast_in_dim3A_929 = vector.broadcast %reduce_min3A_771 : i32 to vector<8x1xi32>
      %broadcast_in_dim3A_930 = vector.broadcast %jit3A_928 : i32 to vector<8x1xi32>
      %select_n3A_931 = arith.select %eq3A_927, %broadcast_in_dim3A_929, %broadcast_in_dim3A_930 : vector<8x1xi1>, vector<8x1xi32>
      %add3A_932 = arith.addi %add3A_718, %select_n3A_931 : vector<8x1xi32>
      %eq3A_933 = arith.constant 3 : i32
      %eq3A_934 = vector.broadcast %eq3A_933 : i32 to vector<8x1xi32>
      %eq3A_935 = arith.cmpi eq, %iota3A_9, %eq3A_934 : vector<8x1xi32>
      %jit3A_936 = arith.constant 0.000000e+00 : f32
      %broadcast_in_dim3A_937 = vector.broadcast %reduce_max3A_844 : f32 to vector<8x1xf32>
      %broadcast_in_dim3A_938 = vector.broadcast %jit3A_936 : f32 to vector<8x1xf32>
      %select_n3A_939 = arith.select %eq3A_935, %broadcast_in_dim3A_937, %broadcast_in_dim3A_938 : vector<8x1xi1>, vector<8x1xf32>
      %add3A_940 = arith.addf %add3A_726, %select_n3A_939 : vector<8x1xf32>
      %eq3A_941 = arith.constant 3 : i32
      %eq3A_942 = vector.broadcast %eq3A_941 : i32 to vector<8x1xi32>
      %eq3A_943 = arith.cmpi eq, %iota3A_9, %eq3A_942 : vector<8x1xi32>
      %jit3A_944 = arith.constant 0 : i32
      %broadcast_in_dim3A_945 = vector.broadcast %reduce_min3A_854 : i32 to vector<8x1xi32>
      %broadcast_in_dim3A_946 = vector.broadcast %jit3A_944 : i32 to vector<8x1xi32>
      %select_n3A_947 = arith.select %eq3A_943, %broadcast_in_dim3A_945, %broadcast_in_dim3A_946 : vector<8x1xi1>, vector<8x1xi32>
      %add3A_948 = arith.addi %add3A_734, %select_n3A_947 : vector<8x1xi32>
      %eq3A_949 = arith.cmpi eq, %add3A_214, %add3A_833 : i32
      %or3A_950 = arith.constant false
      %or3A_951 = arith.ori %or3A_950, %eq3A_949 : i1
      %eq3A_952 = arith.cmpi eq, %add3A_412, %add3A_833 : i32
      %or3A_953 = arith.ori %or3A_951, %eq3A_952 : i1
      %eq3A_954 = arith.cmpi eq, %add3A_619, %add3A_833 : i32
      %or3A_955 = arith.ori %or3A_953, %eq3A_954 : i1
      %eq3A_956 = arith.cmpi eq, %add3A_297, %add3A_916 : i32
      %or3A_957 = arith.constant false
      %or3A_958 = arith.ori %or3A_957, %eq3A_956 : i1
      %eq3A_959 = arith.cmpi eq, %add3A_495, %add3A_916 : i32
      %or3A_960 = arith.ori %or3A_958, %eq3A_959 : i1
      %eq3A_961 = arith.cmpi eq, %add3A_702, %add3A_916 : i32
      %or3A_962 = arith.ori %or3A_960, %eq3A_961 : i1
      %convert_element_type3A_963 = arith.extui %or3A_955 : i1 to i32
      %cond3A_964 = arith.constant 0 : i32
      %cond3A_965 = arith.cmpi ne, %convert_element_type3A_963, %cond3A_964 : i32
      scf.if %cond3A_965 {
        %mul3A_2001 = arith.constant 8 : i32
        %mul3A_2002 = arith.muli %mul3A_15, %mul3A_2001 : i32
        %add3A_2003 = arith.addi %mul3A_2002, %select_n3A_803 : i32
        %mul3A_2004 = arith.constant 1024 : i32
        %mul3A_2005 = arith.muli %select_n3A_830, %mul3A_2004 : i32
        %min3A = arith.constant 98976 : i32
        %min3A_2006 = arith.minsi %mul3A_2005, %min3A : i32
        %multiple_of3A_2007 = tpu.assume_multiple %min3A_2006, 8 : i32
        %dma_start3A = arith.constant 0 : i32
        %dma_start3A_2008 = tpu.memref_slice %arg9[%multiple_of3A_2007, %dma_start3A] : memref<100000x512xf32, #tpu.memory_space<any>> -> memref<1024x512xf32, #tpu.memory_space<any>>
        tpu.enqueue_dma source(%dma_start3A_2008 : memref<1024x512xf32, #tpu.memory_space<any>>) target(%arg19 : memref<1024x512xf32, #tpu.memory_space<vmem>>) target_semaphore(%arg20 : memref<!tpu.dma_semaphore, #tpu.memory_space<semaphore_mem>>)
        %dma_wait3A = arith.constant 0 : i32
        %dma_wait3A_2009 = tpu.memref_slice %arg9[%multiple_of3A_2007, %dma_wait3A] : memref<100000x512xf32, #tpu.memory_space<any>> -> memref<1024x512xf32, #tpu.memory_space<any>>
        tpu.wait_dma2 semaphore(%arg20 : memref<!tpu.dma_semaphore, #tpu.memory_space<semaphore_mem>>) src(%dma_wait3A_2009 : memref<1024x512xf32, #tpu.memory_space<any>>) dst(%arg19 : memref<1024x512xf32, #tpu.memory_space<vmem>>)
        %iota3A_2010 = tpu.iota {dimensions = array<i32: 0>} : vector<8x512xi32>
        %iota3A_2011 = tpu.iota {dimensions = array<i32: 1>} : vector<8x512xi32>
        %broadcast_in_dim3A_2012 = arith.constant -1.000000e+30 : f32
        %broadcast_in_dim3A_2013 = vector.broadcast %broadcast_in_dim3A_2012 : f32 to vector<8x512xf32>
        %broadcast_in_dim3A_2014 = arith.constant 0 : i32
        %broadcast_in_dim3A_2015 = vector.broadcast %broadcast_in_dim3A_2014 : i32 to vector<8x512xi32>
        %scan3A_2016 = arith.constant 0 : i32
        %scan3A_2017 = arith.constant 128 : i32
        %scan3A_2018 = arith.addi %scan3A_2016, %scan3A_2017 : i32
        %scan3A_2019 = arith.constant 1 : i32
        %scan3A_2020:2 = scf.for %scan3A_2093 = %scan3A_2016 to %scan3A_2018 step %scan3A_2019 iter_args(%scan3A_2094 = %broadcast_in_dim3A_2013, %scan3A_2095 = %broadcast_in_dim3A_2015) -> (vector<8x512xf32>, vector<8x512xi32>)  : i32 {
          %mul3A_2096 = arith.constant 8 : i32
          %mul3A_2097 = arith.muli %scan3A_2093, %mul3A_2096 : i32
          %get3A_2098 = arith.index_cast %mul3A_2097 : i32 to index
          %get3A_2099 = arith.constant 0 : index
          %get3A_2100 = vector.load %arg19[%get3A_2098, %get3A_2099] : memref<1024x512xf32, #tpu.memory_space<vmem>>, vector<8x512xf32>
          %mul3A_2101 = arith.constant 8 : i32
          %mul3A_2102 = arith.muli %scan3A_2093, %mul3A_2101 : i32
          %add3A_2103 = arith.addi %min3A_2006, %mul3A_2102 : i32
          %add3A_2104 = vector.broadcast %add3A_2103 : i32 to vector<8x512xi32>
          %add3A_2105 = arith.addi %add3A_2104, %iota3A_2010 : vector<8x512xi32>
          %eq3A_2106 = vector.broadcast %add3A_2003 : i32 to vector<8x512xi32>
          %eq3A_2107 = arith.cmpi eq, %iota3A_2011, %eq3A_2106 : vector<8x512xi32>
          %jit3A_2108 = arith.constant 1024 : i32
          %div3A_2109 = vector.broadcast %jit3A_2108 : i32 to vector<8x512xi32>
          %div3A_2110 = arith.divsi %add3A_2105, %div3A_2109 : vector<8x512xi32>
          %sign3A_2111 = arith.constant 0 : i32
          %sign3A_2112 = vector.broadcast %sign3A_2111 : i32 to vector<8x512xi32>
          %sign3A_2113 = arith.cmpi sgt, %add3A_2105, %sign3A_2112 : vector<8x512xi32>
          %sign3A_2114 = arith.extui %sign3A_2113 : vector<8x512xi1> to vector<8x512xi32>
          %sign3A_2115 = arith.constant 0 : i32
          %sign3A_2116 = vector.broadcast %sign3A_2115 : i32 to vector<8x512xi32>
          %sign3A_2117 = arith.cmpi slt, %add3A_2105, %sign3A_2116 : vector<8x512xi32>
          %sign3A_2118 = arith.extui %sign3A_2117 : vector<8x512xi1> to vector<8x512xi32>
          %sign3A_2119 = arith.subi %sign3A_2114, %sign3A_2118 : vector<8x512xi32>
          %sign3A_2120 = arith.constant 0 : i32
          %sign3A_2121 = arith.cmpi sgt, %jit3A_2108, %sign3A_2120 : i32
          %sign3A_2122 = arith.extui %sign3A_2121 : i1 to i32
          %sign3A_2123 = arith.constant 0 : i32
          %sign3A_2124 = arith.cmpi slt, %jit3A_2108, %sign3A_2123 : i32
          %sign3A_2125 = arith.extui %sign3A_2124 : i1 to i32
          %sign3A_2126 = arith.subi %sign3A_2122, %sign3A_2125 : i32
          %ne3A_2127 = vector.broadcast %sign3A_2126 : i32 to vector<8x512xi32>
          %ne3A_2128 = arith.cmpi ne, %sign3A_2119, %ne3A_2127 : vector<8x512xi32>
          %rem3A_2129 = vector.broadcast %jit3A_2108 : i32 to vector<8x512xi32>
          %rem3A_2130 = arith.remsi %add3A_2105, %rem3A_2129 : vector<8x512xi32>
          %ne3A_2131 = arith.constant 0 : i32
          %ne3A_2132 = vector.broadcast %ne3A_2131 : i32 to vector<8x512xi32>
          %ne3A_2133 = arith.cmpi ne, %rem3A_2130, %ne3A_2132 : vector<8x512xi32>
          %and3A_2134 = arith.andi %ne3A_2128, %ne3A_2133 : vector<8x512xi1>
          %sub3A_2135 = arith.constant 1 : i32
          %sub3A_2136 = vector.broadcast %sub3A_2135 : i32 to vector<8x512xi32>
          %sub3A_2137 = arith.subi %div3A_2110, %sub3A_2136 : vector<8x512xi32>
          %select_n3A_2138 = arith.select %and3A_2134, %sub3A_2137, %div3A_2110 : vector<8x512xi1>, vector<8x512xi32>
          %eq3A_2139 = vector.broadcast %select_n3A_830 : i32 to vector<8x512xi32>
          %eq3A_2140 = arith.cmpi eq, %select_n3A_2138, %eq3A_2139 : vector<8x512xi32>
          %and3A_2141 = arith.andi %eq3A_2107, %eq3A_2140 : vector<8x512xi1>
          %lt3A_2142 = arith.constant 100000 : i32
          %lt3A_2143 = vector.broadcast %lt3A_2142 : i32 to vector<8x512xi32>
          %lt3A_2144 = arith.cmpi slt, %add3A_2105, %lt3A_2143 : vector<8x512xi32>
          %and3A_2145 = arith.andi %and3A_2141, %lt3A_2144 : vector<8x512xi1>
          %eq3A_2146 = arith.constant 2 : i32
          %eq3A_2147 = vector.broadcast %eq3A_2146 : i32 to vector<8x512xi32>
          %eq3A_2148 = arith.cmpi eq, %add3A_2105, %eq3A_2147 : vector<8x512xi32>
          %and3A_2149 = vector.broadcast %lt3A_2 : i1 to vector<8x512xi1>
          %and3A_2150 = arith.andi %and3A_2149, %eq3A_2148 : vector<8x512xi1>
          %not3A = arith.constant dense<true> : vector<8x512xi1>
          %not3A_2151 = arith.xori %and3A_2150, %not3A : vector<8x512xi1>
          %and3A_2152 = arith.andi %and3A_2145, %not3A_2151 : vector<8x512xi1>
          %mul3A_2153 = arith.constant 100000 : i32
          %mul3A_2154 = arith.muli %select_n3A_803, %mul3A_2153 : i32
          %add3A_2155 = vector.broadcast %mul3A_2154 : i32 to vector<8x512xi32>
          %add3A_2156 = arith.addi %add3A_2155, %add3A_2105 : vector<8x512xi32>
          %ne3A_2157 = vector.broadcast %reduce_min3A_157 : i32 to vector<8x512xi32>
          %ne3A_2158 = arith.cmpi ne, %add3A_2156, %ne3A_2157 : vector<8x512xi32>
          %and3A_2159 = arith.andi %and3A_2152, %ne3A_2158 : vector<8x512xi1>
          %ne3A_2160 = vector.broadcast %reduce_min3A_350 : i32 to vector<8x512xi32>
          %ne3A_2161 = arith.cmpi ne, %add3A_2156, %ne3A_2160 : vector<8x512xi32>
          %and3A_2162 = arith.andi %and3A_2159, %ne3A_2161 : vector<8x512xi1>
          %ne3A_2163 = vector.broadcast %reduce_min3A_557 : i32 to vector<8x512xi32>
          %ne3A_2164 = arith.cmpi ne, %add3A_2156, %ne3A_2163 : vector<8x512xi32>
          %and3A_2165 = arith.andi %and3A_2162, %ne3A_2164 : vector<8x512xi1>
          %ne3A_2166 = vector.broadcast %reduce_min3A_771 : i32 to vector<8x512xi32>
          %ne3A_2167 = arith.cmpi ne, %add3A_2156, %ne3A_2166 : vector<8x512xi32>
          %and3A_2168 = arith.andi %and3A_2165, %ne3A_2167 : vector<8x512xi1>
          %jit3A_2169 = arith.constant -1.000000e+30 : f32
          %broadcast_in_dim3A_2170 = vector.broadcast %jit3A_2169 : f32 to vector<8x512xf32>
          %select_n3A_2171 = arith.select %and3A_2168, %get3A_2100, %broadcast_in_dim3A_2170 : vector<8x512xi1>, vector<8x512xf32>
          %gt3A = arith.cmpf ogt, %select_n3A_2171, %scan3A_2094 : vector<8x512xf32>
          %max3A = arith.maximumf %select_n3A_2171, %scan3A_2094 : vector<8x512xf32>
          %select_n3A_2172 = arith.select %gt3A, %add3A_2105, %scan3A_2095 : vector<8x512xi1>, vector<8x512xi32>
          scf.yield %max3A, %select_n3A_2172 : vector<8x512xf32>, vector<8x512xi32>
        }
        %scan3A_2021 = arith.constant 128 : i32
        %reduce_max3A_2022 = vector.shape_cast %scan3A_2020#0 : vector<8x512xf32> to vector<1x8x512xf32>
        %reduce_max3A_2023 = arith.constant dense<0xFF800000> : vector<1xf32>
        %reduce_max3A_2024 = vector.multi_reduction <maximumf>, %reduce_max3A_2022, %reduce_max3A_2023 [1, 2] : vector<1x8x512xf32> to vector<1xf32>
        %reduce_max3A_2025 = vector.shape_cast %reduce_max3A_2024 : vector<1xf32> to vector<1x1x1xf32>
        %reduce_max3A_2026 = vector.extract %reduce_max3A_2025[0, 0, 0] : f32 from vector<1x1x1xf32>
        %eq3A_2027 = vector.broadcast %reduce_max3A_2026 : f32 to vector<8x512xf32>
        %eq3A_2028 = arith.cmpf oeq, %scan3A_2020#0, %eq3A_2027 : vector<8x512xf32>
        %jit3A_2029 = arith.constant 1073741824 : i32
        %broadcast_in_dim3A_2030 = vector.broadcast %jit3A_2029 : i32 to vector<8x512xi32>
        %select_n3A_2031 = arith.select %eq3A_2028, %scan3A_2020#1, %broadcast_in_dim3A_2030 : vector<8x512xi1>, vector<8x512xi32>
        %reduce_min3A_2032 = vector.shape_cast %select_n3A_2031 : vector<8x512xi32> to vector<1x8x512xi32>
        %reduce_min3A_2033 = arith.constant dense<2147483647> : vector<1xi32>
        %reduce_min3A_2034 = vector.multi_reduction <minsi>, %reduce_min3A_2032, %reduce_min3A_2033 [1, 2] : vector<1x8x512xi32> to vector<1xi32>
        %reduce_min3A_2035 = vector.shape_cast %reduce_min3A_2034 : vector<1xi32> to vector<1x1x1xi32>
        %reduce_min3A_2036 = vector.extract %reduce_min3A_2035[0, 0, 0] : i32 from vector<1x1x1xi32>
        %eq3A_2037 = vector.broadcast %select_n3A_803 : i32 to vector<8x1xi32>
        %eq3A_2038 = arith.cmpi eq, %iota3A_9, %eq3A_2037 : vector<8x1xi32>
        %jit3A_2039 = arith.constant 0.000000e+00 : f32
        %broadcast_in_dim3A_2040 = vector.broadcast %jit3A_2039 : f32 to vector<8x1xf32>
        %select_n3A_2041 = arith.select %eq3A_2038, %get3A_26, %broadcast_in_dim3A_2040 : vector<8x1xi1>, vector<8x1xf32>
        %reduce_sum3A = vector.shape_cast %select_n3A_2041 : vector<8x1xf32> to vector<1x8x1xf32>
        %reduce_sum3A_2042 = arith.constant dense<0.000000e+00> : vector<1xf32>
        %reduce_sum3A_2043 = vector.multi_reduction <add>, %reduce_sum3A, %reduce_sum3A_2042 [1, 2] : vector<1x8x1xf32> to vector<1xf32>
        %reduce_sum3A_2044 = vector.shape_cast %reduce_sum3A_2043 : vector<1xf32> to vector<1x1x1xf32>
        %reduce_sum3A_2045 = vector.extract %reduce_sum3A_2044[0, 0, 0] : f32 from vector<1x1x1xf32>
        %eq3A_2046 = vector.broadcast %select_n3A_803 : i32 to vector<8x1xi32>
        %eq3A_2047 = arith.cmpi eq, %iota3A_9, %eq3A_2046 : vector<8x1xi32>
        %jit3A_2048 = arith.constant 0.000000e+00 : f32
        %broadcast_in_dim3A_2049 = vector.broadcast %jit3A_2048 : f32 to vector<8x1xf32>
        %select_n3A_2050 = arith.select %eq3A_2047, %get3A_29, %broadcast_in_dim3A_2049 : vector<8x1xi1>, vector<8x1xf32>
        %reduce_sum3A_2051 = vector.shape_cast %select_n3A_2050 : vector<8x1xf32> to vector<1x8x1xf32>
        %reduce_sum3A_2052 = arith.constant dense<0.000000e+00> : vector<1xf32>
        %reduce_sum3A_2053 = vector.multi_reduction <add>, %reduce_sum3A_2051, %reduce_sum3A_2052 [1, 2] : vector<1x8x1xf32> to vector<1xf32>
        %reduce_sum3A_2054 = vector.shape_cast %reduce_sum3A_2053 : vector<1xf32> to vector<1x1x1xf32>
        %reduce_sum3A_2055 = vector.extract %reduce_sum3A_2054[0, 0, 0] : f32 from vector<1x1x1xf32>
        %eq3A_2056 = vector.broadcast %select_n3A_803 : i32 to vector<8x1xi32>
        %eq3A_2057 = arith.cmpi eq, %iota3A_9, %eq3A_2056 : vector<8x1xi32>
        %jit3A_2058 = arith.constant 0.000000e+00 : f32
        %broadcast_in_dim3A_2059 = vector.broadcast %jit3A_2058 : f32 to vector<8x1xf32>
        %select_n3A_2060 = arith.select %eq3A_2057, %get3A_32, %broadcast_in_dim3A_2059 : vector<8x1xi1>, vector<8x1xf32>
        %reduce_sum3A_2061 = vector.shape_cast %select_n3A_2060 : vector<8x1xf32> to vector<1x8x1xf32>
        %reduce_sum3A_2062 = arith.constant dense<0.000000e+00> : vector<1xf32>
        %reduce_sum3A_2063 = vector.multi_reduction <add>, %reduce_sum3A_2061, %reduce_sum3A_2062 [1, 2] : vector<1x8x1xf32> to vector<1xf32>
        %reduce_sum3A_2064 = vector.shape_cast %reduce_sum3A_2063 : vector<1xf32> to vector<1x1x1xf32>
        %reduce_sum3A_2065 = vector.extract %reduce_sum3A_2064[0, 0, 0] : f32 from vector<1x1x1xf32>
        %sub3A_2066 = arith.subf %reduce_max3A_2026, %reduce_sum3A_2045 : f32
        %sub3A_2067 = arith.subf %sub3A_2066, %reduce_sum3A_2055 : f32
        %add3A_2068 = arith.addf %sub3A_2067, %reduce_sum3A_2065 : f32
        %mul3A_2069 = arith.constant 100000 : i32
        %mul3A_2070 = arith.muli %select_n3A_803, %mul3A_2069 : i32
        %add3A_2071 = arith.addi %mul3A_2070, %reduce_min3A_2036 : i32
        %eq3A_2072 = vector.broadcast %select_n3A_803 : i32 to vector<16x98xi32>
        %eq3A_2073 = arith.cmpi eq, %iota3A_8, %eq3A_2072 : vector<16x98xi32>
        %eq3A_2074 = vector.broadcast %select_n3A_830 : i32 to vector<16x98xi32>
        %eq3A_2075 = arith.cmpi eq, %iota3A_7, %eq3A_2074 : vector<16x98xi32>
        %and3A_2076 = arith.andi %eq3A_2073, %eq3A_2075 : vector<16x98xi1>
        %get3A_2077 = arith.constant 0 : index
        %get3A_2078 = arith.constant 0 : index
        %get3A_2079 = vector.load %arg15[%get3A_2077, %get3A_2078] : memref<16x98xf32, #tpu.memory_space<vmem>>, vector<16x98xf32>
        %broadcast_in_dim3A_2080 = vector.broadcast %add3A_2068 : f32 to vector<16x98xf32>
        %select_n3A_2081 = arith.select %and3A_2076, %broadcast_in_dim3A_2080, %get3A_2079 : vector<16x98xi1>, vector<16x98xf32>
        %swap3A_2082 = arith.constant 0 : index
        %swap3A_2083 = arith.constant 0 : index
        %swap3A_2084 = vector.load %arg15[%swap3A_2082, %swap3A_2083] : memref<16x98xf32, #tpu.memory_space<vmem>>, vector<16x98xf32>
        tpu.vector_store %arg15[%swap3A_2082, %swap3A_2083], %select_n3A_2081 {strides = array<i32>} : memref<16x98xf32, #tpu.memory_space<vmem>>, vector<16x98xf32>,
        %get3A_2085 = arith.constant 0 : index
        %get3A_2086 = arith.constant 0 : index
        %get3A_2087 = vector.load %arg16[%get3A_2085, %get3A_2086] : memref<16x98xi32, #tpu.memory_space<vmem>>, vector<16x98xi32>
        %broadcast_in_dim3A_2088 = vector.broadcast %add3A_2071 : i32 to vector<16x98xi32>
        %select_n3A_2089 = arith.select %and3A_2076, %broadcast_in_dim3A_2088, %get3A_2087 : vector<16x98xi1>, vector<16x98xi32>
        %swap3A_2090 = arith.constant 0 : index
        %swap3A_2091 = arith.constant 0 : index
        %swap3A_2092 = vector.load %arg16[%swap3A_2090, %swap3A_2091] : memref<16x98xi32, #tpu.memory_space<vmem>>, vector<16x98xi32>
        tpu.vector_store %arg16[%swap3A_2090, %swap3A_2091], %select_n3A_2089 {strides = array<i32>} : memref<16x98xi32, #tpu.memory_space<vmem>>, vector<16x98xi32>,
      } else {
      }
      %convert_element_type3A_966 = arith.extui %or3A_962 : i1 to i32
      %cond3A_967 = arith.constant 0 : i32
      %cond3A_968 = arith.cmpi ne, %convert_element_type3A_966, %cond3A_967 : i32
      scf.if %cond3A_968 {
        %mul3A_2001 = arith.constant 8 : i32
        %mul3A_2002 = arith.muli %add3A_18, %mul3A_2001 : i32
        %add3A_2003 = arith.addi %mul3A_2002, %select_n3A_886 : i32
        %mul3A_2004 = arith.constant 1024 : i32
        %mul3A_2005 = arith.muli %select_n3A_913, %mul3A_2004 : i32
        %min3A = arith.constant 98976 : i32
        %min3A_2006 = arith.minsi %mul3A_2005, %min3A : i32
        %multiple_of3A_2007 = tpu.assume_multiple %min3A_2006, 8 : i32
        %dma_start3A = arith.constant 0 : i32
        %dma_start3A_2008 = tpu.memref_slice %arg9[%multiple_of3A_2007, %dma_start3A] : memref<100000x512xf32, #tpu.memory_space<any>> -> memref<1024x512xf32, #tpu.memory_space<any>>
        tpu.enqueue_dma source(%dma_start3A_2008 : memref<1024x512xf32, #tpu.memory_space<any>>) target(%arg19 : memref<1024x512xf32, #tpu.memory_space<vmem>>) target_semaphore(%arg20 : memref<!tpu.dma_semaphore, #tpu.memory_space<semaphore_mem>>)
        %dma_wait3A = arith.constant 0 : i32
        %dma_wait3A_2009 = tpu.memref_slice %arg9[%multiple_of3A_2007, %dma_wait3A] : memref<100000x512xf32, #tpu.memory_space<any>> -> memref<1024x512xf32, #tpu.memory_space<any>>
        tpu.wait_dma2 semaphore(%arg20 : memref<!tpu.dma_semaphore, #tpu.memory_space<semaphore_mem>>) src(%dma_wait3A_2009 : memref<1024x512xf32, #tpu.memory_space<any>>) dst(%arg19 : memref<1024x512xf32, #tpu.memory_space<vmem>>)
        %iota3A_2010 = tpu.iota {dimensions = array<i32: 0>} : vector<8x512xi32>
        %iota3A_2011 = tpu.iota {dimensions = array<i32: 1>} : vector<8x512xi32>
        %broadcast_in_dim3A_2012 = arith.constant -1.000000e+30 : f32
        %broadcast_in_dim3A_2013 = vector.broadcast %broadcast_in_dim3A_2012 : f32 to vector<8x512xf32>
        %broadcast_in_dim3A_2014 = arith.constant 0 : i32
        %broadcast_in_dim3A_2015 = vector.broadcast %broadcast_in_dim3A_2014 : i32 to vector<8x512xi32>
        %scan3A_2016 = arith.constant 0 : i32
        %scan3A_2017 = arith.constant 128 : i32
        %scan3A_2018 = arith.addi %scan3A_2016, %scan3A_2017 : i32
        %scan3A_2019 = arith.constant 1 : i32
        %scan3A_2020:2 = scf.for %scan3A_2093 = %scan3A_2016 to %scan3A_2018 step %scan3A_2019 iter_args(%scan3A_2094 = %broadcast_in_dim3A_2013, %scan3A_2095 = %broadcast_in_dim3A_2015) -> (vector<8x512xf32>, vector<8x512xi32>)  : i32 {
          %mul3A_2096 = arith.constant 8 : i32
          %mul3A_2097 = arith.muli %scan3A_2093, %mul3A_2096 : i32
          %get3A_2098 = arith.index_cast %mul3A_2097 : i32 to index
          %get3A_2099 = arith.constant 0 : index
          %get3A_2100 = vector.load %arg19[%get3A_2098, %get3A_2099] : memref<1024x512xf32, #tpu.memory_space<vmem>>, vector<8x512xf32>
          %mul3A_2101 = arith.constant 8 : i32
          %mul3A_2102 = arith.muli %scan3A_2093, %mul3A_2101 : i32
          %add3A_2103 = arith.addi %min3A_2006, %mul3A_2102 : i32
          %add3A_2104 = vector.broadcast %add3A_2103 : i32 to vector<8x512xi32>
          %add3A_2105 = arith.addi %add3A_2104, %iota3A_2010 : vector<8x512xi32>
          %eq3A_2106 = vector.broadcast %add3A_2003 : i32 to vector<8x512xi32>
          %eq3A_2107 = arith.cmpi eq, %iota3A_2011, %eq3A_2106 : vector<8x512xi32>
          %jit3A_2108 = arith.constant 1024 : i32
          %div3A_2109 = vector.broadcast %jit3A_2108 : i32 to vector<8x512xi32>
          %div3A_2110 = arith.divsi %add3A_2105, %div3A_2109 : vector<8x512xi32>
          %sign3A_2111 = arith.constant 0 : i32
          %sign3A_2112 = vector.broadcast %sign3A_2111 : i32 to vector<8x512xi32>
          %sign3A_2113 = arith.cmpi sgt, %add3A_2105, %sign3A_2112 : vector<8x512xi32>
          %sign3A_2114 = arith.extui %sign3A_2113 : vector<8x512xi1> to vector<8x512xi32>
          %sign3A_2115 = arith.constant 0 : i32
          %sign3A_2116 = vector.broadcast %sign3A_2115 : i32 to vector<8x512xi32>
          %sign3A_2117 = arith.cmpi slt, %add3A_2105, %sign3A_2116 : vector<8x512xi32>
          %sign3A_2118 = arith.extui %sign3A_2117 : vector<8x512xi1> to vector<8x512xi32>
          %sign3A_2119 = arith.subi %sign3A_2114, %sign3A_2118 : vector<8x512xi32>
          %sign3A_2120 = arith.constant 0 : i32
          %sign3A_2121 = arith.cmpi sgt, %jit3A_2108, %sign3A_2120 : i32
          %sign3A_2122 = arith.extui %sign3A_2121 : i1 to i32
          %sign3A_2123 = arith.constant 0 : i32
          %sign3A_2124 = arith.cmpi slt, %jit3A_2108, %sign3A_2123 : i32
          %sign3A_2125 = arith.extui %sign3A_2124 : i1 to i32
          %sign3A_2126 = arith.subi %sign3A_2122, %sign3A_2125 : i32
          %ne3A_2127 = vector.broadcast %sign3A_2126 : i32 to vector<8x512xi32>
          %ne3A_2128 = arith.cmpi ne, %sign3A_2119, %ne3A_2127 : vector<8x512xi32>
          %rem3A_2129 = vector.broadcast %jit3A_2108 : i32 to vector<8x512xi32>
          %rem3A_2130 = arith.remsi %add3A_2105, %rem3A_2129 : vector<8x512xi32>
          %ne3A_2131 = arith.constant 0 : i32
          %ne3A_2132 = vector.broadcast %ne3A_2131 : i32 to vector<8x512xi32>
          %ne3A_2133 = arith.cmpi ne, %rem3A_2130, %ne3A_2132 : vector<8x512xi32>
          %and3A_2134 = arith.andi %ne3A_2128, %ne3A_2133 : vector<8x512xi1>
          %sub3A_2135 = arith.constant 1 : i32
          %sub3A_2136 = vector.broadcast %sub3A_2135 : i32 to vector<8x512xi32>
          %sub3A_2137 = arith.subi %div3A_2110, %sub3A_2136 : vector<8x512xi32>
          %select_n3A_2138 = arith.select %and3A_2134, %sub3A_2137, %div3A_2110 : vector<8x512xi1>, vector<8x512xi32>
          %eq3A_2139 = vector.broadcast %select_n3A_913 : i32 to vector<8x512xi32>
          %eq3A_2140 = arith.cmpi eq, %select_n3A_2138, %eq3A_2139 : vector<8x512xi32>
          %and3A_2141 = arith.andi %eq3A_2107, %eq3A_2140 : vector<8x512xi1>
          %lt3A_2142 = arith.constant 100000 : i32
          %lt3A_2143 = vector.broadcast %lt3A_2142 : i32 to vector<8x512xi32>
          %lt3A_2144 = arith.cmpi slt, %add3A_2105, %lt3A_2143 : vector<8x512xi32>
          %and3A_2145 = arith.andi %and3A_2141, %lt3A_2144 : vector<8x512xi1>
          %eq3A_2146 = arith.constant 2 : i32
          %eq3A_2147 = vector.broadcast %eq3A_2146 : i32 to vector<8x512xi32>
          %eq3A_2148 = arith.cmpi eq, %add3A_2105, %eq3A_2147 : vector<8x512xi32>
          %and3A_2149 = vector.broadcast %lt3A_2 : i1 to vector<8x512xi1>
          %and3A_2150 = arith.andi %and3A_2149, %eq3A_2148 : vector<8x512xi1>
          %not3A = arith.constant dense<true> : vector<8x512xi1>
          %not3A_2151 = arith.xori %and3A_2150, %not3A : vector<8x512xi1>
          %and3A_2152 = arith.andi %and3A_2145, %not3A_2151 : vector<8x512xi1>
          %mul3A_2153 = arith.constant 100000 : i32
          %mul3A_2154 = arith.muli %select_n3A_886, %mul3A_2153 : i32
          %add3A_2155 = vector.broadcast %mul3A_2154 : i32 to vector<8x512xi32>
          %add3A_2156 = arith.addi %add3A_2155, %add3A_2105 : vector<8x512xi32>
          %ne3A_2157 = vector.broadcast %reduce_min3A_235 : i32 to vector<8x512xi32>
          %ne3A_2158 = arith.cmpi ne, %add3A_2156, %ne3A_2157 : vector<8x512xi32>
          %and3A_2159 = arith.andi %and3A_2152, %ne3A_2158 : vector<8x512xi1>
          %ne3A_2160 = vector.broadcast %reduce_min3A_433 : i32 to vector<8x512xi32>
          %ne3A_2161 = arith.cmpi ne, %add3A_2156, %ne3A_2160 : vector<8x512xi32>
          %and3A_2162 = arith.andi %and3A_2159, %ne3A_2161 : vector<8x512xi1>
          %ne3A_2163 = vector.broadcast %reduce_min3A_640 : i32 to vector<8x512xi32>
          %ne3A_2164 = arith.cmpi ne, %add3A_2156, %ne3A_2163 : vector<8x512xi32>
          %and3A_2165 = arith.andi %and3A_2162, %ne3A_2164 : vector<8x512xi1>
          %ne3A_2166 = vector.broadcast %reduce_min3A_854 : i32 to vector<8x512xi32>
          %ne3A_2167 = arith.cmpi ne, %add3A_2156, %ne3A_2166 : vector<8x512xi32>
          %and3A_2168 = arith.andi %and3A_2165, %ne3A_2167 : vector<8x512xi1>
          %jit3A_2169 = arith.constant -1.000000e+30 : f32
          %broadcast_in_dim3A_2170 = vector.broadcast %jit3A_2169 : f32 to vector<8x512xf32>
          %select_n3A_2171 = arith.select %and3A_2168, %get3A_2100, %broadcast_in_dim3A_2170 : vector<8x512xi1>, vector<8x512xf32>
          %gt3A = arith.cmpf ogt, %select_n3A_2171, %scan3A_2094 : vector<8x512xf32>
          %max3A = arith.maximumf %select_n3A_2171, %scan3A_2094 : vector<8x512xf32>
          %select_n3A_2172 = arith.select %gt3A, %add3A_2105, %scan3A_2095 : vector<8x512xi1>, vector<8x512xi32>
          scf.yield %max3A, %select_n3A_2172 : vector<8x512xf32>, vector<8x512xi32>
        }
        %scan3A_2021 = arith.constant 128 : i32
        %reduce_max3A_2022 = vector.shape_cast %scan3A_2020#0 : vector<8x512xf32> to vector<1x8x512xf32>
        %reduce_max3A_2023 = arith.constant dense<0xFF800000> : vector<1xf32>
        %reduce_max3A_2024 = vector.multi_reduction <maximumf>, %reduce_max3A_2022, %reduce_max3A_2023 [1, 2] : vector<1x8x512xf32> to vector<1xf32>
        %reduce_max3A_2025 = vector.shape_cast %reduce_max3A_2024 : vector<1xf32> to vector<1x1x1xf32>
        %reduce_max3A_2026 = vector.extract %reduce_max3A_2025[0, 0, 0] : f32 from vector<1x1x1xf32>
        %eq3A_2027 = vector.broadcast %reduce_max3A_2026 : f32 to vector<8x512xf32>
        %eq3A_2028 = arith.cmpf oeq, %scan3A_2020#0, %eq3A_2027 : vector<8x512xf32>
        %jit3A_2029 = arith.constant 1073741824 : i32
        %broadcast_in_dim3A_2030 = vector.broadcast %jit3A_2029 : i32 to vector<8x512xi32>
        %select_n3A_2031 = arith.select %eq3A_2028, %scan3A_2020#1, %broadcast_in_dim3A_2030 : vector<8x512xi1>, vector<8x512xi32>
        %reduce_min3A_2032 = vector.shape_cast %select_n3A_2031 : vector<8x512xi32> to vector<1x8x512xi32>
        %reduce_min3A_2033 = arith.constant dense<2147483647> : vector<1xi32>
        %reduce_min3A_2034 = vector.multi_reduction <minsi>, %reduce_min3A_2032, %reduce_min3A_2033 [1, 2] : vector<1x8x512xi32> to vector<1xi32>
        %reduce_min3A_2035 = vector.shape_cast %reduce_min3A_2034 : vector<1xi32> to vector<1x1x1xi32>
        %reduce_min3A_2036 = vector.extract %reduce_min3A_2035[0, 0, 0] : i32 from vector<1x1x1xi32>
        %eq3A_2037 = vector.broadcast %select_n3A_886 : i32 to vector<8x1xi32>
        %eq3A_2038 = arith.cmpi eq, %iota3A_9, %eq3A_2037 : vector<8x1xi32>
        %jit3A_2039 = arith.constant 0.000000e+00 : f32
        %broadcast_in_dim3A_2040 = vector.broadcast %jit3A_2039 : f32 to vector<8x1xf32>
        %select_n3A_2041 = arith.select %eq3A_2038, %get3A_80, %broadcast_in_dim3A_2040 : vector<8x1xi1>, vector<8x1xf32>
        %reduce_sum3A = vector.shape_cast %select_n3A_2041 : vector<8x1xf32> to vector<1x8x1xf32>
        %reduce_sum3A_2042 = arith.constant dense<0.000000e+00> : vector<1xf32>
        %reduce_sum3A_2043 = vector.multi_reduction <add>, %reduce_sum3A, %reduce_sum3A_2042 [1, 2] : vector<1x8x1xf32> to vector<1xf32>
        %reduce_sum3A_2044 = vector.shape_cast %reduce_sum3A_2043 : vector<1xf32> to vector<1x1x1xf32>
        %reduce_sum3A_2045 = vector.extract %reduce_sum3A_2044[0, 0, 0] : f32 from vector<1x1x1xf32>
        %eq3A_2046 = vector.broadcast %select_n3A_886 : i32 to vector<8x1xi32>
        %eq3A_2047 = arith.cmpi eq, %iota3A_9, %eq3A_2046 : vector<8x1xi32>
        %jit3A_2048 = arith.constant 0.000000e+00 : f32
        %broadcast_in_dim3A_2049 = vector.broadcast %jit3A_2048 : f32 to vector<8x1xf32>
        %select_n3A_2050 = arith.select %eq3A_2047, %get3A_83, %broadcast_in_dim3A_2049 : vector<8x1xi1>, vector<8x1xf32>
        %reduce_sum3A_2051 = vector.shape_cast %select_n3A_2050 : vector<8x1xf32> to vector<1x8x1xf32>
        %reduce_sum3A_2052 = arith.constant dense<0.000000e+00> : vector<1xf32>
        %reduce_sum3A_2053 = vector.multi_reduction <add>, %reduce_sum3A_2051, %reduce_sum3A_2052 [1, 2] : vector<1x8x1xf32> to vector<1xf32>
        %reduce_sum3A_2054 = vector.shape_cast %reduce_sum3A_2053 : vector<1xf32> to vector<1x1x1xf32>
        %reduce_sum3A_2055 = vector.extract %reduce_sum3A_2054[0, 0, 0] : f32 from vector<1x1x1xf32>
        %eq3A_2056 = vector.broadcast %select_n3A_886 : i32 to vector<8x1xi32>
        %eq3A_2057 = arith.cmpi eq, %iota3A_9, %eq3A_2056 : vector<8x1xi32>
        %jit3A_2058 = arith.constant 0.000000e+00 : f32
        %broadcast_in_dim3A_2059 = vector.broadcast %jit3A_2058 : f32 to vector<8x1xf32>
        %select_n3A_2060 = arith.select %eq3A_2057, %get3A_86, %broadcast_in_dim3A_2059 : vector<8x1xi1>, vector<8x1xf32>
        %reduce_sum3A_2061 = vector.shape_cast %select_n3A_2060 : vector<8x1xf32> to vector<1x8x1xf32>
        %reduce_sum3A_2062 = arith.constant dense<0.000000e+00> : vector<1xf32>
        %reduce_sum3A_2063 = vector.multi_reduction <add>, %reduce_sum3A_2061, %reduce_sum3A_2062 [1, 2] : vector<1x8x1xf32> to vector<1xf32>
        %reduce_sum3A_2064 = vector.shape_cast %reduce_sum3A_2063 : vector<1xf32> to vector<1x1x1xf32>
        %reduce_sum3A_2065 = vector.extract %reduce_sum3A_2064[0, 0, 0] : f32 from vector<1x1x1xf32>
        %sub3A_2066 = arith.subf %reduce_max3A_2026, %reduce_sum3A_2045 : f32
        %sub3A_2067 = arith.subf %sub3A_2066, %reduce_sum3A_2055 : f32
        %add3A_2068 = arith.addf %sub3A_2067, %reduce_sum3A_2065 : f32
        %mul3A_2069 = arith.constant 100000 : i32
        %mul3A_2070 = arith.muli %select_n3A_886, %mul3A_2069 : i32
        %add3A_2071 = arith.addi %mul3A_2070, %reduce_min3A_2036 : i32
        %eq3A_2072 = vector.broadcast %select_n3A_886 : i32 to vector<16x98xi32>
        %eq3A_2073 = arith.cmpi eq, %iota3A_8, %eq3A_2072 : vector<16x98xi32>
        %eq3A_2074 = vector.broadcast %select_n3A_913 : i32 to vector<16x98xi32>
        %eq3A_2075 = arith.cmpi eq, %iota3A_7, %eq3A_2074 : vector<16x98xi32>
        %and3A_2076 = arith.andi %eq3A_2073, %eq3A_2075 : vector<16x98xi1>
        %get3A_2077 = arith.constant 0 : index
        %get3A_2078 = arith.constant 0 : index
        %get3A_2079 = vector.load %arg17[%get3A_2077, %get3A_2078] : memref<16x98xf32, #tpu.memory_space<vmem>>, vector<16x98xf32>
        %broadcast_in_dim3A_2080 = vector.broadcast %add3A_2068 : f32 to vector<16x98xf32>
        %select_n3A_2081 = arith.select %and3A_2076, %broadcast_in_dim3A_2080, %get3A_2079 : vector<16x98xi1>, vector<16x98xf32>
        %swap3A_2082 = arith.constant 0 : index
        %swap3A_2083 = arith.constant 0 : index
        %swap3A_2084 = vector.load %arg17[%swap3A_2082, %swap3A_2083] : memref<16x98xf32, #tpu.memory_space<vmem>>, vector<16x98xf32>
        tpu.vector_store %arg17[%swap3A_2082, %swap3A_2083], %select_n3A_2081 {strides = array<i32>} : memref<16x98xf32, #tpu.memory_space<vmem>>, vector<16x98xf32>,
        %get3A_2085 = arith.constant 0 : index
        %get3A_2086 = arith.constant 0 : index
        %get3A_2087 = vector.load %arg18[%get3A_2085, %get3A_2086] : memref<16x98xi32, #tpu.memory_space<vmem>>, vector<16x98xi32>
        %broadcast_in_dim3A_2088 = vector.broadcast %add3A_2071 : i32 to vector<16x98xi32>
        %select_n3A_2089 = arith.select %and3A_2076, %broadcast_in_dim3A_2088, %get3A_2087 : vector<16x98xi1>, vector<16x98xi32>
        %swap3A_2090 = arith.constant 0 : index
        %swap3A_2091 = arith.constant 0 : index
        %swap3A_2092 = vector.load %arg18[%swap3A_2090, %swap3A_2091] : memref<16x98xi32, #tpu.memory_space<vmem>>, vector<16x98xi32>
        tpu.vector_store %arg18[%swap3A_2090, %swap3A_2091], %select_n3A_2089 {strides = array<i32>} : memref<16x98xi32, #tpu.memory_space<vmem>>, vector<16x98xi32>,
      } else {
      }
      %get3A_969 = arith.constant 0 : index
      %get3A_970 = arith.constant 0 : index
      %get3A_971 = vector.load %arg15[%get3A_969, %get3A_970] : memref<16x98xf32, #tpu.memory_space<vmem>>, vector<16x98xf32>
      %get3A_972 = arith.constant 0 : index
      %get3A_973 = arith.constant 0 : index
      %get3A_974 = vector.load %arg16[%get3A_972, %get3A_973] : memref<16x98xi32, #tpu.memory_space<vmem>>, vector<16x98xi32>
      %reduce_max3A_975 = vector.shape_cast %get3A_971 : vector<16x98xf32> to vector<1x16x98xf32>
      %reduce_max3A_976 = arith.constant dense<0xFF800000> : vector<1xf32>
      %reduce_max3A_977 = vector.multi_reduction <maximumf>, %reduce_max3A_975, %reduce_max3A_976 [1, 2] : vector<1x16x98xf32> to vector<1xf32>
      %reduce_max3A_978 = vector.shape_cast %reduce_max3A_977 : vector<1xf32> to vector<1x1x1xf32>
      %reduce_max3A_979 = vector.extract %reduce_max3A_978[0, 0, 0] : f32 from vector<1x1x1xf32>
      %eq3A_980 = vector.broadcast %reduce_max3A_979 : f32 to vector<16x98xf32>
      %eq3A_981 = arith.cmpf oeq, %get3A_971, %eq3A_980 : vector<16x98xf32>
      %jit3A_982 = arith.constant 1073741824 : i32
      %broadcast_in_dim3A_983 = vector.broadcast %jit3A_982 : i32 to vector<16x98xi32>
      %select_n3A_984 = arith.select %eq3A_981, %get3A_974, %broadcast_in_dim3A_983 : vector<16x98xi1>, vector<16x98xi32>
      %reduce_min3A_985 = vector.shape_cast %select_n3A_984 : vector<16x98xi32> to vector<1x16x98xi32>
      %reduce_min3A_986 = arith.constant dense<2147483647> : vector<1xi32>
      %reduce_min3A_987 = vector.multi_reduction <minsi>, %reduce_min3A_985, %reduce_min3A_986 [1, 2] : vector<1x16x98xi32> to vector<1xi32>
      %reduce_min3A_988 = vector.shape_cast %reduce_min3A_987 : vector<1xi32> to vector<1x1x1xi32>
      %reduce_min3A_989 = vector.extract %reduce_min3A_988[0, 0, 0] : i32 from vector<1x1x1xi32>
      %eq3A_990 = vector.broadcast %reduce_min3A_989 : i32 to vector<16x98xi32>
      %eq3A_991 = arith.cmpi eq, %get3A_974, %eq3A_990 : vector<16x98xi32>
      %jit3A_992 = arith.constant -1.000000e+30 : f32
      %broadcast_in_dim3A_993 = vector.broadcast %jit3A_992 : f32 to vector<16x98xf32>
      %select_n3A_994 = arith.select %eq3A_991, %broadcast_in_dim3A_993, %get3A_971 : vector<16x98xi1>, vector<16x98xf32>
      %swap3A_995 = arith.constant 0 : index
      %swap3A_996 = arith.constant 0 : index
      %swap3A_997 = vector.load %arg15[%swap3A_995, %swap3A_996] : memref<16x98xf32, #tpu.memory_space<vmem>>, vector<16x98xf32>
      tpu.vector_store %arg15[%swap3A_995, %swap3A_996], %select_n3A_994 {strides = array<i32>} : memref<16x98xf32, #tpu.memory_space<vmem>>, vector<16x98xf32>,
      %jit3A_998 = arith.constant 100000 : i32
      %div3A_999 = arith.divsi %reduce_min3A_989, %jit3A_998 : i32
      %sign3A_1000 = arith.constant 0 : i32
      %sign3A_1001 = arith.cmpi sgt, %reduce_min3A_989, %sign3A_1000 : i32
      %sign3A_1002 = arith.extui %sign3A_1001 : i1 to i32
      %sign3A_1003 = arith.constant 0 : i32
      %sign3A_1004 = arith.cmpi slt, %reduce_min3A_989, %sign3A_1003 : i32
      %sign3A_1005 = arith.extui %sign3A_1004 : i1 to i32
      %sign3A_1006 = arith.subi %sign3A_1002, %sign3A_1005 : i32
      %sign3A_1007 = arith.constant 0 : i32
      %sign3A_1008 = arith.cmpi sgt, %jit3A_998, %sign3A_1007 : i32
      %sign3A_1009 = arith.extui %sign3A_1008 : i1 to i32
      %sign3A_1010 = arith.constant 0 : i32
      %sign3A_1011 = arith.cmpi slt, %jit3A_998, %sign3A_1010 : i32
      %sign3A_1012 = arith.extui %sign3A_1011 : i1 to i32
      %sign3A_1013 = arith.subi %sign3A_1009, %sign3A_1012 : i32
      %ne3A_1014 = arith.cmpi ne, %sign3A_1006, %sign3A_1013 : i32
      %rem3A_1015 = arith.remsi %reduce_min3A_989, %jit3A_998 : i32
      %ne3A_1016 = arith.constant 0 : i32
      %ne3A_1017 = arith.cmpi ne, %rem3A_1015, %ne3A_1016 : i32
      %and3A_1018 = arith.andi %ne3A_1014, %ne3A_1017 : i1
      %sub3A_1019 = arith.constant 1 : i32
      %sub3A_1020 = arith.subi %div3A_999, %sub3A_1019 : i32
      %select_n3A_1021 = arith.select %and3A_1018, %sub3A_1020, %div3A_999 : i32
      %mul3A_1022 = arith.constant 100000 : i32
      %mul3A_1023 = arith.muli %select_n3A_1021, %mul3A_1022 : i32
      %sub3A_1024 = arith.subi %reduce_min3A_989, %mul3A_1023 : i32
      %jit3A_1025 = arith.constant 1024 : i32
      %div3A_1026 = arith.divsi %sub3A_1024, %jit3A_1025 : i32
      %sign3A_1027 = arith.constant 0 : i32
      %sign3A_1028 = arith.cmpi sgt, %sub3A_1024, %sign3A_1027 : i32
      %sign3A_1029 = arith.extui %sign3A_1028 : i1 to i32
      %sign3A_1030 = arith.constant 0 : i32
      %sign3A_1031 = arith.cmpi slt, %sub3A_1024, %sign3A_1030 : i32
      %sign3A_1032 = arith.extui %sign3A_1031 : i1 to i32
      %sign3A_1033 = arith.subi %sign3A_1029, %sign3A_1032 : i32
      %sign3A_1034 = arith.constant 0 : i32
      %sign3A_1035 = arith.cmpi sgt, %jit3A_1025, %sign3A_1034 : i32
      %sign3A_1036 = arith.extui %sign3A_1035 : i1 to i32
      %sign3A_1037 = arith.constant 0 : i32
      %sign3A_1038 = arith.cmpi slt, %jit3A_1025, %sign3A_1037 : i32
      %sign3A_1039 = arith.extui %sign3A_1038 : i1 to i32
      %sign3A_1040 = arith.subi %sign3A_1036, %sign3A_1039 : i32
      %ne3A_1041 = arith.cmpi ne, %sign3A_1033, %sign3A_1040 : i32
      %rem3A_1042 = arith.remsi %sub3A_1024, %jit3A_1025 : i32
      %ne3A_1043 = arith.constant 0 : i32
      %ne3A_1044 = arith.cmpi ne, %rem3A_1042, %ne3A_1043 : i32
      %and3A_1045 = arith.andi %ne3A_1041, %ne3A_1044 : i1
      %sub3A_1046 = arith.constant 1 : i32
      %sub3A_1047 = arith.subi %div3A_1026, %sub3A_1046 : i32
      %select_n3A_1048 = arith.select %and3A_1045, %sub3A_1047, %div3A_1026 : i32
      %mul3A_1049 = arith.constant 98 : i32
      %mul3A_1050 = arith.muli %select_n3A_1021, %mul3A_1049 : i32
      %add3A_1051 = arith.addi %mul3A_1050, %select_n3A_1048 : i32
      %get3A_1052 = arith.constant 0 : index
      %get3A_1053 = arith.constant 0 : index
      %get3A_1054 = vector.load %arg17[%get3A_1052, %get3A_1053] : memref<16x98xf32, #tpu.memory_space<vmem>>, vector<16x98xf32>
      %get3A_1055 = arith.constant 0 : index
      %get3A_1056 = arith.constant 0 : index
      %get3A_1057 = vector.load %arg18[%get3A_1055, %get3A_1056] : memref<16x98xi32, #tpu.memory_space<vmem>>, vector<16x98xi32>
      %reduce_max3A_1058 = vector.shape_cast %get3A_1054 : vector<16x98xf32> to vector<1x16x98xf32>
      %reduce_max3A_1059 = arith.constant dense<0xFF800000> : vector<1xf32>
      %reduce_max3A_1060 = vector.multi_reduction <maximumf>, %reduce_max3A_1058, %reduce_max3A_1059 [1, 2] : vector<1x16x98xf32> to vector<1xf32>
      %reduce_max3A_1061 = vector.shape_cast %reduce_max3A_1060 : vector<1xf32> to vector<1x1x1xf32>
      %reduce_max3A_1062 = vector.extract %reduce_max3A_1061[0, 0, 0] : f32 from vector<1x1x1xf32>
      %eq3A_1063 = vector.broadcast %reduce_max3A_1062 : f32 to vector<16x98xf32>
      %eq3A_1064 = arith.cmpf oeq, %get3A_1054, %eq3A_1063 : vector<16x98xf32>
      %jit3A_1065 = arith.constant 1073741824 : i32
      %broadcast_in_dim3A_1066 = vector.broadcast %jit3A_1065 : i32 to vector<16x98xi32>
      %select_n3A_1067 = arith.select %eq3A_1064, %get3A_1057, %broadcast_in_dim3A_1066 : vector<16x98xi1>, vector<16x98xi32>
      %reduce_min3A_1068 = vector.shape_cast %select_n3A_1067 : vector<16x98xi32> to vector<1x16x98xi32>
      %reduce_min3A_1069 = arith.constant dense<2147483647> : vector<1xi32>
      %reduce_min3A_1070 = vector.multi_reduction <minsi>, %reduce_min3A_1068, %reduce_min3A_1069 [1, 2] : vector<1x16x98xi32> to vector<1xi32>
      %reduce_min3A_1071 = vector.shape_cast %reduce_min3A_1070 : vector<1xi32> to vector<1x1x1xi32>
      %reduce_min3A_1072 = vector.extract %reduce_min3A_1071[0, 0, 0] : i32 from vector<1x1x1xi32>
      %eq3A_1073 = vector.broadcast %reduce_min3A_1072 : i32 to vector<16x98xi32>
      %eq3A_1074 = arith.cmpi eq, %get3A_1057, %eq3A_1073 : vector<16x98xi32>
      %jit3A_1075 = arith.constant -1.000000e+30 : f32
      %broadcast_in_dim3A_1076 = vector.broadcast %jit3A_1075 : f32 to vector<16x98xf32>
      %select_n3A_1077 = arith.select %eq3A_1074, %broadcast_in_dim3A_1076, %get3A_1054 : vector<16x98xi1>, vector<16x98xf32>
      %swap3A_1078 = arith.constant 0 : index
      %swap3A_1079 = arith.constant 0 : index
      %swap3A_1080 = vector.load %arg17[%swap3A_1078, %swap3A_1079] : memref<16x98xf32, #tpu.memory_space<vmem>>, vector<16x98xf32>
      tpu.vector_store %arg17[%swap3A_1078, %swap3A_1079], %select_n3A_1077 {strides = array<i32>} : memref<16x98xf32, #tpu.memory_space<vmem>>, vector<16x98xf32>,
      %jit3A_1081 = arith.constant 100000 : i32
      %div3A_1082 = arith.divsi %reduce_min3A_1072, %jit3A_1081 : i32
      %sign3A_1083 = arith.constant 0 : i32
      %sign3A_1084 = arith.cmpi sgt, %reduce_min3A_1072, %sign3A_1083 : i32
      %sign3A_1085 = arith.extui %sign3A_1084 : i1 to i32
      %sign3A_1086 = arith.constant 0 : i32
      %sign3A_1087 = arith.cmpi slt, %reduce_min3A_1072, %sign3A_1086 : i32
      %sign3A_1088 = arith.extui %sign3A_1087 : i1 to i32
      %sign3A_1089 = arith.subi %sign3A_1085, %sign3A_1088 : i32
      %sign3A_1090 = arith.constant 0 : i32
      %sign3A_1091 = arith.cmpi sgt, %jit3A_1081, %sign3A_1090 : i32
      %sign3A_1092 = arith.extui %sign3A_1091 : i1 to i32
      %sign3A_1093 = arith.constant 0 : i32
      %sign3A_1094 = arith.cmpi slt, %jit3A_1081, %sign3A_1093 : i32
      %sign3A_1095 = arith.extui %sign3A_1094 : i1 to i32
      %sign3A_1096 = arith.subi %sign3A_1092, %sign3A_1095 : i32
      %ne3A_1097 = arith.cmpi ne, %sign3A_1089, %sign3A_1096 : i32
      %rem3A_1098 = arith.remsi %reduce_min3A_1072, %jit3A_1081 : i32
      %ne3A_1099 = arith.constant 0 : i32
      %ne3A_1100 = arith.cmpi ne, %rem3A_1098, %ne3A_1099 : i32
      %and3A_1101 = arith.andi %ne3A_1097, %ne3A_1100 : i1
      %sub3A_1102 = arith.constant 1 : i32
      %sub3A_1103 = arith.subi %div3A_1082, %sub3A_1102 : i32
      %select_n3A_1104 = arith.select %and3A_1101, %sub3A_1103, %div3A_1082 : i32
      %mul3A_1105 = arith.constant 100000 : i32
      %mul3A_1106 = arith.muli %select_n3A_1104, %mul3A_1105 : i32
      %sub3A_1107 = arith.subi %reduce_min3A_1072, %mul3A_1106 : i32
      %jit3A_1108 = arith.constant 1024 : i32
      %div3A_1109 = arith.divsi %sub3A_1107, %jit3A_1108 : i32
      %sign3A_1110 = arith.constant 0 : i32
      %sign3A_1111 = arith.cmpi sgt, %sub3A_1107, %sign3A_1110 : i32
      %sign3A_1112 = arith.extui %sign3A_1111 : i1 to i32
      %sign3A_1113 = arith.constant 0 : i32
      %sign3A_1114 = arith.cmpi slt, %sub3A_1107, %sign3A_1113 : i32
      %sign3A_1115 = arith.extui %sign3A_1114 : i1 to i32
      %sign3A_1116 = arith.subi %sign3A_1112, %sign3A_1115 : i32
      %sign3A_1117 = arith.constant 0 : i32
      %sign3A_1118 = arith.cmpi sgt, %jit3A_1108, %sign3A_1117 : i32
      %sign3A_1119 = arith.extui %sign3A_1118 : i1 to i32
      %sign3A_1120 = arith.constant 0 : i32
      %sign3A_1121 = arith.cmpi slt, %jit3A_1108, %sign3A_1120 : i32
      %sign3A_1122 = arith.extui %sign3A_1121 : i1 to i32
      %sign3A_1123 = arith.subi %sign3A_1119, %sign3A_1122 : i32
      %ne3A_1124 = arith.cmpi ne, %sign3A_1116, %sign3A_1123 : i32
      %rem3A_1125 = arith.remsi %sub3A_1107, %jit3A_1108 : i32
      %ne3A_1126 = arith.constant 0 : i32
      %ne3A_1127 = arith.cmpi ne, %rem3A_1125, %ne3A_1126 : i32
      %and3A_1128 = arith.andi %ne3A_1124, %ne3A_1127 : i1
      %sub3A_1129 = arith.constant 1 : i32
      %sub3A_1130 = arith.subi %div3A_1109, %sub3A_1129 : i32
      %select_n3A_1131 = arith.select %and3A_1128, %sub3A_1130, %div3A_1109 : i32
      %mul3A_1132 = arith.constant 98 : i32
      %mul3A_1133 = arith.muli %select_n3A_1104, %mul3A_1132 : i32
      %add3A_1134 = arith.addi %mul3A_1133, %select_n3A_1131 : i32
      %eq3A_1135 = arith.constant 4 : i32
      %eq3A_1136 = vector.broadcast %eq3A_1135 : i32 to vector<8x1xi32>
      %eq3A_1137 = arith.cmpi eq, %iota3A_9, %eq3A_1136 : vector<8x1xi32>
      %jit3A_1138 = arith.constant 0.000000e+00 : f32
      %broadcast_in_dim3A_1139 = vector.broadcast %reduce_max3A_979 : f32 to vector<8x1xf32>
      %broadcast_in_dim3A_1140 = vector.broadcast %jit3A_1138 : f32 to vector<8x1xf32>
      %select_n3A_1141 = arith.select %eq3A_1137, %broadcast_in_dim3A_1139, %broadcast_in_dim3A_1140 : vector<8x1xi1>, vector<8x1xf32>
      %add3A_1142 = arith.addf %add3A_924, %select_n3A_1141 : vector<8x1xf32>
      %eq3A_1143 = arith.constant 4 : i32
      %eq3A_1144 = vector.broadcast %eq3A_1143 : i32 to vector<8x1xi32>
      %eq3A_1145 = arith.cmpi eq, %iota3A_9, %eq3A_1144 : vector<8x1xi32>
      %jit3A_1146 = arith.constant 0 : i32
      %broadcast_in_dim3A_1147 = vector.broadcast %reduce_min3A_989 : i32 to vector<8x1xi32>
      %broadcast_in_dim3A_1148 = vector.broadcast %jit3A_1146 : i32 to vector<8x1xi32>
      %select_n3A_1149 = arith.select %eq3A_1145, %broadcast_in_dim3A_1147, %broadcast_in_dim3A_1148 : vector<8x1xi1>, vector<8x1xi32>
      %add3A_1150 = arith.addi %add3A_932, %select_n3A_1149 : vector<8x1xi32>
      %eq3A_1151 = arith.constant 4 : i32
      %eq3A_1152 = vector.broadcast %eq3A_1151 : i32 to vector<8x1xi32>
      %eq3A_1153 = arith.cmpi eq, %iota3A_9, %eq3A_1152 : vector<8x1xi32>
      %jit3A_1154 = arith.constant 0.000000e+00 : f32
      %broadcast_in_dim3A_1155 = vector.broadcast %reduce_max3A_1062 : f32 to vector<8x1xf32>
      %broadcast_in_dim3A_1156 = vector.broadcast %jit3A_1154 : f32 to vector<8x1xf32>
      %select_n3A_1157 = arith.select %eq3A_1153, %broadcast_in_dim3A_1155, %broadcast_in_dim3A_1156 : vector<8x1xi1>, vector<8x1xf32>
      %add3A_1158 = arith.addf %add3A_940, %select_n3A_1157 : vector<8x1xf32>
      %eq3A_1159 = arith.constant 4 : i32
      %eq3A_1160 = vector.broadcast %eq3A_1159 : i32 to vector<8x1xi32>
      %eq3A_1161 = arith.cmpi eq, %iota3A_9, %eq3A_1160 : vector<8x1xi32>
      %jit3A_1162 = arith.constant 0 : i32
      %broadcast_in_dim3A_1163 = vector.broadcast %reduce_min3A_1072 : i32 to vector<8x1xi32>
      %broadcast_in_dim3A_1164 = vector.broadcast %jit3A_1162 : i32 to vector<8x1xi32>
      %select_n3A_1165 = arith.select %eq3A_1161, %broadcast_in_dim3A_1163, %broadcast_in_dim3A_1164 : vector<8x1xi1>, vector<8x1xi32>
      %add3A_1166 = arith.addi %add3A_948, %select_n3A_1165 : vector<8x1xi32>
      %eq3A_1167 = arith.cmpi eq, %add3A_214, %add3A_1051 : i32
      %or3A_1168 = arith.constant false
      %or3A_1169 = arith.ori %or3A_1168, %eq3A_1167 : i1
      %eq3A_1170 = arith.cmpi eq, %add3A_412, %add3A_1051 : i32
      %or3A_1171 = arith.ori %or3A_1169, %eq3A_1170 : i1
      %eq3A_1172 = arith.cmpi eq, %add3A_619, %add3A_1051 : i32
      %or3A_1173 = arith.ori %or3A_1171, %eq3A_1172 : i1
      %eq3A_1174 = arith.cmpi eq, %add3A_833, %add3A_1051 : i32
      %or3A_1175 = arith.ori %or3A_1173, %eq3A_1174 : i1
      %eq3A_1176 = arith.cmpi eq, %add3A_297, %add3A_1134 : i32
      %or3A_1177 = arith.constant false
      %or3A_1178 = arith.ori %or3A_1177, %eq3A_1176 : i1
      %eq3A_1179 = arith.cmpi eq, %add3A_495, %add3A_1134 : i32
      %or3A_1180 = arith.ori %or3A_1178, %eq3A_1179 : i1
      %eq3A_1181 = arith.cmpi eq, %add3A_702, %add3A_1134 : i32
      %or3A_1182 = arith.ori %or3A_1180, %eq3A_1181 : i1
      %eq3A_1183 = arith.cmpi eq, %add3A_916, %add3A_1134 : i32
      %or3A_1184 = arith.ori %or3A_1182, %eq3A_1183 : i1
      %convert_element_type3A_1185 = arith.extui %or3A_1175 : i1 to i32
      %cond3A_1186 = arith.constant 0 : i32
      %cond3A_1187 = arith.cmpi ne, %convert_element_type3A_1185, %cond3A_1186 : i32
      scf.if %cond3A_1187 {
        %mul3A_2001 = arith.constant 8 : i32
        %mul3A_2002 = arith.muli %mul3A_15, %mul3A_2001 : i32
        %add3A_2003 = arith.addi %mul3A_2002, %select_n3A_1021 : i32
        %mul3A_2004 = arith.constant 1024 : i32
        %mul3A_2005 = arith.muli %select_n3A_1048, %mul3A_2004 : i32
        %min3A = arith.constant 98976 : i32
        %min3A_2006 = arith.minsi %mul3A_2005, %min3A : i32
        %multiple_of3A_2007 = tpu.assume_multiple %min3A_2006, 8 : i32
        %dma_start3A = arith.constant 0 : i32
        %dma_start3A_2008 = tpu.memref_slice %arg9[%multiple_of3A_2007, %dma_start3A] : memref<100000x512xf32, #tpu.memory_space<any>> -> memref<1024x512xf32, #tpu.memory_space<any>>
        tpu.enqueue_dma source(%dma_start3A_2008 : memref<1024x512xf32, #tpu.memory_space<any>>) target(%arg19 : memref<1024x512xf32, #tpu.memory_space<vmem>>) target_semaphore(%arg20 : memref<!tpu.dma_semaphore, #tpu.memory_space<semaphore_mem>>)
        %dma_wait3A = arith.constant 0 : i32
        %dma_wait3A_2009 = tpu.memref_slice %arg9[%multiple_of3A_2007, %dma_wait3A] : memref<100000x512xf32, #tpu.memory_space<any>> -> memref<1024x512xf32, #tpu.memory_space<any>>
        tpu.wait_dma2 semaphore(%arg20 : memref<!tpu.dma_semaphore, #tpu.memory_space<semaphore_mem>>) src(%dma_wait3A_2009 : memref<1024x512xf32, #tpu.memory_space<any>>) dst(%arg19 : memref<1024x512xf32, #tpu.memory_space<vmem>>)
        %iota3A_2010 = tpu.iota {dimensions = array<i32: 0>} : vector<8x512xi32>
        %iota3A_2011 = tpu.iota {dimensions = array<i32: 1>} : vector<8x512xi32>
        %broadcast_in_dim3A_2012 = arith.constant -1.000000e+30 : f32
        %broadcast_in_dim3A_2013 = vector.broadcast %broadcast_in_dim3A_2012 : f32 to vector<8x512xf32>
        %broadcast_in_dim3A_2014 = arith.constant 0 : i32
        %broadcast_in_dim3A_2015 = vector.broadcast %broadcast_in_dim3A_2014 : i32 to vector<8x512xi32>
        %scan3A_2016 = arith.constant 0 : i32
        %scan3A_2017 = arith.constant 128 : i32
        %scan3A_2018 = arith.addi %scan3A_2016, %scan3A_2017 : i32
        %scan3A_2019 = arith.constant 1 : i32
        %scan3A_2020:2 = scf.for %scan3A_2093 = %scan3A_2016 to %scan3A_2018 step %scan3A_2019 iter_args(%scan3A_2094 = %broadcast_in_dim3A_2013, %scan3A_2095 = %broadcast_in_dim3A_2015) -> (vector<8x512xf32>, vector<8x512xi32>)  : i32 {
          %mul3A_2096 = arith.constant 8 : i32
          %mul3A_2097 = arith.muli %scan3A_2093, %mul3A_2096 : i32
          %get3A_2098 = arith.index_cast %mul3A_2097 : i32 to index
          %get3A_2099 = arith.constant 0 : index
          %get3A_2100 = vector.load %arg19[%get3A_2098, %get3A_2099] : memref<1024x512xf32, #tpu.memory_space<vmem>>, vector<8x512xf32>
          %mul3A_2101 = arith.constant 8 : i32
          %mul3A_2102 = arith.muli %scan3A_2093, %mul3A_2101 : i32
          %add3A_2103 = arith.addi %min3A_2006, %mul3A_2102 : i32
          %add3A_2104 = vector.broadcast %add3A_2103 : i32 to vector<8x512xi32>
          %add3A_2105 = arith.addi %add3A_2104, %iota3A_2010 : vector<8x512xi32>
          %eq3A_2106 = vector.broadcast %add3A_2003 : i32 to vector<8x512xi32>
          %eq3A_2107 = arith.cmpi eq, %iota3A_2011, %eq3A_2106 : vector<8x512xi32>
          %jit3A_2108 = arith.constant 1024 : i32
          %div3A_2109 = vector.broadcast %jit3A_2108 : i32 to vector<8x512xi32>
          %div3A_2110 = arith.divsi %add3A_2105, %div3A_2109 : vector<8x512xi32>
          %sign3A_2111 = arith.constant 0 : i32
          %sign3A_2112 = vector.broadcast %sign3A_2111 : i32 to vector<8x512xi32>
          %sign3A_2113 = arith.cmpi sgt, %add3A_2105, %sign3A_2112 : vector<8x512xi32>
          %sign3A_2114 = arith.extui %sign3A_2113 : vector<8x512xi1> to vector<8x512xi32>
          %sign3A_2115 = arith.constant 0 : i32
          %sign3A_2116 = vector.broadcast %sign3A_2115 : i32 to vector<8x512xi32>
          %sign3A_2117 = arith.cmpi slt, %add3A_2105, %sign3A_2116 : vector<8x512xi32>
          %sign3A_2118 = arith.extui %sign3A_2117 : vector<8x512xi1> to vector<8x512xi32>
          %sign3A_2119 = arith.subi %sign3A_2114, %sign3A_2118 : vector<8x512xi32>
          %sign3A_2120 = arith.constant 0 : i32
          %sign3A_2121 = arith.cmpi sgt, %jit3A_2108, %sign3A_2120 : i32
          %sign3A_2122 = arith.extui %sign3A_2121 : i1 to i32
          %sign3A_2123 = arith.constant 0 : i32
          %sign3A_2124 = arith.cmpi slt, %jit3A_2108, %sign3A_2123 : i32
          %sign3A_2125 = arith.extui %sign3A_2124 : i1 to i32
          %sign3A_2126 = arith.subi %sign3A_2122, %sign3A_2125 : i32
          %ne3A_2127 = vector.broadcast %sign3A_2126 : i32 to vector<8x512xi32>
          %ne3A_2128 = arith.cmpi ne, %sign3A_2119, %ne3A_2127 : vector<8x512xi32>
          %rem3A_2129 = vector.broadcast %jit3A_2108 : i32 to vector<8x512xi32>
          %rem3A_2130 = arith.remsi %add3A_2105, %rem3A_2129 : vector<8x512xi32>
          %ne3A_2131 = arith.constant 0 : i32
          %ne3A_2132 = vector.broadcast %ne3A_2131 : i32 to vector<8x512xi32>
          %ne3A_2133 = arith.cmpi ne, %rem3A_2130, %ne3A_2132 : vector<8x512xi32>
          %and3A_2134 = arith.andi %ne3A_2128, %ne3A_2133 : vector<8x512xi1>
          %sub3A_2135 = arith.constant 1 : i32
          %sub3A_2136 = vector.broadcast %sub3A_2135 : i32 to vector<8x512xi32>
          %sub3A_2137 = arith.subi %div3A_2110, %sub3A_2136 : vector<8x512xi32>
          %select_n3A_2138 = arith.select %and3A_2134, %sub3A_2137, %div3A_2110 : vector<8x512xi1>, vector<8x512xi32>
          %eq3A_2139 = vector.broadcast %select_n3A_1048 : i32 to vector<8x512xi32>
          %eq3A_2140 = arith.cmpi eq, %select_n3A_2138, %eq3A_2139 : vector<8x512xi32>
          %and3A_2141 = arith.andi %eq3A_2107, %eq3A_2140 : vector<8x512xi1>
          %lt3A_2142 = arith.constant 100000 : i32
          %lt3A_2143 = vector.broadcast %lt3A_2142 : i32 to vector<8x512xi32>
          %lt3A_2144 = arith.cmpi slt, %add3A_2105, %lt3A_2143 : vector<8x512xi32>
          %and3A_2145 = arith.andi %and3A_2141, %lt3A_2144 : vector<8x512xi1>
          %eq3A_2146 = arith.constant 2 : i32
          %eq3A_2147 = vector.broadcast %eq3A_2146 : i32 to vector<8x512xi32>
          %eq3A_2148 = arith.cmpi eq, %add3A_2105, %eq3A_2147 : vector<8x512xi32>
          %and3A_2149 = vector.broadcast %lt3A_2 : i1 to vector<8x512xi1>
          %and3A_2150 = arith.andi %and3A_2149, %eq3A_2148 : vector<8x512xi1>
          %not3A = arith.constant dense<true> : vector<8x512xi1>
          %not3A_2151 = arith.xori %and3A_2150, %not3A : vector<8x512xi1>
          %and3A_2152 = arith.andi %and3A_2145, %not3A_2151 : vector<8x512xi1>
          %mul3A_2153 = arith.constant 100000 : i32
          %mul3A_2154 = arith.muli %select_n3A_1021, %mul3A_2153 : i32
          %add3A_2155 = vector.broadcast %mul3A_2154 : i32 to vector<8x512xi32>
          %add3A_2156 = arith.addi %add3A_2155, %add3A_2105 : vector<8x512xi32>
          %ne3A_2157 = vector.broadcast %reduce_min3A_157 : i32 to vector<8x512xi32>
          %ne3A_2158 = arith.cmpi ne, %add3A_2156, %ne3A_2157 : vector<8x512xi32>
          %and3A_2159 = arith.andi %and3A_2152, %ne3A_2158 : vector<8x512xi1>
          %ne3A_2160 = vector.broadcast %reduce_min3A_350 : i32 to vector<8x512xi32>
          %ne3A_2161 = arith.cmpi ne, %add3A_2156, %ne3A_2160 : vector<8x512xi32>
          %and3A_2162 = arith.andi %and3A_2159, %ne3A_2161 : vector<8x512xi1>
          %ne3A_2163 = vector.broadcast %reduce_min3A_557 : i32 to vector<8x512xi32>
          %ne3A_2164 = arith.cmpi ne, %add3A_2156, %ne3A_2163 : vector<8x512xi32>
          %and3A_2165 = arith.andi %and3A_2162, %ne3A_2164 : vector<8x512xi1>
          %ne3A_2166 = vector.broadcast %reduce_min3A_771 : i32 to vector<8x512xi32>
          %ne3A_2167 = arith.cmpi ne, %add3A_2156, %ne3A_2166 : vector<8x512xi32>
          %and3A_2168 = arith.andi %and3A_2165, %ne3A_2167 : vector<8x512xi1>
          %ne3A_2169 = vector.broadcast %reduce_min3A_989 : i32 to vector<8x512xi32>
          %ne3A_2170 = arith.cmpi ne, %add3A_2156, %ne3A_2169 : vector<8x512xi32>
          %and3A_2171 = arith.andi %and3A_2168, %ne3A_2170 : vector<8x512xi1>
          %jit3A_2172 = arith.constant -1.000000e+30 : f32
          %broadcast_in_dim3A_2173 = vector.broadcast %jit3A_2172 : f32 to vector<8x512xf32>
          %select_n3A_2174 = arith.select %and3A_2171, %get3A_2100, %broadcast_in_dim3A_2173 : vector<8x512xi1>, vector<8x512xf32>
          %gt3A = arith.cmpf ogt, %select_n3A_2174, %scan3A_2094 : vector<8x512xf32>
          %max3A = arith.maximumf %select_n3A_2174, %scan3A_2094 : vector<8x512xf32>
          %select_n3A_2175 = arith.select %gt3A, %add3A_2105, %scan3A_2095 : vector<8x512xi1>, vector<8x512xi32>
          scf.yield %max3A, %select_n3A_2175 : vector<8x512xf32>, vector<8x512xi32>
        }
        %scan3A_2021 = arith.constant 128 : i32
        %reduce_max3A_2022 = vector.shape_cast %scan3A_2020#0 : vector<8x512xf32> to vector<1x8x512xf32>
        %reduce_max3A_2023 = arith.constant dense<0xFF800000> : vector<1xf32>
        %reduce_max3A_2024 = vector.multi_reduction <maximumf>, %reduce_max3A_2022, %reduce_max3A_2023 [1, 2] : vector<1x8x512xf32> to vector<1xf32>
        %reduce_max3A_2025 = vector.shape_cast %reduce_max3A_2024 : vector<1xf32> to vector<1x1x1xf32>
        %reduce_max3A_2026 = vector.extract %reduce_max3A_2025[0, 0, 0] : f32 from vector<1x1x1xf32>
        %eq3A_2027 = vector.broadcast %reduce_max3A_2026 : f32 to vector<8x512xf32>
        %eq3A_2028 = arith.cmpf oeq, %scan3A_2020#0, %eq3A_2027 : vector<8x512xf32>
        %jit3A_2029 = arith.constant 1073741824 : i32
        %broadcast_in_dim3A_2030 = vector.broadcast %jit3A_2029 : i32 to vector<8x512xi32>
        %select_n3A_2031 = arith.select %eq3A_2028, %scan3A_2020#1, %broadcast_in_dim3A_2030 : vector<8x512xi1>, vector<8x512xi32>
        %reduce_min3A_2032 = vector.shape_cast %select_n3A_2031 : vector<8x512xi32> to vector<1x8x512xi32>
        %reduce_min3A_2033 = arith.constant dense<2147483647> : vector<1xi32>
        %reduce_min3A_2034 = vector.multi_reduction <minsi>, %reduce_min3A_2032, %reduce_min3A_2033 [1, 2] : vector<1x8x512xi32> to vector<1xi32>
        %reduce_min3A_2035 = vector.shape_cast %reduce_min3A_2034 : vector<1xi32> to vector<1x1x1xi32>
        %reduce_min3A_2036 = vector.extract %reduce_min3A_2035[0, 0, 0] : i32 from vector<1x1x1xi32>
        %eq3A_2037 = vector.broadcast %select_n3A_1021 : i32 to vector<8x1xi32>
        %eq3A_2038 = arith.cmpi eq, %iota3A_9, %eq3A_2037 : vector<8x1xi32>
        %jit3A_2039 = arith.constant 0.000000e+00 : f32
        %broadcast_in_dim3A_2040 = vector.broadcast %jit3A_2039 : f32 to vector<8x1xf32>
        %select_n3A_2041 = arith.select %eq3A_2038, %get3A_26, %broadcast_in_dim3A_2040 : vector<8x1xi1>, vector<8x1xf32>
        %reduce_sum3A = vector.shape_cast %select_n3A_2041 : vector<8x1xf32> to vector<1x8x1xf32>
        %reduce_sum3A_2042 = arith.constant dense<0.000000e+00> : vector<1xf32>
        %reduce_sum3A_2043 = vector.multi_reduction <add>, %reduce_sum3A, %reduce_sum3A_2042 [1, 2] : vector<1x8x1xf32> to vector<1xf32>
        %reduce_sum3A_2044 = vector.shape_cast %reduce_sum3A_2043 : vector<1xf32> to vector<1x1x1xf32>
        %reduce_sum3A_2045 = vector.extract %reduce_sum3A_2044[0, 0, 0] : f32 from vector<1x1x1xf32>
        %eq3A_2046 = vector.broadcast %select_n3A_1021 : i32 to vector<8x1xi32>
        %eq3A_2047 = arith.cmpi eq, %iota3A_9, %eq3A_2046 : vector<8x1xi32>
        %jit3A_2048 = arith.constant 0.000000e+00 : f32
        %broadcast_in_dim3A_2049 = vector.broadcast %jit3A_2048 : f32 to vector<8x1xf32>
        %select_n3A_2050 = arith.select %eq3A_2047, %get3A_29, %broadcast_in_dim3A_2049 : vector<8x1xi1>, vector<8x1xf32>
        %reduce_sum3A_2051 = vector.shape_cast %select_n3A_2050 : vector<8x1xf32> to vector<1x8x1xf32>
        %reduce_sum3A_2052 = arith.constant dense<0.000000e+00> : vector<1xf32>
        %reduce_sum3A_2053 = vector.multi_reduction <add>, %reduce_sum3A_2051, %reduce_sum3A_2052 [1, 2] : vector<1x8x1xf32> to vector<1xf32>
        %reduce_sum3A_2054 = vector.shape_cast %reduce_sum3A_2053 : vector<1xf32> to vector<1x1x1xf32>
        %reduce_sum3A_2055 = vector.extract %reduce_sum3A_2054[0, 0, 0] : f32 from vector<1x1x1xf32>
        %eq3A_2056 = vector.broadcast %select_n3A_1021 : i32 to vector<8x1xi32>
        %eq3A_2057 = arith.cmpi eq, %iota3A_9, %eq3A_2056 : vector<8x1xi32>
        %jit3A_2058 = arith.constant 0.000000e+00 : f32
        %broadcast_in_dim3A_2059 = vector.broadcast %jit3A_2058 : f32 to vector<8x1xf32>
        %select_n3A_2060 = arith.select %eq3A_2057, %get3A_32, %broadcast_in_dim3A_2059 : vector<8x1xi1>, vector<8x1xf32>
        %reduce_sum3A_2061 = vector.shape_cast %select_n3A_2060 : vector<8x1xf32> to vector<1x8x1xf32>
        %reduce_sum3A_2062 = arith.constant dense<0.000000e+00> : vector<1xf32>
        %reduce_sum3A_2063 = vector.multi_reduction <add>, %reduce_sum3A_2061, %reduce_sum3A_2062 [1, 2] : vector<1x8x1xf32> to vector<1xf32>
        %reduce_sum3A_2064 = vector.shape_cast %reduce_sum3A_2063 : vector<1xf32> to vector<1x1x1xf32>
        %reduce_sum3A_2065 = vector.extract %reduce_sum3A_2064[0, 0, 0] : f32 from vector<1x1x1xf32>
        %sub3A_2066 = arith.subf %reduce_max3A_2026, %reduce_sum3A_2045 : f32
        %sub3A_2067 = arith.subf %sub3A_2066, %reduce_sum3A_2055 : f32
        %add3A_2068 = arith.addf %sub3A_2067, %reduce_sum3A_2065 : f32
        %mul3A_2069 = arith.constant 100000 : i32
        %mul3A_2070 = arith.muli %select_n3A_1021, %mul3A_2069 : i32
        %add3A_2071 = arith.addi %mul3A_2070, %reduce_min3A_2036 : i32
        %eq3A_2072 = vector.broadcast %select_n3A_1021 : i32 to vector<16x98xi32>
        %eq3A_2073 = arith.cmpi eq, %iota3A_8, %eq3A_2072 : vector<16x98xi32>
        %eq3A_2074 = vector.broadcast %select_n3A_1048 : i32 to vector<16x98xi32>
        %eq3A_2075 = arith.cmpi eq, %iota3A_7, %eq3A_2074 : vector<16x98xi32>
        %and3A_2076 = arith.andi %eq3A_2073, %eq3A_2075 : vector<16x98xi1>
        %get3A_2077 = arith.constant 0 : index
        %get3A_2078 = arith.constant 0 : index
        %get3A_2079 = vector.load %arg15[%get3A_2077, %get3A_2078] : memref<16x98xf32, #tpu.memory_space<vmem>>, vector<16x98xf32>
        %broadcast_in_dim3A_2080 = vector.broadcast %add3A_2068 : f32 to vector<16x98xf32>
        %select_n3A_2081 = arith.select %and3A_2076, %broadcast_in_dim3A_2080, %get3A_2079 : vector<16x98xi1>, vector<16x98xf32>
        %swap3A_2082 = arith.constant 0 : index
        %swap3A_2083 = arith.constant 0 : index
        %swap3A_2084 = vector.load %arg15[%swap3A_2082, %swap3A_2083] : memref<16x98xf32, #tpu.memory_space<vmem>>, vector<16x98xf32>
        tpu.vector_store %arg15[%swap3A_2082, %swap3A_2083], %select_n3A_2081 {strides = array<i32>} : memref<16x98xf32, #tpu.memory_space<vmem>>, vector<16x98xf32>,
        %get3A_2085 = arith.constant 0 : index
        %get3A_2086 = arith.constant 0 : index
        %get3A_2087 = vector.load %arg16[%get3A_2085, %get3A_2086] : memref<16x98xi32, #tpu.memory_space<vmem>>, vector<16x98xi32>
        %broadcast_in_dim3A_2088 = vector.broadcast %add3A_2071 : i32 to vector<16x98xi32>
        %select_n3A_2089 = arith.select %and3A_2076, %broadcast_in_dim3A_2088, %get3A_2087 : vector<16x98xi1>, vector<16x98xi32>
        %swap3A_2090 = arith.constant 0 : index
        %swap3A_2091 = arith.constant 0 : index
        %swap3A_2092 = vector.load %arg16[%swap3A_2090, %swap3A_2091] : memref<16x98xi32, #tpu.memory_space<vmem>>, vector<16x98xi32>
        tpu.vector_store %arg16[%swap3A_2090, %swap3A_2091], %select_n3A_2089 {strides = array<i32>} : memref<16x98xi32, #tpu.memory_space<vmem>>, vector<16x98xi32>,
      } else {
      }
      %convert_element_type3A_1188 = arith.extui %or3A_1184 : i1 to i32
      %cond3A_1189 = arith.constant 0 : i32
      %cond3A_1190 = arith.cmpi ne, %convert_element_type3A_1188, %cond3A_1189 : i32
      scf.if %cond3A_1190 {
        %mul3A_2001 = arith.constant 8 : i32
        %mul3A_2002 = arith.muli %add3A_18, %mul3A_2001 : i32
        %add3A_2003 = arith.addi %mul3A_2002, %select_n3A_1104 : i32
        %mul3A_2004 = arith.constant 1024 : i32
        %mul3A_2005 = arith.muli %select_n3A_1131, %mul3A_2004 : i32
        %min3A = arith.constant 98976 : i32
        %min3A_2006 = arith.minsi %mul3A_2005, %min3A : i32
        %multiple_of3A_2007 = tpu.assume_multiple %min3A_2006, 8 : i32
        %dma_start3A = arith.constant 0 : i32
        %dma_start3A_2008 = tpu.memref_slice %arg9[%multiple_of3A_2007, %dma_start3A] : memref<100000x512xf32, #tpu.memory_space<any>> -> memref<1024x512xf32, #tpu.memory_space<any>>
        tpu.enqueue_dma source(%dma_start3A_2008 : memref<1024x512xf32, #tpu.memory_space<any>>) target(%arg19 : memref<1024x512xf32, #tpu.memory_space<vmem>>) target_semaphore(%arg20 : memref<!tpu.dma_semaphore, #tpu.memory_space<semaphore_mem>>)
        %dma_wait3A = arith.constant 0 : i32
        %dma_wait3A_2009 = tpu.memref_slice %arg9[%multiple_of3A_2007, %dma_wait3A] : memref<100000x512xf32, #tpu.memory_space<any>> -> memref<1024x512xf32, #tpu.memory_space<any>>
        tpu.wait_dma2 semaphore(%arg20 : memref<!tpu.dma_semaphore, #tpu.memory_space<semaphore_mem>>) src(%dma_wait3A_2009 : memref<1024x512xf32, #tpu.memory_space<any>>) dst(%arg19 : memref<1024x512xf32, #tpu.memory_space<vmem>>)
        %iota3A_2010 = tpu.iota {dimensions = array<i32: 0>} : vector<8x512xi32>
        %iota3A_2011 = tpu.iota {dimensions = array<i32: 1>} : vector<8x512xi32>
        %broadcast_in_dim3A_2012 = arith.constant -1.000000e+30 : f32
        %broadcast_in_dim3A_2013 = vector.broadcast %broadcast_in_dim3A_2012 : f32 to vector<8x512xf32>
        %broadcast_in_dim3A_2014 = arith.constant 0 : i32
        %broadcast_in_dim3A_2015 = vector.broadcast %broadcast_in_dim3A_2014 : i32 to vector<8x512xi32>
        %scan3A_2016 = arith.constant 0 : i32
        %scan3A_2017 = arith.constant 128 : i32
        %scan3A_2018 = arith.addi %scan3A_2016, %scan3A_2017 : i32
        %scan3A_2019 = arith.constant 1 : i32
        %scan3A_2020:2 = scf.for %scan3A_2093 = %scan3A_2016 to %scan3A_2018 step %scan3A_2019 iter_args(%scan3A_2094 = %broadcast_in_dim3A_2013, %scan3A_2095 = %broadcast_in_dim3A_2015) -> (vector<8x512xf32>, vector<8x512xi32>)  : i32 {
          %mul3A_2096 = arith.constant 8 : i32
          %mul3A_2097 = arith.muli %scan3A_2093, %mul3A_2096 : i32
          %get3A_2098 = arith.index_cast %mul3A_2097 : i32 to index
          %get3A_2099 = arith.constant 0 : index
          %get3A_2100 = vector.load %arg19[%get3A_2098, %get3A_2099] : memref<1024x512xf32, #tpu.memory_space<vmem>>, vector<8x512xf32>
          %mul3A_2101 = arith.constant 8 : i32
          %mul3A_2102 = arith.muli %scan3A_2093, %mul3A_2101 : i32
          %add3A_2103 = arith.addi %min3A_2006, %mul3A_2102 : i32
          %add3A_2104 = vector.broadcast %add3A_2103 : i32 to vector<8x512xi32>
          %add3A_2105 = arith.addi %add3A_2104, %iota3A_2010 : vector<8x512xi32>
          %eq3A_2106 = vector.broadcast %add3A_2003 : i32 to vector<8x512xi32>
          %eq3A_2107 = arith.cmpi eq, %iota3A_2011, %eq3A_2106 : vector<8x512xi32>
          %jit3A_2108 = arith.constant 1024 : i32
          %div3A_2109 = vector.broadcast %jit3A_2108 : i32 to vector<8x512xi32>
          %div3A_2110 = arith.divsi %add3A_2105, %div3A_2109 : vector<8x512xi32>
          %sign3A_2111 = arith.constant 0 : i32
          %sign3A_2112 = vector.broadcast %sign3A_2111 : i32 to vector<8x512xi32>
          %sign3A_2113 = arith.cmpi sgt, %add3A_2105, %sign3A_2112 : vector<8x512xi32>
          %sign3A_2114 = arith.extui %sign3A_2113 : vector<8x512xi1> to vector<8x512xi32>
          %sign3A_2115 = arith.constant 0 : i32
          %sign3A_2116 = vector.broadcast %sign3A_2115 : i32 to vector<8x512xi32>
          %sign3A_2117 = arith.cmpi slt, %add3A_2105, %sign3A_2116 : vector<8x512xi32>
          %sign3A_2118 = arith.extui %sign3A_2117 : vector<8x512xi1> to vector<8x512xi32>
          %sign3A_2119 = arith.subi %sign3A_2114, %sign3A_2118 : vector<8x512xi32>
          %sign3A_2120 = arith.constant 0 : i32
          %sign3A_2121 = arith.cmpi sgt, %jit3A_2108, %sign3A_2120 : i32
          %sign3A_2122 = arith.extui %sign3A_2121 : i1 to i32
          %sign3A_2123 = arith.constant 0 : i32
          %sign3A_2124 = arith.cmpi slt, %jit3A_2108, %sign3A_2123 : i32
          %sign3A_2125 = arith.extui %sign3A_2124 : i1 to i32
          %sign3A_2126 = arith.subi %sign3A_2122, %sign3A_2125 : i32
          %ne3A_2127 = vector.broadcast %sign3A_2126 : i32 to vector<8x512xi32>
          %ne3A_2128 = arith.cmpi ne, %sign3A_2119, %ne3A_2127 : vector<8x512xi32>
          %rem3A_2129 = vector.broadcast %jit3A_2108 : i32 to vector<8x512xi32>
          %rem3A_2130 = arith.remsi %add3A_2105, %rem3A_2129 : vector<8x512xi32>
          %ne3A_2131 = arith.constant 0 : i32
          %ne3A_2132 = vector.broadcast %ne3A_2131 : i32 to vector<8x512xi32>
          %ne3A_2133 = arith.cmpi ne, %rem3A_2130, %ne3A_2132 : vector<8x512xi32>
          %and3A_2134 = arith.andi %ne3A_2128, %ne3A_2133 : vector<8x512xi1>
          %sub3A_2135 = arith.constant 1 : i32
          %sub3A_2136 = vector.broadcast %sub3A_2135 : i32 to vector<8x512xi32>
          %sub3A_2137 = arith.subi %div3A_2110, %sub3A_2136 : vector<8x512xi32>
          %select_n3A_2138 = arith.select %and3A_2134, %sub3A_2137, %div3A_2110 : vector<8x512xi1>, vector<8x512xi32>
          %eq3A_2139 = vector.broadcast %select_n3A_1131 : i32 to vector<8x512xi32>
          %eq3A_2140 = arith.cmpi eq, %select_n3A_2138, %eq3A_2139 : vector<8x512xi32>
          %and3A_2141 = arith.andi %eq3A_2107, %eq3A_2140 : vector<8x512xi1>
          %lt3A_2142 = arith.constant 100000 : i32
          %lt3A_2143 = vector.broadcast %lt3A_2142 : i32 to vector<8x512xi32>
          %lt3A_2144 = arith.cmpi slt, %add3A_2105, %lt3A_2143 : vector<8x512xi32>
          %and3A_2145 = arith.andi %and3A_2141, %lt3A_2144 : vector<8x512xi1>
          %eq3A_2146 = arith.constant 2 : i32
          %eq3A_2147 = vector.broadcast %eq3A_2146 : i32 to vector<8x512xi32>
          %eq3A_2148 = arith.cmpi eq, %add3A_2105, %eq3A_2147 : vector<8x512xi32>
          %and3A_2149 = vector.broadcast %lt3A_2 : i1 to vector<8x512xi1>
          %and3A_2150 = arith.andi %and3A_2149, %eq3A_2148 : vector<8x512xi1>
          %not3A = arith.constant dense<true> : vector<8x512xi1>
          %not3A_2151 = arith.xori %and3A_2150, %not3A : vector<8x512xi1>
          %and3A_2152 = arith.andi %and3A_2145, %not3A_2151 : vector<8x512xi1>
          %mul3A_2153 = arith.constant 100000 : i32
          %mul3A_2154 = arith.muli %select_n3A_1104, %mul3A_2153 : i32
          %add3A_2155 = vector.broadcast %mul3A_2154 : i32 to vector<8x512xi32>
          %add3A_2156 = arith.addi %add3A_2155, %add3A_2105 : vector<8x512xi32>
          %ne3A_2157 = vector.broadcast %reduce_min3A_235 : i32 to vector<8x512xi32>
          %ne3A_2158 = arith.cmpi ne, %add3A_2156, %ne3A_2157 : vector<8x512xi32>
          %and3A_2159 = arith.andi %and3A_2152, %ne3A_2158 : vector<8x512xi1>
          %ne3A_2160 = vector.broadcast %reduce_min3A_433 : i32 to vector<8x512xi32>
          %ne3A_2161 = arith.cmpi ne, %add3A_2156, %ne3A_2160 : vector<8x512xi32>
          %and3A_2162 = arith.andi %and3A_2159, %ne3A_2161 : vector<8x512xi1>
          %ne3A_2163 = vector.broadcast %reduce_min3A_640 : i32 to vector<8x512xi32>
          %ne3A_2164 = arith.cmpi ne, %add3A_2156, %ne3A_2163 : vector<8x512xi32>
          %and3A_2165 = arith.andi %and3A_2162, %ne3A_2164 : vector<8x512xi1>
          %ne3A_2166 = vector.broadcast %reduce_min3A_854 : i32 to vector<8x512xi32>
          %ne3A_2167 = arith.cmpi ne, %add3A_2156, %ne3A_2166 : vector<8x512xi32>
          %and3A_2168 = arith.andi %and3A_2165, %ne3A_2167 : vector<8x512xi1>
          %ne3A_2169 = vector.broadcast %reduce_min3A_1072 : i32 to vector<8x512xi32>
          %ne3A_2170 = arith.cmpi ne, %add3A_2156, %ne3A_2169 : vector<8x512xi32>
          %and3A_2171 = arith.andi %and3A_2168, %ne3A_2170 : vector<8x512xi1>
          %jit3A_2172 = arith.constant -1.000000e+30 : f32
          %broadcast_in_dim3A_2173 = vector.broadcast %jit3A_2172 : f32 to vector<8x512xf32>
          %select_n3A_2174 = arith.select %and3A_2171, %get3A_2100, %broadcast_in_dim3A_2173 : vector<8x512xi1>, vector<8x512xf32>
          %gt3A = arith.cmpf ogt, %select_n3A_2174, %scan3A_2094 : vector<8x512xf32>
          %max3A = arith.maximumf %select_n3A_2174, %scan3A_2094 : vector<8x512xf32>
          %select_n3A_2175 = arith.select %gt3A, %add3A_2105, %scan3A_2095 : vector<8x512xi1>, vector<8x512xi32>
          scf.yield %max3A, %select_n3A_2175 : vector<8x512xf32>, vector<8x512xi32>
        }
        %scan3A_2021 = arith.constant 128 : i32
        %reduce_max3A_2022 = vector.shape_cast %scan3A_2020#0 : vector<8x512xf32> to vector<1x8x512xf32>
        %reduce_max3A_2023 = arith.constant dense<0xFF800000> : vector<1xf32>
        %reduce_max3A_2024 = vector.multi_reduction <maximumf>, %reduce_max3A_2022, %reduce_max3A_2023 [1, 2] : vector<1x8x512xf32> to vector<1xf32>
        %reduce_max3A_2025 = vector.shape_cast %reduce_max3A_2024 : vector<1xf32> to vector<1x1x1xf32>
        %reduce_max3A_2026 = vector.extract %reduce_max3A_2025[0, 0, 0] : f32 from vector<1x1x1xf32>
        %eq3A_2027 = vector.broadcast %reduce_max3A_2026 : f32 to vector<8x512xf32>
        %eq3A_2028 = arith.cmpf oeq, %scan3A_2020#0, %eq3A_2027 : vector<8x512xf32>
        %jit3A_2029 = arith.constant 1073741824 : i32
        %broadcast_in_dim3A_2030 = vector.broadcast %jit3A_2029 : i32 to vector<8x512xi32>
        %select_n3A_2031 = arith.select %eq3A_2028, %scan3A_2020#1, %broadcast_in_dim3A_2030 : vector<8x512xi1>, vector<8x512xi32>
        %reduce_min3A_2032 = vector.shape_cast %select_n3A_2031 : vector<8x512xi32> to vector<1x8x512xi32>
        %reduce_min3A_2033 = arith.constant dense<2147483647> : vector<1xi32>
        %reduce_min3A_2034 = vector.multi_reduction <minsi>, %reduce_min3A_2032, %reduce_min3A_2033 [1, 2] : vector<1x8x512xi32> to vector<1xi32>
        %reduce_min3A_2035 = vector.shape_cast %reduce_min3A_2034 : vector<1xi32> to vector<1x1x1xi32>
        %reduce_min3A_2036 = vector.extract %reduce_min3A_2035[0, 0, 0] : i32 from vector<1x1x1xi32>
        %eq3A_2037 = vector.broadcast %select_n3A_1104 : i32 to vector<8x1xi32>
        %eq3A_2038 = arith.cmpi eq, %iota3A_9, %eq3A_2037 : vector<8x1xi32>
        %jit3A_2039 = arith.constant 0.000000e+00 : f32
        %broadcast_in_dim3A_2040 = vector.broadcast %jit3A_2039 : f32 to vector<8x1xf32>
        %select_n3A_2041 = arith.select %eq3A_2038, %get3A_80, %broadcast_in_dim3A_2040 : vector<8x1xi1>, vector<8x1xf32>
        %reduce_sum3A = vector.shape_cast %select_n3A_2041 : vector<8x1xf32> to vector<1x8x1xf32>
        %reduce_sum3A_2042 = arith.constant dense<0.000000e+00> : vector<1xf32>
        %reduce_sum3A_2043 = vector.multi_reduction <add>, %reduce_sum3A, %reduce_sum3A_2042 [1, 2] : vector<1x8x1xf32> to vector<1xf32>
        %reduce_sum3A_2044 = vector.shape_cast %reduce_sum3A_2043 : vector<1xf32> to vector<1x1x1xf32>
        %reduce_sum3A_2045 = vector.extract %reduce_sum3A_2044[0, 0, 0] : f32 from vector<1x1x1xf32>
        %eq3A_2046 = vector.broadcast %select_n3A_1104 : i32 to vector<8x1xi32>
        %eq3A_2047 = arith.cmpi eq, %iota3A_9, %eq3A_2046 : vector<8x1xi32>
        %jit3A_2048 = arith.constant 0.000000e+00 : f32
        %broadcast_in_dim3A_2049 = vector.broadcast %jit3A_2048 : f32 to vector<8x1xf32>
        %select_n3A_2050 = arith.select %eq3A_2047, %get3A_83, %broadcast_in_dim3A_2049 : vector<8x1xi1>, vector<8x1xf32>
        %reduce_sum3A_2051 = vector.shape_cast %select_n3A_2050 : vector<8x1xf32> to vector<1x8x1xf32>
        %reduce_sum3A_2052 = arith.constant dense<0.000000e+00> : vector<1xf32>
        %reduce_sum3A_2053 = vector.multi_reduction <add>, %reduce_sum3A_2051, %reduce_sum3A_2052 [1, 2] : vector<1x8x1xf32> to vector<1xf32>
        %reduce_sum3A_2054 = vector.shape_cast %reduce_sum3A_2053 : vector<1xf32> to vector<1x1x1xf32>
        %reduce_sum3A_2055 = vector.extract %reduce_sum3A_2054[0, 0, 0] : f32 from vector<1x1x1xf32>
        %eq3A_2056 = vector.broadcast %select_n3A_1104 : i32 to vector<8x1xi32>
        %eq3A_2057 = arith.cmpi eq, %iota3A_9, %eq3A_2056 : vector<8x1xi32>
        %jit3A_2058 = arith.constant 0.000000e+00 : f32
        %broadcast_in_dim3A_2059 = vector.broadcast %jit3A_2058 : f32 to vector<8x1xf32>
        %select_n3A_2060 = arith.select %eq3A_2057, %get3A_86, %broadcast_in_dim3A_2059 : vector<8x1xi1>, vector<8x1xf32>
        %reduce_sum3A_2061 = vector.shape_cast %select_n3A_2060 : vector<8x1xf32> to vector<1x8x1xf32>
        %reduce_sum3A_2062 = arith.constant dense<0.000000e+00> : vector<1xf32>
        %reduce_sum3A_2063 = vector.multi_reduction <add>, %reduce_sum3A_2061, %reduce_sum3A_2062 [1, 2] : vector<1x8x1xf32> to vector<1xf32>
        %reduce_sum3A_2064 = vector.shape_cast %reduce_sum3A_2063 : vector<1xf32> to vector<1x1x1xf32>
        %reduce_sum3A_2065 = vector.extract %reduce_sum3A_2064[0, 0, 0] : f32 from vector<1x1x1xf32>
        %sub3A_2066 = arith.subf %reduce_max3A_2026, %reduce_sum3A_2045 : f32
        %sub3A_2067 = arith.subf %sub3A_2066, %reduce_sum3A_2055 : f32
        %add3A_2068 = arith.addf %sub3A_2067, %reduce_sum3A_2065 : f32
        %mul3A_2069 = arith.constant 100000 : i32
        %mul3A_2070 = arith.muli %select_n3A_1104, %mul3A_2069 : i32
        %add3A_2071 = arith.addi %mul3A_2070, %reduce_min3A_2036 : i32
        %eq3A_2072 = vector.broadcast %select_n3A_1104 : i32 to vector<16x98xi32>
        %eq3A_2073 = arith.cmpi eq, %iota3A_8, %eq3A_2072 : vector<16x98xi32>
        %eq3A_2074 = vector.broadcast %select_n3A_1131 : i32 to vector<16x98xi32>
        %eq3A_2075 = arith.cmpi eq, %iota3A_7, %eq3A_2074 : vector<16x98xi32>
        %and3A_2076 = arith.andi %eq3A_2073, %eq3A_2075 : vector<16x98xi1>
        %get3A_2077 = arith.constant 0 : index
        %get3A_2078 = arith.constant 0 : index
        %get3A_2079 = vector.load %arg17[%get3A_2077, %get3A_2078] : memref<16x98xf32, #tpu.memory_space<vmem>>, vector<16x98xf32>
        %broadcast_in_dim3A_2080 = vector.broadcast %add3A_2068 : f32 to vector<16x98xf32>
        %select_n3A_2081 = arith.select %and3A_2076, %broadcast_in_dim3A_2080, %get3A_2079 : vector<16x98xi1>, vector<16x98xf32>
        %swap3A_2082 = arith.constant 0 : index
        %swap3A_2083 = arith.constant 0 : index
        %swap3A_2084 = vector.load %arg17[%swap3A_2082, %swap3A_2083] : memref<16x98xf32, #tpu.memory_space<vmem>>, vector<16x98xf32>
        tpu.vector_store %arg17[%swap3A_2082, %swap3A_2083], %select_n3A_2081 {strides = array<i32>} : memref<16x98xf32, #tpu.memory_space<vmem>>, vector<16x98xf32>,
        %get3A_2085 = arith.constant 0 : index
        %get3A_2086 = arith.constant 0 : index
        %get3A_2087 = vector.load %arg18[%get3A_2085, %get3A_2086] : memref<16x98xi32, #tpu.memory_space<vmem>>, vector<16x98xi32>
        %broadcast_in_dim3A_2088 = vector.broadcast %add3A_2071 : i32 to vector<16x98xi32>
        %select_n3A_2089 = arith.select %and3A_2076, %broadcast_in_dim3A_2088, %get3A_2087 : vector<16x98xi1>, vector<16x98xi32>
        %swap3A_2090 = arith.constant 0 : index
        %swap3A_2091 = arith.constant 0 : index
        %swap3A_2092 = vector.load %arg18[%swap3A_2090, %swap3A_2091] : memref<16x98xi32, #tpu.memory_space<vmem>>, vector<16x98xi32>
        tpu.vector_store %arg18[%swap3A_2090, %swap3A_2091], %select_n3A_2089 {strides = array<i32>} : memref<16x98xi32, #tpu.memory_space<vmem>>, vector<16x98xi32>,
      } else {
      }
      %get3A_1191 = arith.constant 0 : index
      %get3A_1192 = arith.constant 0 : index
      %get3A_1193 = vector.load %arg15[%get3A_1191, %get3A_1192] : memref<16x98xf32, #tpu.memory_space<vmem>>, vector<16x98xf32>
      %get3A_1194 = arith.constant 0 : index
      %get3A_1195 = arith.constant 0 : index
      %get3A_1196 = vector.load %arg16[%get3A_1194, %get3A_1195] : memref<16x98xi32, #tpu.memory_space<vmem>>, vector<16x98xi32>
      %reduce_max3A_1197 = vector.shape_cast %get3A_1193 : vector<16x98xf32> to vector<1x16x98xf32>
      %reduce_max3A_1198 = arith.constant dense<0xFF800000> : vector<1xf32>
      %reduce_max3A_1199 = vector.multi_reduction <maximumf>, %reduce_max3A_1197, %reduce_max3A_1198 [1, 2] : vector<1x16x98xf32> to vector<1xf32>
      %reduce_max3A_1200 = vector.shape_cast %reduce_max3A_1199 : vector<1xf32> to vector<1x1x1xf32>
      %reduce_max3A_1201 = vector.extract %reduce_max3A_1200[0, 0, 0] : f32 from vector<1x1x1xf32>
      %eq3A_1202 = vector.broadcast %reduce_max3A_1201 : f32 to vector<16x98xf32>
      %eq3A_1203 = arith.cmpf oeq, %get3A_1193, %eq3A_1202 : vector<16x98xf32>
      %jit3A_1204 = arith.constant 1073741824 : i32
      %broadcast_in_dim3A_1205 = vector.broadcast %jit3A_1204 : i32 to vector<16x98xi32>
      %select_n3A_1206 = arith.select %eq3A_1203, %get3A_1196, %broadcast_in_dim3A_1205 : vector<16x98xi1>, vector<16x98xi32>
      %reduce_min3A_1207 = vector.shape_cast %select_n3A_1206 : vector<16x98xi32> to vector<1x16x98xi32>
      %reduce_min3A_1208 = arith.constant dense<2147483647> : vector<1xi32>
      %reduce_min3A_1209 = vector.multi_reduction <minsi>, %reduce_min3A_1207, %reduce_min3A_1208 [1, 2] : vector<1x16x98xi32> to vector<1xi32>
      %reduce_min3A_1210 = vector.shape_cast %reduce_min3A_1209 : vector<1xi32> to vector<1x1x1xi32>
      %reduce_min3A_1211 = vector.extract %reduce_min3A_1210[0, 0, 0] : i32 from vector<1x1x1xi32>
      %eq3A_1212 = vector.broadcast %reduce_min3A_1211 : i32 to vector<16x98xi32>
      %eq3A_1213 = arith.cmpi eq, %get3A_1196, %eq3A_1212 : vector<16x98xi32>
      %jit3A_1214 = arith.constant -1.000000e+30 : f32
      %broadcast_in_dim3A_1215 = vector.broadcast %jit3A_1214 : f32 to vector<16x98xf32>
      %select_n3A_1216 = arith.select %eq3A_1213, %broadcast_in_dim3A_1215, %get3A_1193 : vector<16x98xi1>, vector<16x98xf32>
      %swap3A_1217 = arith.constant 0 : index
      %swap3A_1218 = arith.constant 0 : index
      %swap3A_1219 = vector.load %arg15[%swap3A_1217, %swap3A_1218] : memref<16x98xf32, #tpu.memory_space<vmem>>, vector<16x98xf32>
      tpu.vector_store %arg15[%swap3A_1217, %swap3A_1218], %select_n3A_1216 {strides = array<i32>} : memref<16x98xf32, #tpu.memory_space<vmem>>, vector<16x98xf32>,
      %jit3A_1220 = arith.constant 100000 : i32
      %div3A_1221 = arith.divsi %reduce_min3A_1211, %jit3A_1220 : i32
      %sign3A_1222 = arith.constant 0 : i32
      %sign3A_1223 = arith.cmpi sgt, %reduce_min3A_1211, %sign3A_1222 : i32
      %sign3A_1224 = arith.extui %sign3A_1223 : i1 to i32
      %sign3A_1225 = arith.constant 0 : i32
      %sign3A_1226 = arith.cmpi slt, %reduce_min3A_1211, %sign3A_1225 : i32
      %sign3A_1227 = arith.extui %sign3A_1226 : i1 to i32
      %sign3A_1228 = arith.subi %sign3A_1224, %sign3A_1227 : i32
      %sign3A_1229 = arith.constant 0 : i32
      %sign3A_1230 = arith.cmpi sgt, %jit3A_1220, %sign3A_1229 : i32
      %sign3A_1231 = arith.extui %sign3A_1230 : i1 to i32
      %sign3A_1232 = arith.constant 0 : i32
      %sign3A_1233 = arith.cmpi slt, %jit3A_1220, %sign3A_1232 : i32
      %sign3A_1234 = arith.extui %sign3A_1233 : i1 to i32
      %sign3A_1235 = arith.subi %sign3A_1231, %sign3A_1234 : i32
      %ne3A_1236 = arith.cmpi ne, %sign3A_1228, %sign3A_1235 : i32
      %rem3A_1237 = arith.remsi %reduce_min3A_1211, %jit3A_1220 : i32
      %ne3A_1238 = arith.constant 0 : i32
      %ne3A_1239 = arith.cmpi ne, %rem3A_1237, %ne3A_1238 : i32
      %and3A_1240 = arith.andi %ne3A_1236, %ne3A_1239 : i1
      %sub3A_1241 = arith.constant 1 : i32
      %sub3A_1242 = arith.subi %div3A_1221, %sub3A_1241 : i32
      %select_n3A_1243 = arith.select %and3A_1240, %sub3A_1242, %div3A_1221 : i32
      %mul3A_1244 = arith.constant 100000 : i32
      %mul3A_1245 = arith.muli %select_n3A_1243, %mul3A_1244 : i32
      %sub3A_1246 = arith.subi %reduce_min3A_1211, %mul3A_1245 : i32
      %jit3A_1247 = arith.constant 1024 : i32
      %div3A_1248 = arith.divsi %sub3A_1246, %jit3A_1247 : i32
      %sign3A_1249 = arith.constant 0 : i32
      %sign3A_1250 = arith.cmpi sgt, %sub3A_1246, %sign3A_1249 : i32
      %sign3A_1251 = arith.extui %sign3A_1250 : i1 to i32
      %sign3A_1252 = arith.constant 0 : i32
      %sign3A_1253 = arith.cmpi slt, %sub3A_1246, %sign3A_1252 : i32
      %sign3A_1254 = arith.extui %sign3A_1253 : i1 to i32
      %sign3A_1255 = arith.subi %sign3A_1251, %sign3A_1254 : i32
      %sign3A_1256 = arith.constant 0 : i32
      %sign3A_1257 = arith.cmpi sgt, %jit3A_1247, %sign3A_1256 : i32
      %sign3A_1258 = arith.extui %sign3A_1257 : i1 to i32
      %sign3A_1259 = arith.constant 0 : i32
      %sign3A_1260 = arith.cmpi slt, %jit3A_1247, %sign3A_1259 : i32
      %sign3A_1261 = arith.extui %sign3A_1260 : i1 to i32
      %sign3A_1262 = arith.subi %sign3A_1258, %sign3A_1261 : i32
      %ne3A_1263 = arith.cmpi ne, %sign3A_1255, %sign3A_1262 : i32
      %rem3A_1264 = arith.remsi %sub3A_1246, %jit3A_1247 : i32
      %ne3A_1265 = arith.constant 0 : i32
      %ne3A_1266 = arith.cmpi ne, %rem3A_1264, %ne3A_1265 : i32
      %and3A_1267 = arith.andi %ne3A_1263, %ne3A_1266 : i1
      %sub3A_1268 = arith.constant 1 : i32
      %sub3A_1269 = arith.subi %div3A_1248, %sub3A_1268 : i32
      %select_n3A_1270 = arith.select %and3A_1267, %sub3A_1269, %div3A_1248 : i32
      %mul3A_1271 = arith.constant 98 : i32
      %mul3A_1272 = arith.muli %select_n3A_1243, %mul3A_1271 : i32
      %add3A_1273 = arith.addi %mul3A_1272, %select_n3A_1270 : i32
      %get3A_1274 = arith.constant 0 : index
      %get3A_1275 = arith.constant 0 : index
      %get3A_1276 = vector.load %arg17[%get3A_1274, %get3A_1275] : memref<16x98xf32, #tpu.memory_space<vmem>>, vector<16x98xf32>
      %get3A_1277 = arith.constant 0 : index
      %get3A_1278 = arith.constant 0 : index
      %get3A_1279 = vector.load %arg18[%get3A_1277, %get3A_1278] : memref<16x98xi32, #tpu.memory_space<vmem>>, vector<16x98xi32>
      %reduce_max3A_1280 = vector.shape_cast %get3A_1276 : vector<16x98xf32> to vector<1x16x98xf32>
      %reduce_max3A_1281 = arith.constant dense<0xFF800000> : vector<1xf32>
      %reduce_max3A_1282 = vector.multi_reduction <maximumf>, %reduce_max3A_1280, %reduce_max3A_1281 [1, 2] : vector<1x16x98xf32> to vector<1xf32>
      %reduce_max3A_1283 = vector.shape_cast %reduce_max3A_1282 : vector<1xf32> to vector<1x1x1xf32>
      %reduce_max3A_1284 = vector.extract %reduce_max3A_1283[0, 0, 0] : f32 from vector<1x1x1xf32>
      %eq3A_1285 = vector.broadcast %reduce_max3A_1284 : f32 to vector<16x98xf32>
      %eq3A_1286 = arith.cmpf oeq, %get3A_1276, %eq3A_1285 : vector<16x98xf32>
      %jit3A_1287 = arith.constant 1073741824 : i32
      %broadcast_in_dim3A_1288 = vector.broadcast %jit3A_1287 : i32 to vector<16x98xi32>
      %select_n3A_1289 = arith.select %eq3A_1286, %get3A_1279, %broadcast_in_dim3A_1288 : vector<16x98xi1>, vector<16x98xi32>
      %reduce_min3A_1290 = vector.shape_cast %select_n3A_1289 : vector<16x98xi32> to vector<1x16x98xi32>
      %reduce_min3A_1291 = arith.constant dense<2147483647> : vector<1xi32>
      %reduce_min3A_1292 = vector.multi_reduction <minsi>, %reduce_min3A_1290, %reduce_min3A_1291 [1, 2] : vector<1x16x98xi32> to vector<1xi32>
      %reduce_min3A_1293 = vector.shape_cast %reduce_min3A_1292 : vector<1xi32> to vector<1x1x1xi32>
      %reduce_min3A_1294 = vector.extract %reduce_min3A_1293[0, 0, 0] : i32 from vector<1x1x1xi32>
      %eq3A_1295 = vector.broadcast %reduce_min3A_1294 : i32 to vector<16x98xi32>
      %eq3A_1296 = arith.cmpi eq, %get3A_1279, %eq3A_1295 : vector<16x98xi32>
      %jit3A_1297 = arith.constant -1.000000e+30 : f32
      %broadcast_in_dim3A_1298 = vector.broadcast %jit3A_1297 : f32 to vector<16x98xf32>
      %select_n3A_1299 = arith.select %eq3A_1296, %broadcast_in_dim3A_1298, %get3A_1276 : vector<16x98xi1>, vector<16x98xf32>
      %swap3A_1300 = arith.constant 0 : index
      %swap3A_1301 = arith.constant 0 : index
      %swap3A_1302 = vector.load %arg17[%swap3A_1300, %swap3A_1301] : memref<16x98xf32, #tpu.memory_space<vmem>>, vector<16x98xf32>
      tpu.vector_store %arg17[%swap3A_1300, %swap3A_1301], %select_n3A_1299 {strides = array<i32>} : memref<16x98xf32, #tpu.memory_space<vmem>>, vector<16x98xf32>,
      %jit3A_1303 = arith.constant 100000 : i32
      %div3A_1304 = arith.divsi %reduce_min3A_1294, %jit3A_1303 : i32
      %sign3A_1305 = arith.constant 0 : i32
      %sign3A_1306 = arith.cmpi sgt, %reduce_min3A_1294, %sign3A_1305 : i32
      %sign3A_1307 = arith.extui %sign3A_1306 : i1 to i32
      %sign3A_1308 = arith.constant 0 : i32
      %sign3A_1309 = arith.cmpi slt, %reduce_min3A_1294, %sign3A_1308 : i32
      %sign3A_1310 = arith.extui %sign3A_1309 : i1 to i32
      %sign3A_1311 = arith.subi %sign3A_1307, %sign3A_1310 : i32
      %sign3A_1312 = arith.constant 0 : i32
      %sign3A_1313 = arith.cmpi sgt, %jit3A_1303, %sign3A_1312 : i32
      %sign3A_1314 = arith.extui %sign3A_1313 : i1 to i32
      %sign3A_1315 = arith.constant 0 : i32
      %sign3A_1316 = arith.cmpi slt, %jit3A_1303, %sign3A_1315 : i32
      %sign3A_1317 = arith.extui %sign3A_1316 : i1 to i32
      %sign3A_1318 = arith.subi %sign3A_1314, %sign3A_1317 : i32
      %ne3A_1319 = arith.cmpi ne, %sign3A_1311, %sign3A_1318 : i32
      %rem3A_1320 = arith.remsi %reduce_min3A_1294, %jit3A_1303 : i32
      %ne3A_1321 = arith.constant 0 : i32
      %ne3A_1322 = arith.cmpi ne, %rem3A_1320, %ne3A_1321 : i32
      %and3A_1323 = arith.andi %ne3A_1319, %ne3A_1322 : i1
      %sub3A_1324 = arith.constant 1 : i32
      %sub3A_1325 = arith.subi %div3A_1304, %sub3A_1324 : i32
      %select_n3A_1326 = arith.select %and3A_1323, %sub3A_1325, %div3A_1304 : i32
      %mul3A_1327 = arith.constant 100000 : i32
      %mul3A_1328 = arith.muli %select_n3A_1326, %mul3A_1327 : i32
      %sub3A_1329 = arith.subi %reduce_min3A_1294, %mul3A_1328 : i32
      %jit3A_1330 = arith.constant 1024 : i32
      %div3A_1331 = arith.divsi %sub3A_1329, %jit3A_1330 : i32
      %sign3A_1332 = arith.constant 0 : i32
      %sign3A_1333 = arith.cmpi sgt, %sub3A_1329, %sign3A_1332 : i32
      %sign3A_1334 = arith.extui %sign3A_1333 : i1 to i32
      %sign3A_1335 = arith.constant 0 : i32
      %sign3A_1336 = arith.cmpi slt, %sub3A_1329, %sign3A_1335 : i32
      %sign3A_1337 = arith.extui %sign3A_1336 : i1 to i32
      %sign3A_1338 = arith.subi %sign3A_1334, %sign3A_1337 : i32
      %sign3A_1339 = arith.constant 0 : i32
      %sign3A_1340 = arith.cmpi sgt, %jit3A_1330, %sign3A_1339 : i32
      %sign3A_1341 = arith.extui %sign3A_1340 : i1 to i32
      %sign3A_1342 = arith.constant 0 : i32
      %sign3A_1343 = arith.cmpi slt, %jit3A_1330, %sign3A_1342 : i32
      %sign3A_1344 = arith.extui %sign3A_1343 : i1 to i32
      %sign3A_1345 = arith.subi %sign3A_1341, %sign3A_1344 : i32
      %ne3A_1346 = arith.cmpi ne, %sign3A_1338, %sign3A_1345 : i32
      %rem3A_1347 = arith.remsi %sub3A_1329, %jit3A_1330 : i32
      %ne3A_1348 = arith.constant 0 : i32
      %ne3A_1349 = arith.cmpi ne, %rem3A_1347, %ne3A_1348 : i32
      %and3A_1350 = arith.andi %ne3A_1346, %ne3A_1349 : i1
      %sub3A_1351 = arith.constant 1 : i32
      %sub3A_1352 = arith.subi %div3A_1331, %sub3A_1351 : i32
      %select_n3A_1353 = arith.select %and3A_1350, %sub3A_1352, %div3A_1331 : i32
      %mul3A_1354 = arith.constant 98 : i32
      %mul3A_1355 = arith.muli %select_n3A_1326, %mul3A_1354 : i32
      %add3A_1356 = arith.addi %mul3A_1355, %select_n3A_1353 : i32
      %eq3A_1357 = arith.constant 5 : i32
      %eq3A_1358 = vector.broadcast %eq3A_1357 : i32 to vector<8x1xi32>
      %eq3A_1359 = arith.cmpi eq, %iota3A_9, %eq3A_1358 : vector<8x1xi32>
      %jit3A_1360 = arith.constant 0.000000e+00 : f32
      %broadcast_in_dim3A_1361 = vector.broadcast %reduce_max3A_1201 : f32 to vector<8x1xf32>
      %broadcast_in_dim3A_1362 = vector.broadcast %jit3A_1360 : f32 to vector<8x1xf32>
      %select_n3A_1363 = arith.select %eq3A_1359, %broadcast_in_dim3A_1361, %broadcast_in_dim3A_1362 : vector<8x1xi1>, vector<8x1xf32>
      %add3A_1364 = arith.addf %add3A_1142, %select_n3A_1363 : vector<8x1xf32>
      %eq3A_1365 = arith.constant 5 : i32
      %eq3A_1366 = vector.broadcast %eq3A_1365 : i32 to vector<8x1xi32>
      %eq3A_1367 = arith.cmpi eq, %iota3A_9, %eq3A_1366 : vector<8x1xi32>
      %jit3A_1368 = arith.constant 0 : i32
      %broadcast_in_dim3A_1369 = vector.broadcast %reduce_min3A_1211 : i32 to vector<8x1xi32>
      %broadcast_in_dim3A_1370 = vector.broadcast %jit3A_1368 : i32 to vector<8x1xi32>
      %select_n3A_1371 = arith.select %eq3A_1367, %broadcast_in_dim3A_1369, %broadcast_in_dim3A_1370 : vector<8x1xi1>, vector<8x1xi32>
      %add3A_1372 = arith.addi %add3A_1150, %select_n3A_1371 : vector<8x1xi32>
      %eq3A_1373 = arith.constant 5 : i32
      %eq3A_1374 = vector.broadcast %eq3A_1373 : i32 to vector<8x1xi32>
      %eq3A_1375 = arith.cmpi eq, %iota3A_9, %eq3A_1374 : vector<8x1xi32>
      %jit3A_1376 = arith.constant 0.000000e+00 : f32
      %broadcast_in_dim3A_1377 = vector.broadcast %reduce_max3A_1284 : f32 to vector<8x1xf32>
      %broadcast_in_dim3A_1378 = vector.broadcast %jit3A_1376 : f32 to vector<8x1xf32>
      %select_n3A_1379 = arith.select %eq3A_1375, %broadcast_in_dim3A_1377, %broadcast_in_dim3A_1378 : vector<8x1xi1>, vector<8x1xf32>
      %add3A_1380 = arith.addf %add3A_1158, %select_n3A_1379 : vector<8x1xf32>
      %eq3A_1381 = arith.constant 5 : i32
      %eq3A_1382 = vector.broadcast %eq3A_1381 : i32 to vector<8x1xi32>
      %eq3A_1383 = arith.cmpi eq, %iota3A_9, %eq3A_1382 : vector<8x1xi32>
      %jit3A_1384 = arith.constant 0 : i32
      %broadcast_in_dim3A_1385 = vector.broadcast %reduce_min3A_1294 : i32 to vector<8x1xi32>
      %broadcast_in_dim3A_1386 = vector.broadcast %jit3A_1384 : i32 to vector<8x1xi32>
      %select_n3A_1387 = arith.select %eq3A_1383, %broadcast_in_dim3A_1385, %broadcast_in_dim3A_1386 : vector<8x1xi1>, vector<8x1xi32>
      %add3A_1388 = arith.addi %add3A_1166, %select_n3A_1387 : vector<8x1xi32>
      %eq3A_1389 = arith.cmpi eq, %add3A_214, %add3A_1273 : i32
      %or3A_1390 = arith.constant false
      %or3A_1391 = arith.ori %or3A_1390, %eq3A_1389 : i1
      %eq3A_1392 = arith.cmpi eq, %add3A_412, %add3A_1273 : i32
      %or3A_1393 = arith.ori %or3A_1391, %eq3A_1392 : i1
      %eq3A_1394 = arith.cmpi eq, %add3A_619, %add3A_1273 : i32
      %or3A_1395 = arith.ori %or3A_1393, %eq3A_1394 : i1
      %eq3A_1396 = arith.cmpi eq, %add3A_833, %add3A_1273 : i32
      %or3A_1397 = arith.ori %or3A_1395, %eq3A_1396 : i1
      %eq3A_1398 = arith.cmpi eq, %add3A_1051, %add3A_1273 : i32
      %or3A_1399 = arith.ori %or3A_1397, %eq3A_1398 : i1
      %eq3A_1400 = arith.cmpi eq, %add3A_297, %add3A_1356 : i32
      %or3A_1401 = arith.constant false
      %or3A_1402 = arith.ori %or3A_1401, %eq3A_1400 : i1
      %eq3A_1403 = arith.cmpi eq, %add3A_495, %add3A_1356 : i32
      %or3A_1404 = arith.ori %or3A_1402, %eq3A_1403 : i1
      %eq3A_1405 = arith.cmpi eq, %add3A_702, %add3A_1356 : i32
      %or3A_1406 = arith.ori %or3A_1404, %eq3A_1405 : i1
      %eq3A_1407 = arith.cmpi eq, %add3A_916, %add3A_1356 : i32
      %or3A_1408 = arith.ori %or3A_1406, %eq3A_1407 : i1
      %eq3A_1409 = arith.cmpi eq, %add3A_1134, %add3A_1356 : i32
      %or3A_1410 = arith.ori %or3A_1408, %eq3A_1409 : i1
      %convert_element_type3A_1411 = arith.extui %or3A_1399 : i1 to i32
      %cond3A_1412 = arith.constant 0 : i32
      %cond3A_1413 = arith.cmpi ne, %convert_element_type3A_1411, %cond3A_1412 : i32
      scf.if %cond3A_1413 {
        %mul3A_2001 = arith.constant 8 : i32
        %mul3A_2002 = arith.muli %mul3A_15, %mul3A_2001 : i32
        %add3A_2003 = arith.addi %mul3A_2002, %select_n3A_1243 : i32
        %mul3A_2004 = arith.constant 1024 : i32
        %mul3A_2005 = arith.muli %select_n3A_1270, %mul3A_2004 : i32
        %min3A = arith.constant 98976 : i32
        %min3A_2006 = arith.minsi %mul3A_2005, %min3A : i32
        %multiple_of3A_2007 = tpu.assume_multiple %min3A_2006, 8 : i32
        %dma_start3A = arith.constant 0 : i32
        %dma_start3A_2008 = tpu.memref_slice %arg9[%multiple_of3A_2007, %dma_start3A] : memref<100000x512xf32, #tpu.memory_space<any>> -> memref<1024x512xf32, #tpu.memory_space<any>>
        tpu.enqueue_dma source(%dma_start3A_2008 : memref<1024x512xf32, #tpu.memory_space<any>>) target(%arg19 : memref<1024x512xf32, #tpu.memory_space<vmem>>) target_semaphore(%arg20 : memref<!tpu.dma_semaphore, #tpu.memory_space<semaphore_mem>>)
        %dma_wait3A = arith.constant 0 : i32
        %dma_wait3A_2009 = tpu.memref_slice %arg9[%multiple_of3A_2007, %dma_wait3A] : memref<100000x512xf32, #tpu.memory_space<any>> -> memref<1024x512xf32, #tpu.memory_space<any>>
        tpu.wait_dma2 semaphore(%arg20 : memref<!tpu.dma_semaphore, #tpu.memory_space<semaphore_mem>>) src(%dma_wait3A_2009 : memref<1024x512xf32, #tpu.memory_space<any>>) dst(%arg19 : memref<1024x512xf32, #tpu.memory_space<vmem>>)
        %iota3A_2010 = tpu.iota {dimensions = array<i32: 0>} : vector<8x512xi32>
        %iota3A_2011 = tpu.iota {dimensions = array<i32: 1>} : vector<8x512xi32>
        %broadcast_in_dim3A_2012 = arith.constant -1.000000e+30 : f32
        %broadcast_in_dim3A_2013 = vector.broadcast %broadcast_in_dim3A_2012 : f32 to vector<8x512xf32>
        %broadcast_in_dim3A_2014 = arith.constant 0 : i32
        %broadcast_in_dim3A_2015 = vector.broadcast %broadcast_in_dim3A_2014 : i32 to vector<8x512xi32>
        %scan3A_2016 = arith.constant 0 : i32
        %scan3A_2017 = arith.constant 128 : i32
        %scan3A_2018 = arith.addi %scan3A_2016, %scan3A_2017 : i32
        %scan3A_2019 = arith.constant 1 : i32
        %scan3A_2020:2 = scf.for %scan3A_2093 = %scan3A_2016 to %scan3A_2018 step %scan3A_2019 iter_args(%scan3A_2094 = %broadcast_in_dim3A_2013, %scan3A_2095 = %broadcast_in_dim3A_2015) -> (vector<8x512xf32>, vector<8x512xi32>)  : i32 {
          %mul3A_2096 = arith.constant 8 : i32
          %mul3A_2097 = arith.muli %scan3A_2093, %mul3A_2096 : i32
          %get3A_2098 = arith.index_cast %mul3A_2097 : i32 to index
          %get3A_2099 = arith.constant 0 : index
          %get3A_2100 = vector.load %arg19[%get3A_2098, %get3A_2099] : memref<1024x512xf32, #tpu.memory_space<vmem>>, vector<8x512xf32>
          %mul3A_2101 = arith.constant 8 : i32
          %mul3A_2102 = arith.muli %scan3A_2093, %mul3A_2101 : i32
          %add3A_2103 = arith.addi %min3A_2006, %mul3A_2102 : i32
          %add3A_2104 = vector.broadcast %add3A_2103 : i32 to vector<8x512xi32>
          %add3A_2105 = arith.addi %add3A_2104, %iota3A_2010 : vector<8x512xi32>
          %eq3A_2106 = vector.broadcast %add3A_2003 : i32 to vector<8x512xi32>
          %eq3A_2107 = arith.cmpi eq, %iota3A_2011, %eq3A_2106 : vector<8x512xi32>
          %jit3A_2108 = arith.constant 1024 : i32
          %div3A_2109 = vector.broadcast %jit3A_2108 : i32 to vector<8x512xi32>
          %div3A_2110 = arith.divsi %add3A_2105, %div3A_2109 : vector<8x512xi32>
          %sign3A_2111 = arith.constant 0 : i32
          %sign3A_2112 = vector.broadcast %sign3A_2111 : i32 to vector<8x512xi32>
          %sign3A_2113 = arith.cmpi sgt, %add3A_2105, %sign3A_2112 : vector<8x512xi32>
          %sign3A_2114 = arith.extui %sign3A_2113 : vector<8x512xi1> to vector<8x512xi32>
          %sign3A_2115 = arith.constant 0 : i32
          %sign3A_2116 = vector.broadcast %sign3A_2115 : i32 to vector<8x512xi32>
          %sign3A_2117 = arith.cmpi slt, %add3A_2105, %sign3A_2116 : vector<8x512xi32>
          %sign3A_2118 = arith.extui %sign3A_2117 : vector<8x512xi1> to vector<8x512xi32>
          %sign3A_2119 = arith.subi %sign3A_2114, %sign3A_2118 : vector<8x512xi32>
          %sign3A_2120 = arith.constant 0 : i32
          %sign3A_2121 = arith.cmpi sgt, %jit3A_2108, %sign3A_2120 : i32
          %sign3A_2122 = arith.extui %sign3A_2121 : i1 to i32
          %sign3A_2123 = arith.constant 0 : i32
          %sign3A_2124 = arith.cmpi slt, %jit3A_2108, %sign3A_2123 : i32
          %sign3A_2125 = arith.extui %sign3A_2124 : i1 to i32
          %sign3A_2126 = arith.subi %sign3A_2122, %sign3A_2125 : i32
          %ne3A_2127 = vector.broadcast %sign3A_2126 : i32 to vector<8x512xi32>
          %ne3A_2128 = arith.cmpi ne, %sign3A_2119, %ne3A_2127 : vector<8x512xi32>
          %rem3A_2129 = vector.broadcast %jit3A_2108 : i32 to vector<8x512xi32>
          %rem3A_2130 = arith.remsi %add3A_2105, %rem3A_2129 : vector<8x512xi32>
          %ne3A_2131 = arith.constant 0 : i32
          %ne3A_2132 = vector.broadcast %ne3A_2131 : i32 to vector<8x512xi32>
          %ne3A_2133 = arith.cmpi ne, %rem3A_2130, %ne3A_2132 : vector<8x512xi32>
          %and3A_2134 = arith.andi %ne3A_2128, %ne3A_2133 : vector<8x512xi1>
          %sub3A_2135 = arith.constant 1 : i32
          %sub3A_2136 = vector.broadcast %sub3A_2135 : i32 to vector<8x512xi32>
          %sub3A_2137 = arith.subi %div3A_2110, %sub3A_2136 : vector<8x512xi32>
          %select_n3A_2138 = arith.select %and3A_2134, %sub3A_2137, %div3A_2110 : vector<8x512xi1>, vector<8x512xi32>
          %eq3A_2139 = vector.broadcast %select_n3A_1270 : i32 to vector<8x512xi32>
          %eq3A_2140 = arith.cmpi eq, %select_n3A_2138, %eq3A_2139 : vector<8x512xi32>
          %and3A_2141 = arith.andi %eq3A_2107, %eq3A_2140 : vector<8x512xi1>
          %lt3A_2142 = arith.constant 100000 : i32
          %lt3A_2143 = vector.broadcast %lt3A_2142 : i32 to vector<8x512xi32>
          %lt3A_2144 = arith.cmpi slt, %add3A_2105, %lt3A_2143 : vector<8x512xi32>
          %and3A_2145 = arith.andi %and3A_2141, %lt3A_2144 : vector<8x512xi1>
          %eq3A_2146 = arith.constant 2 : i32
          %eq3A_2147 = vector.broadcast %eq3A_2146 : i32 to vector<8x512xi32>
          %eq3A_2148 = arith.cmpi eq, %add3A_2105, %eq3A_2147 : vector<8x512xi32>
          %and3A_2149 = vector.broadcast %lt3A_2 : i1 to vector<8x512xi1>
          %and3A_2150 = arith.andi %and3A_2149, %eq3A_2148 : vector<8x512xi1>
          %not3A = arith.constant dense<true> : vector<8x512xi1>
          %not3A_2151 = arith.xori %and3A_2150, %not3A : vector<8x512xi1>
          %and3A_2152 = arith.andi %and3A_2145, %not3A_2151 : vector<8x512xi1>
          %mul3A_2153 = arith.constant 100000 : i32
          %mul3A_2154 = arith.muli %select_n3A_1243, %mul3A_2153 : i32
          %add3A_2155 = vector.broadcast %mul3A_2154 : i32 to vector<8x512xi32>
          %add3A_2156 = arith.addi %add3A_2155, %add3A_2105 : vector<8x512xi32>
          %ne3A_2157 = vector.broadcast %reduce_min3A_157 : i32 to vector<8x512xi32>
          %ne3A_2158 = arith.cmpi ne, %add3A_2156, %ne3A_2157 : vector<8x512xi32>
          %and3A_2159 = arith.andi %and3A_2152, %ne3A_2158 : vector<8x512xi1>
          %ne3A_2160 = vector.broadcast %reduce_min3A_350 : i32 to vector<8x512xi32>
          %ne3A_2161 = arith.cmpi ne, %add3A_2156, %ne3A_2160 : vector<8x512xi32>
          %and3A_2162 = arith.andi %and3A_2159, %ne3A_2161 : vector<8x512xi1>
          %ne3A_2163 = vector.broadcast %reduce_min3A_557 : i32 to vector<8x512xi32>
          %ne3A_2164 = arith.cmpi ne, %add3A_2156, %ne3A_2163 : vector<8x512xi32>
          %and3A_2165 = arith.andi %and3A_2162, %ne3A_2164 : vector<8x512xi1>
          %ne3A_2166 = vector.broadcast %reduce_min3A_771 : i32 to vector<8x512xi32>
          %ne3A_2167 = arith.cmpi ne, %add3A_2156, %ne3A_2166 : vector<8x512xi32>
          %and3A_2168 = arith.andi %and3A_2165, %ne3A_2167 : vector<8x512xi1>
          %ne3A_2169 = vector.broadcast %reduce_min3A_989 : i32 to vector<8x512xi32>
          %ne3A_2170 = arith.cmpi ne, %add3A_2156, %ne3A_2169 : vector<8x512xi32>
          %and3A_2171 = arith.andi %and3A_2168, %ne3A_2170 : vector<8x512xi1>
          %ne3A_2172 = vector.broadcast %reduce_min3A_1211 : i32 to vector<8x512xi32>
          %ne3A_2173 = arith.cmpi ne, %add3A_2156, %ne3A_2172 : vector<8x512xi32>
          %and3A_2174 = arith.andi %and3A_2171, %ne3A_2173 : vector<8x512xi1>
          %jit3A_2175 = arith.constant -1.000000e+30 : f32
          %broadcast_in_dim3A_2176 = vector.broadcast %jit3A_2175 : f32 to vector<8x512xf32>
          %select_n3A_2177 = arith.select %and3A_2174, %get3A_2100, %broadcast_in_dim3A_2176 : vector<8x512xi1>, vector<8x512xf32>
          %gt3A = arith.cmpf ogt, %select_n3A_2177, %scan3A_2094 : vector<8x512xf32>
          %max3A = arith.maximumf %select_n3A_2177, %scan3A_2094 : vector<8x512xf32>
          %select_n3A_2178 = arith.select %gt3A, %add3A_2105, %scan3A_2095 : vector<8x512xi1>, vector<8x512xi32>
          scf.yield %max3A, %select_n3A_2178 : vector<8x512xf32>, vector<8x512xi32>
        }
        %scan3A_2021 = arith.constant 128 : i32
        %reduce_max3A_2022 = vector.shape_cast %scan3A_2020#0 : vector<8x512xf32> to vector<1x8x512xf32>
        %reduce_max3A_2023 = arith.constant dense<0xFF800000> : vector<1xf32>
        %reduce_max3A_2024 = vector.multi_reduction <maximumf>, %reduce_max3A_2022, %reduce_max3A_2023 [1, 2] : vector<1x8x512xf32> to vector<1xf32>
        %reduce_max3A_2025 = vector.shape_cast %reduce_max3A_2024 : vector<1xf32> to vector<1x1x1xf32>
        %reduce_max3A_2026 = vector.extract %reduce_max3A_2025[0, 0, 0] : f32 from vector<1x1x1xf32>
        %eq3A_2027 = vector.broadcast %reduce_max3A_2026 : f32 to vector<8x512xf32>
        %eq3A_2028 = arith.cmpf oeq, %scan3A_2020#0, %eq3A_2027 : vector<8x512xf32>
        %jit3A_2029 = arith.constant 1073741824 : i32
        %broadcast_in_dim3A_2030 = vector.broadcast %jit3A_2029 : i32 to vector<8x512xi32>
        %select_n3A_2031 = arith.select %eq3A_2028, %scan3A_2020#1, %broadcast_in_dim3A_2030 : vector<8x512xi1>, vector<8x512xi32>
        %reduce_min3A_2032 = vector.shape_cast %select_n3A_2031 : vector<8x512xi32> to vector<1x8x512xi32>
        %reduce_min3A_2033 = arith.constant dense<2147483647> : vector<1xi32>
        %reduce_min3A_2034 = vector.multi_reduction <minsi>, %reduce_min3A_2032, %reduce_min3A_2033 [1, 2] : vector<1x8x512xi32> to vector<1xi32>
        %reduce_min3A_2035 = vector.shape_cast %reduce_min3A_2034 : vector<1xi32> to vector<1x1x1xi32>
        %reduce_min3A_2036 = vector.extract %reduce_min3A_2035[0, 0, 0] : i32 from vector<1x1x1xi32>
        %eq3A_2037 = vector.broadcast %select_n3A_1243 : i32 to vector<8x1xi32>
        %eq3A_2038 = arith.cmpi eq, %iota3A_9, %eq3A_2037 : vector<8x1xi32>
        %jit3A_2039 = arith.constant 0.000000e+00 : f32
        %broadcast_in_dim3A_2040 = vector.broadcast %jit3A_2039 : f32 to vector<8x1xf32>
        %select_n3A_2041 = arith.select %eq3A_2038, %get3A_26, %broadcast_in_dim3A_2040 : vector<8x1xi1>, vector<8x1xf32>
        %reduce_sum3A = vector.shape_cast %select_n3A_2041 : vector<8x1xf32> to vector<1x8x1xf32>
        %reduce_sum3A_2042 = arith.constant dense<0.000000e+00> : vector<1xf32>
        %reduce_sum3A_2043 = vector.multi_reduction <add>, %reduce_sum3A, %reduce_sum3A_2042 [1, 2] : vector<1x8x1xf32> to vector<1xf32>
        %reduce_sum3A_2044 = vector.shape_cast %reduce_sum3A_2043 : vector<1xf32> to vector<1x1x1xf32>
        %reduce_sum3A_2045 = vector.extract %reduce_sum3A_2044[0, 0, 0] : f32 from vector<1x1x1xf32>
        %eq3A_2046 = vector.broadcast %select_n3A_1243 : i32 to vector<8x1xi32>
        %eq3A_2047 = arith.cmpi eq, %iota3A_9, %eq3A_2046 : vector<8x1xi32>
        %jit3A_2048 = arith.constant 0.000000e+00 : f32
        %broadcast_in_dim3A_2049 = vector.broadcast %jit3A_2048 : f32 to vector<8x1xf32>
        %select_n3A_2050 = arith.select %eq3A_2047, %get3A_29, %broadcast_in_dim3A_2049 : vector<8x1xi1>, vector<8x1xf32>
        %reduce_sum3A_2051 = vector.shape_cast %select_n3A_2050 : vector<8x1xf32> to vector<1x8x1xf32>
        %reduce_sum3A_2052 = arith.constant dense<0.000000e+00> : vector<1xf32>
        %reduce_sum3A_2053 = vector.multi_reduction <add>, %reduce_sum3A_2051, %reduce_sum3A_2052 [1, 2] : vector<1x8x1xf32> to vector<1xf32>
        %reduce_sum3A_2054 = vector.shape_cast %reduce_sum3A_2053 : vector<1xf32> to vector<1x1x1xf32>
        %reduce_sum3A_2055 = vector.extract %reduce_sum3A_2054[0, 0, 0] : f32 from vector<1x1x1xf32>
        %eq3A_2056 = vector.broadcast %select_n3A_1243 : i32 to vector<8x1xi32>
        %eq3A_2057 = arith.cmpi eq, %iota3A_9, %eq3A_2056 : vector<8x1xi32>
        %jit3A_2058 = arith.constant 0.000000e+00 : f32
        %broadcast_in_dim3A_2059 = vector.broadcast %jit3A_2058 : f32 to vector<8x1xf32>
        %select_n3A_2060 = arith.select %eq3A_2057, %get3A_32, %broadcast_in_dim3A_2059 : vector<8x1xi1>, vector<8x1xf32>
        %reduce_sum3A_2061 = vector.shape_cast %select_n3A_2060 : vector<8x1xf32> to vector<1x8x1xf32>
        %reduce_sum3A_2062 = arith.constant dense<0.000000e+00> : vector<1xf32>
        %reduce_sum3A_2063 = vector.multi_reduction <add>, %reduce_sum3A_2061, %reduce_sum3A_2062 [1, 2] : vector<1x8x1xf32> to vector<1xf32>
        %reduce_sum3A_2064 = vector.shape_cast %reduce_sum3A_2063 : vector<1xf32> to vector<1x1x1xf32>
        %reduce_sum3A_2065 = vector.extract %reduce_sum3A_2064[0, 0, 0] : f32 from vector<1x1x1xf32>
        %sub3A_2066 = arith.subf %reduce_max3A_2026, %reduce_sum3A_2045 : f32
        %sub3A_2067 = arith.subf %sub3A_2066, %reduce_sum3A_2055 : f32
        %add3A_2068 = arith.addf %sub3A_2067, %reduce_sum3A_2065 : f32
        %mul3A_2069 = arith.constant 100000 : i32
        %mul3A_2070 = arith.muli %select_n3A_1243, %mul3A_2069 : i32
        %add3A_2071 = arith.addi %mul3A_2070, %reduce_min3A_2036 : i32
        %eq3A_2072 = vector.broadcast %select_n3A_1243 : i32 to vector<16x98xi32>
        %eq3A_2073 = arith.cmpi eq, %iota3A_8, %eq3A_2072 : vector<16x98xi32>
        %eq3A_2074 = vector.broadcast %select_n3A_1270 : i32 to vector<16x98xi32>
        %eq3A_2075 = arith.cmpi eq, %iota3A_7, %eq3A_2074 : vector<16x98xi32>
        %and3A_2076 = arith.andi %eq3A_2073, %eq3A_2075 : vector<16x98xi1>
        %get3A_2077 = arith.constant 0 : index
        %get3A_2078 = arith.constant 0 : index
        %get3A_2079 = vector.load %arg15[%get3A_2077, %get3A_2078] : memref<16x98xf32, #tpu.memory_space<vmem>>, vector<16x98xf32>
        %broadcast_in_dim3A_2080 = vector.broadcast %add3A_2068 : f32 to vector<16x98xf32>
        %select_n3A_2081 = arith.select %and3A_2076, %broadcast_in_dim3A_2080, %get3A_2079 : vector<16x98xi1>, vector<16x98xf32>
        %swap3A_2082 = arith.constant 0 : index
        %swap3A_2083 = arith.constant 0 : index
        %swap3A_2084 = vector.load %arg15[%swap3A_2082, %swap3A_2083] : memref<16x98xf32, #tpu.memory_space<vmem>>, vector<16x98xf32>
        tpu.vector_store %arg15[%swap3A_2082, %swap3A_2083], %select_n3A_2081 {strides = array<i32>} : memref<16x98xf32, #tpu.memory_space<vmem>>, vector<16x98xf32>,
        %get3A_2085 = arith.constant 0 : index
        %get3A_2086 = arith.constant 0 : index
        %get3A_2087 = vector.load %arg16[%get3A_2085, %get3A_2086] : memref<16x98xi32, #tpu.memory_space<vmem>>, vector<16x98xi32>
        %broadcast_in_dim3A_2088 = vector.broadcast %add3A_2071 : i32 to vector<16x98xi32>
        %select_n3A_2089 = arith.select %and3A_2076, %broadcast_in_dim3A_2088, %get3A_2087 : vector<16x98xi1>, vector<16x98xi32>
        %swap3A_2090 = arith.constant 0 : index
        %swap3A_2091 = arith.constant 0 : index
        %swap3A_2092 = vector.load %arg16[%swap3A_2090, %swap3A_2091] : memref<16x98xi32, #tpu.memory_space<vmem>>, vector<16x98xi32>
        tpu.vector_store %arg16[%swap3A_2090, %swap3A_2091], %select_n3A_2089 {strides = array<i32>} : memref<16x98xi32, #tpu.memory_space<vmem>>, vector<16x98xi32>,
      } else {
      }
      %convert_element_type3A_1414 = arith.extui %or3A_1410 : i1 to i32
      %cond3A_1415 = arith.constant 0 : i32
      %cond3A_1416 = arith.cmpi ne, %convert_element_type3A_1414, %cond3A_1415 : i32
      scf.if %cond3A_1416 {
        %mul3A_2001 = arith.constant 8 : i32
        %mul3A_2002 = arith.muli %add3A_18, %mul3A_2001 : i32
        %add3A_2003 = arith.addi %mul3A_2002, %select_n3A_1326 : i32
        %mul3A_2004 = arith.constant 1024 : i32
        %mul3A_2005 = arith.muli %select_n3A_1353, %mul3A_2004 : i32
        %min3A = arith.constant 98976 : i32
        %min3A_2006 = arith.minsi %mul3A_2005, %min3A : i32
        %multiple_of3A_2007 = tpu.assume_multiple %min3A_2006, 8 : i32
        %dma_start3A = arith.constant 0 : i32
        %dma_start3A_2008 = tpu.memref_slice %arg9[%multiple_of3A_2007, %dma_start3A] : memref<100000x512xf32, #tpu.memory_space<any>> -> memref<1024x512xf32, #tpu.memory_space<any>>
        tpu.enqueue_dma source(%dma_start3A_2008 : memref<1024x512xf32, #tpu.memory_space<any>>) target(%arg19 : memref<1024x512xf32, #tpu.memory_space<vmem>>) target_semaphore(%arg20 : memref<!tpu.dma_semaphore, #tpu.memory_space<semaphore_mem>>)
        %dma_wait3A = arith.constant 0 : i32
        %dma_wait3A_2009 = tpu.memref_slice %arg9[%multiple_of3A_2007, %dma_wait3A] : memref<100000x512xf32, #tpu.memory_space<any>> -> memref<1024x512xf32, #tpu.memory_space<any>>
        tpu.wait_dma2 semaphore(%arg20 : memref<!tpu.dma_semaphore, #tpu.memory_space<semaphore_mem>>) src(%dma_wait3A_2009 : memref<1024x512xf32, #tpu.memory_space<any>>) dst(%arg19 : memref<1024x512xf32, #tpu.memory_space<vmem>>)
        %iota3A_2010 = tpu.iota {dimensions = array<i32: 0>} : vector<8x512xi32>
        %iota3A_2011 = tpu.iota {dimensions = array<i32: 1>} : vector<8x512xi32>
        %broadcast_in_dim3A_2012 = arith.constant -1.000000e+30 : f32
        %broadcast_in_dim3A_2013 = vector.broadcast %broadcast_in_dim3A_2012 : f32 to vector<8x512xf32>
        %broadcast_in_dim3A_2014 = arith.constant 0 : i32
        %broadcast_in_dim3A_2015 = vector.broadcast %broadcast_in_dim3A_2014 : i32 to vector<8x512xi32>
        %scan3A_2016 = arith.constant 0 : i32
        %scan3A_2017 = arith.constant 128 : i32
        %scan3A_2018 = arith.addi %scan3A_2016, %scan3A_2017 : i32
        %scan3A_2019 = arith.constant 1 : i32
        %scan3A_2020:2 = scf.for %scan3A_2093 = %scan3A_2016 to %scan3A_2018 step %scan3A_2019 iter_args(%scan3A_2094 = %broadcast_in_dim3A_2013, %scan3A_2095 = %broadcast_in_dim3A_2015) -> (vector<8x512xf32>, vector<8x512xi32>)  : i32 {
          %mul3A_2096 = arith.constant 8 : i32
          %mul3A_2097 = arith.muli %scan3A_2093, %mul3A_2096 : i32
          %get3A_2098 = arith.index_cast %mul3A_2097 : i32 to index
          %get3A_2099 = arith.constant 0 : index
          %get3A_2100 = vector.load %arg19[%get3A_2098, %get3A_2099] : memref<1024x512xf32, #tpu.memory_space<vmem>>, vector<8x512xf32>
          %mul3A_2101 = arith.constant 8 : i32
          %mul3A_2102 = arith.muli %scan3A_2093, %mul3A_2101 : i32
          %add3A_2103 = arith.addi %min3A_2006, %mul3A_2102 : i32
          %add3A_2104 = vector.broadcast %add3A_2103 : i32 to vector<8x512xi32>
          %add3A_2105 = arith.addi %add3A_2104, %iota3A_2010 : vector<8x512xi32>
          %eq3A_2106 = vector.broadcast %add3A_2003 : i32 to vector<8x512xi32>
          %eq3A_2107 = arith.cmpi eq, %iota3A_2011, %eq3A_2106 : vector<8x512xi32>
          %jit3A_2108 = arith.constant 1024 : i32
          %div3A_2109 = vector.broadcast %jit3A_2108 : i32 to vector<8x512xi32>
          %div3A_2110 = arith.divsi %add3A_2105, %div3A_2109 : vector<8x512xi32>
          %sign3A_2111 = arith.constant 0 : i32
          %sign3A_2112 = vector.broadcast %sign3A_2111 : i32 to vector<8x512xi32>
          %sign3A_2113 = arith.cmpi sgt, %add3A_2105, %sign3A_2112 : vector<8x512xi32>
          %sign3A_2114 = arith.extui %sign3A_2113 : vector<8x512xi1> to vector<8x512xi32>
          %sign3A_2115 = arith.constant 0 : i32
          %sign3A_2116 = vector.broadcast %sign3A_2115 : i32 to vector<8x512xi32>
          %sign3A_2117 = arith.cmpi slt, %add3A_2105, %sign3A_2116 : vector<8x512xi32>
          %sign3A_2118 = arith.extui %sign3A_2117 : vector<8x512xi1> to vector<8x512xi32>
          %sign3A_2119 = arith.subi %sign3A_2114, %sign3A_2118 : vector<8x512xi32>
          %sign3A_2120 = arith.constant 0 : i32
          %sign3A_2121 = arith.cmpi sgt, %jit3A_2108, %sign3A_2120 : i32
          %sign3A_2122 = arith.extui %sign3A_2121 : i1 to i32
          %sign3A_2123 = arith.constant 0 : i32
          %sign3A_2124 = arith.cmpi slt, %jit3A_2108, %sign3A_2123 : i32
          %sign3A_2125 = arith.extui %sign3A_2124 : i1 to i32
          %sign3A_2126 = arith.subi %sign3A_2122, %sign3A_2125 : i32
          %ne3A_2127 = vector.broadcast %sign3A_2126 : i32 to vector<8x512xi32>
          %ne3A_2128 = arith.cmpi ne, %sign3A_2119, %ne3A_2127 : vector<8x512xi32>
          %rem3A_2129 = vector.broadcast %jit3A_2108 : i32 to vector<8x512xi32>
          %rem3A_2130 = arith.remsi %add3A_2105, %rem3A_2129 : vector<8x512xi32>
          %ne3A_2131 = arith.constant 0 : i32
          %ne3A_2132 = vector.broadcast %ne3A_2131 : i32 to vector<8x512xi32>
          %ne3A_2133 = arith.cmpi ne, %rem3A_2130, %ne3A_2132 : vector<8x512xi32>
          %and3A_2134 = arith.andi %ne3A_2128, %ne3A_2133 : vector<8x512xi1>
          %sub3A_2135 = arith.constant 1 : i32
          %sub3A_2136 = vector.broadcast %sub3A_2135 : i32 to vector<8x512xi32>
          %sub3A_2137 = arith.subi %div3A_2110, %sub3A_2136 : vector<8x512xi32>
          %select_n3A_2138 = arith.select %and3A_2134, %sub3A_2137, %div3A_2110 : vector<8x512xi1>, vector<8x512xi32>
          %eq3A_2139 = vector.broadcast %select_n3A_1353 : i32 to vector<8x512xi32>
          %eq3A_2140 = arith.cmpi eq, %select_n3A_2138, %eq3A_2139 : vector<8x512xi32>
          %and3A_2141 = arith.andi %eq3A_2107, %eq3A_2140 : vector<8x512xi1>
          %lt3A_2142 = arith.constant 100000 : i32
          %lt3A_2143 = vector.broadcast %lt3A_2142 : i32 to vector<8x512xi32>
          %lt3A_2144 = arith.cmpi slt, %add3A_2105, %lt3A_2143 : vector<8x512xi32>
          %and3A_2145 = arith.andi %and3A_2141, %lt3A_2144 : vector<8x512xi1>
          %eq3A_2146 = arith.constant 2 : i32
          %eq3A_2147 = vector.broadcast %eq3A_2146 : i32 to vector<8x512xi32>
          %eq3A_2148 = arith.cmpi eq, %add3A_2105, %eq3A_2147 : vector<8x512xi32>
          %and3A_2149 = vector.broadcast %lt3A_2 : i1 to vector<8x512xi1>
          %and3A_2150 = arith.andi %and3A_2149, %eq3A_2148 : vector<8x512xi1>
          %not3A = arith.constant dense<true> : vector<8x512xi1>
          %not3A_2151 = arith.xori %and3A_2150, %not3A : vector<8x512xi1>
          %and3A_2152 = arith.andi %and3A_2145, %not3A_2151 : vector<8x512xi1>
          %mul3A_2153 = arith.constant 100000 : i32
          %mul3A_2154 = arith.muli %select_n3A_1326, %mul3A_2153 : i32
          %add3A_2155 = vector.broadcast %mul3A_2154 : i32 to vector<8x512xi32>
          %add3A_2156 = arith.addi %add3A_2155, %add3A_2105 : vector<8x512xi32>
          %ne3A_2157 = vector.broadcast %reduce_min3A_235 : i32 to vector<8x512xi32>
          %ne3A_2158 = arith.cmpi ne, %add3A_2156, %ne3A_2157 : vector<8x512xi32>
          %and3A_2159 = arith.andi %and3A_2152, %ne3A_2158 : vector<8x512xi1>
          %ne3A_2160 = vector.broadcast %reduce_min3A_433 : i32 to vector<8x512xi32>
          %ne3A_2161 = arith.cmpi ne, %add3A_2156, %ne3A_2160 : vector<8x512xi32>
          %and3A_2162 = arith.andi %and3A_2159, %ne3A_2161 : vector<8x512xi1>
          %ne3A_2163 = vector.broadcast %reduce_min3A_640 : i32 to vector<8x512xi32>
          %ne3A_2164 = arith.cmpi ne, %add3A_2156, %ne3A_2163 : vector<8x512xi32>
          %and3A_2165 = arith.andi %and3A_2162, %ne3A_2164 : vector<8x512xi1>
          %ne3A_2166 = vector.broadcast %reduce_min3A_854 : i32 to vector<8x512xi32>
          %ne3A_2167 = arith.cmpi ne, %add3A_2156, %ne3A_2166 : vector<8x512xi32>
          %and3A_2168 = arith.andi %and3A_2165, %ne3A_2167 : vector<8x512xi1>
          %ne3A_2169 = vector.broadcast %reduce_min3A_1072 : i32 to vector<8x512xi32>
          %ne3A_2170 = arith.cmpi ne, %add3A_2156, %ne3A_2169 : vector<8x512xi32>
          %and3A_2171 = arith.andi %and3A_2168, %ne3A_2170 : vector<8x512xi1>
          %ne3A_2172 = vector.broadcast %reduce_min3A_1294 : i32 to vector<8x512xi32>
          %ne3A_2173 = arith.cmpi ne, %add3A_2156, %ne3A_2172 : vector<8x512xi32>
          %and3A_2174 = arith.andi %and3A_2171, %ne3A_2173 : vector<8x512xi1>
          %jit3A_2175 = arith.constant -1.000000e+30 : f32
          %broadcast_in_dim3A_2176 = vector.broadcast %jit3A_2175 : f32 to vector<8x512xf32>
          %select_n3A_2177 = arith.select %and3A_2174, %get3A_2100, %broadcast_in_dim3A_2176 : vector<8x512xi1>, vector<8x512xf32>
          %gt3A = arith.cmpf ogt, %select_n3A_2177, %scan3A_2094 : vector<8x512xf32>
          %max3A = arith.maximumf %select_n3A_2177, %scan3A_2094 : vector<8x512xf32>
          %select_n3A_2178 = arith.select %gt3A, %add3A_2105, %scan3A_2095 : vector<8x512xi1>, vector<8x512xi32>
          scf.yield %max3A, %select_n3A_2178 : vector<8x512xf32>, vector<8x512xi32>
        }
        %scan3A_2021 = arith.constant 128 : i32
        %reduce_max3A_2022 = vector.shape_cast %scan3A_2020#0 : vector<8x512xf32> to vector<1x8x512xf32>
        %reduce_max3A_2023 = arith.constant dense<0xFF800000> : vector<1xf32>
        %reduce_max3A_2024 = vector.multi_reduction <maximumf>, %reduce_max3A_2022, %reduce_max3A_2023 [1, 2] : vector<1x8x512xf32> to vector<1xf32>
        %reduce_max3A_2025 = vector.shape_cast %reduce_max3A_2024 : vector<1xf32> to vector<1x1x1xf32>
        %reduce_max3A_2026 = vector.extract %reduce_max3A_2025[0, 0, 0] : f32 from vector<1x1x1xf32>
        %eq3A_2027 = vector.broadcast %reduce_max3A_2026 : f32 to vector<8x512xf32>
        %eq3A_2028 = arith.cmpf oeq, %scan3A_2020#0, %eq3A_2027 : vector<8x512xf32>
        %jit3A_2029 = arith.constant 1073741824 : i32
        %broadcast_in_dim3A_2030 = vector.broadcast %jit3A_2029 : i32 to vector<8x512xi32>
        %select_n3A_2031 = arith.select %eq3A_2028, %scan3A_2020#1, %broadcast_in_dim3A_2030 : vector<8x512xi1>, vector<8x512xi32>
        %reduce_min3A_2032 = vector.shape_cast %select_n3A_2031 : vector<8x512xi32> to vector<1x8x512xi32>
        %reduce_min3A_2033 = arith.constant dense<2147483647> : vector<1xi32>
        %reduce_min3A_2034 = vector.multi_reduction <minsi>, %reduce_min3A_2032, %reduce_min3A_2033 [1, 2] : vector<1x8x512xi32> to vector<1xi32>
        %reduce_min3A_2035 = vector.shape_cast %reduce_min3A_2034 : vector<1xi32> to vector<1x1x1xi32>
        %reduce_min3A_2036 = vector.extract %reduce_min3A_2035[0, 0, 0] : i32 from vector<1x1x1xi32>
        %eq3A_2037 = vector.broadcast %select_n3A_1326 : i32 to vector<8x1xi32>
        %eq3A_2038 = arith.cmpi eq, %iota3A_9, %eq3A_2037 : vector<8x1xi32>
        %jit3A_2039 = arith.constant 0.000000e+00 : f32
        %broadcast_in_dim3A_2040 = vector.broadcast %jit3A_2039 : f32 to vector<8x1xf32>
        %select_n3A_2041 = arith.select %eq3A_2038, %get3A_80, %broadcast_in_dim3A_2040 : vector<8x1xi1>, vector<8x1xf32>
        %reduce_sum3A = vector.shape_cast %select_n3A_2041 : vector<8x1xf32> to vector<1x8x1xf32>
        %reduce_sum3A_2042 = arith.constant dense<0.000000e+00> : vector<1xf32>
        %reduce_sum3A_2043 = vector.multi_reduction <add>, %reduce_sum3A, %reduce_sum3A_2042 [1, 2] : vector<1x8x1xf32> to vector<1xf32>
        %reduce_sum3A_2044 = vector.shape_cast %reduce_sum3A_2043 : vector<1xf32> to vector<1x1x1xf32>
        %reduce_sum3A_2045 = vector.extract %reduce_sum3A_2044[0, 0, 0] : f32 from vector<1x1x1xf32>
        %eq3A_2046 = vector.broadcast %select_n3A_1326 : i32 to vector<8x1xi32>
        %eq3A_2047 = arith.cmpi eq, %iota3A_9, %eq3A_2046 : vector<8x1xi32>
        %jit3A_2048 = arith.constant 0.000000e+00 : f32
        %broadcast_in_dim3A_2049 = vector.broadcast %jit3A_2048 : f32 to vector<8x1xf32>
        %select_n3A_2050 = arith.select %eq3A_2047, %get3A_83, %broadcast_in_dim3A_2049 : vector<8x1xi1>, vector<8x1xf32>
        %reduce_sum3A_2051 = vector.shape_cast %select_n3A_2050 : vector<8x1xf32> to vector<1x8x1xf32>
        %reduce_sum3A_2052 = arith.constant dense<0.000000e+00> : vector<1xf32>
        %reduce_sum3A_2053 = vector.multi_reduction <add>, %reduce_sum3A_2051, %reduce_sum3A_2052 [1, 2] : vector<1x8x1xf32> to vector<1xf32>
        %reduce_sum3A_2054 = vector.shape_cast %reduce_sum3A_2053 : vector<1xf32> to vector<1x1x1xf32>
        %reduce_sum3A_2055 = vector.extract %reduce_sum3A_2054[0, 0, 0] : f32 from vector<1x1x1xf32>
        %eq3A_2056 = vector.broadcast %select_n3A_1326 : i32 to vector<8x1xi32>
        %eq3A_2057 = arith.cmpi eq, %iota3A_9, %eq3A_2056 : vector<8x1xi32>
        %jit3A_2058 = arith.constant 0.000000e+00 : f32
        %broadcast_in_dim3A_2059 = vector.broadcast %jit3A_2058 : f32 to vector<8x1xf32>
        %select_n3A_2060 = arith.select %eq3A_2057, %get3A_86, %broadcast_in_dim3A_2059 : vector<8x1xi1>, vector<8x1xf32>
        %reduce_sum3A_2061 = vector.shape_cast %select_n3A_2060 : vector<8x1xf32> to vector<1x8x1xf32>
        %reduce_sum3A_2062 = arith.constant dense<0.000000e+00> : vector<1xf32>
        %reduce_sum3A_2063 = vector.multi_reduction <add>, %reduce_sum3A_2061, %reduce_sum3A_2062 [1, 2] : vector<1x8x1xf32> to vector<1xf32>
        %reduce_sum3A_2064 = vector.shape_cast %reduce_sum3A_2063 : vector<1xf32> to vector<1x1x1xf32>
        %reduce_sum3A_2065 = vector.extract %reduce_sum3A_2064[0, 0, 0] : f32 from vector<1x1x1xf32>
        %sub3A_2066 = arith.subf %reduce_max3A_2026, %reduce_sum3A_2045 : f32
        %sub3A_2067 = arith.subf %sub3A_2066, %reduce_sum3A_2055 : f32
        %add3A_2068 = arith.addf %sub3A_2067, %reduce_sum3A_2065 : f32
        %mul3A_2069 = arith.constant 100000 : i32
        %mul3A_2070 = arith.muli %select_n3A_1326, %mul3A_2069 : i32
        %add3A_2071 = arith.addi %mul3A_2070, %reduce_min3A_2036 : i32
        %eq3A_2072 = vector.broadcast %select_n3A_1326 : i32 to vector<16x98xi32>
        %eq3A_2073 = arith.cmpi eq, %iota3A_8, %eq3A_2072 : vector<16x98xi32>
        %eq3A_2074 = vector.broadcast %select_n3A_1353 : i32 to vector<16x98xi32>
        %eq3A_2075 = arith.cmpi eq, %iota3A_7, %eq3A_2074 : vector<16x98xi32>
        %and3A_2076 = arith.andi %eq3A_2073, %eq3A_2075 : vector<16x98xi1>
        %get3A_2077 = arith.constant 0 : index
        %get3A_2078 = arith.constant 0 : index
        %get3A_2079 = vector.load %arg17[%get3A_2077, %get3A_2078] : memref<16x98xf32, #tpu.memory_space<vmem>>, vector<16x98xf32>
        %broadcast_in_dim3A_2080 = vector.broadcast %add3A_2068 : f32 to vector<16x98xf32>
        %select_n3A_2081 = arith.select %and3A_2076, %broadcast_in_dim3A_2080, %get3A_2079 : vector<16x98xi1>, vector<16x98xf32>
        %swap3A_2082 = arith.constant 0 : index
        %swap3A_2083 = arith.constant 0 : index
        %swap3A_2084 = vector.load %arg17[%swap3A_2082, %swap3A_2083] : memref<16x98xf32, #tpu.memory_space<vmem>>, vector<16x98xf32>
        tpu.vector_store %arg17[%swap3A_2082, %swap3A_2083], %select_n3A_2081 {strides = array<i32>} : memref<16x98xf32, #tpu.memory_space<vmem>>, vector<16x98xf32>,
        %get3A_2085 = arith.constant 0 : index
        %get3A_2086 = arith.constant 0 : index
        %get3A_2087 = vector.load %arg18[%get3A_2085, %get3A_2086] : memref<16x98xi32, #tpu.memory_space<vmem>>, vector<16x98xi32>
        %broadcast_in_dim3A_2088 = vector.broadcast %add3A_2071 : i32 to vector<16x98xi32>
        %select_n3A_2089 = arith.select %and3A_2076, %broadcast_in_dim3A_2088, %get3A_2087 : vector<16x98xi1>, vector<16x98xi32>
        %swap3A_2090 = arith.constant 0 : index
        %swap3A_2091 = arith.constant 0 : index
        %swap3A_2092 = vector.load %arg18[%swap3A_2090, %swap3A_2091] : memref<16x98xi32, #tpu.memory_space<vmem>>, vector<16x98xi32>
        tpu.vector_store %arg18[%swap3A_2090, %swap3A_2091], %select_n3A_2089 {strides = array<i32>} : memref<16x98xi32, #tpu.memory_space<vmem>>, vector<16x98xi32>,
      } else {
      }
      %get3A_1417 = arith.constant 0 : index
      %get3A_1418 = arith.constant 0 : index
      %get3A_1419 = vector.load %arg15[%get3A_1417, %get3A_1418] : memref<16x98xf32, #tpu.memory_space<vmem>>, vector<16x98xf32>
      %get3A_1420 = arith.constant 0 : index
      %get3A_1421 = arith.constant 0 : index
      %get3A_1422 = vector.load %arg16[%get3A_1420, %get3A_1421] : memref<16x98xi32, #tpu.memory_space<vmem>>, vector<16x98xi32>
      %reduce_max3A_1423 = vector.shape_cast %get3A_1419 : vector<16x98xf32> to vector<1x16x98xf32>
      %reduce_max3A_1424 = arith.constant dense<0xFF800000> : vector<1xf32>
      %reduce_max3A_1425 = vector.multi_reduction <maximumf>, %reduce_max3A_1423, %reduce_max3A_1424 [1, 2] : vector<1x16x98xf32> to vector<1xf32>
      %reduce_max3A_1426 = vector.shape_cast %reduce_max3A_1425 : vector<1xf32> to vector<1x1x1xf32>
      %reduce_max3A_1427 = vector.extract %reduce_max3A_1426[0, 0, 0] : f32 from vector<1x1x1xf32>
      %eq3A_1428 = vector.broadcast %reduce_max3A_1427 : f32 to vector<16x98xf32>
      %eq3A_1429 = arith.cmpf oeq, %get3A_1419, %eq3A_1428 : vector<16x98xf32>
      %jit3A_1430 = arith.constant 1073741824 : i32
      %broadcast_in_dim3A_1431 = vector.broadcast %jit3A_1430 : i32 to vector<16x98xi32>
      %select_n3A_1432 = arith.select %eq3A_1429, %get3A_1422, %broadcast_in_dim3A_1431 : vector<16x98xi1>, vector<16x98xi32>
      %reduce_min3A_1433 = vector.shape_cast %select_n3A_1432 : vector<16x98xi32> to vector<1x16x98xi32>
      %reduce_min3A_1434 = arith.constant dense<2147483647> : vector<1xi32>
      %reduce_min3A_1435 = vector.multi_reduction <minsi>, %reduce_min3A_1433, %reduce_min3A_1434 [1, 2] : vector<1x16x98xi32> to vector<1xi32>
      %reduce_min3A_1436 = vector.shape_cast %reduce_min3A_1435 : vector<1xi32> to vector<1x1x1xi32>
      %reduce_min3A_1437 = vector.extract %reduce_min3A_1436[0, 0, 0] : i32 from vector<1x1x1xi32>
      %eq3A_1438 = vector.broadcast %reduce_min3A_1437 : i32 to vector<16x98xi32>
      %eq3A_1439 = arith.cmpi eq, %get3A_1422, %eq3A_1438 : vector<16x98xi32>
      %jit3A_1440 = arith.constant -1.000000e+30 : f32
      %broadcast_in_dim3A_1441 = vector.broadcast %jit3A_1440 : f32 to vector<16x98xf32>
      %select_n3A_1442 = arith.select %eq3A_1439, %broadcast_in_dim3A_1441, %get3A_1419 : vector<16x98xi1>, vector<16x98xf32>
      %swap3A_1443 = arith.constant 0 : index
      %swap3A_1444 = arith.constant 0 : index
      %swap3A_1445 = vector.load %arg15[%swap3A_1443, %swap3A_1444] : memref<16x98xf32, #tpu.memory_space<vmem>>, vector<16x98xf32>
      tpu.vector_store %arg15[%swap3A_1443, %swap3A_1444], %select_n3A_1442 {strides = array<i32>} : memref<16x98xf32, #tpu.memory_space<vmem>>, vector<16x98xf32>,
      %jit3A_1446 = arith.constant 100000 : i32
      %div3A_1447 = arith.divsi %reduce_min3A_1437, %jit3A_1446 : i32
      %sign3A_1448 = arith.constant 0 : i32
      %sign3A_1449 = arith.cmpi sgt, %reduce_min3A_1437, %sign3A_1448 : i32
      %sign3A_1450 = arith.extui %sign3A_1449 : i1 to i32
      %sign3A_1451 = arith.constant 0 : i32
      %sign3A_1452 = arith.cmpi slt, %reduce_min3A_1437, %sign3A_1451 : i32
      %sign3A_1453 = arith.extui %sign3A_1452 : i1 to i32
      %sign3A_1454 = arith.subi %sign3A_1450, %sign3A_1453 : i32
      %sign3A_1455 = arith.constant 0 : i32
      %sign3A_1456 = arith.cmpi sgt, %jit3A_1446, %sign3A_1455 : i32
      %sign3A_1457 = arith.extui %sign3A_1456 : i1 to i32
      %sign3A_1458 = arith.constant 0 : i32
      %sign3A_1459 = arith.cmpi slt, %jit3A_1446, %sign3A_1458 : i32
      %sign3A_1460 = arith.extui %sign3A_1459 : i1 to i32
      %sign3A_1461 = arith.subi %sign3A_1457, %sign3A_1460 : i32
      %ne3A_1462 = arith.cmpi ne, %sign3A_1454, %sign3A_1461 : i32
      %rem3A_1463 = arith.remsi %reduce_min3A_1437, %jit3A_1446 : i32
      %ne3A_1464 = arith.constant 0 : i32
      %ne3A_1465 = arith.cmpi ne, %rem3A_1463, %ne3A_1464 : i32
      %and3A_1466 = arith.andi %ne3A_1462, %ne3A_1465 : i1
      %sub3A_1467 = arith.constant 1 : i32
      %sub3A_1468 = arith.subi %div3A_1447, %sub3A_1467 : i32
      %select_n3A_1469 = arith.select %and3A_1466, %sub3A_1468, %div3A_1447 : i32
      %mul3A_1470 = arith.constant 100000 : i32
      %mul3A_1471 = arith.muli %select_n3A_1469, %mul3A_1470 : i32
      %sub3A_1472 = arith.subi %reduce_min3A_1437, %mul3A_1471 : i32
      %jit3A_1473 = arith.constant 1024 : i32
      %div3A_1474 = arith.divsi %sub3A_1472, %jit3A_1473 : i32
      %sign3A_1475 = arith.constant 0 : i32
      %sign3A_1476 = arith.cmpi sgt, %sub3A_1472, %sign3A_1475 : i32
      %sign3A_1477 = arith.extui %sign3A_1476 : i1 to i32
      %sign3A_1478 = arith.constant 0 : i32
      %sign3A_1479 = arith.cmpi slt, %sub3A_1472, %sign3A_1478 : i32
      %sign3A_1480 = arith.extui %sign3A_1479 : i1 to i32
      %sign3A_1481 = arith.subi %sign3A_1477, %sign3A_1480 : i32
      %sign3A_1482 = arith.constant 0 : i32
      %sign3A_1483 = arith.cmpi sgt, %jit3A_1473, %sign3A_1482 : i32
      %sign3A_1484 = arith.extui %sign3A_1483 : i1 to i32
      %sign3A_1485 = arith.constant 0 : i32
      %sign3A_1486 = arith.cmpi slt, %jit3A_1473, %sign3A_1485 : i32
      %sign3A_1487 = arith.extui %sign3A_1486 : i1 to i32
      %sign3A_1488 = arith.subi %sign3A_1484, %sign3A_1487 : i32
      %ne3A_1489 = arith.cmpi ne, %sign3A_1481, %sign3A_1488 : i32
      %rem3A_1490 = arith.remsi %sub3A_1472, %jit3A_1473 : i32
      %ne3A_1491 = arith.constant 0 : i32
      %ne3A_1492 = arith.cmpi ne, %rem3A_1490, %ne3A_1491 : i32
      %and3A_1493 = arith.andi %ne3A_1489, %ne3A_1492 : i1
      %sub3A_1494 = arith.constant 1 : i32
      %sub3A_1495 = arith.subi %div3A_1474, %sub3A_1494 : i32
      %select_n3A_1496 = arith.select %and3A_1493, %sub3A_1495, %div3A_1474 : i32
      %mul3A_1497 = arith.constant 98 : i32
      %mul3A_1498 = arith.muli %select_n3A_1469, %mul3A_1497 : i32
      %add3A_1499 = arith.addi %mul3A_1498, %select_n3A_1496 : i32
      %get3A_1500 = arith.constant 0 : index
      %get3A_1501 = arith.constant 0 : index
      %get3A_1502 = vector.load %arg17[%get3A_1500, %get3A_1501] : memref<16x98xf32, #tpu.memory_space<vmem>>, vector<16x98xf32>
      %get3A_1503 = arith.constant 0 : index
      %get3A_1504 = arith.constant 0 : index
      %get3A_1505 = vector.load %arg18[%get3A_1503, %get3A_1504] : memref<16x98xi32, #tpu.memory_space<vmem>>, vector<16x98xi32>
      %reduce_max3A_1506 = vector.shape_cast %get3A_1502 : vector<16x98xf32> to vector<1x16x98xf32>
      %reduce_max3A_1507 = arith.constant dense<0xFF800000> : vector<1xf32>
      %reduce_max3A_1508 = vector.multi_reduction <maximumf>, %reduce_max3A_1506, %reduce_max3A_1507 [1, 2] : vector<1x16x98xf32> to vector<1xf32>
      %reduce_max3A_1509 = vector.shape_cast %reduce_max3A_1508 : vector<1xf32> to vector<1x1x1xf32>
      %reduce_max3A_1510 = vector.extract %reduce_max3A_1509[0, 0, 0] : f32 from vector<1x1x1xf32>
      %eq3A_1511 = vector.broadcast %reduce_max3A_1510 : f32 to vector<16x98xf32>
      %eq3A_1512 = arith.cmpf oeq, %get3A_1502, %eq3A_1511 : vector<16x98xf32>
      %jit3A_1513 = arith.constant 1073741824 : i32
      %broadcast_in_dim3A_1514 = vector.broadcast %jit3A_1513 : i32 to vector<16x98xi32>
      %select_n3A_1515 = arith.select %eq3A_1512, %get3A_1505, %broadcast_in_dim3A_1514 : vector<16x98xi1>, vector<16x98xi32>
      %reduce_min3A_1516 = vector.shape_cast %select_n3A_1515 : vector<16x98xi32> to vector<1x16x98xi32>
      %reduce_min3A_1517 = arith.constant dense<2147483647> : vector<1xi32>
      %reduce_min3A_1518 = vector.multi_reduction <minsi>, %reduce_min3A_1516, %reduce_min3A_1517 [1, 2] : vector<1x16x98xi32> to vector<1xi32>
      %reduce_min3A_1519 = vector.shape_cast %reduce_min3A_1518 : vector<1xi32> to vector<1x1x1xi32>
      %reduce_min3A_1520 = vector.extract %reduce_min3A_1519[0, 0, 0] : i32 from vector<1x1x1xi32>
      %eq3A_1521 = vector.broadcast %reduce_min3A_1520 : i32 to vector<16x98xi32>
      %eq3A_1522 = arith.cmpi eq, %get3A_1505, %eq3A_1521 : vector<16x98xi32>
      %jit3A_1523 = arith.constant -1.000000e+30 : f32
      %broadcast_in_dim3A_1524 = vector.broadcast %jit3A_1523 : f32 to vector<16x98xf32>
      %select_n3A_1525 = arith.select %eq3A_1522, %broadcast_in_dim3A_1524, %get3A_1502 : vector<16x98xi1>, vector<16x98xf32>
      %swap3A_1526 = arith.constant 0 : index
      %swap3A_1527 = arith.constant 0 : index
      %swap3A_1528 = vector.load %arg17[%swap3A_1526, %swap3A_1527] : memref<16x98xf32, #tpu.memory_space<vmem>>, vector<16x98xf32>
      tpu.vector_store %arg17[%swap3A_1526, %swap3A_1527], %select_n3A_1525 {strides = array<i32>} : memref<16x98xf32, #tpu.memory_space<vmem>>, vector<16x98xf32>,
      %jit3A_1529 = arith.constant 100000 : i32
      %div3A_1530 = arith.divsi %reduce_min3A_1520, %jit3A_1529 : i32
      %sign3A_1531 = arith.constant 0 : i32
      %sign3A_1532 = arith.cmpi sgt, %reduce_min3A_1520, %sign3A_1531 : i32
      %sign3A_1533 = arith.extui %sign3A_1532 : i1 to i32
      %sign3A_1534 = arith.constant 0 : i32
      %sign3A_1535 = arith.cmpi slt, %reduce_min3A_1520, %sign3A_1534 : i32
      %sign3A_1536 = arith.extui %sign3A_1535 : i1 to i32
      %sign3A_1537 = arith.subi %sign3A_1533, %sign3A_1536 : i32
      %sign3A_1538 = arith.constant 0 : i32
      %sign3A_1539 = arith.cmpi sgt, %jit3A_1529, %sign3A_1538 : i32
      %sign3A_1540 = arith.extui %sign3A_1539 : i1 to i32
      %sign3A_1541 = arith.constant 0 : i32
      %sign3A_1542 = arith.cmpi slt, %jit3A_1529, %sign3A_1541 : i32
      %sign3A_1543 = arith.extui %sign3A_1542 : i1 to i32
      %sign3A_1544 = arith.subi %sign3A_1540, %sign3A_1543 : i32
      %ne3A_1545 = arith.cmpi ne, %sign3A_1537, %sign3A_1544 : i32
      %rem3A_1546 = arith.remsi %reduce_min3A_1520, %jit3A_1529 : i32
      %ne3A_1547 = arith.constant 0 : i32
      %ne3A_1548 = arith.cmpi ne, %rem3A_1546, %ne3A_1547 : i32
      %and3A_1549 = arith.andi %ne3A_1545, %ne3A_1548 : i1
      %sub3A_1550 = arith.constant 1 : i32
      %sub3A_1551 = arith.subi %div3A_1530, %sub3A_1550 : i32
      %select_n3A_1552 = arith.select %and3A_1549, %sub3A_1551, %div3A_1530 : i32
      %mul3A_1553 = arith.constant 100000 : i32
      %mul3A_1554 = arith.muli %select_n3A_1552, %mul3A_1553 : i32
      %sub3A_1555 = arith.subi %reduce_min3A_1520, %mul3A_1554 : i32
      %jit3A_1556 = arith.constant 1024 : i32
      %div3A_1557 = arith.divsi %sub3A_1555, %jit3A_1556 : i32
      %sign3A_1558 = arith.constant 0 : i32
      %sign3A_1559 = arith.cmpi sgt, %sub3A_1555, %sign3A_1558 : i32
      %sign3A_1560 = arith.extui %sign3A_1559 : i1 to i32
      %sign3A_1561 = arith.constant 0 : i32
      %sign3A_1562 = arith.cmpi slt, %sub3A_1555, %sign3A_1561 : i32
      %sign3A_1563 = arith.extui %sign3A_1562 : i1 to i32
      %sign3A_1564 = arith.subi %sign3A_1560, %sign3A_1563 : i32
      %sign3A_1565 = arith.constant 0 : i32
      %sign3A_1566 = arith.cmpi sgt, %jit3A_1556, %sign3A_1565 : i32
      %sign3A_1567 = arith.extui %sign3A_1566 : i1 to i32
      %sign3A_1568 = arith.constant 0 : i32
      %sign3A_1569 = arith.cmpi slt, %jit3A_1556, %sign3A_1568 : i32
      %sign3A_1570 = arith.extui %sign3A_1569 : i1 to i32
      %sign3A_1571 = arith.subi %sign3A_1567, %sign3A_1570 : i32
      %ne3A_1572 = arith.cmpi ne, %sign3A_1564, %sign3A_1571 : i32
      %rem3A_1573 = arith.remsi %sub3A_1555, %jit3A_1556 : i32
      %ne3A_1574 = arith.constant 0 : i32
      %ne3A_1575 = arith.cmpi ne, %rem3A_1573, %ne3A_1574 : i32
      %and3A_1576 = arith.andi %ne3A_1572, %ne3A_1575 : i1
      %sub3A_1577 = arith.constant 1 : i32
      %sub3A_1578 = arith.subi %div3A_1557, %sub3A_1577 : i32
      %select_n3A_1579 = arith.select %and3A_1576, %sub3A_1578, %div3A_1557 : i32
      %mul3A_1580 = arith.constant 98 : i32
      %mul3A_1581 = arith.muli %select_n3A_1552, %mul3A_1580 : i32
      %add3A_1582 = arith.addi %mul3A_1581, %select_n3A_1579 : i32
      %eq3A_1583 = arith.constant 6 : i32
      %eq3A_1584 = vector.broadcast %eq3A_1583 : i32 to vector<8x1xi32>
      %eq3A_1585 = arith.cmpi eq, %iota3A_9, %eq3A_1584 : vector<8x1xi32>
      %jit3A_1586 = arith.constant 0.000000e+00 : f32
      %broadcast_in_dim3A_1587 = vector.broadcast %reduce_max3A_1427 : f32 to vector<8x1xf32>
      %broadcast_in_dim3A_1588 = vector.broadcast %jit3A_1586 : f32 to vector<8x1xf32>
      %select_n3A_1589 = arith.select %eq3A_1585, %broadcast_in_dim3A_1587, %broadcast_in_dim3A_1588 : vector<8x1xi1>, vector<8x1xf32>
      %add3A_1590 = arith.addf %add3A_1364, %select_n3A_1589 : vector<8x1xf32>
      %eq3A_1591 = arith.constant 6 : i32
      %eq3A_1592 = vector.broadcast %eq3A_1591 : i32 to vector<8x1xi32>
      %eq3A_1593 = arith.cmpi eq, %iota3A_9, %eq3A_1592 : vector<8x1xi32>
      %jit3A_1594 = arith.constant 0 : i32
      %broadcast_in_dim3A_1595 = vector.broadcast %reduce_min3A_1437 : i32 to vector<8x1xi32>
      %broadcast_in_dim3A_1596 = vector.broadcast %jit3A_1594 : i32 to vector<8x1xi32>
      %select_n3A_1597 = arith.select %eq3A_1593, %broadcast_in_dim3A_1595, %broadcast_in_dim3A_1596 : vector<8x1xi1>, vector<8x1xi32>
      %add3A_1598 = arith.addi %add3A_1372, %select_n3A_1597 : vector<8x1xi32>
      %eq3A_1599 = arith.constant 6 : i32
      %eq3A_1600 = vector.broadcast %eq3A_1599 : i32 to vector<8x1xi32>
      %eq3A_1601 = arith.cmpi eq, %iota3A_9, %eq3A_1600 : vector<8x1xi32>
      %jit3A_1602 = arith.constant 0.000000e+00 : f32
      %broadcast_in_dim3A_1603 = vector.broadcast %reduce_max3A_1510 : f32 to vector<8x1xf32>
      %broadcast_in_dim3A_1604 = vector.broadcast %jit3A_1602 : f32 to vector<8x1xf32>
      %select_n3A_1605 = arith.select %eq3A_1601, %broadcast_in_dim3A_1603, %broadcast_in_dim3A_1604 : vector<8x1xi1>, vector<8x1xf32>
      %add3A_1606 = arith.addf %add3A_1380, %select_n3A_1605 : vector<8x1xf32>
      %eq3A_1607 = arith.constant 6 : i32
      %eq3A_1608 = vector.broadcast %eq3A_1607 : i32 to vector<8x1xi32>
      %eq3A_1609 = arith.cmpi eq, %iota3A_9, %eq3A_1608 : vector<8x1xi32>
      %jit3A_1610 = arith.constant 0 : i32
      %broadcast_in_dim3A_1611 = vector.broadcast %reduce_min3A_1520 : i32 to vector<8x1xi32>
      %broadcast_in_dim3A_1612 = vector.broadcast %jit3A_1610 : i32 to vector<8x1xi32>
      %select_n3A_1613 = arith.select %eq3A_1609, %broadcast_in_dim3A_1611, %broadcast_in_dim3A_1612 : vector<8x1xi1>, vector<8x1xi32>
      %add3A_1614 = arith.addi %add3A_1388, %select_n3A_1613 : vector<8x1xi32>
      %eq3A_1615 = arith.cmpi eq, %add3A_214, %add3A_1499 : i32
      %or3A_1616 = arith.constant false
      %or3A_1617 = arith.ori %or3A_1616, %eq3A_1615 : i1
      %eq3A_1618 = arith.cmpi eq, %add3A_412, %add3A_1499 : i32
      %or3A_1619 = arith.ori %or3A_1617, %eq3A_1618 : i1
      %eq3A_1620 = arith.cmpi eq, %add3A_619, %add3A_1499 : i32
      %or3A_1621 = arith.ori %or3A_1619, %eq3A_1620 : i1
      %eq3A_1622 = arith.cmpi eq, %add3A_833, %add3A_1499 : i32
      %or3A_1623 = arith.ori %or3A_1621, %eq3A_1622 : i1
      %eq3A_1624 = arith.cmpi eq, %add3A_1051, %add3A_1499 : i32
      %or3A_1625 = arith.ori %or3A_1623, %eq3A_1624 : i1
      %eq3A_1626 = arith.cmpi eq, %add3A_1273, %add3A_1499 : i32
      %or3A_1627 = arith.ori %or3A_1625, %eq3A_1626 : i1
      %eq3A_1628 = arith.cmpi eq, %add3A_297, %add3A_1582 : i32
      %or3A_1629 = arith.constant false
      %or3A_1630 = arith.ori %or3A_1629, %eq3A_1628 : i1
      %eq3A_1631 = arith.cmpi eq, %add3A_495, %add3A_1582 : i32
      %or3A_1632 = arith.ori %or3A_1630, %eq3A_1631 : i1
      %eq3A_1633 = arith.cmpi eq, %add3A_702, %add3A_1582 : i32
      %or3A_1634 = arith.ori %or3A_1632, %eq3A_1633 : i1
      %eq3A_1635 = arith.cmpi eq, %add3A_916, %add3A_1582 : i32
      %or3A_1636 = arith.ori %or3A_1634, %eq3A_1635 : i1
      %eq3A_1637 = arith.cmpi eq, %add3A_1134, %add3A_1582 : i32
      %or3A_1638 = arith.ori %or3A_1636, %eq3A_1637 : i1
      %eq3A_1639 = arith.cmpi eq, %add3A_1356, %add3A_1582 : i32
      %or3A_1640 = arith.ori %or3A_1638, %eq3A_1639 : i1
      %convert_element_type3A_1641 = arith.extui %or3A_1627 : i1 to i32
      %cond3A_1642 = arith.constant 0 : i32
      %cond3A_1643 = arith.cmpi ne, %convert_element_type3A_1641, %cond3A_1642 : i32
      scf.if %cond3A_1643 {
        %mul3A_2001 = arith.constant 8 : i32
        %mul3A_2002 = arith.muli %mul3A_15, %mul3A_2001 : i32
        %add3A_2003 = arith.addi %mul3A_2002, %select_n3A_1469 : i32
        %mul3A_2004 = arith.constant 1024 : i32
        %mul3A_2005 = arith.muli %select_n3A_1496, %mul3A_2004 : i32
        %min3A = arith.constant 98976 : i32
        %min3A_2006 = arith.minsi %mul3A_2005, %min3A : i32
        %multiple_of3A_2007 = tpu.assume_multiple %min3A_2006, 8 : i32
        %dma_start3A = arith.constant 0 : i32
        %dma_start3A_2008 = tpu.memref_slice %arg9[%multiple_of3A_2007, %dma_start3A] : memref<100000x512xf32, #tpu.memory_space<any>> -> memref<1024x512xf32, #tpu.memory_space<any>>
        tpu.enqueue_dma source(%dma_start3A_2008 : memref<1024x512xf32, #tpu.memory_space<any>>) target(%arg19 : memref<1024x512xf32, #tpu.memory_space<vmem>>) target_semaphore(%arg20 : memref<!tpu.dma_semaphore, #tpu.memory_space<semaphore_mem>>)
        %dma_wait3A = arith.constant 0 : i32
        %dma_wait3A_2009 = tpu.memref_slice %arg9[%multiple_of3A_2007, %dma_wait3A] : memref<100000x512xf32, #tpu.memory_space<any>> -> memref<1024x512xf32, #tpu.memory_space<any>>
        tpu.wait_dma2 semaphore(%arg20 : memref<!tpu.dma_semaphore, #tpu.memory_space<semaphore_mem>>) src(%dma_wait3A_2009 : memref<1024x512xf32, #tpu.memory_space<any>>) dst(%arg19 : memref<1024x512xf32, #tpu.memory_space<vmem>>)
        %iota3A_2010 = tpu.iota {dimensions = array<i32: 0>} : vector<8x512xi32>
        %iota3A_2011 = tpu.iota {dimensions = array<i32: 1>} : vector<8x512xi32>
        %broadcast_in_dim3A_2012 = arith.constant -1.000000e+30 : f32
        %broadcast_in_dim3A_2013 = vector.broadcast %broadcast_in_dim3A_2012 : f32 to vector<8x512xf32>
        %broadcast_in_dim3A_2014 = arith.constant 0 : i32
        %broadcast_in_dim3A_2015 = vector.broadcast %broadcast_in_dim3A_2014 : i32 to vector<8x512xi32>
        %scan3A_2016 = arith.constant 0 : i32
        %scan3A_2017 = arith.constant 128 : i32
        %scan3A_2018 = arith.addi %scan3A_2016, %scan3A_2017 : i32
        %scan3A_2019 = arith.constant 1 : i32
        %scan3A_2020:2 = scf.for %scan3A_2093 = %scan3A_2016 to %scan3A_2018 step %scan3A_2019 iter_args(%scan3A_2094 = %broadcast_in_dim3A_2013, %scan3A_2095 = %broadcast_in_dim3A_2015) -> (vector<8x512xf32>, vector<8x512xi32>)  : i32 {
          %mul3A_2096 = arith.constant 8 : i32
          %mul3A_2097 = arith.muli %scan3A_2093, %mul3A_2096 : i32
          %get3A_2098 = arith.index_cast %mul3A_2097 : i32 to index
          %get3A_2099 = arith.constant 0 : index
          %get3A_2100 = vector.load %arg19[%get3A_2098, %get3A_2099] : memref<1024x512xf32, #tpu.memory_space<vmem>>, vector<8x512xf32>
          %mul3A_2101 = arith.constant 8 : i32
          %mul3A_2102 = arith.muli %scan3A_2093, %mul3A_2101 : i32
          %add3A_2103 = arith.addi %min3A_2006, %mul3A_2102 : i32
          %add3A_2104 = vector.broadcast %add3A_2103 : i32 to vector<8x512xi32>
          %add3A_2105 = arith.addi %add3A_2104, %iota3A_2010 : vector<8x512xi32>
          %eq3A_2106 = vector.broadcast %add3A_2003 : i32 to vector<8x512xi32>
          %eq3A_2107 = arith.cmpi eq, %iota3A_2011, %eq3A_2106 : vector<8x512xi32>
          %jit3A_2108 = arith.constant 1024 : i32
          %div3A_2109 = vector.broadcast %jit3A_2108 : i32 to vector<8x512xi32>
          %div3A_2110 = arith.divsi %add3A_2105, %div3A_2109 : vector<8x512xi32>
          %sign3A_2111 = arith.constant 0 : i32
          %sign3A_2112 = vector.broadcast %sign3A_2111 : i32 to vector<8x512xi32>
          %sign3A_2113 = arith.cmpi sgt, %add3A_2105, %sign3A_2112 : vector<8x512xi32>
          %sign3A_2114 = arith.extui %sign3A_2113 : vector<8x512xi1> to vector<8x512xi32>
          %sign3A_2115 = arith.constant 0 : i32
          %sign3A_2116 = vector.broadcast %sign3A_2115 : i32 to vector<8x512xi32>
          %sign3A_2117 = arith.cmpi slt, %add3A_2105, %sign3A_2116 : vector<8x512xi32>
          %sign3A_2118 = arith.extui %sign3A_2117 : vector<8x512xi1> to vector<8x512xi32>
          %sign3A_2119 = arith.subi %sign3A_2114, %sign3A_2118 : vector<8x512xi32>
          %sign3A_2120 = arith.constant 0 : i32
          %sign3A_2121 = arith.cmpi sgt, %jit3A_2108, %sign3A_2120 : i32
          %sign3A_2122 = arith.extui %sign3A_2121 : i1 to i32
          %sign3A_2123 = arith.constant 0 : i32
          %sign3A_2124 = arith.cmpi slt, %jit3A_2108, %sign3A_2123 : i32
          %sign3A_2125 = arith.extui %sign3A_2124 : i1 to i32
          %sign3A_2126 = arith.subi %sign3A_2122, %sign3A_2125 : i32
          %ne3A_2127 = vector.broadcast %sign3A_2126 : i32 to vector<8x512xi32>
          %ne3A_2128 = arith.cmpi ne, %sign3A_2119, %ne3A_2127 : vector<8x512xi32>
          %rem3A_2129 = vector.broadcast %jit3A_2108 : i32 to vector<8x512xi32>
          %rem3A_2130 = arith.remsi %add3A_2105, %rem3A_2129 : vector<8x512xi32>
          %ne3A_2131 = arith.constant 0 : i32
          %ne3A_2132 = vector.broadcast %ne3A_2131 : i32 to vector<8x512xi32>
          %ne3A_2133 = arith.cmpi ne, %rem3A_2130, %ne3A_2132 : vector<8x512xi32>
          %and3A_2134 = arith.andi %ne3A_2128, %ne3A_2133 : vector<8x512xi1>
          %sub3A_2135 = arith.constant 1 : i32
          %sub3A_2136 = vector.broadcast %sub3A_2135 : i32 to vector<8x512xi32>
          %sub3A_2137 = arith.subi %div3A_2110, %sub3A_2136 : vector<8x512xi32>
          %select_n3A_2138 = arith.select %and3A_2134, %sub3A_2137, %div3A_2110 : vector<8x512xi1>, vector<8x512xi32>
          %eq3A_2139 = vector.broadcast %select_n3A_1496 : i32 to vector<8x512xi32>
          %eq3A_2140 = arith.cmpi eq, %select_n3A_2138, %eq3A_2139 : vector<8x512xi32>
          %and3A_2141 = arith.andi %eq3A_2107, %eq3A_2140 : vector<8x512xi1>
          %lt3A_2142 = arith.constant 100000 : i32
          %lt3A_2143 = vector.broadcast %lt3A_2142 : i32 to vector<8x512xi32>
          %lt3A_2144 = arith.cmpi slt, %add3A_2105, %lt3A_2143 : vector<8x512xi32>
          %and3A_2145 = arith.andi %and3A_2141, %lt3A_2144 : vector<8x512xi1>
          %eq3A_2146 = arith.constant 2 : i32
          %eq3A_2147 = vector.broadcast %eq3A_2146 : i32 to vector<8x512xi32>
          %eq3A_2148 = arith.cmpi eq, %add3A_2105, %eq3A_2147 : vector<8x512xi32>
          %and3A_2149 = vector.broadcast %lt3A_2 : i1 to vector<8x512xi1>
          %and3A_2150 = arith.andi %and3A_2149, %eq3A_2148 : vector<8x512xi1>
          %not3A = arith.constant dense<true> : vector<8x512xi1>
          %not3A_2151 = arith.xori %and3A_2150, %not3A : vector<8x512xi1>
          %and3A_2152 = arith.andi %and3A_2145, %not3A_2151 : vector<8x512xi1>
          %mul3A_2153 = arith.constant 100000 : i32
          %mul3A_2154 = arith.muli %select_n3A_1469, %mul3A_2153 : i32
          %add3A_2155 = vector.broadcast %mul3A_2154 : i32 to vector<8x512xi32>
          %add3A_2156 = arith.addi %add3A_2155, %add3A_2105 : vector<8x512xi32>
          %ne3A_2157 = vector.broadcast %reduce_min3A_157 : i32 to vector<8x512xi32>
          %ne3A_2158 = arith.cmpi ne, %add3A_2156, %ne3A_2157 : vector<8x512xi32>
          %and3A_2159 = arith.andi %and3A_2152, %ne3A_2158 : vector<8x512xi1>
          %ne3A_2160 = vector.broadcast %reduce_min3A_350 : i32 to vector<8x512xi32>
          %ne3A_2161 = arith.cmpi ne, %add3A_2156, %ne3A_2160 : vector<8x512xi32>
          %and3A_2162 = arith.andi %and3A_2159, %ne3A_2161 : vector<8x512xi1>
          %ne3A_2163 = vector.broadcast %reduce_min3A_557 : i32 to vector<8x512xi32>
          %ne3A_2164 = arith.cmpi ne, %add3A_2156, %ne3A_2163 : vector<8x512xi32>
          %and3A_2165 = arith.andi %and3A_2162, %ne3A_2164 : vector<8x512xi1>
          %ne3A_2166 = vector.broadcast %reduce_min3A_771 : i32 to vector<8x512xi32>
          %ne3A_2167 = arith.cmpi ne, %add3A_2156, %ne3A_2166 : vector<8x512xi32>
          %and3A_2168 = arith.andi %and3A_2165, %ne3A_2167 : vector<8x512xi1>
          %ne3A_2169 = vector.broadcast %reduce_min3A_989 : i32 to vector<8x512xi32>
          %ne3A_2170 = arith.cmpi ne, %add3A_2156, %ne3A_2169 : vector<8x512xi32>
          %and3A_2171 = arith.andi %and3A_2168, %ne3A_2170 : vector<8x512xi1>
          %ne3A_2172 = vector.broadcast %reduce_min3A_1211 : i32 to vector<8x512xi32>
          %ne3A_2173 = arith.cmpi ne, %add3A_2156, %ne3A_2172 : vector<8x512xi32>
          %and3A_2174 = arith.andi %and3A_2171, %ne3A_2173 : vector<8x512xi1>
          %ne3A_2175 = vector.broadcast %reduce_min3A_1437 : i32 to vector<8x512xi32>
          %ne3A_2176 = arith.cmpi ne, %add3A_2156, %ne3A_2175 : vector<8x512xi32>
          %and3A_2177 = arith.andi %and3A_2174, %ne3A_2176 : vector<8x512xi1>
          %jit3A_2178 = arith.constant -1.000000e+30 : f32
          %broadcast_in_dim3A_2179 = vector.broadcast %jit3A_2178 : f32 to vector<8x512xf32>
          %select_n3A_2180 = arith.select %and3A_2177, %get3A_2100, %broadcast_in_dim3A_2179 : vector<8x512xi1>, vector<8x512xf32>
          %gt3A = arith.cmpf ogt, %select_n3A_2180, %scan3A_2094 : vector<8x512xf32>
          %max3A = arith.maximumf %select_n3A_2180, %scan3A_2094 : vector<8x512xf32>
          %select_n3A_2181 = arith.select %gt3A, %add3A_2105, %scan3A_2095 : vector<8x512xi1>, vector<8x512xi32>
          scf.yield %max3A, %select_n3A_2181 : vector<8x512xf32>, vector<8x512xi32>
        }
        %scan3A_2021 = arith.constant 128 : i32
        %reduce_max3A_2022 = vector.shape_cast %scan3A_2020#0 : vector<8x512xf32> to vector<1x8x512xf32>
        %reduce_max3A_2023 = arith.constant dense<0xFF800000> : vector<1xf32>
        %reduce_max3A_2024 = vector.multi_reduction <maximumf>, %reduce_max3A_2022, %reduce_max3A_2023 [1, 2] : vector<1x8x512xf32> to vector<1xf32>
        %reduce_max3A_2025 = vector.shape_cast %reduce_max3A_2024 : vector<1xf32> to vector<1x1x1xf32>
        %reduce_max3A_2026 = vector.extract %reduce_max3A_2025[0, 0, 0] : f32 from vector<1x1x1xf32>
        %eq3A_2027 = vector.broadcast %reduce_max3A_2026 : f32 to vector<8x512xf32>
        %eq3A_2028 = arith.cmpf oeq, %scan3A_2020#0, %eq3A_2027 : vector<8x512xf32>
        %jit3A_2029 = arith.constant 1073741824 : i32
        %broadcast_in_dim3A_2030 = vector.broadcast %jit3A_2029 : i32 to vector<8x512xi32>
        %select_n3A_2031 = arith.select %eq3A_2028, %scan3A_2020#1, %broadcast_in_dim3A_2030 : vector<8x512xi1>, vector<8x512xi32>
        %reduce_min3A_2032 = vector.shape_cast %select_n3A_2031 : vector<8x512xi32> to vector<1x8x512xi32>
        %reduce_min3A_2033 = arith.constant dense<2147483647> : vector<1xi32>
        %reduce_min3A_2034 = vector.multi_reduction <minsi>, %reduce_min3A_2032, %reduce_min3A_2033 [1, 2] : vector<1x8x512xi32> to vector<1xi32>
        %reduce_min3A_2035 = vector.shape_cast %reduce_min3A_2034 : vector<1xi32> to vector<1x1x1xi32>
        %reduce_min3A_2036 = vector.extract %reduce_min3A_2035[0, 0, 0] : i32 from vector<1x1x1xi32>
        %eq3A_2037 = vector.broadcast %select_n3A_1469 : i32 to vector<8x1xi32>
        %eq3A_2038 = arith.cmpi eq, %iota3A_9, %eq3A_2037 : vector<8x1xi32>
        %jit3A_2039 = arith.constant 0.000000e+00 : f32
        %broadcast_in_dim3A_2040 = vector.broadcast %jit3A_2039 : f32 to vector<8x1xf32>
        %select_n3A_2041 = arith.select %eq3A_2038, %get3A_26, %broadcast_in_dim3A_2040 : vector<8x1xi1>, vector<8x1xf32>
        %reduce_sum3A = vector.shape_cast %select_n3A_2041 : vector<8x1xf32> to vector<1x8x1xf32>
        %reduce_sum3A_2042 = arith.constant dense<0.000000e+00> : vector<1xf32>
        %reduce_sum3A_2043 = vector.multi_reduction <add>, %reduce_sum3A, %reduce_sum3A_2042 [1, 2] : vector<1x8x1xf32> to vector<1xf32>
        %reduce_sum3A_2044 = vector.shape_cast %reduce_sum3A_2043 : vector<1xf32> to vector<1x1x1xf32>
        %reduce_sum3A_2045 = vector.extract %reduce_sum3A_2044[0, 0, 0] : f32 from vector<1x1x1xf32>
        %eq3A_2046 = vector.broadcast %select_n3A_1469 : i32 to vector<8x1xi32>
        %eq3A_2047 = arith.cmpi eq, %iota3A_9, %eq3A_2046 : vector<8x1xi32>
        %jit3A_2048 = arith.constant 0.000000e+00 : f32
        %broadcast_in_dim3A_2049 = vector.broadcast %jit3A_2048 : f32 to vector<8x1xf32>
        %select_n3A_2050 = arith.select %eq3A_2047, %get3A_29, %broadcast_in_dim3A_2049 : vector<8x1xi1>, vector<8x1xf32>
        %reduce_sum3A_2051 = vector.shape_cast %select_n3A_2050 : vector<8x1xf32> to vector<1x8x1xf32>
        %reduce_sum3A_2052 = arith.constant dense<0.000000e+00> : vector<1xf32>
        %reduce_sum3A_2053 = vector.multi_reduction <add>, %reduce_sum3A_2051, %reduce_sum3A_2052 [1, 2] : vector<1x8x1xf32> to vector<1xf32>
        %reduce_sum3A_2054 = vector.shape_cast %reduce_sum3A_2053 : vector<1xf32> to vector<1x1x1xf32>
        %reduce_sum3A_2055 = vector.extract %reduce_sum3A_2054[0, 0, 0] : f32 from vector<1x1x1xf32>
        %eq3A_2056 = vector.broadcast %select_n3A_1469 : i32 to vector<8x1xi32>
        %eq3A_2057 = arith.cmpi eq, %iota3A_9, %eq3A_2056 : vector<8x1xi32>
        %jit3A_2058 = arith.constant 0.000000e+00 : f32
        %broadcast_in_dim3A_2059 = vector.broadcast %jit3A_2058 : f32 to vector<8x1xf32>
        %select_n3A_2060 = arith.select %eq3A_2057, %get3A_32, %broadcast_in_dim3A_2059 : vector<8x1xi1>, vector<8x1xf32>
        %reduce_sum3A_2061 = vector.shape_cast %select_n3A_2060 : vector<8x1xf32> to vector<1x8x1xf32>
        %reduce_sum3A_2062 = arith.constant dense<0.000000e+00> : vector<1xf32>
        %reduce_sum3A_2063 = vector.multi_reduction <add>, %reduce_sum3A_2061, %reduce_sum3A_2062 [1, 2] : vector<1x8x1xf32> to vector<1xf32>
        %reduce_sum3A_2064 = vector.shape_cast %reduce_sum3A_2063 : vector<1xf32> to vector<1x1x1xf32>
        %reduce_sum3A_2065 = vector.extract %reduce_sum3A_2064[0, 0, 0] : f32 from vector<1x1x1xf32>
        %sub3A_2066 = arith.subf %reduce_max3A_2026, %reduce_sum3A_2045 : f32
        %sub3A_2067 = arith.subf %sub3A_2066, %reduce_sum3A_2055 : f32
        %add3A_2068 = arith.addf %sub3A_2067, %reduce_sum3A_2065 : f32
        %mul3A_2069 = arith.constant 100000 : i32
        %mul3A_2070 = arith.muli %select_n3A_1469, %mul3A_2069 : i32
        %add3A_2071 = arith.addi %mul3A_2070, %reduce_min3A_2036 : i32
        %eq3A_2072 = vector.broadcast %select_n3A_1469 : i32 to vector<16x98xi32>
        %eq3A_2073 = arith.cmpi eq, %iota3A_8, %eq3A_2072 : vector<16x98xi32>
        %eq3A_2074 = vector.broadcast %select_n3A_1496 : i32 to vector<16x98xi32>
        %eq3A_2075 = arith.cmpi eq, %iota3A_7, %eq3A_2074 : vector<16x98xi32>
        %and3A_2076 = arith.andi %eq3A_2073, %eq3A_2075 : vector<16x98xi1>
        %get3A_2077 = arith.constant 0 : index
        %get3A_2078 = arith.constant 0 : index
        %get3A_2079 = vector.load %arg15[%get3A_2077, %get3A_2078] : memref<16x98xf32, #tpu.memory_space<vmem>>, vector<16x98xf32>
        %broadcast_in_dim3A_2080 = vector.broadcast %add3A_2068 : f32 to vector<16x98xf32>
        %select_n3A_2081 = arith.select %and3A_2076, %broadcast_in_dim3A_2080, %get3A_2079 : vector<16x98xi1>, vector<16x98xf32>
        %swap3A_2082 = arith.constant 0 : index
        %swap3A_2083 = arith.constant 0 : index
        %swap3A_2084 = vector.load %arg15[%swap3A_2082, %swap3A_2083] : memref<16x98xf32, #tpu.memory_space<vmem>>, vector<16x98xf32>
        tpu.vector_store %arg15[%swap3A_2082, %swap3A_2083], %select_n3A_2081 {strides = array<i32>} : memref<16x98xf32, #tpu.memory_space<vmem>>, vector<16x98xf32>,
        %get3A_2085 = arith.constant 0 : index
        %get3A_2086 = arith.constant 0 : index
        %get3A_2087 = vector.load %arg16[%get3A_2085, %get3A_2086] : memref<16x98xi32, #tpu.memory_space<vmem>>, vector<16x98xi32>
        %broadcast_in_dim3A_2088 = vector.broadcast %add3A_2071 : i32 to vector<16x98xi32>
        %select_n3A_2089 = arith.select %and3A_2076, %broadcast_in_dim3A_2088, %get3A_2087 : vector<16x98xi1>, vector<16x98xi32>
        %swap3A_2090 = arith.constant 0 : index
        %swap3A_2091 = arith.constant 0 : index
        %swap3A_2092 = vector.load %arg16[%swap3A_2090, %swap3A_2091] : memref<16x98xi32, #tpu.memory_space<vmem>>, vector<16x98xi32>
        tpu.vector_store %arg16[%swap3A_2090, %swap3A_2091], %select_n3A_2089 {strides = array<i32>} : memref<16x98xi32, #tpu.memory_space<vmem>>, vector<16x98xi32>,
      } else {
      }
      %convert_element_type3A_1644 = arith.extui %or3A_1640 : i1 to i32
      %cond3A_1645 = arith.constant 0 : i32
      %cond3A_1646 = arith.cmpi ne, %convert_element_type3A_1644, %cond3A_1645 : i32
      scf.if %cond3A_1646 {
        %mul3A_2001 = arith.constant 8 : i32
        %mul3A_2002 = arith.muli %add3A_18, %mul3A_2001 : i32
        %add3A_2003 = arith.addi %mul3A_2002, %select_n3A_1552 : i32
        %mul3A_2004 = arith.constant 1024 : i32
        %mul3A_2005 = arith.muli %select_n3A_1579, %mul3A_2004 : i32
        %min3A = arith.constant 98976 : i32
        %min3A_2006 = arith.minsi %mul3A_2005, %min3A : i32
        %multiple_of3A_2007 = tpu.assume_multiple %min3A_2006, 8 : i32
        %dma_start3A = arith.constant 0 : i32
        %dma_start3A_2008 = tpu.memref_slice %arg9[%multiple_of3A_2007, %dma_start3A] : memref<100000x512xf32, #tpu.memory_space<any>> -> memref<1024x512xf32, #tpu.memory_space<any>>
        tpu.enqueue_dma source(%dma_start3A_2008 : memref<1024x512xf32, #tpu.memory_space<any>>) target(%arg19 : memref<1024x512xf32, #tpu.memory_space<vmem>>) target_semaphore(%arg20 : memref<!tpu.dma_semaphore, #tpu.memory_space<semaphore_mem>>)
        %dma_wait3A = arith.constant 0 : i32
        %dma_wait3A_2009 = tpu.memref_slice %arg9[%multiple_of3A_2007, %dma_wait3A] : memref<100000x512xf32, #tpu.memory_space<any>> -> memref<1024x512xf32, #tpu.memory_space<any>>
        tpu.wait_dma2 semaphore(%arg20 : memref<!tpu.dma_semaphore, #tpu.memory_space<semaphore_mem>>) src(%dma_wait3A_2009 : memref<1024x512xf32, #tpu.memory_space<any>>) dst(%arg19 : memref<1024x512xf32, #tpu.memory_space<vmem>>)
        %iota3A_2010 = tpu.iota {dimensions = array<i32: 0>} : vector<8x512xi32>
        %iota3A_2011 = tpu.iota {dimensions = array<i32: 1>} : vector<8x512xi32>
        %broadcast_in_dim3A_2012 = arith.constant -1.000000e+30 : f32
        %broadcast_in_dim3A_2013 = vector.broadcast %broadcast_in_dim3A_2012 : f32 to vector<8x512xf32>
        %broadcast_in_dim3A_2014 = arith.constant 0 : i32
        %broadcast_in_dim3A_2015 = vector.broadcast %broadcast_in_dim3A_2014 : i32 to vector<8x512xi32>
        %scan3A_2016 = arith.constant 0 : i32
        %scan3A_2017 = arith.constant 128 : i32
        %scan3A_2018 = arith.addi %scan3A_2016, %scan3A_2017 : i32
        %scan3A_2019 = arith.constant 1 : i32
        %scan3A_2020:2 = scf.for %scan3A_2093 = %scan3A_2016 to %scan3A_2018 step %scan3A_2019 iter_args(%scan3A_2094 = %broadcast_in_dim3A_2013, %scan3A_2095 = %broadcast_in_dim3A_2015) -> (vector<8x512xf32>, vector<8x512xi32>)  : i32 {
          %mul3A_2096 = arith.constant 8 : i32
          %mul3A_2097 = arith.muli %scan3A_2093, %mul3A_2096 : i32
          %get3A_2098 = arith.index_cast %mul3A_2097 : i32 to index
          %get3A_2099 = arith.constant 0 : index
          %get3A_2100 = vector.load %arg19[%get3A_2098, %get3A_2099] : memref<1024x512xf32, #tpu.memory_space<vmem>>, vector<8x512xf32>
          %mul3A_2101 = arith.constant 8 : i32
          %mul3A_2102 = arith.muli %scan3A_2093, %mul3A_2101 : i32
          %add3A_2103 = arith.addi %min3A_2006, %mul3A_2102 : i32
          %add3A_2104 = vector.broadcast %add3A_2103 : i32 to vector<8x512xi32>
          %add3A_2105 = arith.addi %add3A_2104, %iota3A_2010 : vector<8x512xi32>
          %eq3A_2106 = vector.broadcast %add3A_2003 : i32 to vector<8x512xi32>
          %eq3A_2107 = arith.cmpi eq, %iota3A_2011, %eq3A_2106 : vector<8x512xi32>
          %jit3A_2108 = arith.constant 1024 : i32
          %div3A_2109 = vector.broadcast %jit3A_2108 : i32 to vector<8x512xi32>
          %div3A_2110 = arith.divsi %add3A_2105, %div3A_2109 : vector<8x512xi32>
          %sign3A_2111 = arith.constant 0 : i32
          %sign3A_2112 = vector.broadcast %sign3A_2111 : i32 to vector<8x512xi32>
          %sign3A_2113 = arith.cmpi sgt, %add3A_2105, %sign3A_2112 : vector<8x512xi32>
          %sign3A_2114 = arith.extui %sign3A_2113 : vector<8x512xi1> to vector<8x512xi32>
          %sign3A_2115 = arith.constant 0 : i32
          %sign3A_2116 = vector.broadcast %sign3A_2115 : i32 to vector<8x512xi32>
          %sign3A_2117 = arith.cmpi slt, %add3A_2105, %sign3A_2116 : vector<8x512xi32>
          %sign3A_2118 = arith.extui %sign3A_2117 : vector<8x512xi1> to vector<8x512xi32>
          %sign3A_2119 = arith.subi %sign3A_2114, %sign3A_2118 : vector<8x512xi32>
          %sign3A_2120 = arith.constant 0 : i32
          %sign3A_2121 = arith.cmpi sgt, %jit3A_2108, %sign3A_2120 : i32
          %sign3A_2122 = arith.extui %sign3A_2121 : i1 to i32
          %sign3A_2123 = arith.constant 0 : i32
          %sign3A_2124 = arith.cmpi slt, %jit3A_2108, %sign3A_2123 : i32
          %sign3A_2125 = arith.extui %sign3A_2124 : i1 to i32
          %sign3A_2126 = arith.subi %sign3A_2122, %sign3A_2125 : i32
          %ne3A_2127 = vector.broadcast %sign3A_2126 : i32 to vector<8x512xi32>
          %ne3A_2128 = arith.cmpi ne, %sign3A_2119, %ne3A_2127 : vector<8x512xi32>
          %rem3A_2129 = vector.broadcast %jit3A_2108 : i32 to vector<8x512xi32>
          %rem3A_2130 = arith.remsi %add3A_2105, %rem3A_2129 : vector<8x512xi32>
          %ne3A_2131 = arith.constant 0 : i32
          %ne3A_2132 = vector.broadcast %ne3A_2131 : i32 to vector<8x512xi32>
          %ne3A_2133 = arith.cmpi ne, %rem3A_2130, %ne3A_2132 : vector<8x512xi32>
          %and3A_2134 = arith.andi %ne3A_2128, %ne3A_2133 : vector<8x512xi1>
          %sub3A_2135 = arith.constant 1 : i32
          %sub3A_2136 = vector.broadcast %sub3A_2135 : i32 to vector<8x512xi32>
          %sub3A_2137 = arith.subi %div3A_2110, %sub3A_2136 : vector<8x512xi32>
          %select_n3A_2138 = arith.select %and3A_2134, %sub3A_2137, %div3A_2110 : vector<8x512xi1>, vector<8x512xi32>
          %eq3A_2139 = vector.broadcast %select_n3A_1579 : i32 to vector<8x512xi32>
          %eq3A_2140 = arith.cmpi eq, %select_n3A_2138, %eq3A_2139 : vector<8x512xi32>
          %and3A_2141 = arith.andi %eq3A_2107, %eq3A_2140 : vector<8x512xi1>
          %lt3A_2142 = arith.constant 100000 : i32
          %lt3A_2143 = vector.broadcast %lt3A_2142 : i32 to vector<8x512xi32>
          %lt3A_2144 = arith.cmpi slt, %add3A_2105, %lt3A_2143 : vector<8x512xi32>
          %and3A_2145 = arith.andi %and3A_2141, %lt3A_2144 : vector<8x512xi1>
          %eq3A_2146 = arith.constant 2 : i32
          %eq3A_2147 = vector.broadcast %eq3A_2146 : i32 to vector<8x512xi32>
          %eq3A_2148 = arith.cmpi eq, %add3A_2105, %eq3A_2147 : vector<8x512xi32>
          %and3A_2149 = vector.broadcast %lt3A_2 : i1 to vector<8x512xi1>
          %and3A_2150 = arith.andi %and3A_2149, %eq3A_2148 : vector<8x512xi1>
          %not3A = arith.constant dense<true> : vector<8x512xi1>
          %not3A_2151 = arith.xori %and3A_2150, %not3A : vector<8x512xi1>
          %and3A_2152 = arith.andi %and3A_2145, %not3A_2151 : vector<8x512xi1>
          %mul3A_2153 = arith.constant 100000 : i32
          %mul3A_2154 = arith.muli %select_n3A_1552, %mul3A_2153 : i32
          %add3A_2155 = vector.broadcast %mul3A_2154 : i32 to vector<8x512xi32>
          %add3A_2156 = arith.addi %add3A_2155, %add3A_2105 : vector<8x512xi32>
          %ne3A_2157 = vector.broadcast %reduce_min3A_235 : i32 to vector<8x512xi32>
          %ne3A_2158 = arith.cmpi ne, %add3A_2156, %ne3A_2157 : vector<8x512xi32>
          %and3A_2159 = arith.andi %and3A_2152, %ne3A_2158 : vector<8x512xi1>
          %ne3A_2160 = vector.broadcast %reduce_min3A_433 : i32 to vector<8x512xi32>
          %ne3A_2161 = arith.cmpi ne, %add3A_2156, %ne3A_2160 : vector<8x512xi32>
          %and3A_2162 = arith.andi %and3A_2159, %ne3A_2161 : vector<8x512xi1>
          %ne3A_2163 = vector.broadcast %reduce_min3A_640 : i32 to vector<8x512xi32>
          %ne3A_2164 = arith.cmpi ne, %add3A_2156, %ne3A_2163 : vector<8x512xi32>
          %and3A_2165 = arith.andi %and3A_2162, %ne3A_2164 : vector<8x512xi1>
          %ne3A_2166 = vector.broadcast %reduce_min3A_854 : i32 to vector<8x512xi32>
          %ne3A_2167 = arith.cmpi ne, %add3A_2156, %ne3A_2166 : vector<8x512xi32>
          %and3A_2168 = arith.andi %and3A_2165, %ne3A_2167 : vector<8x512xi1>
          %ne3A_2169 = vector.broadcast %reduce_min3A_1072 : i32 to vector<8x512xi32>
          %ne3A_2170 = arith.cmpi ne, %add3A_2156, %ne3A_2169 : vector<8x512xi32>
          %and3A_2171 = arith.andi %and3A_2168, %ne3A_2170 : vector<8x512xi1>
          %ne3A_2172 = vector.broadcast %reduce_min3A_1294 : i32 to vector<8x512xi32>
          %ne3A_2173 = arith.cmpi ne, %add3A_2156, %ne3A_2172 : vector<8x512xi32>
          %and3A_2174 = arith.andi %and3A_2171, %ne3A_2173 : vector<8x512xi1>
          %ne3A_2175 = vector.broadcast %reduce_min3A_1520 : i32 to vector<8x512xi32>
          %ne3A_2176 = arith.cmpi ne, %add3A_2156, %ne3A_2175 : vector<8x512xi32>
          %and3A_2177 = arith.andi %and3A_2174, %ne3A_2176 : vector<8x512xi1>
          %jit3A_2178 = arith.constant -1.000000e+30 : f32
          %broadcast_in_dim3A_2179 = vector.broadcast %jit3A_2178 : f32 to vector<8x512xf32>
          %select_n3A_2180 = arith.select %and3A_2177, %get3A_2100, %broadcast_in_dim3A_2179 : vector<8x512xi1>, vector<8x512xf32>
          %gt3A = arith.cmpf ogt, %select_n3A_2180, %scan3A_2094 : vector<8x512xf32>
          %max3A = arith.maximumf %select_n3A_2180, %scan3A_2094 : vector<8x512xf32>
          %select_n3A_2181 = arith.select %gt3A, %add3A_2105, %scan3A_2095 : vector<8x512xi1>, vector<8x512xi32>
          scf.yield %max3A, %select_n3A_2181 : vector<8x512xf32>, vector<8x512xi32>
        }
        %scan3A_2021 = arith.constant 128 : i32
        %reduce_max3A_2022 = vector.shape_cast %scan3A_2020#0 : vector<8x512xf32> to vector<1x8x512xf32>
        %reduce_max3A_2023 = arith.constant dense<0xFF800000> : vector<1xf32>
        %reduce_max3A_2024 = vector.multi_reduction <maximumf>, %reduce_max3A_2022, %reduce_max3A_2023 [1, 2] : vector<1x8x512xf32> to vector<1xf32>
        %reduce_max3A_2025 = vector.shape_cast %reduce_max3A_2024 : vector<1xf32> to vector<1x1x1xf32>
        %reduce_max3A_2026 = vector.extract %reduce_max3A_2025[0, 0, 0] : f32 from vector<1x1x1xf32>
        %eq3A_2027 = vector.broadcast %reduce_max3A_2026 : f32 to vector<8x512xf32>
        %eq3A_2028 = arith.cmpf oeq, %scan3A_2020#0, %eq3A_2027 : vector<8x512xf32>
        %jit3A_2029 = arith.constant 1073741824 : i32
        %broadcast_in_dim3A_2030 = vector.broadcast %jit3A_2029 : i32 to vector<8x512xi32>
        %select_n3A_2031 = arith.select %eq3A_2028, %scan3A_2020#1, %broadcast_in_dim3A_2030 : vector<8x512xi1>, vector<8x512xi32>
        %reduce_min3A_2032 = vector.shape_cast %select_n3A_2031 : vector<8x512xi32> to vector<1x8x512xi32>
        %reduce_min3A_2033 = arith.constant dense<2147483647> : vector<1xi32>
        %reduce_min3A_2034 = vector.multi_reduction <minsi>, %reduce_min3A_2032, %reduce_min3A_2033 [1, 2] : vector<1x8x512xi32> to vector<1xi32>
        %reduce_min3A_2035 = vector.shape_cast %reduce_min3A_2034 : vector<1xi32> to vector<1x1x1xi32>
        %reduce_min3A_2036 = vector.extract %reduce_min3A_2035[0, 0, 0] : i32 from vector<1x1x1xi32>
        %eq3A_2037 = vector.broadcast %select_n3A_1552 : i32 to vector<8x1xi32>
        %eq3A_2038 = arith.cmpi eq, %iota3A_9, %eq3A_2037 : vector<8x1xi32>
        %jit3A_2039 = arith.constant 0.000000e+00 : f32
        %broadcast_in_dim3A_2040 = vector.broadcast %jit3A_2039 : f32 to vector<8x1xf32>
        %select_n3A_2041 = arith.select %eq3A_2038, %get3A_80, %broadcast_in_dim3A_2040 : vector<8x1xi1>, vector<8x1xf32>
        %reduce_sum3A = vector.shape_cast %select_n3A_2041 : vector<8x1xf32> to vector<1x8x1xf32>
        %reduce_sum3A_2042 = arith.constant dense<0.000000e+00> : vector<1xf32>
        %reduce_sum3A_2043 = vector.multi_reduction <add>, %reduce_sum3A, %reduce_sum3A_2042 [1, 2] : vector<1x8x1xf32> to vector<1xf32>
        %reduce_sum3A_2044 = vector.shape_cast %reduce_sum3A_2043 : vector<1xf32> to vector<1x1x1xf32>
        %reduce_sum3A_2045 = vector.extract %reduce_sum3A_2044[0, 0, 0] : f32 from vector<1x1x1xf32>
        %eq3A_2046 = vector.broadcast %select_n3A_1552 : i32 to vector<8x1xi32>
        %eq3A_2047 = arith.cmpi eq, %iota3A_9, %eq3A_2046 : vector<8x1xi32>
        %jit3A_2048 = arith.constant 0.000000e+00 : f32
        %broadcast_in_dim3A_2049 = vector.broadcast %jit3A_2048 : f32 to vector<8x1xf32>
        %select_n3A_2050 = arith.select %eq3A_2047, %get3A_83, %broadcast_in_dim3A_2049 : vector<8x1xi1>, vector<8x1xf32>
        %reduce_sum3A_2051 = vector.shape_cast %select_n3A_2050 : vector<8x1xf32> to vector<1x8x1xf32>
        %reduce_sum3A_2052 = arith.constant dense<0.000000e+00> : vector<1xf32>
        %reduce_sum3A_2053 = vector.multi_reduction <add>, %reduce_sum3A_2051, %reduce_sum3A_2052 [1, 2] : vector<1x8x1xf32> to vector<1xf32>
        %reduce_sum3A_2054 = vector.shape_cast %reduce_sum3A_2053 : vector<1xf32> to vector<1x1x1xf32>
        %reduce_sum3A_2055 = vector.extract %reduce_sum3A_2054[0, 0, 0] : f32 from vector<1x1x1xf32>
        %eq3A_2056 = vector.broadcast %select_n3A_1552 : i32 to vector<8x1xi32>
        %eq3A_2057 = arith.cmpi eq, %iota3A_9, %eq3A_2056 : vector<8x1xi32>
        %jit3A_2058 = arith.constant 0.000000e+00 : f32
        %broadcast_in_dim3A_2059 = vector.broadcast %jit3A_2058 : f32 to vector<8x1xf32>
        %select_n3A_2060 = arith.select %eq3A_2057, %get3A_86, %broadcast_in_dim3A_2059 : vector<8x1xi1>, vector<8x1xf32>
        %reduce_sum3A_2061 = vector.shape_cast %select_n3A_2060 : vector<8x1xf32> to vector<1x8x1xf32>
        %reduce_sum3A_2062 = arith.constant dense<0.000000e+00> : vector<1xf32>
        %reduce_sum3A_2063 = vector.multi_reduction <add>, %reduce_sum3A_2061, %reduce_sum3A_2062 [1, 2] : vector<1x8x1xf32> to vector<1xf32>
        %reduce_sum3A_2064 = vector.shape_cast %reduce_sum3A_2063 : vector<1xf32> to vector<1x1x1xf32>
        %reduce_sum3A_2065 = vector.extract %reduce_sum3A_2064[0, 0, 0] : f32 from vector<1x1x1xf32>
        %sub3A_2066 = arith.subf %reduce_max3A_2026, %reduce_sum3A_2045 : f32
        %sub3A_2067 = arith.subf %sub3A_2066, %reduce_sum3A_2055 : f32
        %add3A_2068 = arith.addf %sub3A_2067, %reduce_sum3A_2065 : f32
        %mul3A_2069 = arith.constant 100000 : i32
        %mul3A_2070 = arith.muli %select_n3A_1552, %mul3A_2069 : i32
        %add3A_2071 = arith.addi %mul3A_2070, %reduce_min3A_2036 : i32
        %eq3A_2072 = vector.broadcast %select_n3A_1552 : i32 to vector<16x98xi32>
        %eq3A_2073 = arith.cmpi eq, %iota3A_8, %eq3A_2072 : vector<16x98xi32>
        %eq3A_2074 = vector.broadcast %select_n3A_1579 : i32 to vector<16x98xi32>
        %eq3A_2075 = arith.cmpi eq, %iota3A_7, %eq3A_2074 : vector<16x98xi32>
        %and3A_2076 = arith.andi %eq3A_2073, %eq3A_2075 : vector<16x98xi1>
        %get3A_2077 = arith.constant 0 : index
        %get3A_2078 = arith.constant 0 : index
        %get3A_2079 = vector.load %arg17[%get3A_2077, %get3A_2078] : memref<16x98xf32, #tpu.memory_space<vmem>>, vector<16x98xf32>
        %broadcast_in_dim3A_2080 = vector.broadcast %add3A_2068 : f32 to vector<16x98xf32>
        %select_n3A_2081 = arith.select %and3A_2076, %broadcast_in_dim3A_2080, %get3A_2079 : vector<16x98xi1>, vector<16x98xf32>
        %swap3A_2082 = arith.constant 0 : index
        %swap3A_2083 = arith.constant 0 : index
        %swap3A_2084 = vector.load %arg17[%swap3A_2082, %swap3A_2083] : memref<16x98xf32, #tpu.memory_space<vmem>>, vector<16x98xf32>
        tpu.vector_store %arg17[%swap3A_2082, %swap3A_2083], %select_n3A_2081 {strides = array<i32>} : memref<16x98xf32, #tpu.memory_space<vmem>>, vector<16x98xf32>,
        %get3A_2085 = arith.constant 0 : index
        %get3A_2086 = arith.constant 0 : index
        %get3A_2087 = vector.load %arg18[%get3A_2085, %get3A_2086] : memref<16x98xi32, #tpu.memory_space<vmem>>, vector<16x98xi32>
        %broadcast_in_dim3A_2088 = vector.broadcast %add3A_2071 : i32 to vector<16x98xi32>
        %select_n3A_2089 = arith.select %and3A_2076, %broadcast_in_dim3A_2088, %get3A_2087 : vector<16x98xi1>, vector<16x98xi32>
        %swap3A_2090 = arith.constant 0 : index
        %swap3A_2091 = arith.constant 0 : index
        %swap3A_2092 = vector.load %arg18[%swap3A_2090, %swap3A_2091] : memref<16x98xi32, #tpu.memory_space<vmem>>, vector<16x98xi32>
        tpu.vector_store %arg18[%swap3A_2090, %swap3A_2091], %select_n3A_2089 {strides = array<i32>} : memref<16x98xi32, #tpu.memory_space<vmem>>, vector<16x98xi32>,
      } else {
      }
      %get3A_1647 = arith.constant 0 : index
      %get3A_1648 = arith.constant 0 : index
      %get3A_1649 = vector.load %arg15[%get3A_1647, %get3A_1648] : memref<16x98xf32, #tpu.memory_space<vmem>>, vector<16x98xf32>
      %get3A_1650 = arith.constant 0 : index
      %get3A_1651 = arith.constant 0 : index
      %get3A_1652 = vector.load %arg16[%get3A_1650, %get3A_1651] : memref<16x98xi32, #tpu.memory_space<vmem>>, vector<16x98xi32>
      %reduce_max3A_1653 = vector.shape_cast %get3A_1649 : vector<16x98xf32> to vector<1x16x98xf32>
      %reduce_max3A_1654 = arith.constant dense<0xFF800000> : vector<1xf32>
      %reduce_max3A_1655 = vector.multi_reduction <maximumf>, %reduce_max3A_1653, %reduce_max3A_1654 [1, 2] : vector<1x16x98xf32> to vector<1xf32>
      %reduce_max3A_1656 = vector.shape_cast %reduce_max3A_1655 : vector<1xf32> to vector<1x1x1xf32>
      %reduce_max3A_1657 = vector.extract %reduce_max3A_1656[0, 0, 0] : f32 from vector<1x1x1xf32>
      %eq3A_1658 = vector.broadcast %reduce_max3A_1657 : f32 to vector<16x98xf32>
      %eq3A_1659 = arith.cmpf oeq, %get3A_1649, %eq3A_1658 : vector<16x98xf32>
      %jit3A_1660 = arith.constant 1073741824 : i32
      %broadcast_in_dim3A_1661 = vector.broadcast %jit3A_1660 : i32 to vector<16x98xi32>
      %select_n3A_1662 = arith.select %eq3A_1659, %get3A_1652, %broadcast_in_dim3A_1661 : vector<16x98xi1>, vector<16x98xi32>
      %reduce_min3A_1663 = vector.shape_cast %select_n3A_1662 : vector<16x98xi32> to vector<1x16x98xi32>
      %reduce_min3A_1664 = arith.constant dense<2147483647> : vector<1xi32>
      %reduce_min3A_1665 = vector.multi_reduction <minsi>, %reduce_min3A_1663, %reduce_min3A_1664 [1, 2] : vector<1x16x98xi32> to vector<1xi32>
      %reduce_min3A_1666 = vector.shape_cast %reduce_min3A_1665 : vector<1xi32> to vector<1x1x1xi32>
      %reduce_min3A_1667 = vector.extract %reduce_min3A_1666[0, 0, 0] : i32 from vector<1x1x1xi32>
      %eq3A_1668 = vector.broadcast %reduce_min3A_1667 : i32 to vector<16x98xi32>
      %eq3A_1669 = arith.cmpi eq, %get3A_1652, %eq3A_1668 : vector<16x98xi32>
      %jit3A_1670 = arith.constant -1.000000e+30 : f32
      %broadcast_in_dim3A_1671 = vector.broadcast %jit3A_1670 : f32 to vector<16x98xf32>
      %select_n3A_1672 = arith.select %eq3A_1669, %broadcast_in_dim3A_1671, %get3A_1649 : vector<16x98xi1>, vector<16x98xf32>
      %swap3A_1673 = arith.constant 0 : index
      %swap3A_1674 = arith.constant 0 : index
      %swap3A_1675 = vector.load %arg15[%swap3A_1673, %swap3A_1674] : memref<16x98xf32, #tpu.memory_space<vmem>>, vector<16x98xf32>
      tpu.vector_store %arg15[%swap3A_1673, %swap3A_1674], %select_n3A_1672 {strides = array<i32>} : memref<16x98xf32, #tpu.memory_space<vmem>>, vector<16x98xf32>,
      %jit3A_1676 = arith.constant 100000 : i32
      %div3A_1677 = arith.divsi %reduce_min3A_1667, %jit3A_1676 : i32
      %sign3A_1678 = arith.constant 0 : i32
      %sign3A_1679 = arith.cmpi sgt, %reduce_min3A_1667, %sign3A_1678 : i32
      %sign3A_1680 = arith.extui %sign3A_1679 : i1 to i32
      %sign3A_1681 = arith.constant 0 : i32
      %sign3A_1682 = arith.cmpi slt, %reduce_min3A_1667, %sign3A_1681 : i32
      %sign3A_1683 = arith.extui %sign3A_1682 : i1 to i32
      %sign3A_1684 = arith.subi %sign3A_1680, %sign3A_1683 : i32
      %sign3A_1685 = arith.constant 0 : i32
      %sign3A_1686 = arith.cmpi sgt, %jit3A_1676, %sign3A_1685 : i32
      %sign3A_1687 = arith.extui %sign3A_1686 : i1 to i32
      %sign3A_1688 = arith.constant 0 : i32
      %sign3A_1689 = arith.cmpi slt, %jit3A_1676, %sign3A_1688 : i32
      %sign3A_1690 = arith.extui %sign3A_1689 : i1 to i32
      %sign3A_1691 = arith.subi %sign3A_1687, %sign3A_1690 : i32
      %ne3A_1692 = arith.cmpi ne, %sign3A_1684, %sign3A_1691 : i32
      %rem3A_1693 = arith.remsi %reduce_min3A_1667, %jit3A_1676 : i32
      %ne3A_1694 = arith.constant 0 : i32
      %ne3A_1695 = arith.cmpi ne, %rem3A_1693, %ne3A_1694 : i32
      %and3A_1696 = arith.andi %ne3A_1692, %ne3A_1695 : i1
      %sub3A_1697 = arith.constant 1 : i32
      %sub3A_1698 = arith.subi %div3A_1677, %sub3A_1697 : i32
      %select_n3A_1699 = arith.select %and3A_1696, %sub3A_1698, %div3A_1677 : i32
      %mul3A_1700 = arith.constant 100000 : i32
      %mul3A_1701 = arith.muli %select_n3A_1699, %mul3A_1700 : i32
      %sub3A_1702 = arith.subi %reduce_min3A_1667, %mul3A_1701 : i32
      %jit3A_1703 = arith.constant 1024 : i32
      %div3A_1704 = arith.divsi %sub3A_1702, %jit3A_1703 : i32
      %sign3A_1705 = arith.constant 0 : i32
      %sign3A_1706 = arith.cmpi sgt, %sub3A_1702, %sign3A_1705 : i32
      %sign3A_1707 = arith.extui %sign3A_1706 : i1 to i32
      %sign3A_1708 = arith.constant 0 : i32
      %sign3A_1709 = arith.cmpi slt, %sub3A_1702, %sign3A_1708 : i32
      %sign3A_1710 = arith.extui %sign3A_1709 : i1 to i32
      %sign3A_1711 = arith.subi %sign3A_1707, %sign3A_1710 : i32
      %sign3A_1712 = arith.constant 0 : i32
      %sign3A_1713 = arith.cmpi sgt, %jit3A_1703, %sign3A_1712 : i32
      %sign3A_1714 = arith.extui %sign3A_1713 : i1 to i32
      %sign3A_1715 = arith.constant 0 : i32
      %sign3A_1716 = arith.cmpi slt, %jit3A_1703, %sign3A_1715 : i32
      %sign3A_1717 = arith.extui %sign3A_1716 : i1 to i32
      %sign3A_1718 = arith.subi %sign3A_1714, %sign3A_1717 : i32
      %ne3A_1719 = arith.cmpi ne, %sign3A_1711, %sign3A_1718 : i32
      %rem3A_1720 = arith.remsi %sub3A_1702, %jit3A_1703 : i32
      %ne3A_1721 = arith.constant 0 : i32
      %ne3A_1722 = arith.cmpi ne, %rem3A_1720, %ne3A_1721 : i32
      %and3A_1723 = arith.andi %ne3A_1719, %ne3A_1722 : i1
      %sub3A_1724 = arith.constant 1 : i32
      %sub3A_1725 = arith.subi %div3A_1704, %sub3A_1724 : i32
      %select_n3A_1726 = arith.select %and3A_1723, %sub3A_1725, %div3A_1704 : i32
      %mul3A_1727 = arith.constant 98 : i32
      %mul3A_1728 = arith.muli %select_n3A_1699, %mul3A_1727 : i32
      %add3A_1729 = arith.addi %mul3A_1728, %select_n3A_1726 : i32
      %get3A_1730 = arith.constant 0 : index
      %get3A_1731 = arith.constant 0 : index
      %get3A_1732 = vector.load %arg17[%get3A_1730, %get3A_1731] : memref<16x98xf32, #tpu.memory_space<vmem>>, vector<16x98xf32>
      %get3A_1733 = arith.constant 0 : index
      %get3A_1734 = arith.constant 0 : index
      %get3A_1735 = vector.load %arg18[%get3A_1733, %get3A_1734] : memref<16x98xi32, #tpu.memory_space<vmem>>, vector<16x98xi32>
      %reduce_max3A_1736 = vector.shape_cast %get3A_1732 : vector<16x98xf32> to vector<1x16x98xf32>
      %reduce_max3A_1737 = arith.constant dense<0xFF800000> : vector<1xf32>
      %reduce_max3A_1738 = vector.multi_reduction <maximumf>, %reduce_max3A_1736, %reduce_max3A_1737 [1, 2] : vector<1x16x98xf32> to vector<1xf32>
      %reduce_max3A_1739 = vector.shape_cast %reduce_max3A_1738 : vector<1xf32> to vector<1x1x1xf32>
      %reduce_max3A_1740 = vector.extract %reduce_max3A_1739[0, 0, 0] : f32 from vector<1x1x1xf32>
      %eq3A_1741 = vector.broadcast %reduce_max3A_1740 : f32 to vector<16x98xf32>
      %eq3A_1742 = arith.cmpf oeq, %get3A_1732, %eq3A_1741 : vector<16x98xf32>
      %jit3A_1743 = arith.constant 1073741824 : i32
      %broadcast_in_dim3A_1744 = vector.broadcast %jit3A_1743 : i32 to vector<16x98xi32>
      %select_n3A_1745 = arith.select %eq3A_1742, %get3A_1735, %broadcast_in_dim3A_1744 : vector<16x98xi1>, vector<16x98xi32>
      %reduce_min3A_1746 = vector.shape_cast %select_n3A_1745 : vector<16x98xi32> to vector<1x16x98xi32>
      %reduce_min3A_1747 = arith.constant dense<2147483647> : vector<1xi32>
      %reduce_min3A_1748 = vector.multi_reduction <minsi>, %reduce_min3A_1746, %reduce_min3A_1747 [1, 2] : vector<1x16x98xi32> to vector<1xi32>
      %reduce_min3A_1749 = vector.shape_cast %reduce_min3A_1748 : vector<1xi32> to vector<1x1x1xi32>
      %reduce_min3A_1750 = vector.extract %reduce_min3A_1749[0, 0, 0] : i32 from vector<1x1x1xi32>
      %eq3A_1751 = vector.broadcast %reduce_min3A_1750 : i32 to vector<16x98xi32>
      %eq3A_1752 = arith.cmpi eq, %get3A_1735, %eq3A_1751 : vector<16x98xi32>
      %jit3A_1753 = arith.constant -1.000000e+30 : f32
      %broadcast_in_dim3A_1754 = vector.broadcast %jit3A_1753 : f32 to vector<16x98xf32>
      %select_n3A_1755 = arith.select %eq3A_1752, %broadcast_in_dim3A_1754, %get3A_1732 : vector<16x98xi1>, vector<16x98xf32>
      %swap3A_1756 = arith.constant 0 : index
      %swap3A_1757 = arith.constant 0 : index
      %swap3A_1758 = vector.load %arg17[%swap3A_1756, %swap3A_1757] : memref<16x98xf32, #tpu.memory_space<vmem>>, vector<16x98xf32>
      tpu.vector_store %arg17[%swap3A_1756, %swap3A_1757], %select_n3A_1755 {strides = array<i32>} : memref<16x98xf32, #tpu.memory_space<vmem>>, vector<16x98xf32>,
      %jit3A_1759 = arith.constant 100000 : i32
      %div3A_1760 = arith.divsi %reduce_min3A_1750, %jit3A_1759 : i32
      %sign3A_1761 = arith.constant 0 : i32
      %sign3A_1762 = arith.cmpi sgt, %reduce_min3A_1750, %sign3A_1761 : i32
      %sign3A_1763 = arith.extui %sign3A_1762 : i1 to i32
      %sign3A_1764 = arith.constant 0 : i32
      %sign3A_1765 = arith.cmpi slt, %reduce_min3A_1750, %sign3A_1764 : i32
      %sign3A_1766 = arith.extui %sign3A_1765 : i1 to i32
      %sign3A_1767 = arith.subi %sign3A_1763, %sign3A_1766 : i32
      %sign3A_1768 = arith.constant 0 : i32
      %sign3A_1769 = arith.cmpi sgt, %jit3A_1759, %sign3A_1768 : i32
      %sign3A_1770 = arith.extui %sign3A_1769 : i1 to i32
      %sign3A_1771 = arith.constant 0 : i32
      %sign3A_1772 = arith.cmpi slt, %jit3A_1759, %sign3A_1771 : i32
      %sign3A_1773 = arith.extui %sign3A_1772 : i1 to i32
      %sign3A_1774 = arith.subi %sign3A_1770, %sign3A_1773 : i32
      %ne3A_1775 = arith.cmpi ne, %sign3A_1767, %sign3A_1774 : i32
      %rem3A_1776 = arith.remsi %reduce_min3A_1750, %jit3A_1759 : i32
      %ne3A_1777 = arith.constant 0 : i32
      %ne3A_1778 = arith.cmpi ne, %rem3A_1776, %ne3A_1777 : i32
      %and3A_1779 = arith.andi %ne3A_1775, %ne3A_1778 : i1
      %sub3A_1780 = arith.constant 1 : i32
      %sub3A_1781 = arith.subi %div3A_1760, %sub3A_1780 : i32
      %select_n3A_1782 = arith.select %and3A_1779, %sub3A_1781, %div3A_1760 : i32
      %mul3A_1783 = arith.constant 100000 : i32
      %mul3A_1784 = arith.muli %select_n3A_1782, %mul3A_1783 : i32
      %sub3A_1785 = arith.subi %reduce_min3A_1750, %mul3A_1784 : i32
      %jit3A_1786 = arith.constant 1024 : i32
      %div3A_1787 = arith.divsi %sub3A_1785, %jit3A_1786 : i32
      %sign3A_1788 = arith.constant 0 : i32
      %sign3A_1789 = arith.cmpi sgt, %sub3A_1785, %sign3A_1788 : i32
      %sign3A_1790 = arith.extui %sign3A_1789 : i1 to i32
      %sign3A_1791 = arith.constant 0 : i32
      %sign3A_1792 = arith.cmpi slt, %sub3A_1785, %sign3A_1791 : i32
      %sign3A_1793 = arith.extui %sign3A_1792 : i1 to i32
      %sign3A_1794 = arith.subi %sign3A_1790, %sign3A_1793 : i32
      %sign3A_1795 = arith.constant 0 : i32
      %sign3A_1796 = arith.cmpi sgt, %jit3A_1786, %sign3A_1795 : i32
      %sign3A_1797 = arith.extui %sign3A_1796 : i1 to i32
      %sign3A_1798 = arith.constant 0 : i32
      %sign3A_1799 = arith.cmpi slt, %jit3A_1786, %sign3A_1798 : i32
      %sign3A_1800 = arith.extui %sign3A_1799 : i1 to i32
      %sign3A_1801 = arith.subi %sign3A_1797, %sign3A_1800 : i32
      %ne3A_1802 = arith.cmpi ne, %sign3A_1794, %sign3A_1801 : i32
      %rem3A_1803 = arith.remsi %sub3A_1785, %jit3A_1786 : i32
      %ne3A_1804 = arith.constant 0 : i32
      %ne3A_1805 = arith.cmpi ne, %rem3A_1803, %ne3A_1804 : i32
      %and3A_1806 = arith.andi %ne3A_1802, %ne3A_1805 : i1
      %sub3A_1807 = arith.constant 1 : i32
      %sub3A_1808 = arith.subi %div3A_1787, %sub3A_1807 : i32
      %select_n3A_1809 = arith.select %and3A_1806, %sub3A_1808, %div3A_1787 : i32
      %mul3A_1810 = arith.constant 98 : i32
      %mul3A_1811 = arith.muli %select_n3A_1782, %mul3A_1810 : i32
      %add3A_1812 = arith.addi %mul3A_1811, %select_n3A_1809 : i32
      %eq3A_1813 = arith.constant 7 : i32
      %eq3A_1814 = vector.broadcast %eq3A_1813 : i32 to vector<8x1xi32>
      %eq3A_1815 = arith.cmpi eq, %iota3A_9, %eq3A_1814 : vector<8x1xi32>
      %jit3A_1816 = arith.constant 0.000000e+00 : f32
      %broadcast_in_dim3A_1817 = vector.broadcast %reduce_max3A_1657 : f32 to vector<8x1xf32>
      %broadcast_in_dim3A_1818 = vector.broadcast %jit3A_1816 : f32 to vector<8x1xf32>
      %select_n3A_1819 = arith.select %eq3A_1815, %broadcast_in_dim3A_1817, %broadcast_in_dim3A_1818 : vector<8x1xi1>, vector<8x1xf32>
      %add3A_1820 = arith.addf %add3A_1590, %select_n3A_1819 : vector<8x1xf32>
      %eq3A_1821 = arith.constant 7 : i32
      %eq3A_1822 = vector.broadcast %eq3A_1821 : i32 to vector<8x1xi32>
      %eq3A_1823 = arith.cmpi eq, %iota3A_9, %eq3A_1822 : vector<8x1xi32>
      %jit3A_1824 = arith.constant 0 : i32
      %broadcast_in_dim3A_1825 = vector.broadcast %reduce_min3A_1667 : i32 to vector<8x1xi32>
      %broadcast_in_dim3A_1826 = vector.broadcast %jit3A_1824 : i32 to vector<8x1xi32>
      %select_n3A_1827 = arith.select %eq3A_1823, %broadcast_in_dim3A_1825, %broadcast_in_dim3A_1826 : vector<8x1xi1>, vector<8x1xi32>
      %add3A_1828 = arith.addi %add3A_1598, %select_n3A_1827 : vector<8x1xi32>
      %eq3A_1829 = arith.constant 7 : i32
      %eq3A_1830 = vector.broadcast %eq3A_1829 : i32 to vector<8x1xi32>
      %eq3A_1831 = arith.cmpi eq, %iota3A_9, %eq3A_1830 : vector<8x1xi32>
      %jit3A_1832 = arith.constant 0.000000e+00 : f32
      %broadcast_in_dim3A_1833 = vector.broadcast %reduce_max3A_1740 : f32 to vector<8x1xf32>
      %broadcast_in_dim3A_1834 = vector.broadcast %jit3A_1832 : f32 to vector<8x1xf32>
      %select_n3A_1835 = arith.select %eq3A_1831, %broadcast_in_dim3A_1833, %broadcast_in_dim3A_1834 : vector<8x1xi1>, vector<8x1xf32>
      %add3A_1836 = arith.addf %add3A_1606, %select_n3A_1835 : vector<8x1xf32>
      %eq3A_1837 = arith.constant 7 : i32
      %eq3A_1838 = vector.broadcast %eq3A_1837 : i32 to vector<8x1xi32>
      %eq3A_1839 = arith.cmpi eq, %iota3A_9, %eq3A_1838 : vector<8x1xi32>
      %jit3A_1840 = arith.constant 0 : i32
      %broadcast_in_dim3A_1841 = vector.broadcast %reduce_min3A_1750 : i32 to vector<8x1xi32>
      %broadcast_in_dim3A_1842 = vector.broadcast %jit3A_1840 : i32 to vector<8x1xi32>
      %select_n3A_1843 = arith.select %eq3A_1839, %broadcast_in_dim3A_1841, %broadcast_in_dim3A_1842 : vector<8x1xi1>, vector<8x1xi32>
      %add3A_1844 = arith.addi %add3A_1614, %select_n3A_1843 : vector<8x1xi32>
      %eq3A_1845 = arith.cmpi eq, %add3A_214, %add3A_1729 : i32
      %or3A_1846 = arith.constant false
      %or3A_1847 = arith.ori %or3A_1846, %eq3A_1845 : i1
      %eq3A_1848 = arith.cmpi eq, %add3A_412, %add3A_1729 : i32
      %or3A_1849 = arith.ori %or3A_1847, %eq3A_1848 : i1
      %eq3A_1850 = arith.cmpi eq, %add3A_619, %add3A_1729 : i32
      %or3A_1851 = arith.ori %or3A_1849, %eq3A_1850 : i1
      %eq3A_1852 = arith.cmpi eq, %add3A_833, %add3A_1729 : i32
      %or3A_1853 = arith.ori %or3A_1851, %eq3A_1852 : i1
      %eq3A_1854 = arith.cmpi eq, %add3A_1051, %add3A_1729 : i32
      %or3A_1855 = arith.ori %or3A_1853, %eq3A_1854 : i1
      %eq3A_1856 = arith.cmpi eq, %add3A_1273, %add3A_1729 : i32
      %or3A_1857 = arith.ori %or3A_1855, %eq3A_1856 : i1
      %eq3A_1858 = arith.cmpi eq, %add3A_1499, %add3A_1729 : i32
      %or3A_1859 = arith.ori %or3A_1857, %eq3A_1858 : i1
      %eq3A_1860 = arith.cmpi eq, %add3A_297, %add3A_1812 : i32
      %or3A_1861 = arith.constant false
      %or3A_1862 = arith.ori %or3A_1861, %eq3A_1860 : i1
      %eq3A_1863 = arith.cmpi eq, %add3A_495, %add3A_1812 : i32
      %or3A_1864 = arith.ori %or3A_1862, %eq3A_1863 : i1
      %eq3A_1865 = arith.cmpi eq, %add3A_702, %add3A_1812 : i32
      %or3A_1866 = arith.ori %or3A_1864, %eq3A_1865 : i1
      %eq3A_1867 = arith.cmpi eq, %add3A_916, %add3A_1812 : i32
      %or3A_1868 = arith.ori %or3A_1866, %eq3A_1867 : i1
      %eq3A_1869 = arith.cmpi eq, %add3A_1134, %add3A_1812 : i32
      %or3A_1870 = arith.ori %or3A_1868, %eq3A_1869 : i1
      %eq3A_1871 = arith.cmpi eq, %add3A_1356, %add3A_1812 : i32
      %or3A_1872 = arith.ori %or3A_1870, %eq3A_1871 : i1
      %eq3A_1873 = arith.cmpi eq, %add3A_1582, %add3A_1812 : i32
      %or3A_1874 = arith.ori %or3A_1872, %eq3A_1873 : i1
      %convert_element_type3A_1875 = arith.extui %or3A_1859 : i1 to i32
      %cond3A_1876 = arith.constant 0 : i32
      %cond3A_1877 = arith.cmpi ne, %convert_element_type3A_1875, %cond3A_1876 : i32
      scf.if %cond3A_1877 {
        %mul3A_2001 = arith.constant 8 : i32
        %mul3A_2002 = arith.muli %mul3A_15, %mul3A_2001 : i32
        %add3A_2003 = arith.addi %mul3A_2002, %select_n3A_1699 : i32
        %mul3A_2004 = arith.constant 1024 : i32
        %mul3A_2005 = arith.muli %select_n3A_1726, %mul3A_2004 : i32
        %min3A = arith.constant 98976 : i32
        %min3A_2006 = arith.minsi %mul3A_2005, %min3A : i32
        %multiple_of3A_2007 = tpu.assume_multiple %min3A_2006, 8 : i32
        %dma_start3A = arith.constant 0 : i32
        %dma_start3A_2008 = tpu.memref_slice %arg9[%multiple_of3A_2007, %dma_start3A] : memref<100000x512xf32, #tpu.memory_space<any>> -> memref<1024x512xf32, #tpu.memory_space<any>>
        tpu.enqueue_dma source(%dma_start3A_2008 : memref<1024x512xf32, #tpu.memory_space<any>>) target(%arg19 : memref<1024x512xf32, #tpu.memory_space<vmem>>) target_semaphore(%arg20 : memref<!tpu.dma_semaphore, #tpu.memory_space<semaphore_mem>>)
        %dma_wait3A = arith.constant 0 : i32
        %dma_wait3A_2009 = tpu.memref_slice %arg9[%multiple_of3A_2007, %dma_wait3A] : memref<100000x512xf32, #tpu.memory_space<any>> -> memref<1024x512xf32, #tpu.memory_space<any>>
        tpu.wait_dma2 semaphore(%arg20 : memref<!tpu.dma_semaphore, #tpu.memory_space<semaphore_mem>>) src(%dma_wait3A_2009 : memref<1024x512xf32, #tpu.memory_space<any>>) dst(%arg19 : memref<1024x512xf32, #tpu.memory_space<vmem>>)
        %iota3A_2010 = tpu.iota {dimensions = array<i32: 0>} : vector<8x512xi32>
        %iota3A_2011 = tpu.iota {dimensions = array<i32: 1>} : vector<8x512xi32>
        %broadcast_in_dim3A_2012 = arith.constant -1.000000e+30 : f32
        %broadcast_in_dim3A_2013 = vector.broadcast %broadcast_in_dim3A_2012 : f32 to vector<8x512xf32>
        %broadcast_in_dim3A_2014 = arith.constant 0 : i32
        %broadcast_in_dim3A_2015 = vector.broadcast %broadcast_in_dim3A_2014 : i32 to vector<8x512xi32>
        %scan3A_2016 = arith.constant 0 : i32
        %scan3A_2017 = arith.constant 128 : i32
        %scan3A_2018 = arith.addi %scan3A_2016, %scan3A_2017 : i32
        %scan3A_2019 = arith.constant 1 : i32
        %scan3A_2020:2 = scf.for %scan3A_2093 = %scan3A_2016 to %scan3A_2018 step %scan3A_2019 iter_args(%scan3A_2094 = %broadcast_in_dim3A_2013, %scan3A_2095 = %broadcast_in_dim3A_2015) -> (vector<8x512xf32>, vector<8x512xi32>)  : i32 {
          %mul3A_2096 = arith.constant 8 : i32
          %mul3A_2097 = arith.muli %scan3A_2093, %mul3A_2096 : i32
          %get3A_2098 = arith.index_cast %mul3A_2097 : i32 to index
          %get3A_2099 = arith.constant 0 : index
          %get3A_2100 = vector.load %arg19[%get3A_2098, %get3A_2099] : memref<1024x512xf32, #tpu.memory_space<vmem>>, vector<8x512xf32>
          %mul3A_2101 = arith.constant 8 : i32
          %mul3A_2102 = arith.muli %scan3A_2093, %mul3A_2101 : i32
          %add3A_2103 = arith.addi %min3A_2006, %mul3A_2102 : i32
          %add3A_2104 = vector.broadcast %add3A_2103 : i32 to vector<8x512xi32>
          %add3A_2105 = arith.addi %add3A_2104, %iota3A_2010 : vector<8x512xi32>
          %eq3A_2106 = vector.broadcast %add3A_2003 : i32 to vector<8x512xi32>
          %eq3A_2107 = arith.cmpi eq, %iota3A_2011, %eq3A_2106 : vector<8x512xi32>
          %jit3A_2108 = arith.constant 1024 : i32
          %div3A_2109 = vector.broadcast %jit3A_2108 : i32 to vector<8x512xi32>
          %div3A_2110 = arith.divsi %add3A_2105, %div3A_2109 : vector<8x512xi32>
          %sign3A_2111 = arith.constant 0 : i32
          %sign3A_2112 = vector.broadcast %sign3A_2111 : i32 to vector<8x512xi32>
          %sign3A_2113 = arith.cmpi sgt, %add3A_2105, %sign3A_2112 : vector<8x512xi32>
          %sign3A_2114 = arith.extui %sign3A_2113 : vector<8x512xi1> to vector<8x512xi32>
          %sign3A_2115 = arith.constant 0 : i32
          %sign3A_2116 = vector.broadcast %sign3A_2115 : i32 to vector<8x512xi32>
          %sign3A_2117 = arith.cmpi slt, %add3A_2105, %sign3A_2116 : vector<8x512xi32>
          %sign3A_2118 = arith.extui %sign3A_2117 : vector<8x512xi1> to vector<8x512xi32>
          %sign3A_2119 = arith.subi %sign3A_2114, %sign3A_2118 : vector<8x512xi32>
          %sign3A_2120 = arith.constant 0 : i32
          %sign3A_2121 = arith.cmpi sgt, %jit3A_2108, %sign3A_2120 : i32
          %sign3A_2122 = arith.extui %sign3A_2121 : i1 to i32
          %sign3A_2123 = arith.constant 0 : i32
          %sign3A_2124 = arith.cmpi slt, %jit3A_2108, %sign3A_2123 : i32
          %sign3A_2125 = arith.extui %sign3A_2124 : i1 to i32
          %sign3A_2126 = arith.subi %sign3A_2122, %sign3A_2125 : i32
          %ne3A_2127 = vector.broadcast %sign3A_2126 : i32 to vector<8x512xi32>
          %ne3A_2128 = arith.cmpi ne, %sign3A_2119, %ne3A_2127 : vector<8x512xi32>
          %rem3A_2129 = vector.broadcast %jit3A_2108 : i32 to vector<8x512xi32>
          %rem3A_2130 = arith.remsi %add3A_2105, %rem3A_2129 : vector<8x512xi32>
          %ne3A_2131 = arith.constant 0 : i32
          %ne3A_2132 = vector.broadcast %ne3A_2131 : i32 to vector<8x512xi32>
          %ne3A_2133 = arith.cmpi ne, %rem3A_2130, %ne3A_2132 : vector<8x512xi32>
          %and3A_2134 = arith.andi %ne3A_2128, %ne3A_2133 : vector<8x512xi1>
          %sub3A_2135 = arith.constant 1 : i32
          %sub3A_2136 = vector.broadcast %sub3A_2135 : i32 to vector<8x512xi32>
          %sub3A_2137 = arith.subi %div3A_2110, %sub3A_2136 : vector<8x512xi32>
          %select_n3A_2138 = arith.select %and3A_2134, %sub3A_2137, %div3A_2110 : vector<8x512xi1>, vector<8x512xi32>
          %eq3A_2139 = vector.broadcast %select_n3A_1726 : i32 to vector<8x512xi32>
          %eq3A_2140 = arith.cmpi eq, %select_n3A_2138, %eq3A_2139 : vector<8x512xi32>
          %and3A_2141 = arith.andi %eq3A_2107, %eq3A_2140 : vector<8x512xi1>
          %lt3A_2142 = arith.constant 100000 : i32
          %lt3A_2143 = vector.broadcast %lt3A_2142 : i32 to vector<8x512xi32>
          %lt3A_2144 = arith.cmpi slt, %add3A_2105, %lt3A_2143 : vector<8x512xi32>
          %and3A_2145 = arith.andi %and3A_2141, %lt3A_2144 : vector<8x512xi1>
          %eq3A_2146 = arith.constant 2 : i32
          %eq3A_2147 = vector.broadcast %eq3A_2146 : i32 to vector<8x512xi32>
          %eq3A_2148 = arith.cmpi eq, %add3A_2105, %eq3A_2147 : vector<8x512xi32>
          %and3A_2149 = vector.broadcast %lt3A_2 : i1 to vector<8x512xi1>
          %and3A_2150 = arith.andi %and3A_2149, %eq3A_2148 : vector<8x512xi1>
          %not3A = arith.constant dense<true> : vector<8x512xi1>
          %not3A_2151 = arith.xori %and3A_2150, %not3A : vector<8x512xi1>
          %and3A_2152 = arith.andi %and3A_2145, %not3A_2151 : vector<8x512xi1>
          %mul3A_2153 = arith.constant 100000 : i32
          %mul3A_2154 = arith.muli %select_n3A_1699, %mul3A_2153 : i32
          %add3A_2155 = vector.broadcast %mul3A_2154 : i32 to vector<8x512xi32>
          %add3A_2156 = arith.addi %add3A_2155, %add3A_2105 : vector<8x512xi32>
          %ne3A_2157 = vector.broadcast %reduce_min3A_157 : i32 to vector<8x512xi32>
          %ne3A_2158 = arith.cmpi ne, %add3A_2156, %ne3A_2157 : vector<8x512xi32>
          %and3A_2159 = arith.andi %and3A_2152, %ne3A_2158 : vector<8x512xi1>
          %ne3A_2160 = vector.broadcast %reduce_min3A_350 : i32 to vector<8x512xi32>
          %ne3A_2161 = arith.cmpi ne, %add3A_2156, %ne3A_2160 : vector<8x512xi32>
          %and3A_2162 = arith.andi %and3A_2159, %ne3A_2161 : vector<8x512xi1>
          %ne3A_2163 = vector.broadcast %reduce_min3A_557 : i32 to vector<8x512xi32>
          %ne3A_2164 = arith.cmpi ne, %add3A_2156, %ne3A_2163 : vector<8x512xi32>
          %and3A_2165 = arith.andi %and3A_2162, %ne3A_2164 : vector<8x512xi1>
          %ne3A_2166 = vector.broadcast %reduce_min3A_771 : i32 to vector<8x512xi32>
          %ne3A_2167 = arith.cmpi ne, %add3A_2156, %ne3A_2166 : vector<8x512xi32>
          %and3A_2168 = arith.andi %and3A_2165, %ne3A_2167 : vector<8x512xi1>
          %ne3A_2169 = vector.broadcast %reduce_min3A_989 : i32 to vector<8x512xi32>
          %ne3A_2170 = arith.cmpi ne, %add3A_2156, %ne3A_2169 : vector<8x512xi32>
          %and3A_2171 = arith.andi %and3A_2168, %ne3A_2170 : vector<8x512xi1>
          %ne3A_2172 = vector.broadcast %reduce_min3A_1211 : i32 to vector<8x512xi32>
          %ne3A_2173 = arith.cmpi ne, %add3A_2156, %ne3A_2172 : vector<8x512xi32>
          %and3A_2174 = arith.andi %and3A_2171, %ne3A_2173 : vector<8x512xi1>
          %ne3A_2175 = vector.broadcast %reduce_min3A_1437 : i32 to vector<8x512xi32>
          %ne3A_2176 = arith.cmpi ne, %add3A_2156, %ne3A_2175 : vector<8x512xi32>
          %and3A_2177 = arith.andi %and3A_2174, %ne3A_2176 : vector<8x512xi1>
          %ne3A_2178 = vector.broadcast %reduce_min3A_1667 : i32 to vector<8x512xi32>
          %ne3A_2179 = arith.cmpi ne, %add3A_2156, %ne3A_2178 : vector<8x512xi32>
          %and3A_2180 = arith.andi %and3A_2177, %ne3A_2179 : vector<8x512xi1>
          %jit3A_2181 = arith.constant -1.000000e+30 : f32
          %broadcast_in_dim3A_2182 = vector.broadcast %jit3A_2181 : f32 to vector<8x512xf32>
          %select_n3A_2183 = arith.select %and3A_2180, %get3A_2100, %broadcast_in_dim3A_2182 : vector<8x512xi1>, vector<8x512xf32>
          %gt3A = arith.cmpf ogt, %select_n3A_2183, %scan3A_2094 : vector<8x512xf32>
          %max3A = arith.maximumf %select_n3A_2183, %scan3A_2094 : vector<8x512xf32>
          %select_n3A_2184 = arith.select %gt3A, %add3A_2105, %scan3A_2095 : vector<8x512xi1>, vector<8x512xi32>
          scf.yield %max3A, %select_n3A_2184 : vector<8x512xf32>, vector<8x512xi32>
        }
        %scan3A_2021 = arith.constant 128 : i32
        %reduce_max3A_2022 = vector.shape_cast %scan3A_2020#0 : vector<8x512xf32> to vector<1x8x512xf32>
        %reduce_max3A_2023 = arith.constant dense<0xFF800000> : vector<1xf32>
        %reduce_max3A_2024 = vector.multi_reduction <maximumf>, %reduce_max3A_2022, %reduce_max3A_2023 [1, 2] : vector<1x8x512xf32> to vector<1xf32>
        %reduce_max3A_2025 = vector.shape_cast %reduce_max3A_2024 : vector<1xf32> to vector<1x1x1xf32>
        %reduce_max3A_2026 = vector.extract %reduce_max3A_2025[0, 0, 0] : f32 from vector<1x1x1xf32>
        %eq3A_2027 = vector.broadcast %reduce_max3A_2026 : f32 to vector<8x512xf32>
        %eq3A_2028 = arith.cmpf oeq, %scan3A_2020#0, %eq3A_2027 : vector<8x512xf32>
        %jit3A_2029 = arith.constant 1073741824 : i32
        %broadcast_in_dim3A_2030 = vector.broadcast %jit3A_2029 : i32 to vector<8x512xi32>
        %select_n3A_2031 = arith.select %eq3A_2028, %scan3A_2020#1, %broadcast_in_dim3A_2030 : vector<8x512xi1>, vector<8x512xi32>
        %reduce_min3A_2032 = vector.shape_cast %select_n3A_2031 : vector<8x512xi32> to vector<1x8x512xi32>
        %reduce_min3A_2033 = arith.constant dense<2147483647> : vector<1xi32>
        %reduce_min3A_2034 = vector.multi_reduction <minsi>, %reduce_min3A_2032, %reduce_min3A_2033 [1, 2] : vector<1x8x512xi32> to vector<1xi32>
        %reduce_min3A_2035 = vector.shape_cast %reduce_min3A_2034 : vector<1xi32> to vector<1x1x1xi32>
        %reduce_min3A_2036 = vector.extract %reduce_min3A_2035[0, 0, 0] : i32 from vector<1x1x1xi32>
        %eq3A_2037 = vector.broadcast %select_n3A_1699 : i32 to vector<8x1xi32>
        %eq3A_2038 = arith.cmpi eq, %iota3A_9, %eq3A_2037 : vector<8x1xi32>
        %jit3A_2039 = arith.constant 0.000000e+00 : f32
        %broadcast_in_dim3A_2040 = vector.broadcast %jit3A_2039 : f32 to vector<8x1xf32>
        %select_n3A_2041 = arith.select %eq3A_2038, %get3A_26, %broadcast_in_dim3A_2040 : vector<8x1xi1>, vector<8x1xf32>
        %reduce_sum3A = vector.shape_cast %select_n3A_2041 : vector<8x1xf32> to vector<1x8x1xf32>
        %reduce_sum3A_2042 = arith.constant dense<0.000000e+00> : vector<1xf32>
        %reduce_sum3A_2043 = vector.multi_reduction <add>, %reduce_sum3A, %reduce_sum3A_2042 [1, 2] : vector<1x8x1xf32> to vector<1xf32>
        %reduce_sum3A_2044 = vector.shape_cast %reduce_sum3A_2043 : vector<1xf32> to vector<1x1x1xf32>
        %reduce_sum3A_2045 = vector.extract %reduce_sum3A_2044[0, 0, 0] : f32 from vector<1x1x1xf32>
        %eq3A_2046 = vector.broadcast %select_n3A_1699 : i32 to vector<8x1xi32>
        %eq3A_2047 = arith.cmpi eq, %iota3A_9, %eq3A_2046 : vector<8x1xi32>
        %jit3A_2048 = arith.constant 0.000000e+00 : f32
        %broadcast_in_dim3A_2049 = vector.broadcast %jit3A_2048 : f32 to vector<8x1xf32>
        %select_n3A_2050 = arith.select %eq3A_2047, %get3A_29, %broadcast_in_dim3A_2049 : vector<8x1xi1>, vector<8x1xf32>
        %reduce_sum3A_2051 = vector.shape_cast %select_n3A_2050 : vector<8x1xf32> to vector<1x8x1xf32>
        %reduce_sum3A_2052 = arith.constant dense<0.000000e+00> : vector<1xf32>
        %reduce_sum3A_2053 = vector.multi_reduction <add>, %reduce_sum3A_2051, %reduce_sum3A_2052 [1, 2] : vector<1x8x1xf32> to vector<1xf32>
        %reduce_sum3A_2054 = vector.shape_cast %reduce_sum3A_2053 : vector<1xf32> to vector<1x1x1xf32>
        %reduce_sum3A_2055 = vector.extract %reduce_sum3A_2054[0, 0, 0] : f32 from vector<1x1x1xf32>
        %eq3A_2056 = vector.broadcast %select_n3A_1699 : i32 to vector<8x1xi32>
        %eq3A_2057 = arith.cmpi eq, %iota3A_9, %eq3A_2056 : vector<8x1xi32>
        %jit3A_2058 = arith.constant 0.000000e+00 : f32
        %broadcast_in_dim3A_2059 = vector.broadcast %jit3A_2058 : f32 to vector<8x1xf32>
        %select_n3A_2060 = arith.select %eq3A_2057, %get3A_32, %broadcast_in_dim3A_2059 : vector<8x1xi1>, vector<8x1xf32>
        %reduce_sum3A_2061 = vector.shape_cast %select_n3A_2060 : vector<8x1xf32> to vector<1x8x1xf32>
        %reduce_sum3A_2062 = arith.constant dense<0.000000e+00> : vector<1xf32>
        %reduce_sum3A_2063 = vector.multi_reduction <add>, %reduce_sum3A_2061, %reduce_sum3A_2062 [1, 2] : vector<1x8x1xf32> to vector<1xf32>
        %reduce_sum3A_2064 = vector.shape_cast %reduce_sum3A_2063 : vector<1xf32> to vector<1x1x1xf32>
        %reduce_sum3A_2065 = vector.extract %reduce_sum3A_2064[0, 0, 0] : f32 from vector<1x1x1xf32>
        %sub3A_2066 = arith.subf %reduce_max3A_2026, %reduce_sum3A_2045 : f32
        %sub3A_2067 = arith.subf %sub3A_2066, %reduce_sum3A_2055 : f32
        %add3A_2068 = arith.addf %sub3A_2067, %reduce_sum3A_2065 : f32
        %mul3A_2069 = arith.constant 100000 : i32
        %mul3A_2070 = arith.muli %select_n3A_1699, %mul3A_2069 : i32
        %add3A_2071 = arith.addi %mul3A_2070, %reduce_min3A_2036 : i32
        %eq3A_2072 = vector.broadcast %select_n3A_1699 : i32 to vector<16x98xi32>
        %eq3A_2073 = arith.cmpi eq, %iota3A_8, %eq3A_2072 : vector<16x98xi32>
        %eq3A_2074 = vector.broadcast %select_n3A_1726 : i32 to vector<16x98xi32>
        %eq3A_2075 = arith.cmpi eq, %iota3A_7, %eq3A_2074 : vector<16x98xi32>
        %and3A_2076 = arith.andi %eq3A_2073, %eq3A_2075 : vector<16x98xi1>
        %get3A_2077 = arith.constant 0 : index
        %get3A_2078 = arith.constant 0 : index
        %get3A_2079 = vector.load %arg15[%get3A_2077, %get3A_2078] : memref<16x98xf32, #tpu.memory_space<vmem>>, vector<16x98xf32>
        %broadcast_in_dim3A_2080 = vector.broadcast %add3A_2068 : f32 to vector<16x98xf32>
        %select_n3A_2081 = arith.select %and3A_2076, %broadcast_in_dim3A_2080, %get3A_2079 : vector<16x98xi1>, vector<16x98xf32>
        %swap3A_2082 = arith.constant 0 : index
        %swap3A_2083 = arith.constant 0 : index
        %swap3A_2084 = vector.load %arg15[%swap3A_2082, %swap3A_2083] : memref<16x98xf32, #tpu.memory_space<vmem>>, vector<16x98xf32>
        tpu.vector_store %arg15[%swap3A_2082, %swap3A_2083], %select_n3A_2081 {strides = array<i32>} : memref<16x98xf32, #tpu.memory_space<vmem>>, vector<16x98xf32>,
        %get3A_2085 = arith.constant 0 : index
        %get3A_2086 = arith.constant 0 : index
        %get3A_2087 = vector.load %arg16[%get3A_2085, %get3A_2086] : memref<16x98xi32, #tpu.memory_space<vmem>>, vector<16x98xi32>
        %broadcast_in_dim3A_2088 = vector.broadcast %add3A_2071 : i32 to vector<16x98xi32>
        %select_n3A_2089 = arith.select %and3A_2076, %broadcast_in_dim3A_2088, %get3A_2087 : vector<16x98xi1>, vector<16x98xi32>
        %swap3A_2090 = arith.constant 0 : index
        %swap3A_2091 = arith.constant 0 : index
        %swap3A_2092 = vector.load %arg16[%swap3A_2090, %swap3A_2091] : memref<16x98xi32, #tpu.memory_space<vmem>>, vector<16x98xi32>
        tpu.vector_store %arg16[%swap3A_2090, %swap3A_2091], %select_n3A_2089 {strides = array<i32>} : memref<16x98xi32, #tpu.memory_space<vmem>>, vector<16x98xi32>,
      } else {
      }
      %convert_element_type3A_1878 = arith.extui %or3A_1874 : i1 to i32
      %cond3A_1879 = arith.constant 0 : i32
      %cond3A_1880 = arith.cmpi ne, %convert_element_type3A_1878, %cond3A_1879 : i32
      scf.if %cond3A_1880 {
        %mul3A_2001 = arith.constant 8 : i32
        %mul3A_2002 = arith.muli %add3A_18, %mul3A_2001 : i32
        %add3A_2003 = arith.addi %mul3A_2002, %select_n3A_1782 : i32
        %mul3A_2004 = arith.constant 1024 : i32
        %mul3A_2005 = arith.muli %select_n3A_1809, %mul3A_2004 : i32
        %min3A = arith.constant 98976 : i32
        %min3A_2006 = arith.minsi %mul3A_2005, %min3A : i32
        %multiple_of3A_2007 = tpu.assume_multiple %min3A_2006, 8 : i32
        %dma_start3A = arith.constant 0 : i32
        %dma_start3A_2008 = tpu.memref_slice %arg9[%multiple_of3A_2007, %dma_start3A] : memref<100000x512xf32, #tpu.memory_space<any>> -> memref<1024x512xf32, #tpu.memory_space<any>>
        tpu.enqueue_dma source(%dma_start3A_2008 : memref<1024x512xf32, #tpu.memory_space<any>>) target(%arg19 : memref<1024x512xf32, #tpu.memory_space<vmem>>) target_semaphore(%arg20 : memref<!tpu.dma_semaphore, #tpu.memory_space<semaphore_mem>>)
        %dma_wait3A = arith.constant 0 : i32
        %dma_wait3A_2009 = tpu.memref_slice %arg9[%multiple_of3A_2007, %dma_wait3A] : memref<100000x512xf32, #tpu.memory_space<any>> -> memref<1024x512xf32, #tpu.memory_space<any>>
        tpu.wait_dma2 semaphore(%arg20 : memref<!tpu.dma_semaphore, #tpu.memory_space<semaphore_mem>>) src(%dma_wait3A_2009 : memref<1024x512xf32, #tpu.memory_space<any>>) dst(%arg19 : memref<1024x512xf32, #tpu.memory_space<vmem>>)
        %iota3A_2010 = tpu.iota {dimensions = array<i32: 0>} : vector<8x512xi32>
        %iota3A_2011 = tpu.iota {dimensions = array<i32: 1>} : vector<8x512xi32>
        %broadcast_in_dim3A_2012 = arith.constant -1.000000e+30 : f32
        %broadcast_in_dim3A_2013 = vector.broadcast %broadcast_in_dim3A_2012 : f32 to vector<8x512xf32>
        %broadcast_in_dim3A_2014 = arith.constant 0 : i32
        %broadcast_in_dim3A_2015 = vector.broadcast %broadcast_in_dim3A_2014 : i32 to vector<8x512xi32>
        %scan3A_2016 = arith.constant 0 : i32
        %scan3A_2017 = arith.constant 128 : i32
        %scan3A_2018 = arith.addi %scan3A_2016, %scan3A_2017 : i32
        %scan3A_2019 = arith.constant 1 : i32
        %scan3A_2020:2 = scf.for %scan3A_2093 = %scan3A_2016 to %scan3A_2018 step %scan3A_2019 iter_args(%scan3A_2094 = %broadcast_in_dim3A_2013, %scan3A_2095 = %broadcast_in_dim3A_2015) -> (vector<8x512xf32>, vector<8x512xi32>)  : i32 {
          %mul3A_2096 = arith.constant 8 : i32
          %mul3A_2097 = arith.muli %scan3A_2093, %mul3A_2096 : i32
          %get3A_2098 = arith.index_cast %mul3A_2097 : i32 to index
          %get3A_2099 = arith.constant 0 : index
          %get3A_2100 = vector.load %arg19[%get3A_2098, %get3A_2099] : memref<1024x512xf32, #tpu.memory_space<vmem>>, vector<8x512xf32>
          %mul3A_2101 = arith.constant 8 : i32
          %mul3A_2102 = arith.muli %scan3A_2093, %mul3A_2101 : i32
          %add3A_2103 = arith.addi %min3A_2006, %mul3A_2102 : i32
          %add3A_2104 = vector.broadcast %add3A_2103 : i32 to vector<8x512xi32>
          %add3A_2105 = arith.addi %add3A_2104, %iota3A_2010 : vector<8x512xi32>
          %eq3A_2106 = vector.broadcast %add3A_2003 : i32 to vector<8x512xi32>
          %eq3A_2107 = arith.cmpi eq, %iota3A_2011, %eq3A_2106 : vector<8x512xi32>
          %jit3A_2108 = arith.constant 1024 : i32
          %div3A_2109 = vector.broadcast %jit3A_2108 : i32 to vector<8x512xi32>
          %div3A_2110 = arith.divsi %add3A_2105, %div3A_2109 : vector<8x512xi32>
          %sign3A_2111 = arith.constant 0 : i32
          %sign3A_2112 = vector.broadcast %sign3A_2111 : i32 to vector<8x512xi32>
          %sign3A_2113 = arith.cmpi sgt, %add3A_2105, %sign3A_2112 : vector<8x512xi32>
          %sign3A_2114 = arith.extui %sign3A_2113 : vector<8x512xi1> to vector<8x512xi32>
          %sign3A_2115 = arith.constant 0 : i32
          %sign3A_2116 = vector.broadcast %sign3A_2115 : i32 to vector<8x512xi32>
          %sign3A_2117 = arith.cmpi slt, %add3A_2105, %sign3A_2116 : vector<8x512xi32>
          %sign3A_2118 = arith.extui %sign3A_2117 : vector<8x512xi1> to vector<8x512xi32>
          %sign3A_2119 = arith.subi %sign3A_2114, %sign3A_2118 : vector<8x512xi32>
          %sign3A_2120 = arith.constant 0 : i32
          %sign3A_2121 = arith.cmpi sgt, %jit3A_2108, %sign3A_2120 : i32
          %sign3A_2122 = arith.extui %sign3A_2121 : i1 to i32
          %sign3A_2123 = arith.constant 0 : i32
          %sign3A_2124 = arith.cmpi slt, %jit3A_2108, %sign3A_2123 : i32
          %sign3A_2125 = arith.extui %sign3A_2124 : i1 to i32
          %sign3A_2126 = arith.subi %sign3A_2122, %sign3A_2125 : i32
          %ne3A_2127 = vector.broadcast %sign3A_2126 : i32 to vector<8x512xi32>
          %ne3A_2128 = arith.cmpi ne, %sign3A_2119, %ne3A_2127 : vector<8x512xi32>
          %rem3A_2129 = vector.broadcast %jit3A_2108 : i32 to vector<8x512xi32>
          %rem3A_2130 = arith.remsi %add3A_2105, %rem3A_2129 : vector<8x512xi32>
          %ne3A_2131 = arith.constant 0 : i32
          %ne3A_2132 = vector.broadcast %ne3A_2131 : i32 to vector<8x512xi32>
          %ne3A_2133 = arith.cmpi ne, %rem3A_2130, %ne3A_2132 : vector<8x512xi32>
          %and3A_2134 = arith.andi %ne3A_2128, %ne3A_2133 : vector<8x512xi1>
          %sub3A_2135 = arith.constant 1 : i32
          %sub3A_2136 = vector.broadcast %sub3A_2135 : i32 to vector<8x512xi32>
          %sub3A_2137 = arith.subi %div3A_2110, %sub3A_2136 : vector<8x512xi32>
          %select_n3A_2138 = arith.select %and3A_2134, %sub3A_2137, %div3A_2110 : vector<8x512xi1>, vector<8x512xi32>
          %eq3A_2139 = vector.broadcast %select_n3A_1809 : i32 to vector<8x512xi32>
          %eq3A_2140 = arith.cmpi eq, %select_n3A_2138, %eq3A_2139 : vector<8x512xi32>
          %and3A_2141 = arith.andi %eq3A_2107, %eq3A_2140 : vector<8x512xi1>
          %lt3A_2142 = arith.constant 100000 : i32
          %lt3A_2143 = vector.broadcast %lt3A_2142 : i32 to vector<8x512xi32>
          %lt3A_2144 = arith.cmpi slt, %add3A_2105, %lt3A_2143 : vector<8x512xi32>
          %and3A_2145 = arith.andi %and3A_2141, %lt3A_2144 : vector<8x512xi1>
          %eq3A_2146 = arith.constant 2 : i32
          %eq3A_2147 = vector.broadcast %eq3A_2146 : i32 to vector<8x512xi32>
          %eq3A_2148 = arith.cmpi eq, %add3A_2105, %eq3A_2147 : vector<8x512xi32>
          %and3A_2149 = vector.broadcast %lt3A_2 : i1 to vector<8x512xi1>
          %and3A_2150 = arith.andi %and3A_2149, %eq3A_2148 : vector<8x512xi1>
          %not3A = arith.constant dense<true> : vector<8x512xi1>
          %not3A_2151 = arith.xori %and3A_2150, %not3A : vector<8x512xi1>
          %and3A_2152 = arith.andi %and3A_2145, %not3A_2151 : vector<8x512xi1>
          %mul3A_2153 = arith.constant 100000 : i32
          %mul3A_2154 = arith.muli %select_n3A_1782, %mul3A_2153 : i32
          %add3A_2155 = vector.broadcast %mul3A_2154 : i32 to vector<8x512xi32>
          %add3A_2156 = arith.addi %add3A_2155, %add3A_2105 : vector<8x512xi32>
          %ne3A_2157 = vector.broadcast %reduce_min3A_235 : i32 to vector<8x512xi32>
          %ne3A_2158 = arith.cmpi ne, %add3A_2156, %ne3A_2157 : vector<8x512xi32>
          %and3A_2159 = arith.andi %and3A_2152, %ne3A_2158 : vector<8x512xi1>
          %ne3A_2160 = vector.broadcast %reduce_min3A_433 : i32 to vector<8x512xi32>
          %ne3A_2161 = arith.cmpi ne, %add3A_2156, %ne3A_2160 : vector<8x512xi32>
          %and3A_2162 = arith.andi %and3A_2159, %ne3A_2161 : vector<8x512xi1>
          %ne3A_2163 = vector.broadcast %reduce_min3A_640 : i32 to vector<8x512xi32>
          %ne3A_2164 = arith.cmpi ne, %add3A_2156, %ne3A_2163 : vector<8x512xi32>
          %and3A_2165 = arith.andi %and3A_2162, %ne3A_2164 : vector<8x512xi1>
          %ne3A_2166 = vector.broadcast %reduce_min3A_854 : i32 to vector<8x512xi32>
          %ne3A_2167 = arith.cmpi ne, %add3A_2156, %ne3A_2166 : vector<8x512xi32>
          %and3A_2168 = arith.andi %and3A_2165, %ne3A_2167 : vector<8x512xi1>
          %ne3A_2169 = vector.broadcast %reduce_min3A_1072 : i32 to vector<8x512xi32>
          %ne3A_2170 = arith.cmpi ne, %add3A_2156, %ne3A_2169 : vector<8x512xi32>
          %and3A_2171 = arith.andi %and3A_2168, %ne3A_2170 : vector<8x512xi1>
          %ne3A_2172 = vector.broadcast %reduce_min3A_1294 : i32 to vector<8x512xi32>
          %ne3A_2173 = arith.cmpi ne, %add3A_2156, %ne3A_2172 : vector<8x512xi32>
          %and3A_2174 = arith.andi %and3A_2171, %ne3A_2173 : vector<8x512xi1>
          %ne3A_2175 = vector.broadcast %reduce_min3A_1520 : i32 to vector<8x512xi32>
          %ne3A_2176 = arith.cmpi ne, %add3A_2156, %ne3A_2175 : vector<8x512xi32>
          %and3A_2177 = arith.andi %and3A_2174, %ne3A_2176 : vector<8x512xi1>
          %ne3A_2178 = vector.broadcast %reduce_min3A_1750 : i32 to vector<8x512xi32>
          %ne3A_2179 = arith.cmpi ne, %add3A_2156, %ne3A_2178 : vector<8x512xi32>
          %and3A_2180 = arith.andi %and3A_2177, %ne3A_2179 : vector<8x512xi1>
          %jit3A_2181 = arith.constant -1.000000e+30 : f32
          %broadcast_in_dim3A_2182 = vector.broadcast %jit3A_2181 : f32 to vector<8x512xf32>
          %select_n3A_2183 = arith.select %and3A_2180, %get3A_2100, %broadcast_in_dim3A_2182 : vector<8x512xi1>, vector<8x512xf32>
          %gt3A = arith.cmpf ogt, %select_n3A_2183, %scan3A_2094 : vector<8x512xf32>
          %max3A = arith.maximumf %select_n3A_2183, %scan3A_2094 : vector<8x512xf32>
          %select_n3A_2184 = arith.select %gt3A, %add3A_2105, %scan3A_2095 : vector<8x512xi1>, vector<8x512xi32>
          scf.yield %max3A, %select_n3A_2184 : vector<8x512xf32>, vector<8x512xi32>
        }
        %scan3A_2021 = arith.constant 128 : i32
        %reduce_max3A_2022 = vector.shape_cast %scan3A_2020#0 : vector<8x512xf32> to vector<1x8x512xf32>
        %reduce_max3A_2023 = arith.constant dense<0xFF800000> : vector<1xf32>
        %reduce_max3A_2024 = vector.multi_reduction <maximumf>, %reduce_max3A_2022, %reduce_max3A_2023 [1, 2] : vector<1x8x512xf32> to vector<1xf32>
        %reduce_max3A_2025 = vector.shape_cast %reduce_max3A_2024 : vector<1xf32> to vector<1x1x1xf32>
        %reduce_max3A_2026 = vector.extract %reduce_max3A_2025[0, 0, 0] : f32 from vector<1x1x1xf32>
        %eq3A_2027 = vector.broadcast %reduce_max3A_2026 : f32 to vector<8x512xf32>
        %eq3A_2028 = arith.cmpf oeq, %scan3A_2020#0, %eq3A_2027 : vector<8x512xf32>
        %jit3A_2029 = arith.constant 1073741824 : i32
        %broadcast_in_dim3A_2030 = vector.broadcast %jit3A_2029 : i32 to vector<8x512xi32>
        %select_n3A_2031 = arith.select %eq3A_2028, %scan3A_2020#1, %broadcast_in_dim3A_2030 : vector<8x512xi1>, vector<8x512xi32>
        %reduce_min3A_2032 = vector.shape_cast %select_n3A_2031 : vector<8x512xi32> to vector<1x8x512xi32>
        %reduce_min3A_2033 = arith.constant dense<2147483647> : vector<1xi32>
        %reduce_min3A_2034 = vector.multi_reduction <minsi>, %reduce_min3A_2032, %reduce_min3A_2033 [1, 2] : vector<1x8x512xi32> to vector<1xi32>
        %reduce_min3A_2035 = vector.shape_cast %reduce_min3A_2034 : vector<1xi32> to vector<1x1x1xi32>
        %reduce_min3A_2036 = vector.extract %reduce_min3A_2035[0, 0, 0] : i32 from vector<1x1x1xi32>
        %eq3A_2037 = vector.broadcast %select_n3A_1782 : i32 to vector<8x1xi32>
        %eq3A_2038 = arith.cmpi eq, %iota3A_9, %eq3A_2037 : vector<8x1xi32>
        %jit3A_2039 = arith.constant 0.000000e+00 : f32
        %broadcast_in_dim3A_2040 = vector.broadcast %jit3A_2039 : f32 to vector<8x1xf32>
        %select_n3A_2041 = arith.select %eq3A_2038, %get3A_80, %broadcast_in_dim3A_2040 : vector<8x1xi1>, vector<8x1xf32>
        %reduce_sum3A = vector.shape_cast %select_n3A_2041 : vector<8x1xf32> to vector<1x8x1xf32>
        %reduce_sum3A_2042 = arith.constant dense<0.000000e+00> : vector<1xf32>
        %reduce_sum3A_2043 = vector.multi_reduction <add>, %reduce_sum3A, %reduce_sum3A_2042 [1, 2] : vector<1x8x1xf32> to vector<1xf32>
        %reduce_sum3A_2044 = vector.shape_cast %reduce_sum3A_2043 : vector<1xf32> to vector<1x1x1xf32>
        %reduce_sum3A_2045 = vector.extract %reduce_sum3A_2044[0, 0, 0] : f32 from vector<1x1x1xf32>
        %eq3A_2046 = vector.broadcast %select_n3A_1782 : i32 to vector<8x1xi32>
        %eq3A_2047 = arith.cmpi eq, %iota3A_9, %eq3A_2046 : vector<8x1xi32>
        %jit3A_2048 = arith.constant 0.000000e+00 : f32
        %broadcast_in_dim3A_2049 = vector.broadcast %jit3A_2048 : f32 to vector<8x1xf32>
        %select_n3A_2050 = arith.select %eq3A_2047, %get3A_83, %broadcast_in_dim3A_2049 : vector<8x1xi1>, vector<8x1xf32>
        %reduce_sum3A_2051 = vector.shape_cast %select_n3A_2050 : vector<8x1xf32> to vector<1x8x1xf32>
        %reduce_sum3A_2052 = arith.constant dense<0.000000e+00> : vector<1xf32>
        %reduce_sum3A_2053 = vector.multi_reduction <add>, %reduce_sum3A_2051, %reduce_sum3A_2052 [1, 2] : vector<1x8x1xf32> to vector<1xf32>
        %reduce_sum3A_2054 = vector.shape_cast %reduce_sum3A_2053 : vector<1xf32> to vector<1x1x1xf32>
        %reduce_sum3A_2055 = vector.extract %reduce_sum3A_2054[0, 0, 0] : f32 from vector<1x1x1xf32>
        %eq3A_2056 = vector.broadcast %select_n3A_1782 : i32 to vector<8x1xi32>
        %eq3A_2057 = arith.cmpi eq, %iota3A_9, %eq3A_2056 : vector<8x1xi32>
        %jit3A_2058 = arith.constant 0.000000e+00 : f32
        %broadcast_in_dim3A_2059 = vector.broadcast %jit3A_2058 : f32 to vector<8x1xf32>
        %select_n3A_2060 = arith.select %eq3A_2057, %get3A_86, %broadcast_in_dim3A_2059 : vector<8x1xi1>, vector<8x1xf32>
        %reduce_sum3A_2061 = vector.shape_cast %select_n3A_2060 : vector<8x1xf32> to vector<1x8x1xf32>
        %reduce_sum3A_2062 = arith.constant dense<0.000000e+00> : vector<1xf32>
        %reduce_sum3A_2063 = vector.multi_reduction <add>, %reduce_sum3A_2061, %reduce_sum3A_2062 [1, 2] : vector<1x8x1xf32> to vector<1xf32>
        %reduce_sum3A_2064 = vector.shape_cast %reduce_sum3A_2063 : vector<1xf32> to vector<1x1x1xf32>
        %reduce_sum3A_2065 = vector.extract %reduce_sum3A_2064[0, 0, 0] : f32 from vector<1x1x1xf32>
        %sub3A_2066 = arith.subf %reduce_max3A_2026, %reduce_sum3A_2045 : f32
        %sub3A_2067 = arith.subf %sub3A_2066, %reduce_sum3A_2055 : f32
        %add3A_2068 = arith.addf %sub3A_2067, %reduce_sum3A_2065 : f32
        %mul3A_2069 = arith.constant 100000 : i32
        %mul3A_2070 = arith.muli %select_n3A_1782, %mul3A_2069 : i32
        %add3A_2071 = arith.addi %mul3A_2070, %reduce_min3A_2036 : i32
        %eq3A_2072 = vector.broadcast %select_n3A_1782 : i32 to vector<16x98xi32>
        %eq3A_2073 = arith.cmpi eq, %iota3A_8, %eq3A_2072 : vector<16x98xi32>
        %eq3A_2074 = vector.broadcast %select_n3A_1809 : i32 to vector<16x98xi32>
        %eq3A_2075 = arith.cmpi eq, %iota3A_7, %eq3A_2074 : vector<16x98xi32>
        %and3A_2076 = arith.andi %eq3A_2073, %eq3A_2075 : vector<16x98xi1>
        %get3A_2077 = arith.constant 0 : index
        %get3A_2078 = arith.constant 0 : index
        %get3A_2079 = vector.load %arg17[%get3A_2077, %get3A_2078] : memref<16x98xf32, #tpu.memory_space<vmem>>, vector<16x98xf32>
        %broadcast_in_dim3A_2080 = vector.broadcast %add3A_2068 : f32 to vector<16x98xf32>
        %select_n3A_2081 = arith.select %and3A_2076, %broadcast_in_dim3A_2080, %get3A_2079 : vector<16x98xi1>, vector<16x98xf32>
        %swap3A_2082 = arith.constant 0 : index
        %swap3A_2083 = arith.constant 0 : index
        %swap3A_2084 = vector.load %arg17[%swap3A_2082, %swap3A_2083] : memref<16x98xf32, #tpu.memory_space<vmem>>, vector<16x98xf32>
        tpu.vector_store %arg17[%swap3A_2082, %swap3A_2083], %select_n3A_2081 {strides = array<i32>} : memref<16x98xf32, #tpu.memory_space<vmem>>, vector<16x98xf32>,
        %get3A_2085 = arith.constant 0 : index
        %get3A_2086 = arith.constant 0 : index
        %get3A_2087 = vector.load %arg18[%get3A_2085, %get3A_2086] : memref<16x98xi32, #tpu.memory_space<vmem>>, vector<16x98xi32>
        %broadcast_in_dim3A_2088 = vector.broadcast %add3A_2071 : i32 to vector<16x98xi32>
        %select_n3A_2089 = arith.select %and3A_2076, %broadcast_in_dim3A_2088, %get3A_2087 : vector<16x98xi1>, vector<16x98xi32>
        %swap3A_2090 = arith.constant 0 : index
        %swap3A_2091 = arith.constant 0 : index
        %swap3A_2092 = vector.load %arg18[%swap3A_2090, %swap3A_2091] : memref<16x98xi32, #tpu.memory_space<vmem>>, vector<16x98xi32>
        tpu.vector_store %arg18[%swap3A_2090, %swap3A_2091], %select_n3A_2089 {strides = array<i32>} : memref<16x98xi32, #tpu.memory_space<vmem>>, vector<16x98xi32>,
      } else {
      }
      %jit3A_1881 = arith.constant 100000 : i32
      %div3A_1882 = vector.broadcast %jit3A_1881 : i32 to vector<8x1xi32>
      %div3A_1883 = arith.divsi %add3A_1828, %div3A_1882 : vector<8x1xi32>
      %sign3A_1884 = arith.constant 0 : i32
      %sign3A_1885 = vector.broadcast %sign3A_1884 : i32 to vector<8x1xi32>
      %sign3A_1886 = arith.cmpi sgt, %add3A_1828, %sign3A_1885 : vector<8x1xi32>
      %sign3A_1887 = arith.extui %sign3A_1886 : vector<8x1xi1> to vector<8x1xi32>
      %sign3A_1888 = arith.constant 0 : i32
      %sign3A_1889 = vector.broadcast %sign3A_1888 : i32 to vector<8x1xi32>
      %sign3A_1890 = arith.cmpi slt, %add3A_1828, %sign3A_1889 : vector<8x1xi32>
      %sign3A_1891 = arith.extui %sign3A_1890 : vector<8x1xi1> to vector<8x1xi32>
      %sign3A_1892 = arith.subi %sign3A_1887, %sign3A_1891 : vector<8x1xi32>
      %sign3A_1893 = arith.constant 0 : i32
      %sign3A_1894 = arith.cmpi sgt, %jit3A_1881, %sign3A_1893 : i32
      %sign3A_1895 = arith.extui %sign3A_1894 : i1 to i32
      %sign3A_1896 = arith.constant 0 : i32
      %sign3A_1897 = arith.cmpi slt, %jit3A_1881, %sign3A_1896 : i32
      %sign3A_1898 = arith.extui %sign3A_1897 : i1 to i32
      %sign3A_1899 = arith.subi %sign3A_1895, %sign3A_1898 : i32
      %ne3A_1900 = vector.broadcast %sign3A_1899 : i32 to vector<8x1xi32>
      %ne3A_1901 = arith.cmpi ne, %sign3A_1892, %ne3A_1900 : vector<8x1xi32>
      %rem3A_1902 = vector.broadcast %jit3A_1881 : i32 to vector<8x1xi32>
      %rem3A_1903 = arith.remsi %add3A_1828, %rem3A_1902 : vector<8x1xi32>
      %ne3A_1904 = arith.constant 0 : i32
      %ne3A_1905 = vector.broadcast %ne3A_1904 : i32 to vector<8x1xi32>
      %ne3A_1906 = arith.cmpi ne, %rem3A_1903, %ne3A_1905 : vector<8x1xi32>
      %and3A_1907 = arith.andi %ne3A_1901, %ne3A_1906 : vector<8x1xi1>
      %sub3A_1908 = arith.constant 1 : i32
      %sub3A_1909 = vector.broadcast %sub3A_1908 : i32 to vector<8x1xi32>
      %sub3A_1910 = arith.subi %div3A_1883, %sub3A_1909 : vector<8x1xi32>
      %select_n3A_1911 = arith.select %and3A_1907, %sub3A_1910, %div3A_1883 : vector<8x1xi1>, vector<8x1xi32>
      %mul3A_1912 = arith.constant 100000 : i32
      %mul3A_1913 = vector.broadcast %mul3A_1912 : i32 to vector<8x1xi32>
      %mul3A_1914 = arith.muli %select_n3A_1911, %mul3A_1913 : vector<8x1xi32>
      %sub3A_1915 = arith.subi %add3A_1828, %mul3A_1914 : vector<8x1xi32>
      %mul3A_1916 = vector.broadcast %get3A_5 : f32 to vector<8x1xf32>
      %mul3A_1917 = arith.mulf %add3A_1820, %mul3A_1916 : vector<8x1xf32>
      %swap3A_1918 = arith.index_cast %multiple_of3A : i32 to index
      %swap3A_1919 = arith.constant 0 : index
      %swap3A_1920 = vector.load %arg10[%swap3A_1918, %swap3A_1919] : memref<512x1xf32, #tpu.memory_space<vmem>>, vector<8x1xf32>
      tpu.vector_store %arg10[%swap3A_1918, %swap3A_1919], %mul3A_1917 {strides = array<i32>} : memref<512x1xf32, #tpu.memory_space<vmem>>, vector<8x1xf32>,
      %swap3A_1921 = arith.index_cast %multiple_of3A : i32 to index
      %swap3A_1922 = arith.constant 0 : index
      %swap3A_1923 = vector.load %arg11[%swap3A_1921, %swap3A_1922] : memref<512x1xf32, #tpu.memory_space<vmem>>, vector<8x1xf32>
      tpu.vector_store %arg11[%swap3A_1921, %swap3A_1922], %add3A_1820 {strides = array<i32>} : memref<512x1xf32, #tpu.memory_space<vmem>>, vector<8x1xf32>,
      %swap3A_1924 = arith.index_cast %multiple_of3A : i32 to index
      %swap3A_1925 = arith.constant 0 : index
      %swap3A_1926 = vector.load %arg12[%swap3A_1924, %swap3A_1925] : memref<512x1xi32, #tpu.memory_space<vmem>>, vector<8x1xi32>
      tpu.vector_store %arg12[%swap3A_1924, %swap3A_1925], %sub3A_1915 {strides = array<i32>} : memref<512x1xi32, #tpu.memory_space<vmem>>, vector<8x1xi32>,
      %mul3A_1927 = arith.constant 8 : i32
      %mul3A_1928 = arith.muli %mul3A_15, %mul3A_1927 : i32
      %add3A_1929 = vector.broadcast %mul3A_1928 : i32 to vector<8x1xi32>
      %add3A_1930 = arith.addi %select_n3A_1911, %add3A_1929 : vector<8x1xi32>
      %swap3A_1931 = arith.index_cast %multiple_of3A : i32 to index
      %swap3A_1932 = arith.constant 0 : index
      %swap3A_1933 = vector.load %arg13[%swap3A_1931, %swap3A_1932] : memref<512x1xi32, #tpu.memory_space<vmem>>, vector<8x1xi32>
      tpu.vector_store %arg13[%swap3A_1931, %swap3A_1932], %add3A_1930 {strides = array<i32>} : memref<512x1xi32, #tpu.memory_space<vmem>>, vector<8x1xi32>,
      %eq3A_1934 = arith.constant 2 : i32
      %eq3A_1935 = vector.broadcast %eq3A_1934 : i32 to vector<8x1xi32>
      %eq3A_1936 = arith.cmpi eq, %sub3A_1915, %eq3A_1935 : vector<8x1xi32>
      %convert_element_type3A_1937 = arith.extui %eq3A_1936 : vector<8x1xi1> to vector<8x1xi32>
      %swap3A_1938 = arith.index_cast %multiple_of3A : i32 to index
      %swap3A_1939 = arith.constant 0 : index
      %swap3A_1940 = vector.load %arg14[%swap3A_1938, %swap3A_1939] : memref<512x1xi32, #tpu.memory_space<vmem>>, vector<8x1xi32>
      tpu.vector_store %arg14[%swap3A_1938, %swap3A_1939], %convert_element_type3A_1937 {strides = array<i32>} : memref<512x1xi32, #tpu.memory_space<vmem>>, vector<8x1xi32>,
      %jit3A_1941 = arith.constant 100000 : i32
      %div3A_1942 = vector.broadcast %jit3A_1941 : i32 to vector<8x1xi32>
      %div3A_1943 = arith.divsi %add3A_1844, %div3A_1942 : vector<8x1xi32>
      %sign3A_1944 = arith.constant 0 : i32
      %sign3A_1945 = vector.broadcast %sign3A_1944 : i32 to vector<8x1xi32>
      %sign3A_1946 = arith.cmpi sgt, %add3A_1844, %sign3A_1945 : vector<8x1xi32>
      %sign3A_1947 = arith.extui %sign3A_1946 : vector<8x1xi1> to vector<8x1xi32>
      %sign3A_1948 = arith.constant 0 : i32
      %sign3A_1949 = vector.broadcast %sign3A_1948 : i32 to vector<8x1xi32>
      %sign3A_1950 = arith.cmpi slt, %add3A_1844, %sign3A_1949 : vector<8x1xi32>
      %sign3A_1951 = arith.extui %sign3A_1950 : vector<8x1xi1> to vector<8x1xi32>
      %sign3A_1952 = arith.subi %sign3A_1947, %sign3A_1951 : vector<8x1xi32>
      %sign3A_1953 = arith.constant 0 : i32
      %sign3A_1954 = arith.cmpi sgt, %jit3A_1941, %sign3A_1953 : i32
      %sign3A_1955 = arith.extui %sign3A_1954 : i1 to i32
      %sign3A_1956 = arith.constant 0 : i32
      %sign3A_1957 = arith.cmpi slt, %jit3A_1941, %sign3A_1956 : i32
      %sign3A_1958 = arith.extui %sign3A_1957 : i1 to i32
      %sign3A_1959 = arith.subi %sign3A_1955, %sign3A_1958 : i32
      %ne3A_1960 = vector.broadcast %sign3A_1959 : i32 to vector<8x1xi32>
      %ne3A_1961 = arith.cmpi ne, %sign3A_1952, %ne3A_1960 : vector<8x1xi32>
      %rem3A_1962 = vector.broadcast %jit3A_1941 : i32 to vector<8x1xi32>
      %rem3A_1963 = arith.remsi %add3A_1844, %rem3A_1962 : vector<8x1xi32>
      %ne3A_1964 = arith.constant 0 : i32
      %ne3A_1965 = vector.broadcast %ne3A_1964 : i32 to vector<8x1xi32>
      %ne3A_1966 = arith.cmpi ne, %rem3A_1963, %ne3A_1965 : vector<8x1xi32>
      %and3A_1967 = arith.andi %ne3A_1961, %ne3A_1966 : vector<8x1xi1>
      %sub3A_1968 = arith.constant 1 : i32
      %sub3A_1969 = vector.broadcast %sub3A_1968 : i32 to vector<8x1xi32>
      %sub3A_1970 = arith.subi %div3A_1943, %sub3A_1969 : vector<8x1xi32>
      %select_n3A_1971 = arith.select %and3A_1967, %sub3A_1970, %div3A_1943 : vector<8x1xi1>, vector<8x1xi32>
      %mul3A_1972 = arith.constant 100000 : i32
      %mul3A_1973 = vector.broadcast %mul3A_1972 : i32 to vector<8x1xi32>
      %mul3A_1974 = arith.muli %select_n3A_1971, %mul3A_1973 : vector<8x1xi32>
      %sub3A_1975 = arith.subi %add3A_1844, %mul3A_1974 : vector<8x1xi32>
      %mul3A_1976 = vector.broadcast %get3A_5 : f32 to vector<8x1xf32>
      %mul3A_1977 = arith.mulf %add3A_1836, %mul3A_1976 : vector<8x1xf32>
      %swap3A_1978 = arith.index_cast %multiple_of3A_23 : i32 to index
      %swap3A_1979 = arith.constant 0 : index
      %swap3A_1980 = vector.load %arg10[%swap3A_1978, %swap3A_1979] : memref<512x1xf32, #tpu.memory_space<vmem>>, vector<8x1xf32>
      tpu.vector_store %arg10[%swap3A_1978, %swap3A_1979], %mul3A_1977 {strides = array<i32>} : memref<512x1xf32, #tpu.memory_space<vmem>>, vector<8x1xf32>,
      %swap3A_1981 = arith.index_cast %multiple_of3A_23 : i32 to index
      %swap3A_1982 = arith.constant 0 : index
      %swap3A_1983 = vector.load %arg11[%swap3A_1981, %swap3A_1982] : memref<512x1xf32, #tpu.memory_space<vmem>>, vector<8x1xf32>
      tpu.vector_store %arg11[%swap3A_1981, %swap3A_1982], %add3A_1836 {strides = array<i32>} : memref<512x1xf32, #tpu.memory_space<vmem>>, vector<8x1xf32>,
      %swap3A_1984 = arith.index_cast %multiple_of3A_23 : i32 to index
      %swap3A_1985 = arith.constant 0 : index
      %swap3A_1986 = vector.load %arg12[%swap3A_1984, %swap3A_1985] : memref<512x1xi32, #tpu.memory_space<vmem>>, vector<8x1xi32>
      tpu.vector_store %arg12[%swap3A_1984, %swap3A_1985], %sub3A_1975 {strides = array<i32>} : memref<512x1xi32, #tpu.memory_space<vmem>>, vector<8x1xi32>,
      %mul3A_1987 = arith.constant 8 : i32
      %mul3A_1988 = arith.muli %add3A_18, %mul3A_1987 : i32
      %add3A_1989 = vector.broadcast %mul3A_1988 : i32 to vector<8x1xi32>
      %add3A_1990 = arith.addi %select_n3A_1971, %add3A_1989 : vector<8x1xi32>
      %swap3A_1991 = arith.index_cast %multiple_of3A_23 : i32 to index
      %swap3A_1992 = arith.constant 0 : index
      %swap3A_1993 = vector.load %arg13[%swap3A_1991, %swap3A_1992] : memref<512x1xi32, #tpu.memory_space<vmem>>, vector<8x1xi32>
      tpu.vector_store %arg13[%swap3A_1991, %swap3A_1992], %add3A_1990 {strides = array<i32>} : memref<512x1xi32, #tpu.memory_space<vmem>>, vector<8x1xi32>,
      %eq3A_1994 = arith.constant 2 : i32
      %eq3A_1995 = vector.broadcast %eq3A_1994 : i32 to vector<8x1xi32>
      %eq3A_1996 = arith.cmpi eq, %sub3A_1975, %eq3A_1995 : vector<8x1xi32>
      %convert_element_type3A_1997 = arith.extui %eq3A_1996 : vector<8x1xi1> to vector<8x1xi32>
      %swap3A_1998 = arith.index_cast %multiple_of3A_23 : i32 to index
      %swap3A_1999 = arith.constant 0 : index
      %swap3A_2000 = vector.load %arg14[%swap3A_1998, %swap3A_1999] : memref<512x1xi32, #tpu.memory_space<vmem>>, vector<8x1xi32>
      tpu.vector_store %arg14[%swap3A_1998, %swap3A_1999], %convert_element_type3A_1997 {strides = array<i32>} : memref<512x1xi32, #tpu.memory_space<vmem>>, vector<8x1xi32>,
    }
    %scan3A_13 = arith.constant 32 : i32
    return
  }
}

</mosaic_0001>

<sc_bundles>
// kernel: kernel.5.cloned.1.call-start
scs
__scs_entry_jumppad:
0x0: {  	(pc) =	sbr.rel $0x88, $3  }
0x1: {  	(tag) =	ssettag $0x0;
	lr =	simm.s32 $0x1  }
0x2: {  	[smem:$0x3F9D] =	sst lr;
	_ =	strace $0xD0000000  }
0x3: {  	_ = 	snop  }
0x4: {  	_ = 	snop  }
0x5: {  	_ = 	snop  }
0x6: {  	_ = 	snop  }
0x7: {  	_ = 	snop  }
__scs_overlays_trampoline_lowered:
0x8: {  	[smem:$0x3FAC] =	sst s0  }
0x9: {  	[smem:$0x3FAD] =	sst s1  }
0xa: {  	[smem:$0x3FAE] =	sst s2  }
0xb: {  	[smem:$0x3FAF] =	sst s3  }
0xc: {  	[smem:$0x3FB0] =	sst s4  }
0xd: {  	[smem:$0x3FB1] =	sst s5  }
0xe: {  	[smem:$0x3FB2] =	sst s6  }
0xf: {  	[smem:$0x3FB3] =	sst s7  }
0x10: {  	[smem:$0x3FB4] =	sst s8  }
0x11: {  	[smem:$0x3FB5] =	sst s9;
	s0 =	simm.s32 @!p0 $0x0  }
0x12: {  	s1 =	sld [smem:$0x3F9B];
	s0 =	simm.s32 @p0 $0x1  }
0x13: {  	[smem:$0x3FB6] =	sst s0;
	s0 =	simm.s32 @!p1 $0x0  }
0x14: {  	s2 =	sld [smem:$0x3F9A];
	s0 =	simm.s32 @p1 $0x1  }
0x15: {  	[smem:$0x3FB7] =	sst s0;
	s0 =	simm.s32 @!p2 $0x0  }
0x16: {  	s3 =	sld [smem:$0x3FDB];
	s0 =	simm.s32 @p2 $0x1  }
0x17: {  	s4 =	simm.s32 $0x1BF5;
	[smem:$0x3FB9] =	sst s0  }
0x18: {  	s0 =	sld [smem:$0x3F9C];
	_ =	swait.ge [sflag:s4], $0x0  }
0x19: {  	s7 =	sld [smem:$0x3F9D]  }
0x1a: {  	s8 =	sadd.s32 $0xFFFFE003, lr  }
0x1b: {  	s9 =	sadd.s32 $0xFFFFFEF7, lr;
	s5 =	simm.s32 $0xFFFFFFFF;
	p2 =	slt.u32 s8, $0xFFFFF086  }
0x1c: {  	p1 =	slt.u32 s9, $0xF7A;
	s5 =	simm.s32 @!p2 $0x0  }
0x1d: {  	s5 =	simm.s32 @p1 $0x1;
	p0 =	seq.s32 s7, s2  }
0x1e: {  	s7 =	smul.u32 @!p0 $0xF7A, s2;
	p2 =	seq.s32 @!p0 s5, $0x0  }
0x1f: {  	s9 =	smul.u32 $0xF7A, s1;
	s8 =	simm.s32 @!p0 $0x1BF5;
	p2 =	por !p2, p0  }
0x20: {  	[sflag:s8] =	ssyncset.s32 @!p0 $0xFFFFF086;
	s6 =	sadd.s32 @!p0 s3, s7;
	s7 =	simm.s32 @!p0 $0x108  }
0x21: {  	s3 =	sadd.s32 s3, s9;
	s6 =	sadd.s32 @!p0 $0x88, s6;
	s7 =	simm.s32 @p2 $0x1082  }
0x22: {  	[simem:s7], [sflag:s8] =	dma.local @!p0 [hbm:s6], $0xF7A  }
0x23: {  	s9 =	sor.u32 $0xD0000000, s2;
	s6 =	simm.s32 $0x108;
	_ =	swait.ge @!p0 [sflag:s8], $0x0  }
0x24: {  	s3 =	sadd.s32 $0x88, s3;
	s6 =	simm.s32 @!p1 $0x1082;
	[sflag:s4] =	ssyncset.s32 $0xFFFFF086  }
0x25: {  	[simem:s6], [sflag:s4] =	dma.local [hbm:s3], $0xF7A  }
0x26: {  	[smem:$0x3F9D] =	sst s1;
	(tag) =	ssettag s2;
	_ =	strace s9  }
0x27: {  	s1 =	sld [smem:$0x3FAD]  }
0x28: {  	s2 =	sld [smem:$0x3FAE]  }
0x29: {  	s4 =	sld [smem:$0x3FB0]  }
0x2a: {  	p0 =	seq.s32 s5, $0x0;
	s5 =	sld [smem:$0x3FB1]  }
0x2b: {  	s6 =	sld [smem:$0x3FB2]  }
0x2c: {  	s7 =	sld [smem:$0x3FB3]  }
0x2d: {  	s3 =	simm.s32 $0x108;
	s8 =	sld [smem:$0x3FB4]  }
0x2e: {  	s3 =	simm.s32 @!p0 $0x1082;
	s9 =	sld [smem:$0x3FB5]  }
0x2f: {  	lr =	sadd.s32 s0, s3;
	s0 =	sld [smem:$0x3FAC]  }
0x30: {  	s3 =	sld [smem:$0x3FAF]  }
0x31: {  	[smem:$0x3FB8] =	sst s10  }
0x32: {  	s10 =	sld [smem:$0x3FB6];
	_ =	sdelay $0x3  }
0x33: {  	p0 =	seq.s32 s10, $0x1;
	s10 =	sld [smem:$0x3FB8];
	_ =	sdelay $0x3  }
0x34: {  	[smem:$0x3FB8] =	sst s10  }
0x35: {  	s10 =	sld [smem:$0x3FB7];
	_ =	sdelay $0x3  }
0x36: {  	p1 =	seq.s32 s10, $0x1;
	s10 =	sld [smem:$0x3FB8];
	_ =	sdelay $0x3  }
0x37: {  	[smem:$0x3FB8] =	sst s10  }
0x38: {  	s10 =	sld [smem:$0x3FB9]  }
0x39: {  	_ = 	snop;
	(pc) =	sbr.ind lr, $3  }
0x3a: {  	_ = 	snop  }
0x3b: {  	_ = 	snop  }
0x3c: {  	p2 =	seq.s32 s10, $0x1;
	s10 =	sld [smem:$0x3FB8]  }
0x3d: {  	_ =	shalt  }
0x3e: {  	_ =	shalt  }
0x3f: {  	_ =	shalt  }
0x40: {  	_ =	shalt  }
0x41: {  	_ =	shalt  }
0x42: {  	_ =	shalt  }
0x43: {  	_ =	shalt  }
0x44: {  	_ =	shalt  }
0x45: {  	_ =	shalt  }
0x46: {  	_ =	shalt  }
0x47: {  	_ =	shalt  }
0x48: {  	_ =	shalt  }
0x49: {  	_ =	shalt  }
0x4a: {  	_ =	shalt  }
0x4b: {  	_ =	shalt  }
0x4c: {  	_ =	shalt  }
0x4d: {  	_ =	shalt  }
0x4e: {  	_ =	shalt  }
0x4f: {  	_ =	shalt  }
0x50: {  	_ =	shalt  }
0x51: {  	_ =	shalt  }
0x52: {  	_ =	shalt  }
0x53: {  	_ =	shalt  }
0x54: {  	_ =	shalt  }
0x55: {  	_ =	shalt  }
0x56: {  	_ =	shalt  }
0x57: {  	_ =	shalt  }
0x58: {  	_ =	shalt  }
0x59: {  	_ =	shalt  }
0x5a: {  	_ =	shalt  }
0x5b: {  	_ =	shalt  }
0x5c: {  	_ =	shalt  }
0x5d: {  	_ =	shalt  }
0x5e: {  	_ =	shalt  }
0x5f: {  	_ =	shalt  }
0x60: {  	_ =	shalt  }
0x61: {  	_ =	shalt  }
0x62: {  	_ =	shalt  }
0x63: {  	_ =	shalt  }
0x64: {  	_ =	shalt  }
0x65: {  	_ =	shalt  }
0x66: {  	_ =	shalt  }
0x67: {  	_ =	shalt  }
0x68: {  	_ =	shalt  }
0x69: {  	_ =	shalt  }
0x6a: {  	_ =	shalt  }
0x6b: {  	_ =	shalt  }
0x6c: {  	_ =	shalt  }
0x6d: {  	_ =	shalt  }
0x6e: {  	_ =	shalt  }
0x6f: {  	_ =	shalt  }
0x70: {  	_ =	shalt  }
0x71: {  	_ =	shalt  }
0x72: {  	_ =	shalt  }
0x73: {  	_ =	shalt  }
0x74: {  	_ =	shalt  }
0x75: {  	_ =	shalt  }
0x76: {  	_ =	shalt  }
0x77: {  	_ =	shalt  }
0x78: {  	_ =	shalt  }
0x79: {  	_ =	shalt  }
0x7a: {  	_ =	shalt  }
0x7b: {  	_ =	shalt  }
0x7c: {  	_ =	shalt  }
0x7d: {  	_ =	shalt  }
0x7e: {  	_ =	shalt  }
0x7f: {  	_ =	shalt  }
0x80: {  	_ =	shalt  }
0x81: {  	_ =	shalt  }
0x82: {  	_ =	shalt  }
0x83: {  	_ =	shalt  }
0x84: {  	_ =	shalt  }
0x85: {  	_ =	shalt  }
0x86: {  	_ =	shalt  }
0x87: {  	_ =	shalt  }
.Lfunc_end0:
.L_simem_size_0:
called_computation_lowered:
.L_overlay_start_0:
0x88: {  	s2 =	sld [smem:$0x3FD9]  }
0x89: {  	s3 =	sld [smem:$0x3FFE];
	_ =	sdelay $0x1  }
0x8a: {  	s1 =	srdreg.scid  }
0x8b: {  	s0 =	sand.u32 $0x1, s1  }
0x8c: {  	s14 =	sshll.u32 s0, $0xA;
	s2 =	sadd.s32 s3, s2  }
0x8d: {  	s2 =	sadd.s32 s2, s14  }
0x8e: {  	[smem:$0x3FC4] =	sst s2  }
0x8f: {  	_ = 	snop  }
0x90: {  	s2 =	sld [smem:$0x3FD0];
	_ =	sdelay $0x2  }
0x91: {  	s15 =	simm.s32 $0xA;
	s4 =	simm.s32 $0x10  }
0x92: {  	[smem:s4], [sflag:s15] =	dma.local [hbm:s2], $0x1  }
0x93: {  	_ =	swait.eq [sflag:s15], $0x1  }
0x94: {  	[sflag:s15] =	ssyncset.done $0x0  }
0x95: {  	[sflag:s15] =	ssyncadd.s32 $0xFFFFFFFF  }
0x96: {  	s16 =	sld [smem:$0x13];
	(tm) =	ssettm $0x1  }
0x97: {  	s17 =	sld [smem:$0x3FFB];
	_ =	sdelay $0x3  }
0x98: {  	_ =	strace s17  }
0x99: {  	s3 =	sld [smem:$0x3FFC];
	_ =	sdelay $0x3  }
0x9a: {  	_ =	strace s3  }
0x9b: {  	s3 =	sld [smem:$0x3FFD];
	_ =	sdelay $0x3  }
0x9c: {  	_ =	strace s3  }
0x9d: {  	_ =	strace $0x8FFFFFFF  }
0x9e: {  	s18 =	sld [smem:$0x3FDB];
	_ =	sdelay $0x1  }
0x9f: {  	s19 =	simm.s32 $_scs_section_size  }
0xa0: {  	s5 =	simm.s32 $_size__tile_overlayer_lowered;
	s6 =	simm.s32 $_tile_overlayer_lowered  }
0xa1: {  	s22 =	simm.s32 $0x1BFF;
	s21 =	sshll.u32 s6, $0x1;
	s3 =	sadd.s32 s19, s18  }
0xa2: {  	s7 =	simm.s32 $0x0;
	s20 =	sshll.u32 s5, $0x1;
	s5 =	sadd.s32 s21, s3  }
0xa3: {  	[timem:s7], [sflag:s22] =	dma.local [hbm:s5], s20  }
0xa4: {  	_ =	swait.ge [sflag:s22], s20  }
0xa5: {  	s4 =	ssub.s32 $0x0, s20;
	[sflag:s22] =	ssyncset.done $0x0  }
0xa6: {  	[sflag:s22] =	ssyncadd.s32 s4;
	_ =	sdelay $0x1  }
0xa7: {  	s23 =	simm.s32 $0x1B8B  }
0xa8: {  	_ =	swait.ge [sflag:s23], $0x1  }
0xa9: {  	[sflag:s23] =	ssyncset.done $0x0  }
0xaa: {  	s25 =	simm.s32 $0x1B8E;
	s24 =	sld [smem:$0x3FFE];
	[sflag:s23] =	ssyncadd.s32 $0xFFFFFFFF  }
0xab: {  	s26 =	simm.s32 $execute0_lowered;
	[smem:$0x3FD2] =	sst s25  }
0xac: {  	s5 =	sshll.u32 s26, $0x1;
	_ =	strace $0x80000046;
	[dreg:$0x1] =	wrdreg $0xFFFFFFFF  }
0xad: {  	s28 =	simm.s32 $_size_execute0_lowered;
	s3 =	sadd.s32 s3, s5;
	[dreg:$0x0] =	wrdreg $0x0  }
0xae: {  	s5 =	sshll.u32 s28, $0x1;
	[dreg:$0x2] =	wrdreg s3  }
0xaf: {  	[dreg:$0x3] =	wrdreg s5  }
0xb0: {  	[dreg:$0x4] =	wrdreg $0xC0  }
0xb1: {  	_ =	task [dreg:s7], $0x5FFFF  }
0xb2: {  	[dreg:$0x1] =	wrdreg $0xFFFFFFFF  }
0xb3: {  	[dreg:$0x0] =	wrdreg $0x60  }
0xb4: {  	[dreg:$0x2] =	wrdreg s24  }
0xb5: {  	[dreg:$0x3] =	wrdreg s16  }
0xb6: {  	[dreg:$0x4] =	wrdreg $0x9  }
0xb7: {  	_ =	task.clear_ibuf [dreg:s7], $0x5FFFF;
	_ =	strace $0x90000046  }
0xb8: {  	s29 =	simm.s32 $0x9;
	_ =	strace $0x80000048  }
0xb9: {  	_ =	swait.ge [sflag:s29], $0x1  }
0xba: {  	[sflag:s29] =	ssyncadd.s32 $0xFFFFFFFF  }
0xbb: {  	_ =	strace $0x90000048  }
0xbc: {  	_ =	sfence  }
0xbd: {  	s30 =	sld [smem:$0x0];
	_ =	sdelay $0x2  }
0xbe: {  	s31 =	sshll.u32 s1, $0xD;
	s1 =	sshrl.u32 s1, $0x2  }
0xbf: {  	s3 =	sand.u32 $0x4000, s31;
	s1 =	sadd.s32 s1, s30  }
0xc0: {  	s0 =	sor.u32 s3, s0;
	s1 =	sshll.u32 s1, $0x11  }
0xc1: {  	s0 =	sor.u32 s1, s0  }
0xc2: {  	s0 =	sadd.s32 $0x8F2B, s0  }
0xc3: {  	[sflag:s0] =	ssyncadd.remote.s32 $0x1  }
0xc4: {  	_ =	sfence.sel $0xFFFF  }
0xc5: {  	[dreg:$0x0] =	wrdreg $0xFFFFFFFF;
	(pc) =	sbr.abs _section_cstart, $3  }
0xc6: {  	[dreg:$0x1] =	wrdreg $0xFFFFFFFF  }
0xc7: {  	_ =	task.clear_ibuf [dreg:s7], $0x2FFFF;
	_ =	strace $0x9FFFFFFF  }
0xc8: {  	(tm) =	ssettm $0x7FFFFFFF  }
0xc9: {  	_ =	shalt  }
tec
execute0_lowered:
.L_overlay_start_1:
0x0: {  	(tag) =	ssettag $0x1  }
0x1: {  	s1 =	srdreg.scid;
	s2 =	rddreg [dreg:$0x0]  }
0x2: {  	s0 =	stileid.u32;
	s4 =	rddreg [dreg:$0x1];
	s6 =	sand.u32 $0x1, s1  }
0x3: {  	s3 =	simm.s32 $0x0;
	s5 =	sshll.u32 s0, $0x5;
	s7 =	sshll.u32 s6, $0x4  }
0x4: {  	[smem:$0x7FF] =	sst s3;
	s9 =	sor.u32 s7, s5  }
0x5: {  	s1 =	rddreg [dreg:$0x2];
	_ =	strace $0x80000047;
	s5 =	sshrl.u32 s9, $0x3  }
0x6: {  	s10 =	ssub.s32 $0x2, s6;
	s5 =	sadd.s32 s4, s5;
	s4 =	simm.s32 $0x2  }
0x7: {  	[tilespmem:s3], [sflag:$0x2] =	stream.linear.gather [hbm4b:s5+s3], $0x10, $0x38;
	[tilespmem:$0x880] =	vst v63  }
0x8: {  	s8 =	simm.s32 $0x1;
	s11 =	sshrl.u32 s10, $0x1;
	_ =	swait.ge [sflag:s4], $0x10  }
0x9: {  	s6 =	simm.s32 $0x10;
	s10 =	ssub.s32 s10, s11;
	[sflag:s4] =	ssyncset.done $0x0  }
0xa: {  	s7 =	simm.s32 $0x80;
	s10 =	smax.u32 s10, $0x1;
	[sflag:s4] =	ssyncadd.s32 $0xFFFFFFF0  }
0xb: {  	[tilespmem:s7], [sflag:$0x1] =	stream.indirect.gather [hbm4b:s2+s6], $0x80, s3, s6, $0xb8;
	[tilespmem:$0x880] =	vst v63  }
0xc: {  	s9 =	sshll.u32 s9, $0x4;
	p0 =	sne.s32 s10, $0x1;
	_ =	swait.ge [sflag:s8], $0x800  }
.Ltmp0:
0xd: {  	s9 =	sadd.s32 s9, s2;
	[sflag:s8] =	ssyncset.done $0x0;
	(pc) =	sbr.rel @!p0 .LBB2_2-.Ltmp0, $4  }
0xe: {  	s9 =	sadd.s32 $0x2000, s9;
	[sflag:s8] =	ssyncadd.s32 $0xFFFFF800  }
0xf: {  	[hbm4b:s9+s3] =	stream.linear.scatter [tilespmem:s7], [sflag:$0x2], $0x800, $0x38;
	[tilespmem:$0x880] =	vst v63  }
0x10: {  	_ =	swait.ge [sflag:s4], $0x800  }
0x11: {  	s10 =	sadd.s32 $0xFFFFFFFF, s10;
	[sflag:s4] =	ssyncset.done $0x0  }
.LBB2_1:
0x12: {  	p0 =	sne.s32 s10, $0x1;
	s10 =	sadd.s32 $0xFFFFFFFF, s10;
	[sflag:s4] =	ssyncadd.s32 $0xFFFFF800  }
0x13: {  	[tilespmem:s3], [sflag:$0x2] =	stream.linear.gather [hbm4b:s5+s3], $0x10, $0x38;
	[tilespmem:$0x880] =	vst v63  }
0x14: {  	_ =	swait.ge [sflag:s4], $0x10  }
0x15: {  	[sflag:s4] =	ssyncset.done $0x0  }
0x16: {  	[sflag:s4] =	ssyncadd.s32 $0xFFFFFFF0  }
0x17: {  	[tilespmem:s7], [sflag:$0x1] =	stream.indirect.gather [hbm4b:s2+s6], $0x80, s3, s6, $0xb8;
	[tilespmem:$0x880] =	vst v63  }
0x18: {  	_ =	swait.ge [sflag:s8], $0x800  }
.Ltmp1:
0x19: {  	[sflag:s8] =	ssyncset.done $0x0;
	(pc) =	sbr.rel @p0 .LBB2_1-.Ltmp1, $4  }
0x1a: {  	[sflag:s8] =	ssyncadd.s32 $0xFFFFF800  }
0x1b: {  	[hbm4b:s9+s3] =	stream.linear.scatter [tilespmem:s7], [sflag:$0x2], $0x800, $0x38;
	[tilespmem:$0x880] =	vst v63  }
0x1c: {  	_ =	swait.ge [sflag:s4], $0x800  }
0x1d: {  	[sflag:s4] =	ssyncset.done $0x0  }
.LBB2_2:
0x1e: {  	[sflag:s4] =	ssyncadd.s32 $0xFFFFF800  }
0x1f: {  	_ =	sfence.sel $0x180000  }
0x20: {  	[bflag:$0x0] =	sbarrier.arrive $0xFFFF  }
0x21: {  	p0 =	sne.s32 s0, $0x0;
	_ =	strace $0x90000047  }
0x22: {  	s0 =	sadd.s32 @!p0 $0x100000, s1;
	[bflag:$0x2] =	sbarrier.arrive $0xFFFF  }
0x23: {  	[sflag:s0] =	ssyncadd.tile.s32 @!p0 $0x1;
	_ =	shalt  }
.Lfunc_end2:
_tile_overlayer_lowered:
.L_overlay_start_2:
0x24: {  	(tag) =	ssettag $0x2  }
0x25: {  	s0 =	rddreg [dreg:$0x0];
	s2 =	stileid.u32  }
0x26: {  	s1 =	rddreg [dreg:$0x1];
	p0 =	sne.s32 s2, $0x0  }
0x27: {  	s3 =	rddreg [dreg:$0x2];
	[bflag:$0x3] =	sbarrier.arrive $0xFFFF;
	s2 =	simm.s32 @!p0 $0x1C02  }
0x28: {  	[timem:s3], [sflag:s2] =	dma.local @!p0 [hbm:s0], s1  }
0x29: {  	s0 =	simm.s32 @!p0 $0x2  }
0x2a: {  	_ =	swait.ge @!p0 [sflag:s0], s1  }
0x2b: {  	s1 =	ssub.s32 @!p0 $0x0, s1;
	[sflag:s0] =	ssyncset.done @!p0 $0x0  }
0x2c: {  	[sflag:s0] =	ssyncadd.s32 @!p0 s1  }
0x2d: {  	[bflag:$0x3] =	sbarrier.arrive $0xFFFF  }
0x2e: {  	_ =	shalt  }

</sc_bundles>
